<compile_context>
chip_gen: v7x
topology: tpu7x:2x2x1
jax: 0.10.2.dev20260603
libtpu: 0.0.44.dev20260713+nightly
codegen_flags: <defaults>
</compile_context>

<pallas_src>
import functools

import jax
import jax.numpy as jnp
from jax import lax
from jax.experimental import pallas as pl
from jax.experimental.pallas import tpu as pltpu
from jax.experimental.pallas import tpu_sc as plsc

N = 10000
E = 320000
D = 128
H = 512

NC = 2
NS = 16
NW = NC * NS
CHUNK = 128
E_TOT = E + N
CH_PER_TILE = 88
E_PAD = NW * CH_PER_TILE * CHUNK
N_ACC = 10240
PHASES = (48, 40)
PH_MAX = max(PHASES)
ROWS_PER_TILE = N_ACC // NS
OUT_CH = ROWS_PER_TILE // CHUNK

_sc_mesh = plsc.VectorSubcoreMesh(core_axis_name="c", subcore_axis_name="s")


@functools.partial(
    pl.kernel,
    mesh=_sc_mesh,
    out_type=jax.ShapeDtypeStruct((NC, N_ACC, D), jnp.float32),
    scratch_types=[
        pltpu.VMEM_SHARED((N_ACC, D), jnp.float32),
        pltpu.VMEM((2, CHUNK, D), jnp.float32),
        pltpu.VMEM((PH_MAX, CHUNK), jnp.int32),
        pltpu.VMEM((PH_MAX, CHUNK), jnp.int32),
        pltpu.SemaphoreType.DMA,
        pltpu.SemaphoreType.DMA,
    ],
)
def _raw_agg(x_hbm, src_hbm, dst_hbm, zeros_hbm, out_hbm, acc, rows, src_v,
             dst_v, gsem, ssem):
    c = lax.axis_index("c")
    s = lax.axis_index("s")
    row0 = s * ROWS_PER_TILE
    cbase = (c * NS + s) * CH_PER_TILE

    pltpu.sync_copy(zeros_hbm, rows.at[0])

    def zbody(i, carry):
        pltpu.sync_copy(rows.at[0], acc.at[pl.ds(row0 + i * CHUNK, CHUNK)])
        return carry

    lax.fori_loop(0, OUT_CH, zbody, 0)
    plsc.subcore_barrier()

    off = 0
    for m in PHASES:
        pltpu.sync_copy(src_hbm.at[pl.ds(cbase + off, m)],
                        src_v.at[pl.ds(0, m)])
        pltpu.sync_copy(dst_hbm.at[pl.ds(cbase + off, m)],
                        dst_v.at[pl.ds(0, m)])
        pltpu.async_copy(x_hbm.at[src_v.at[0]], rows.at[0], gsem)

        def ebody(j, carry):
            b = lax.rem(j, 2)
            nb = lax.rem(j + 1, 2)
            pltpu.make_async_copy(x_hbm.at[src_v.at[j]], rows.at[b],
                                  gsem).wait()

            @pl.when(j >= 1)
            def _wait_prev_scatter():
                pltpu.make_async_copy(rows.at[nb], acc.at[dst_v.at[j - 1]],
                                      ssem).wait()

            @pl.when(j + 1 < m)
            def _start_next_gather():
                pltpu.async_copy(x_hbm.at[src_v.at[j + 1]], rows.at[nb], gsem)

            pltpu.async_copy(rows.at[b], acc.at[dst_v.at[j]], ssem, add=True)
            return carry

        lax.fori_loop(0, m, ebody, 0)
        pltpu.make_async_copy(rows.at[(m - 1) % 2], acc.at[dst_v.at[m - 1]],
                              ssem).wait()
        off += m
    plsc.subcore_barrier()

    def obody(i, carry):
        pltpu.sync_copy(acc.at[pl.ds(row0 + i * CHUNK, CHUNK)], rows.at[0])
        pltpu.sync_copy(rows.at[0], out_hbm.at[c, pl.ds(row0 + i * CHUNK, CHUNK)])
        return carry

    lax.fori_loop(0, OUT_CH, obody, 0)


@functools.partial(
    pl.kernel,
    mesh=_sc_mesh,
    out_type=jax.ShapeDtypeStruct((NC, N_ACC, 16), jnp.float32),
    scratch_types=[
        pltpu.VMEM_SHARED((N_ACC, 16), jnp.float32),
        pltpu.VMEM((CHUNK, 16), jnp.float32),
        pltpu.VMEM((CH_PER_TILE, CHUNK), jnp.int32),
    ],
)
def _hist(dst_hbm, ones_hbm, zeros_hbm, out_hbm, acc, rows, dst_v):
    c = lax.axis_index("c")
    s = lax.axis_index("s")
    row0 = s * ROWS_PER_TILE
    cbase = (c * NS + s) * CH_PER_TILE

    pltpu.sync_copy(zeros_hbm, rows)

    def zbody(i, carry):
        pltpu.sync_copy(rows, acc.at[pl.ds(row0 + i * CHUNK, CHUNK)])
        return carry

    lax.fori_loop(0, OUT_CH, zbody, 0)

    pltpu.sync_copy(dst_hbm.at[pl.ds(cbase, CH_PER_TILE)], dst_v)
    pltpu.sync_copy(ones_hbm, rows)
    plsc.subcore_barrier()

    def ebody(j, carry):
        pltpu.sync_copy(rows, acc.at[dst_v.at[j]], add=True)
        return carry

    lax.fori_loop(0, CH_PER_TILE, ebody, 0)
    plsc.subcore_barrier()

    def obody(i, carry):
        pltpu.sync_copy(acc.at[pl.ds(row0 + i * CHUNK, CHUNK)], rows)
        pltpu.sync_copy(rows, out_hbm.at[c, pl.ds(row0 + i * CHUNK, CHUNK)])
        return carry

    lax.fori_loop(0, OUT_CH, obody, 0)



BLK = 400
GRID = N // BLK


def _dis_of(deg_ref):
    d = deg_ref[0, :, :1] + deg_ref[1, :, :1]
    return lax.rsqrt(d)


def _t0_body(x_ref, deg_ref, o_ref):
    o_ref[...] = x_ref[...] * _dis_of(deg_ref)


def _mlp_body(r_ref, deg_ref, w1_ref, b1_ref, w2_ref, o_ref):
    dis = _dis_of(deg_ref)
    px = (r_ref[0] + r_ref[1]) * dis
    h = jnp.dot(px, w1_ref[...], preferred_element_type=jnp.float32,
                precision=lax.Precision.HIGHEST)
    h = jnp.maximum(h + b1_ref[...], 0.0)
    y = jnp.dot(h, w2_ref[...], preferred_element_type=jnp.float32,
                precision=lax.Precision.HIGHEST)
    o_ref[...] = y * dis


def _t2_body(r_ref, deg_ref, b_ref, o_ref):
    dis = _dis_of(deg_ref)
    o_ref[...] = ((r_ref[0] + r_ref[1]) * dis + b_ref[...]) * dis


def _t4_body(r_ref, deg_ref, b_ref, o_ref):
    dis = _dis_of(deg_ref)
    o_ref[...] = (r_ref[0] + r_ref[1]) * dis + b_ref[...]


_r_spec = pl.BlockSpec((NC, BLK, D), lambda i: (0, i, 0))
_deg_spec = pl.BlockSpec((NC, BLK, 16), lambda i: (0, i, 0))
_x_spec = pl.BlockSpec((BLK, D), lambda i: (i, 0))
_out_spec = pl.BlockSpec((BLK, D), lambda i: (i, 0))
_out_shape = jax.ShapeDtypeStruct((N, D), jnp.float32)


def _full(shape):
    return pl.BlockSpec(shape, lambda i: tuple(0 for _ in shape))


_t0 = pl.pallas_call(
    _t0_body, grid=(GRID,),
    in_specs=[_x_spec, _deg_spec],
    out_specs=_out_spec, out_shape=_out_shape)

_mlp = pl.pallas_call(
    _mlp_body, grid=(GRID,),
    in_specs=[_r_spec, _deg_spec, _full((D, H)), _full((1, H)), _full((H, D))],
    out_specs=_out_spec, out_shape=_out_shape)

_t2 = pl.pallas_call(
    _t2_body, grid=(GRID,),
    in_specs=[_r_spec, _deg_spec, _full((1, D))],
    out_specs=_out_spec, out_shape=_out_shape)

_t4 = pl.pallas_call(
    _t4_body, grid=(GRID,),
    in_specs=[_r_spec, _deg_spec, _full((1, D))],
    out_specs=_out_spec, out_shape=_out_shape)


def kernel(x_list, edge_index, ix, _, W1_0, b1_0, W2_0, b2_0, W1_1, b1_1,
           W2_1, b2_1):
    ei = edge_index.astype(jnp.int32)
    loop = jnp.arange(N, dtype=jnp.int32)
    src = jnp.concatenate([ei[0], loop])
    dst = jnp.concatenate([ei[1], loop])
    pad = E_PAD - E_TOT
    src = jnp.concatenate([src, jnp.zeros((pad,), jnp.int32)])
    gdst = N + jnp.arange(pad, dtype=jnp.int32) % (N_ACC - N)
    dst = jnp.concatenate([dst, gdst])
    src = src.reshape(E_PAD // CHUNK, CHUNK)
    dst = dst.reshape(E_PAD // CHUNK, CHUNK)

    zeros128 = jnp.zeros((CHUNK, D), jnp.float32)
    ones16 = jnp.ones((CHUNK, 16), jnp.float32)
    zeros16 = jnp.zeros((CHUNK, 16), jnp.float32)

    deg = _hist(dst, ones16, zeros16)
    u = _t0(x_list, deg)
    r = _raw_agg(u, src, dst, zeros128)
    u = _mlp(r, deg, W1_0, b1_0.reshape(1, H), W2_0)
    r = _raw_agg(u, src, dst, zeros128)
    u = _t2(r, deg, b2_0.reshape(1, D))
    r = _raw_agg(u, src, dst, zeros128)
    u = _mlp(r, deg, W1_1, b1_1.reshape(1, H), W2_1)
    r = _raw_agg(u, src, dst, zeros128)
    return _t4(r, deg, b2_1.reshape(1, D))

# --- scband reference (transcript-rebuilt; emitter-appended) ---
"""Pipeline reference for scband-eadgnn-78469052498589 (READ-ONLY COPY).

The authoritative reference and input builder live on the scoring server;
editing this copy changes nothing except your own understanding.
"""

import jax, jax.numpy as jnp
import numpy as np

N = 10000
E = 320000
D = 128
H = 512

def _glorot(key, shape):
    s = float(np.sqrt(6.0 / (shape[0] + shape[1])))
    return jax.random.uniform(key, shape, minval=-s, maxval=s, dtype=jnp.float32)

def setup_inputs(seed: int = 0):
    key = jax.random.key(seed)
    ks = jax.random.split(key, 8)
    inp = {}
    inp['x_list'] = jax.random.normal(ks[0], (N, D), dtype=jnp.float32)
    inp['edge_index'] = jax.random.randint(ks[1], (2, E), 0, N)
    inp['ix'] = 0
    inp['_'] = 0
    inp['W1_0'] = _glorot(ks[2], (D, H))
    inp['b1_0'] = jnp.zeros((H,), dtype=jnp.float32)
    inp['W2_0'] = _glorot(ks[3], (H, D))
    inp['b2_0'] = jnp.zeros((D,), dtype=jnp.float32)
    inp['W1_1'] = _glorot(ks[4], (D, H))
    inp['b1_1'] = jnp.zeros((H,), dtype=jnp.float32)
    inp['W2_1'] = _glorot(ks[5], (H, D))
    inp['b2_1'] = jnp.zeros((D,), dtype=jnp.float32)
    return inp

def _gcn_conv(x, src, dst, W, b, n):
    # PyG GCNConv (defaults): x @ W, symmetric normalization D^{-1/2}(A+I)D^{-1/2} aggregation at dst, then bias
    x = x @ W
    ones = jnp.ones(src.shape[0], dtype=x.dtype)
    deg = jax.ops.segment_sum(ones, dst, num_segments=n)
    dis = jnp.where(deg > 0, 1.0 / jnp.sqrt(deg), 0.0)
    norm = dis[src] * dis[dst]
    msg = x[src] * norm[:, None]
    out = jax.ops.segment_sum(msg, dst, num_segments=n)
    return out + b

def reference(x_list, edge_index, ix, _, W1_0, b1_0, W2_0, b2_0, W1_1, b1_1, W2_1, b2_1):
    # EADGNN.forward: x = linear(x_list) is computed but unused for the returned value;
    # x_list is sequentially updated by each EAConv layer.
    loop = jnp.arange(N, dtype=edge_index.dtype)
    src = jnp.concatenate([edge_index[0], loop])  # add self-loops
    dst = jnp.concatenate([edge_index[1], loop])
    x = x_list
    for (W1, b1, W2, b2) in [(W1_0, b1_0, W2_0, b2_0), (W1_1, b1_1, W2_1, b2_1)]:
        z = _gcn_conv(x, src, dst, W1, b1, N)
        z = jax.nn.relu(z)
        # F.dropout(p=0.5, training=False) is identity in eval mode
        x = _gcn_conv(z, src, dst, W2, b2, N)
    return x

if __name__ == "__main__":
    import jax
    _d = setup_inputs()
    print(jax.jit(kernel)(*tuple(_d.values())))

</pallas_src>

<mosaic_0001>
#map = affine_map<(d0, d1) -> (0, 0)>
#map1 = affine_map<(d0, d1) -> (0, 0, 0)>
module attributes {stable_mosaic.version = 14 : i64} {
  func.func @_hist(%arg0: i32, %arg1: i32, %arg2: memref<2816x128xi32, #tpu.memory_space<hbm>>, %arg3: memref<128x16xf32, #tpu.memory_space<hbm>>, %arg4: memref<128x16xf32, #tpu.memory_space<hbm>>, %arg5: memref<2x10240x16xf32, #tpu.memory_space<hbm>>, %arg6: memref<10240x16xf32, #tpu.memory_space<vmem_shared>>, %arg7: memref<128x16xf32, #tpu.memory_space<vmem>>, %arg8: memref<88x128xi32, #tpu.memory_space<vmem>>) attributes {dimension_semantics = [#tpu.dimension_semantics<core_parallel>, #tpu.dimension_semantics<subcore_parallel>], iteration_bounds = array<i64: 2, 16>, scalar_prefetch = 0 : i64, scratch_operands = 3 : i64, tpu.core_type = #tpu.core_type<sc_vector_subcore>, window_params = [{transform_indices = #map}, {transform_indices = #map}, {transform_indices = #map}, {transform_indices = #map1}]} {
    %mul3A = arith.constant 640 : i32
    %mul3A_0 = arith.muli %arg1, %mul3A : i32
    %mul3A_1 = arith.constant 16 : i32
    %mul3A_2 = arith.muli %arg0, %mul3A_1 : i32
    %add3A = arith.addi %mul3A_2, %arg1 : i32
    %mul3A_3 = arith.constant 88 : i32
    %mul3A_4 = arith.muli %add3A, %mul3A_3 : i32
    "tpu.region"() ({
      %run_scoped3A = tpu.sem_alloc : memref<!tpu.dma_semaphore, #tpu.memory_space<semaphore_mem>>
      tpu.enqueue_dma source(%arg4 : memref<128x16xf32, #tpu.memory_space<hbm>>) target(%arg7 : memref<128x16xf32, #tpu.memory_space<vmem>>) target_semaphore(%run_scoped3A : memref<!tpu.dma_semaphore, #tpu.memory_space<semaphore_mem>>)
      tpu.wait_dma2 semaphore(%run_scoped3A : memref<!tpu.dma_semaphore, #tpu.memory_space<semaphore_mem>>) src(%arg4 : memref<128x16xf32, #tpu.memory_space<hbm>>) dst(%arg7 : memref<128x16xf32, #tpu.memory_space<vmem>>)
      tpu.yield
    }) : () -> ()
    %scan3A = arith.constant 0 : i32
    %scan3A_5 = arith.constant 0 : i32
    %scan3A_6 = arith.constant 5 : i32
    %scan3A_7 = arith.addi %scan3A_5, %scan3A_6 : i32
    %scan3A_8 = arith.constant 1 : i32
    scf.for %scan3A_23 = %scan3A_5 to %scan3A_7 step %scan3A_8  : i32 {
      %mul3A_24 = arith.constant 128 : i32
      %mul3A_25 = arith.muli %scan3A_23, %mul3A_24 : i32
      %add3A_26 = arith.addi %mul3A_0, %mul3A_25 : i32
      "tpu.region"() ({
        %run_scoped3A = tpu.sem_alloc : memref<!tpu.dma_semaphore, #tpu.memory_space<semaphore_mem>>
        %dma_start3A = arith.constant 0 : i32
        %dma_start3A_27 = tpu.memref_slice %arg6[%add3A_26, %dma_start3A] : memref<10240x16xf32, #tpu.memory_space<vmem_shared>> -> memref<128x16xf32, #tpu.memory_space<vmem_shared>>
        %dma_start3A_28 = arith.constant 0 : i32
        %dma_start3A_29 = tpu.memref_slice %arg6[%add3A_26, %dma_start3A_28] : memref<10240x16xf32, #tpu.memory_space<vmem_shared>> -> memref<128x16xf32, #tpu.memory_space<vmem_shared>>
        tpu.enqueue_dma source(%arg7 : memref<128x16xf32, #tpu.memory_space<vmem>>) target(%dma_start3A_29 : memref<128x16xf32, #tpu.memory_space<vmem_shared>>) target_semaphore(%run_scoped3A : memref<!tpu.dma_semaphore, #tpu.memory_space<semaphore_mem>>)
        %dma_wait3A = arith.constant 0 : i32
        %dma_wait3A_30 = tpu.memref_slice %arg6[%add3A_26, %dma_wait3A] : memref<10240x16xf32, #tpu.memory_space<vmem_shared>> -> memref<128x16xf32, #tpu.memory_space<vmem_shared>>
        %dma_wait3A_31 = arith.constant 0 : i32
        %dma_wait3A_32 = tpu.memref_slice %arg6[%add3A_26, %dma_wait3A_31] : memref<10240x16xf32, #tpu.memory_space<vmem_shared>> -> memref<128x16xf32, #tpu.memory_space<vmem_shared>>
        tpu.wait_dma2 semaphore(%run_scoped3A : memref<!tpu.dma_semaphore, #tpu.memory_space<semaphore_mem>>) src(%arg7 : memref<128x16xf32, #tpu.memory_space<vmem>>) dst(%dma_wait3A_32 : memref<128x16xf32, #tpu.memory_space<vmem_shared>>)
        tpu.yield
      }) : () -> ()
    }
    %scan3A_9 = arith.constant 5 : i32
    "tpu.region"() ({
      %run_scoped3A = tpu.sem_alloc : memref<!tpu.dma_semaphore, #tpu.memory_space<semaphore_mem>>
      %dma_start3A = arith.constant 0 : i32
      %dma_start3A_23 = tpu.memref_slice %arg2[%mul3A_4, %dma_start3A] : memref<2816x128xi32, #tpu.memory_space<hbm>> -> memref<88x128xi32, #tpu.memory_space<hbm>>
      %dma_start3A_24 = arith.constant 0 : i32
      %dma_start3A_25 = tpu.memref_slice %arg2[%mul3A_4, %dma_start3A_24] : memref<2816x128xi32, #tpu.memory_space<hbm>> -> memref<88x128xi32, #tpu.memory_space<hbm>>
      tpu.enqueue_dma source(%dma_start3A_25 : memref<88x128xi32, #tpu.memory_space<hbm>>) target(%arg8 : memref<88x128xi32, #tpu.memory_space<vmem>>) target_semaphore(%run_scoped3A : memref<!tpu.dma_semaphore, #tpu.memory_space<semaphore_mem>>)
      %dma_wait3A = arith.constant 0 : i32
      %dma_wait3A_26 = tpu.memref_slice %arg2[%mul3A_4, %dma_wait3A] : memref<2816x128xi32, #tpu.memory_space<hbm>> -> memref<88x128xi32, #tpu.memory_space<hbm>>
      %dma_wait3A_27 = arith.constant 0 : i32
      %dma_wait3A_28 = tpu.memref_slice %arg2[%mul3A_4, %dma_wait3A_27] : memref<2816x128xi32, #tpu.memory_space<hbm>> -> memref<88x128xi32, #tpu.memory_space<hbm>>
      tpu.wait_dma2 semaphore(%run_scoped3A : memref<!tpu.dma_semaphore, #tpu.memory_space<semaphore_mem>>) src(%dma_wait3A_28 : memref<88x128xi32, #tpu.memory_space<hbm>>) dst(%arg8 : memref<88x128xi32, #tpu.memory_space<vmem>>)
      tpu.yield
    }) : () -> ()
    "tpu.region"() ({
      %run_scoped3A = tpu.sem_alloc : memref<!tpu.dma_semaphore, #tpu.memory_space<semaphore_mem>>
      tpu.enqueue_dma source(%arg3 : memref<128x16xf32, #tpu.memory_space<hbm>>) target(%arg7 : memref<128x16xf32, #tpu.memory_space<vmem>>) target_semaphore(%run_scoped3A : memref<!tpu.dma_semaphore, #tpu.memory_space<semaphore_mem>>)
      tpu.wait_dma2 semaphore(%run_scoped3A : memref<!tpu.dma_semaphore, #tpu.memory_space<semaphore_mem>>) src(%arg3 : memref<128x16xf32, #tpu.memory_space<hbm>>) dst(%arg7 : memref<128x16xf32, #tpu.memory_space<vmem>>)
      tpu.yield
    }) : () -> ()
    %barrier3A = arith.constant 0 : index
    tpu.barrier barrier_id(%barrier3A)
    %scan3A_10 = arith.constant 0 : i32
    %scan3A_11 = arith.constant 0 : i32
    %scan3A_12 = arith.constant 88 : i32
    %scan3A_13 = arith.addi %scan3A_11, %scan3A_12 : i32
    %scan3A_14 = arith.constant 1 : i32
    scf.for %scan3A_23 = %scan3A_11 to %scan3A_13 step %scan3A_14  : i32 {
      "tpu.region"() ({
        %run_scoped3A = tpu.sem_alloc : memref<!tpu.dma_semaphore, #tpu.memory_space<semaphore_mem>>
        %dma_start3A = arith.constant 0 : i32
        %dma_start3A_24 = tpu.memref_slice %arg8[%scan3A_23, %dma_start3A] : memref<88x128xi32, #tpu.memory_space<vmem>> -> memref<1x128xi32, #tpu.memory_space<vmem>>
        %dma_start3A_25 = tpu.memref_squeeze %dma_start3A_24 : memref<1x128xi32, #tpu.memory_space<vmem>> -> memref<128xi32, #tpu.memory_space<vmem>>
        %dma_start3A_26 = arith.constant 0 : i32
        %dma_start3A_27 = arith.constant 0 : i32
        %dma_start3A_28 = tpu.memref_slice %arg6[%dma_start3A_26, %dma_start3A_27] : memref<10240x16xf32, #tpu.memory_space<vmem_shared>> -> memref<10240x16xf32, #tpu.memory_space<vmem_shared>>
        tpu.enqueue_indirect_dma source(%arg7 : memref<128x16xf32, #tpu.memory_space<vmem>>) target(%dma_start3A_28 : memref<10240x16xf32, #tpu.memory_space<vmem_shared>>) offsets(%dma_start3A_25 : memref<128xi32, #tpu.memory_space<vmem>>) semaphore(%run_scoped3A : memref<!tpu.dma_semaphore, #tpu.memory_space<semaphore_mem>>) {add = true}
        %dma_wait3A = arith.constant 0 : i32
        %dma_wait3A_29 = tpu.memref_slice %arg8[%scan3A_23, %dma_wait3A] : memref<88x128xi32, #tpu.memory_space<vmem>> -> memref<1x128xi32, #tpu.memory_space<vmem>>
        %dma_wait3A_30 = tpu.memref_squeeze %dma_wait3A_29 : memref<1x128xi32, #tpu.memory_space<vmem>> -> memref<128xi32, #tpu.memory_space<vmem>>
        %dma_wait3A_31 = arith.constant 0 : i32
        %dma_wait3A_32 = arith.constant 0 : i32
        %dma_wait3A_33 = tpu.memref_slice %arg6[%dma_wait3A_31, %dma_wait3A_32] : memref<10240x16xf32, #tpu.memory_space<vmem_shared>> -> memref<10240x16xf32, #tpu.memory_space<vmem_shared>>
        tpu.wait_indirect_dma semaphore(%run_scoped3A : memref<!tpu.dma_semaphore, #tpu.memory_space<semaphore_mem>>) src(%arg7 : memref<128x16xf32, #tpu.memory_space<vmem>>) dst(%dma_wait3A_33 : memref<10240x16xf32, #tpu.memory_space<vmem_shared>>)
        tpu.yield
      }) : () -> ()
    }
    %scan3A_15 = arith.constant 88 : i32
    %barrier3A_16 = arith.constant 0 : index
    tpu.barrier barrier_id(%barrier3A_16)
    %scan3A_17 = arith.constant 0 : i32
    %scan3A_18 = arith.constant 0 : i32
    %scan3A_19 = arith.constant 5 : i32
    %scan3A_20 = arith.addi %scan3A_18, %scan3A_19 : i32
    %scan3A_21 = arith.constant 1 : i32
    scf.for %scan3A_23 = %scan3A_18 to %scan3A_20 step %scan3A_21  : i32 {
      %mul3A_24 = arith.constant 128 : i32
      %mul3A_25 = arith.muli %scan3A_23, %mul3A_24 : i32
      %add3A_26 = arith.addi %mul3A_0, %mul3A_25 : i32
      "tpu.region"() ({
        %run_scoped3A = tpu.sem_alloc : memref<!tpu.dma_semaphore, #tpu.memory_space<semaphore_mem>>
        %dma_start3A = arith.constant 0 : i32
        %dma_start3A_30 = tpu.memref_slice %arg6[%add3A_26, %dma_start3A] : memref<10240x16xf32, #tpu.memory_space<vmem_shared>> -> memref<128x16xf32, #tpu.memory_space<vmem_shared>>
        %dma_start3A_31 = arith.constant 0 : i32
        %dma_start3A_32 = tpu.memref_slice %arg6[%add3A_26, %dma_start3A_31] : memref<10240x16xf32, #tpu.memory_space<vmem_shared>> -> memref<128x16xf32, #tpu.memory_space<vmem_shared>>
        tpu.enqueue_dma source(%dma_start3A_32 : memref<128x16xf32, #tpu.memory_space<vmem_shared>>) target(%arg7 : memref<128x16xf32, #tpu.memory_space<vmem>>) target_semaphore(%run_scoped3A : memref<!tpu.dma_semaphore, #tpu.memory_space<semaphore_mem>>)
        %dma_wait3A = arith.constant 0 : i32
        %dma_wait3A_33 = tpu.memref_slice %arg6[%add3A_26, %dma_wait3A] : memref<10240x16xf32, #tpu.memory_space<vmem_shared>> -> memref<128x16xf32, #tpu.memory_space<vmem_shared>>
        %dma_wait3A_34 = arith.constant 0 : i32
        %dma_wait3A_35 = tpu.memref_slice %arg6[%add3A_26, %dma_wait3A_34] : memref<10240x16xf32, #tpu.memory_space<vmem_shared>> -> memref<128x16xf32, #tpu.memory_space<vmem_shared>>
        tpu.wait_dma2 semaphore(%run_scoped3A : memref<!tpu.dma_semaphore, #tpu.memory_space<semaphore_mem>>) src(%dma_wait3A_35 : memref<128x16xf32, #tpu.memory_space<vmem_shared>>) dst(%arg7 : memref<128x16xf32, #tpu.memory_space<vmem>>)
        tpu.yield
      }) : () -> ()
      %mul3A_27 = arith.constant 128 : i32
      %mul3A_28 = arith.muli %scan3A_23, %mul3A_27 : i32
      %add3A_29 = arith.addi %mul3A_0, %mul3A_28 : i32
      "tpu.region"() ({
        %run_scoped3A = tpu.sem_alloc : memref<!tpu.dma_semaphore, #tpu.memory_space<semaphore_mem>>
        %dma_start3A = arith.constant 0 : i32
        %dma_start3A_30 = tpu.memref_slice %arg5[%arg0, %add3A_29, %dma_start3A] : memref<2x10240x16xf32, #tpu.memory_space<hbm>> -> memref<1x128x16xf32, #tpu.memory_space<hbm>>
        %dma_start3A_31 = tpu.memref_squeeze %dma_start3A_30 : memref<1x128x16xf32, #tpu.memory_space<hbm>> -> memref<128x16xf32, #tpu.memory_space<hbm>>
        %dma_start3A_32 = arith.constant 0 : i32
        %dma_start3A_33 = tpu.memref_slice %arg5[%arg0, %add3A_29, %dma_start3A_32] : memref<2x10240x16xf32, #tpu.memory_space<hbm>> -> memref<1x128x16xf32, #tpu.memory_space<hbm>>
        %dma_start3A_34 = tpu.memref_squeeze %dma_start3A_33 : memref<1x128x16xf32, #tpu.memory_space<hbm>> -> memref<128x16xf32, #tpu.memory_space<hbm>>
        tpu.enqueue_dma source(%arg7 : memref<128x16xf32, #tpu.memory_space<vmem>>) target(%dma_start3A_34 : memref<128x16xf32, #tpu.memory_space<hbm>>) target_semaphore(%run_scoped3A : memref<!tpu.dma_semaphore, #tpu.memory_space<semaphore_mem>>)
        %dma_wait3A = arith.constant 0 : i32
        %dma_wait3A_35 = tpu.memref_slice %arg5[%arg0, %add3A_29, %dma_wait3A] : memref<2x10240x16xf32, #tpu.memory_space<hbm>> -> memref<1x128x16xf32, #tpu.memory_space<hbm>>
        %dma_wait3A_36 = tpu.memref_squeeze %dma_wait3A_35 : memref<1x128x16xf32, #tpu.memory_space<hbm>> -> memref<128x16xf32, #tpu.memory_space<hbm>>
        %dma_wait3A_37 = arith.constant 0 : i32
        %dma_wait3A_38 = tpu.memref_slice %arg5[%arg0, %add3A_29, %dma_wait3A_37] : memref<2x10240x16xf32, #tpu.memory_space<hbm>> -> memref<1x128x16xf32, #tpu.memory_space<hbm>>
        %dma_wait3A_39 = tpu.memref_squeeze %dma_wait3A_38 : memref<1x128x16xf32, #tpu.memory_space<hbm>> -> memref<128x16xf32, #tpu.memory_space<hbm>>
        tpu.wait_dma2 semaphore(%run_scoped3A : memref<!tpu.dma_semaphore, #tpu.memory_space<semaphore_mem>>) src(%arg7 : memref<128x16xf32, #tpu.memory_space<vmem>>) dst(%dma_wait3A_39 : memref<128x16xf32, #tpu.memory_space<hbm>>)
        tpu.yield
      }) : () -> ()
    }
    %scan3A_22 = arith.constant 5 : i32
    return
  }
}

#map = affine_map<(d0, d1) -> (0, 0)>
#map1 = affine_map<(d0, d1) -> (0, 0, 0)>
module attributes {stable_mosaic.version = 14 : i64} {
  func.func @_raw_agg(%arg0: i32, %arg1: i32, %arg2: memref<10000x128xf32, #tpu.memory_space<hbm>>, %arg3: memref<2816x128xi32, #tpu.memory_space<hbm>>, %arg4: memref<2816x128xi32, #tpu.memory_space<hbm>>, %arg5: memref<128x128xf32, #tpu.memory_space<hbm>>, %arg6: memref<2x10240x128xf32, #tpu.memory_space<hbm>>, %arg7: memref<10240x128xf32, #tpu.memory_space<vmem_shared>>, %arg8: memref<2x128x128xf32, #tpu.memory_space<vmem>>, %arg9: memref<48x128xi32, #tpu.memory_space<vmem>>, %arg10: memref<48x128xi32, #tpu.memory_space<vmem>>, %arg11: memref<!tpu.dma_semaphore, #tpu.memory_space<semaphore_mem>>, %arg12: memref<!tpu.dma_semaphore, #tpu.memory_space<semaphore_mem>>) attributes {dimension_semantics = [#tpu.dimension_semantics<core_parallel>, #tpu.dimension_semantics<subcore_parallel>], iteration_bounds = array<i64: 2, 16>, scalar_prefetch = 0 : i64, scratch_operands = 6 : i64, tpu.core_type = #tpu.core_type<sc_vector_subcore>, window_params = [{transform_indices = #map}, {transform_indices = #map}, {transform_indices = #map}, {transform_indices = #map}, {transform_indices = #map1}]} {
    %mul3A = arith.constant 640 : i32
    %mul3A_0 = arith.muli %arg1, %mul3A : i32
    %mul3A_1 = arith.constant 16 : i32
    %mul3A_2 = arith.muli %arg0, %mul3A_1 : i32
    %add3A = arith.addi %mul3A_2, %arg1 : i32
    %mul3A_3 = arith.constant 88 : i32
    %mul3A_4 = arith.muli %add3A, %mul3A_3 : i32
    %run_scoped3A = arith.constant 0 : i32
    "tpu.region"() ({
      %run_scoped3A_83 = tpu.sem_alloc : memref<!tpu.dma_semaphore, #tpu.memory_space<semaphore_mem>>
      %dma_start3A_84 = arith.constant 0 : i32
      %dma_start3A_85 = arith.constant 0 : i32
      %dma_start3A_86 = tpu.memref_slice %arg8[%run_scoped3A, %dma_start3A_84, %dma_start3A_85] : memref<2x128x128xf32, #tpu.memory_space<vmem>> -> memref<1x128x128xf32, #tpu.memory_space<vmem>>
      %dma_start3A_87 = tpu.memref_squeeze %dma_start3A_86 : memref<1x128x128xf32, #tpu.memory_space<vmem>> -> memref<128x128xf32, #tpu.memory_space<vmem>>
      %dma_start3A_88 = arith.constant 0 : i32
      %dma_start3A_89 = arith.constant 0 : i32
      %dma_start3A_90 = tpu.memref_slice %arg8[%run_scoped3A, %dma_start3A_88, %dma_start3A_89] : memref<2x128x128xf32, #tpu.memory_space<vmem>> -> memref<1x128x128xf32, #tpu.memory_space<vmem>>
      %dma_start3A_91 = tpu.memref_squeeze %dma_start3A_90 : memref<1x128x128xf32, #tpu.memory_space<vmem>> -> memref<128x128xf32, #tpu.memory_space<vmem>>
      tpu.enqueue_dma source(%arg5 : memref<128x128xf32, #tpu.memory_space<hbm>>) target(%dma_start3A_91 : memref<128x128xf32, #tpu.memory_space<vmem>>) target_semaphore(%run_scoped3A_83 : memref<!tpu.dma_semaphore, #tpu.memory_space<semaphore_mem>>)
      %dma_wait3A_92 = arith.constant 0 : i32
      %dma_wait3A_93 = arith.constant 0 : i32
      %dma_wait3A_94 = tpu.memref_slice %arg8[%run_scoped3A, %dma_wait3A_92, %dma_wait3A_93] : memref<2x128x128xf32, #tpu.memory_space<vmem>> -> memref<1x128x128xf32, #tpu.memory_space<vmem>>
      %dma_wait3A_95 = tpu.memref_squeeze %dma_wait3A_94 : memref<1x128x128xf32, #tpu.memory_space<vmem>> -> memref<128x128xf32, #tpu.memory_space<vmem>>
      %dma_wait3A_96 = arith.constant 0 : i32
      %dma_wait3A_97 = arith.constant 0 : i32
      %dma_wait3A_98 = tpu.memref_slice %arg8[%run_scoped3A, %dma_wait3A_96, %dma_wait3A_97] : memref<2x128x128xf32, #tpu.memory_space<vmem>> -> memref<1x128x128xf32, #tpu.memory_space<vmem>>
      %dma_wait3A_99 = tpu.memref_squeeze %dma_wait3A_98 : memref<1x128x128xf32, #tpu.memory_space<vmem>> -> memref<128x128xf32, #tpu.memory_space<vmem>>
      tpu.wait_dma2 semaphore(%run_scoped3A_83 : memref<!tpu.dma_semaphore, #tpu.memory_space<semaphore_mem>>) src(%arg5 : memref<128x128xf32, #tpu.memory_space<hbm>>) dst(%dma_wait3A_99 : memref<128x128xf32, #tpu.memory_space<vmem>>)
      tpu.yield
    }) : () -> ()
    %scan3A = arith.constant 0 : i32
    %scan3A_5 = arith.constant 0 : i32
    %scan3A_6 = arith.constant 5 : i32
    %scan3A_7 = arith.addi %scan3A_5, %scan3A_6 : i32
    %scan3A_8 = arith.constant 1 : i32
    scf.for %scan3A_83 = %scan3A_5 to %scan3A_7 step %scan3A_8  : i32 {
      %mul3A_84 = arith.constant 128 : i32
      %mul3A_85 = arith.muli %scan3A_83, %mul3A_84 : i32
      %add3A_86 = arith.addi %mul3A_0, %mul3A_85 : i32
      %run_scoped3A_87 = arith.constant 0 : i32
      "tpu.region"() ({
        %run_scoped3A_88 = tpu.sem_alloc : memref<!tpu.dma_semaphore, #tpu.memory_space<semaphore_mem>>
        %dma_start3A_89 = arith.constant 0 : i32
        %dma_start3A_90 = arith.constant 0 : i32
        %dma_start3A_91 = tpu.memref_slice %arg8[%run_scoped3A_87, %dma_start3A_89, %dma_start3A_90] : memref<2x128x128xf32, #tpu.memory_space<vmem>> -> memref<1x128x128xf32, #tpu.memory_space<vmem>>
        %dma_start3A_92 = tpu.memref_squeeze %dma_start3A_91 : memref<1x128x128xf32, #tpu.memory_space<vmem>> -> memref<128x128xf32, #tpu.memory_space<vmem>>
        %dma_start3A_93 = arith.constant 0 : i32
        %dma_start3A_94 = tpu.memref_slice %arg7[%add3A_86, %dma_start3A_93] : memref<10240x128xf32, #tpu.memory_space<vmem_shared>> -> memref<128x128xf32, #tpu.memory_space<vmem_shared>>
        %dma_start3A_95 = arith.constant 0 : i32
        %dma_start3A_96 = tpu.memref_slice %arg7[%add3A_86, %dma_start3A_95] : memref<10240x128xf32, #tpu.memory_space<vmem_shared>> -> memref<128x128xf32, #tpu.memory_space<vmem_shared>>
        %dma_start3A_97 = arith.constant 0 : i32
        %dma_start3A_98 = arith.constant 0 : i32
        %dma_start3A_99 = tpu.memref_slice %arg8[%run_scoped3A_87, %dma_start3A_97, %dma_start3A_98] : memref<2x128x128xf32, #tpu.memory_space<vmem>> -> memref<1x128x128xf32, #tpu.memory_space<vmem>>
        %dma_start3A_100 = tpu.memref_squeeze %dma_start3A_99 : memref<1x128x128xf32, #tpu.memory_space<vmem>> -> memref<128x128xf32, #tpu.memory_space<vmem>>
        tpu.enqueue_dma source(%dma_start3A_100 : memref<128x128xf32, #tpu.memory_space<vmem>>) target(%dma_start3A_96 : memref<128x128xf32, #tpu.memory_space<vmem_shared>>) target_semaphore(%run_scoped3A_88 : memref<!tpu.dma_semaphore, #tpu.memory_space<semaphore_mem>>)
        %dma_wait3A_101 = arith.constant 0 : i32
        %dma_wait3A_102 = arith.constant 0 : i32
        %dma_wait3A_103 = tpu.memref_slice %arg8[%run_scoped3A_87, %dma_wait3A_101, %dma_wait3A_102] : memref<2x128x128xf32, #tpu.memory_space<vmem>> -> memref<1x128x128xf32, #tpu.memory_space<vmem>>
        %dma_wait3A_104 = tpu.memref_squeeze %dma_wait3A_103 : memref<1x128x128xf32, #tpu.memory_space<vmem>> -> memref<128x128xf32, #tpu.memory_space<vmem>>
        %dma_wait3A_105 = arith.constant 0 : i32
        %dma_wait3A_106 = tpu.memref_slice %arg7[%add3A_86, %dma_wait3A_105] : memref<10240x128xf32, #tpu.memory_space<vmem_shared>> -> memref<128x128xf32, #tpu.memory_space<vmem_shared>>
        %dma_wait3A_107 = arith.constant 0 : i32
        %dma_wait3A_108 = tpu.memref_slice %arg7[%add3A_86, %dma_wait3A_107] : memref<10240x128xf32, #tpu.memory_space<vmem_shared>> -> memref<128x128xf32, #tpu.memory_space<vmem_shared>>
        %dma_wait3A_109 = arith.constant 0 : i32
        %dma_wait3A_110 = arith.constant 0 : i32
        %dma_wait3A_111 = tpu.memref_slice %arg8[%run_scoped3A_87, %dma_wait3A_109, %dma_wait3A_110] : memref<2x128x128xf32, #tpu.memory_space<vmem>> -> memref<1x128x128xf32, #tpu.memory_space<vmem>>
        %dma_wait3A_112 = tpu.memref_squeeze %dma_wait3A_111 : memref<1x128x128xf32, #tpu.memory_space<vmem>> -> memref<128x128xf32, #tpu.memory_space<vmem>>
        tpu.wait_dma2 semaphore(%run_scoped3A_88 : memref<!tpu.dma_semaphore, #tpu.memory_space<semaphore_mem>>) src(%dma_wait3A_112 : memref<128x128xf32, #tpu.memory_space<vmem>>) dst(%dma_wait3A_108 : memref<128x128xf32, #tpu.memory_space<vmem_shared>>)
        tpu.yield
      }) : () -> ()
    }
    %scan3A_9 = arith.constant 5 : i32
    %barrier3A = arith.constant 0 : index
    tpu.barrier barrier_id(%barrier3A)
    %add3A_10 = arith.constant 0 : i32
    %add3A_11 = arith.addi %mul3A_4, %add3A_10 : i32
    "tpu.region"() ({
      %run_scoped3A_83 = tpu.sem_alloc : memref<!tpu.dma_semaphore, #tpu.memory_space<semaphore_mem>>
      %dma_start3A_84 = arith.constant 0 : i32
      %dma_start3A_85 = arith.constant 0 : i32
      %dma_start3A_86 = tpu.memref_slice %arg9[%dma_start3A_84, %dma_start3A_85] : memref<48x128xi32, #tpu.memory_space<vmem>> -> memref<48x128xi32, #tpu.memory_space<vmem>>
      %dma_start3A_87 = arith.constant 0 : i32
      %dma_start3A_88 = tpu.memref_slice %arg3[%add3A_11, %dma_start3A_87] : memref<2816x128xi32, #tpu.memory_space<hbm>> -> memref<48x128xi32, #tpu.memory_space<hbm>>
      %dma_start3A_89 = arith.constant 0 : i32
      %dma_start3A_90 = arith.constant 0 : i32
      %dma_start3A_91 = tpu.memref_slice %arg9[%dma_start3A_89, %dma_start3A_90] : memref<48x128xi32, #tpu.memory_space<vmem>> -> memref<48x128xi32, #tpu.memory_space<vmem>>
      %dma_start3A_92 = arith.constant 0 : i32
      %dma_start3A_93 = tpu.memref_slice %arg3[%add3A_11, %dma_start3A_92] : memref<2816x128xi32, #tpu.memory_space<hbm>> -> memref<48x128xi32, #tpu.memory_space<hbm>>
      tpu.enqueue_dma source(%dma_start3A_93 : memref<48x128xi32, #tpu.memory_space<hbm>>) target(%dma_start3A_91 : memref<48x128xi32, #tpu.memory_space<vmem>>) target_semaphore(%run_scoped3A_83 : memref<!tpu.dma_semaphore, #tpu.memory_space<semaphore_mem>>)
      %dma_wait3A_94 = arith.constant 0 : i32
      %dma_wait3A_95 = arith.constant 0 : i32
      %dma_wait3A_96 = tpu.memref_slice %arg9[%dma_wait3A_94, %dma_wait3A_95] : memref<48x128xi32, #tpu.memory_space<vmem>> -> memref<48x128xi32, #tpu.memory_space<vmem>>
      %dma_wait3A_97 = arith.constant 0 : i32
      %dma_wait3A_98 = tpu.memref_slice %arg3[%add3A_11, %dma_wait3A_97] : memref<2816x128xi32, #tpu.memory_space<hbm>> -> memref<48x128xi32, #tpu.memory_space<hbm>>
      %dma_wait3A_99 = arith.constant 0 : i32
      %dma_wait3A_100 = arith.constant 0 : i32
      %dma_wait3A_101 = tpu.memref_slice %arg9[%dma_wait3A_99, %dma_wait3A_100] : memref<48x128xi32, #tpu.memory_space<vmem>> -> memref<48x128xi32, #tpu.memory_space<vmem>>
      %dma_wait3A_102 = arith.constant 0 : i32
      %dma_wait3A_103 = tpu.memref_slice %arg3[%add3A_11, %dma_wait3A_102] : memref<2816x128xi32, #tpu.memory_space<hbm>> -> memref<48x128xi32, #tpu.memory_space<hbm>>
      tpu.wait_dma2 semaphore(%run_scoped3A_83 : memref<!tpu.dma_semaphore, #tpu.memory_space<semaphore_mem>>) src(%dma_wait3A_103 : memref<48x128xi32, #tpu.memory_space<hbm>>) dst(%dma_wait3A_101 : memref<48x128xi32, #tpu.memory_space<vmem>>)
      tpu.yield
    }) : () -> ()
    %add3A_12 = arith.constant 0 : i32
    %add3A_13 = arith.addi %mul3A_4, %add3A_12 : i32
    "tpu.region"() ({
      %run_scoped3A_83 = tpu.sem_alloc : memref<!tpu.dma_semaphore, #tpu.memory_space<semaphore_mem>>
      %dma_start3A_84 = arith.constant 0 : i32
      %dma_start3A_85 = arith.constant 0 : i32
      %dma_start3A_86 = tpu.memref_slice %arg10[%dma_start3A_84, %dma_start3A_85] : memref<48x128xi32, #tpu.memory_space<vmem>> -> memref<48x128xi32, #tpu.memory_space<vmem>>
      %dma_start3A_87 = arith.constant 0 : i32
      %dma_start3A_88 = tpu.memref_slice %arg4[%add3A_13, %dma_start3A_87] : memref<2816x128xi32, #tpu.memory_space<hbm>> -> memref<48x128xi32, #tpu.memory_space<hbm>>
      %dma_start3A_89 = arith.constant 0 : i32
      %dma_start3A_90 = arith.constant 0 : i32
      %dma_start3A_91 = tpu.memref_slice %arg10[%dma_start3A_89, %dma_start3A_90] : memref<48x128xi32, #tpu.memory_space<vmem>> -> memref<48x128xi32, #tpu.memory_space<vmem>>
      %dma_start3A_92 = arith.constant 0 : i32
      %dma_start3A_93 = tpu.memref_slice %arg4[%add3A_13, %dma_start3A_92] : memref<2816x128xi32, #tpu.memory_space<hbm>> -> memref<48x128xi32, #tpu.memory_space<hbm>>
      tpu.enqueue_dma source(%dma_start3A_93 : memref<48x128xi32, #tpu.memory_space<hbm>>) target(%dma_start3A_91 : memref<48x128xi32, #tpu.memory_space<vmem>>) target_semaphore(%run_scoped3A_83 : memref<!tpu.dma_semaphore, #tpu.memory_space<semaphore_mem>>)
      %dma_wait3A_94 = arith.constant 0 : i32
      %dma_wait3A_95 = arith.constant 0 : i32
      %dma_wait3A_96 = tpu.memref_slice %arg10[%dma_wait3A_94, %dma_wait3A_95] : memref<48x128xi32, #tpu.memory_space<vmem>> -> memref<48x128xi32, #tpu.memory_space<vmem>>
      %dma_wait3A_97 = arith.constant 0 : i32
      %dma_wait3A_98 = tpu.memref_slice %arg4[%add3A_13, %dma_wait3A_97] : memref<2816x128xi32, #tpu.memory_space<hbm>> -> memref<48x128xi32, #tpu.memory_space<hbm>>
      %dma_wait3A_99 = arith.constant 0 : i32
      %dma_wait3A_100 = arith.constant 0 : i32
      %dma_wait3A_101 = tpu.memref_slice %arg10[%dma_wait3A_99, %dma_wait3A_100] : memref<48x128xi32, #tpu.memory_space<vmem>> -> memref<48x128xi32, #tpu.memory_space<vmem>>
      %dma_wait3A_102 = arith.constant 0 : i32
      %dma_wait3A_103 = tpu.memref_slice %arg4[%add3A_13, %dma_wait3A_102] : memref<2816x128xi32, #tpu.memory_space<hbm>> -> memref<48x128xi32, #tpu.memory_space<hbm>>
      tpu.wait_dma2 semaphore(%run_scoped3A_83 : memref<!tpu.dma_semaphore, #tpu.memory_space<semaphore_mem>>) src(%dma_wait3A_103 : memref<48x128xi32, #tpu.memory_space<hbm>>) dst(%dma_wait3A_101 : memref<48x128xi32, #tpu.memory_space<vmem>>)
      tpu.yield
    }) : () -> ()
    %dma_start3A = arith.constant 0 : i32
    %dma_start3A_14 = arith.constant 0 : i32
    %dma_start3A_15 = arith.constant 0 : i32
    %dma_start3A_16 = arith.constant 0 : i32
    %dma_start3A_17 = tpu.memref_slice %arg8[%dma_start3A_14, %dma_start3A_15, %dma_start3A_16] : memref<2x128x128xf32, #tpu.memory_space<vmem>> -> memref<1x128x128xf32, #tpu.memory_space<vmem>>
    %dma_start3A_18 = tpu.memref_squeeze %dma_start3A_17 : memref<1x128x128xf32, #tpu.memory_space<vmem>> -> memref<128x128xf32, #tpu.memory_space<vmem>>
    %dma_start3A_19 = arith.constant 0 : i32
    %dma_start3A_20 = tpu.memref_slice %arg9[%dma_start3A, %dma_start3A_19] : memref<48x128xi32, #tpu.memory_space<vmem>> -> memref<1x128xi32, #tpu.memory_space<vmem>>
    %dma_start3A_21 = tpu.memref_squeeze %dma_start3A_20 : memref<1x128xi32, #tpu.memory_space<vmem>> -> memref<128xi32, #tpu.memory_space<vmem>>
    %dma_start3A_22 = arith.constant 0 : i32
    %dma_start3A_23 = arith.constant 0 : i32
    %dma_start3A_24 = tpu.memref_slice %arg2[%dma_start3A_22, %dma_start3A_23] : memref<10000x128xf32, #tpu.memory_space<hbm>> -> memref<10000x128xf32, #tpu.memory_space<hbm>>
    tpu.enqueue_indirect_dma source(%dma_start3A_24 : memref<10000x128xf32, #tpu.memory_space<hbm>>) target(%dma_start3A_18 : memref<128x128xf32, #tpu.memory_space<vmem>>) offsets(%dma_start3A_21 : memref<128xi32, #tpu.memory_space<vmem>>) semaphore(%arg11 : memref<!tpu.dma_semaphore, #tpu.memory_space<semaphore_mem>>)
    %scan3A_25 = arith.constant 0 : i32
    %scan3A_26 = arith.constant 0 : i32
    %scan3A_27 = arith.constant 48 : i32
    %scan3A_28 = arith.addi %scan3A_26, %scan3A_27 : i32
    %scan3A_29 = arith.constant 1 : i32
    scf.for %scan3A_83 = %scan3A_26 to %scan3A_28 step %scan3A_29  : i32 {
      %rem3A = arith.constant 2 : i32
      %rem3A_84 = arith.remsi %scan3A_83, %rem3A : i32
      %add3A_85 = arith.constant 1 : i32
      %add3A_86 = arith.addi %scan3A_83, %add3A_85 : i32
      %rem3A_87 = arith.constant 2 : i32
      %rem3A_88 = arith.remsi %add3A_86, %rem3A_87 : i32
      %dma_wait3A_89 = arith.constant 0 : i32
      %dma_wait3A_90 = arith.constant 0 : i32
      %dma_wait3A_91 = tpu.memref_slice %arg8[%rem3A_84, %dma_wait3A_89, %dma_wait3A_90] : memref<2x128x128xf32, #tpu.memory_space<vmem>> -> memref<1x128x128xf32, #tpu.memory_space<vmem>>
      %dma_wait3A_92 = tpu.memref_squeeze %dma_wait3A_91 : memref<1x128x128xf32, #tpu.memory_space<vmem>> -> memref<128x128xf32, #tpu.memory_space<vmem>>
      %dma_wait3A_93 = arith.constant 0 : i32
      %dma_wait3A_94 = tpu.memref_slice %arg9[%scan3A_83, %dma_wait3A_93] : memref<48x128xi32, #tpu.memory_space<vmem>> -> memref<1x128xi32, #tpu.memory_space<vmem>>
      %dma_wait3A_95 = tpu.memref_squeeze %dma_wait3A_94 : memref<1x128xi32, #tpu.memory_space<vmem>> -> memref<128xi32, #tpu.memory_space<vmem>>
      %dma_wait3A_96 = arith.constant 0 : i32
      %dma_wait3A_97 = arith.constant 0 : i32
      %dma_wait3A_98 = tpu.memref_slice %arg2[%dma_wait3A_96, %dma_wait3A_97] : memref<10000x128xf32, #tpu.memory_space<hbm>> -> memref<10000x128xf32, #tpu.memory_space<hbm>>
      tpu.wait_indirect_dma semaphore(%arg11 : memref<!tpu.dma_semaphore, #tpu.memory_space<semaphore_mem>>) src(%dma_wait3A_98 : memref<10000x128xf32, #tpu.memory_space<hbm>>) dst(%dma_wait3A_92 : memref<128x128xf32, #tpu.memory_space<vmem>>)
      %ge3A = arith.constant 1 : i32
      %ge3A_99 = arith.cmpi sge, %scan3A_83, %ge3A : i32
      %convert_element_type3A = arith.extui %ge3A_99 : i1 to i32
      %cond3A = arith.constant 0 : i32
      %cond3A_100 = arith.cmpi ne, %convert_element_type3A, %cond3A : i32
      scf.if %cond3A_100 {
        %sub3A = arith.constant 1 : i32
        %sub3A_117 = arith.subi %scan3A_83, %sub3A : i32
        %dma_wait3A_118 = arith.constant 0 : i32
        %dma_wait3A_119 = arith.constant 0 : i32
        %dma_wait3A_120 = tpu.memref_slice %arg8[%rem3A_88, %dma_wait3A_118, %dma_wait3A_119] : memref<2x128x128xf32, #tpu.memory_space<vmem>> -> memref<1x128x128xf32, #tpu.memory_space<vmem>>
        %dma_wait3A_121 = tpu.memref_squeeze %dma_wait3A_120 : memref<1x128x128xf32, #tpu.memory_space<vmem>> -> memref<128x128xf32, #tpu.memory_space<vmem>>
        %dma_wait3A_122 = arith.constant 0 : i32
        %dma_wait3A_123 = tpu.memref_slice %arg10[%sub3A_117, %dma_wait3A_122] : memref<48x128xi32, #tpu.memory_space<vmem>> -> memref<1x128xi32, #tpu.memory_space<vmem>>
        %dma_wait3A_124 = tpu.memref_squeeze %dma_wait3A_123 : memref<1x128xi32, #tpu.memory_space<vmem>> -> memref<128xi32, #tpu.memory_space<vmem>>
        %dma_wait3A_125 = arith.constant 0 : i32
        %dma_wait3A_126 = arith.constant 0 : i32
        %dma_wait3A_127 = tpu.memref_slice %arg7[%dma_wait3A_125, %dma_wait3A_126] : memref<10240x128xf32, #tpu.memory_space<vmem_shared>> -> memref<10240x128xf32, #tpu.memory_space<vmem_shared>>
        tpu.wait_indirect_dma semaphore(%arg12 : memref<!tpu.dma_semaphore, #tpu.memory_space<semaphore_mem>>) src(%dma_wait3A_121 : memref<128x128xf32, #tpu.memory_space<vmem>>) dst(%dma_wait3A_127 : memref<10240x128xf32, #tpu.memory_space<vmem_shared>>)
      } else {
      }
      %add3A_101 = arith.constant 1 : i32
      %add3A_102 = arith.addi %scan3A_83, %add3A_101 : i32
      %lt3A = arith.constant 48 : i32
      %lt3A_103 = arith.cmpi slt, %add3A_102, %lt3A : i32
      %convert_element_type3A_104 = arith.extui %lt3A_103 : i1 to i32
      %cond3A_105 = arith.constant 0 : i32
      %cond3A_106 = arith.cmpi ne, %convert_element_type3A_104, %cond3A_105 : i32
      scf.if %cond3A_106 {
        %add3A_117 = arith.constant 1 : i32
        %add3A_118 = arith.addi %scan3A_83, %add3A_117 : i32
        %dma_start3A_119 = arith.constant 0 : i32
        %dma_start3A_120 = arith.constant 0 : i32
        %dma_start3A_121 = tpu.memref_slice %arg8[%rem3A_88, %dma_start3A_119, %dma_start3A_120] : memref<2x128x128xf32, #tpu.memory_space<vmem>> -> memref<1x128x128xf32, #tpu.memory_space<vmem>>
        %dma_start3A_122 = tpu.memref_squeeze %dma_start3A_121 : memref<1x128x128xf32, #tpu.memory_space<vmem>> -> memref<128x128xf32, #tpu.memory_space<vmem>>
        %dma_start3A_123 = arith.constant 0 : i32
        %dma_start3A_124 = tpu.memref_slice %arg9[%add3A_118, %dma_start3A_123] : memref<48x128xi32, #tpu.memory_space<vmem>> -> memref<1x128xi32, #tpu.memory_space<vmem>>
        %dma_start3A_125 = tpu.memref_squeeze %dma_start3A_124 : memref<1x128xi32, #tpu.memory_space<vmem>> -> memref<128xi32, #tpu.memory_space<vmem>>
        %dma_start3A_126 = arith.constant 0 : i32
        %dma_start3A_127 = arith.constant 0 : i32
        %dma_start3A_128 = tpu.memref_slice %arg2[%dma_start3A_126, %dma_start3A_127] : memref<10000x128xf32, #tpu.memory_space<hbm>> -> memref<10000x128xf32, #tpu.memory_space<hbm>>
        tpu.enqueue_indirect_dma source(%dma_start3A_128 : memref<10000x128xf32, #tpu.memory_space<hbm>>) target(%dma_start3A_122 : memref<128x128xf32, #tpu.memory_space<vmem>>) offsets(%dma_start3A_125 : memref<128xi32, #tpu.memory_space<vmem>>) semaphore(%arg11 : memref<!tpu.dma_semaphore, #tpu.memory_space<semaphore_mem>>)
      } else {
      }
      %dma_start3A_107 = arith.constant 0 : i32
      %dma_start3A_108 = arith.constant 0 : i32
      %dma_start3A_109 = tpu.memref_slice %arg8[%rem3A_84, %dma_start3A_107, %dma_start3A_108] : memref<2x128x128xf32, #tpu.memory_space<vmem>> -> memref<1x128x128xf32, #tpu.memory_space<vmem>>
      %dma_start3A_110 = tpu.memref_squeeze %dma_start3A_109 : memref<1x128x128xf32, #tpu.memory_space<vmem>> -> memref<128x128xf32, #tpu.memory_space<vmem>>
      %dma_start3A_111 = arith.constant 0 : i32
      %dma_start3A_112 = tpu.memref_slice %arg10[%scan3A_83, %dma_start3A_111] : memref<48x128xi32, #tpu.memory_space<vmem>> -> memref<1x128xi32, #tpu.memory_space<vmem>>
      %dma_start3A_113 = tpu.memref_squeeze %dma_start3A_112 : memref<1x128xi32, #tpu.memory_space<vmem>> -> memref<128xi32, #tpu.memory_space<vmem>>
      %dma_start3A_114 = arith.constant 0 : i32
      %dma_start3A_115 = arith.constant 0 : i32
      %dma_start3A_116 = tpu.memref_slice %arg7[%dma_start3A_114, %dma_start3A_115] : memref<10240x128xf32, #tpu.memory_space<vmem_shared>> -> memref<10240x128xf32, #tpu.memory_space<vmem_shared>>
      tpu.enqueue_indirect_dma source(%dma_start3A_110 : memref<128x128xf32, #tpu.memory_space<vmem>>) target(%dma_start3A_116 : memref<10240x128xf32, #tpu.memory_space<vmem_shared>>) offsets(%dma_start3A_113 : memref<128xi32, #tpu.memory_space<vmem>>) semaphore(%arg12 : memref<!tpu.dma_semaphore, #tpu.memory_space<semaphore_mem>>) {add = true}
    }
    %scan3A_30 = arith.constant 48 : i32
    %dma_wait3A = arith.constant 1 : i32
    %dma_wait3A_31 = arith.constant 47 : i32
    %dma_wait3A_32 = arith.constant 0 : i32
    %dma_wait3A_33 = arith.constant 0 : i32
    %dma_wait3A_34 = tpu.memref_slice %arg8[%dma_wait3A, %dma_wait3A_32, %dma_wait3A_33] : memref<2x128x128xf32, #tpu.memory_space<vmem>> -> memref<1x128x128xf32, #tpu.memory_space<vmem>>
    %dma_wait3A_35 = tpu.memref_squeeze %dma_wait3A_34 : memref<1x128x128xf32, #tpu.memory_space<vmem>> -> memref<128x128xf32, #tpu.memory_space<vmem>>
    %dma_wait3A_36 = arith.constant 0 : i32
    %dma_wait3A_37 = tpu.memref_slice %arg10[%dma_wait3A_31, %dma_wait3A_36] : memref<48x128xi32, #tpu.memory_space<vmem>> -> memref<1x128xi32, #tpu.memory_space<vmem>>
    %dma_wait3A_38 = tpu.memref_squeeze %dma_wait3A_37 : memref<1x128xi32, #tpu.memory_space<vmem>> -> memref<128xi32, #tpu.memory_space<vmem>>
    %dma_wait3A_39 = arith.constant 0 : i32
    %dma_wait3A_40 = arith.constant 0 : i32
    %dma_wait3A_41 = tpu.memref_slice %arg7[%dma_wait3A_39, %dma_wait3A_40] : memref<10240x128xf32, #tpu.memory_space<vmem_shared>> -> memref<10240x128xf32, #tpu.memory_space<vmem_shared>>
    tpu.wait_indirect_dma semaphore(%arg12 : memref<!tpu.dma_semaphore, #tpu.memory_space<semaphore_mem>>) src(%dma_wait3A_35 : memref<128x128xf32, #tpu.memory_space<vmem>>) dst(%dma_wait3A_41 : memref<10240x128xf32, #tpu.memory_space<vmem_shared>>)
    %add3A_42 = arith.constant 48 : i32
    %add3A_43 = arith.addi %mul3A_4, %add3A_42 : i32
    "tpu.region"() ({
      %run_scoped3A_83 = tpu.sem_alloc : memref<!tpu.dma_semaphore, #tpu.memory_space<semaphore_mem>>
      %dma_start3A_84 = arith.constant 0 : i32
      %dma_start3A_85 = arith.constant 0 : i32
      %dma_start3A_86 = tpu.memref_slice %arg9[%dma_start3A_84, %dma_start3A_85] : memref<48x128xi32, #tpu.memory_space<vmem>> -> memref<40x128xi32, #tpu.memory_space<vmem>>
      %dma_start3A_87 = arith.constant 0 : i32
      %dma_start3A_88 = tpu.memref_slice %arg3[%add3A_43, %dma_start3A_87] : memref<2816x128xi32, #tpu.memory_space<hbm>> -> memref<40x128xi32, #tpu.memory_space<hbm>>
      %dma_start3A_89 = arith.constant 0 : i32
      %dma_start3A_90 = arith.constant 0 : i32
      %dma_start3A_91 = tpu.memref_slice %arg9[%dma_start3A_89, %dma_start3A_90] : memref<48x128xi32, #tpu.memory_space<vmem>> -> memref<40x128xi32, #tpu.memory_space<vmem>>
      %dma_start3A_92 = arith.constant 0 : i32
      %dma_start3A_93 = tpu.memref_slice %arg3[%add3A_43, %dma_start3A_92] : memref<2816x128xi32, #tpu.memory_space<hbm>> -> memref<40x128xi32, #tpu.memory_space<hbm>>
      tpu.enqueue_dma source(%dma_start3A_93 : memref<40x128xi32, #tpu.memory_space<hbm>>) target(%dma_start3A_91 : memref<40x128xi32, #tpu.memory_space<vmem>>) target_semaphore(%run_scoped3A_83 : memref<!tpu.dma_semaphore, #tpu.memory_space<semaphore_mem>>)
      %dma_wait3A_94 = arith.constant 0 : i32
      %dma_wait3A_95 = arith.constant 0 : i32
      %dma_wait3A_96 = tpu.memref_slice %arg9[%dma_wait3A_94, %dma_wait3A_95] : memref<48x128xi32, #tpu.memory_space<vmem>> -> memref<40x128xi32, #tpu.memory_space<vmem>>
      %dma_wait3A_97 = arith.constant 0 : i32
      %dma_wait3A_98 = tpu.memref_slice %arg3[%add3A_43, %dma_wait3A_97] : memref<2816x128xi32, #tpu.memory_space<hbm>> -> memref<40x128xi32, #tpu.memory_space<hbm>>
      %dma_wait3A_99 = arith.constant 0 : i32
      %dma_wait3A_100 = arith.constant 0 : i32
      %dma_wait3A_101 = tpu.memref_slice %arg9[%dma_wait3A_99, %dma_wait3A_100] : memref<48x128xi32, #tpu.memory_space<vmem>> -> memref<40x128xi32, #tpu.memory_space<vmem>>
      %dma_wait3A_102 = arith.constant 0 : i32
      %dma_wait3A_103 = tpu.memref_slice %arg3[%add3A_43, %dma_wait3A_102] : memref<2816x128xi32, #tpu.memory_space<hbm>> -> memref<40x128xi32, #tpu.memory_space<hbm>>
      tpu.wait_dma2 semaphore(%run_scoped3A_83 : memref<!tpu.dma_semaphore, #tpu.memory_space<semaphore_mem>>) src(%dma_wait3A_103 : memref<40x128xi32, #tpu.memory_space<hbm>>) dst(%dma_wait3A_101 : memref<40x128xi32, #tpu.memory_space<vmem>>)
      tpu.yield
    }) : () -> ()
    %add3A_44 = arith.constant 48 : i32
    %add3A_45 = arith.addi %mul3A_4, %add3A_44 : i32
    "tpu.region"() ({
      %run_scoped3A_83 = tpu.sem_alloc : memref<!tpu.dma_semaphore, #tpu.memory_space<semaphore_mem>>
      %dma_start3A_84 = arith.constant 0 : i32
      %dma_start3A_85 = arith.constant 0 : i32
      %dma_start3A_86 = tpu.memref_slice %arg10[%dma_start3A_84, %dma_start3A_85] : memref<48x128xi32, #tpu.memory_space<vmem>> -> memref<40x128xi32, #tpu.memory_space<vmem>>
      %dma_start3A_87 = arith.constant 0 : i32
      %dma_start3A_88 = tpu.memref_slice %arg4[%add3A_45, %dma_start3A_87] : memref<2816x128xi32, #tpu.memory_space<hbm>> -> memref<40x128xi32, #tpu.memory_space<hbm>>
      %dma_start3A_89 = arith.constant 0 : i32
      %dma_start3A_90 = arith.constant 0 : i32
      %dma_start3A_91 = tpu.memref_slice %arg10[%dma_start3A_89, %dma_start3A_90] : memref<48x128xi32, #tpu.memory_space<vmem>> -> memref<40x128xi32, #tpu.memory_space<vmem>>
      %dma_start3A_92 = arith.constant 0 : i32
      %dma_start3A_93 = tpu.memref_slice %arg4[%add3A_45, %dma_start3A_92] : memref<2816x128xi32, #tpu.memory_space<hbm>> -> memref<40x128xi32, #tpu.memory_space<hbm>>
      tpu.enqueue_dma source(%dma_start3A_93 : memref<40x128xi32, #tpu.memory_space<hbm>>) target(%dma_start3A_91 : memref<40x128xi32, #tpu.memory_space<vmem>>) target_semaphore(%run_scoped3A_83 : memref<!tpu.dma_semaphore, #tpu.memory_space<semaphore_mem>>)
      %dma_wait3A_94 = arith.constant 0 : i32
      %dma_wait3A_95 = arith.constant 0 : i32
      %dma_wait3A_96 = tpu.memref_slice %arg10[%dma_wait3A_94, %dma_wait3A_95] : memref<48x128xi32, #tpu.memory_space<vmem>> -> memref<40x128xi32, #tpu.memory_space<vmem>>
      %dma_wait3A_97 = arith.constant 0 : i32
      %dma_wait3A_98 = tpu.memref_slice %arg4[%add3A_45, %dma_wait3A_97] : memref<2816x128xi32, #tpu.memory_space<hbm>> -> memref<40x128xi32, #tpu.memory_space<hbm>>
      %dma_wait3A_99 = arith.constant 0 : i32
      %dma_wait3A_100 = arith.constant 0 : i32
      %dma_wait3A_101 = tpu.memref_slice %arg10[%dma_wait3A_99, %dma_wait3A_100] : memref<48x128xi32, #tpu.memory_space<vmem>> -> memref<40x128xi32, #tpu.memory_space<vmem>>
      %dma_wait3A_102 = arith.constant 0 : i32
      %dma_wait3A_103 = tpu.memref_slice %arg4[%add3A_45, %dma_wait3A_102] : memref<2816x128xi32, #tpu.memory_space<hbm>> -> memref<40x128xi32, #tpu.memory_space<hbm>>
      tpu.wait_dma2 semaphore(%run_scoped3A_83 : memref<!tpu.dma_semaphore, #tpu.memory_space<semaphore_mem>>) src(%dma_wait3A_103 : memref<40x128xi32, #tpu.memory_space<hbm>>) dst(%dma_wait3A_101 : memref<40x128xi32, #tpu.memory_space<vmem>>)
      tpu.yield
    }) : () -> ()
    %dma_start3A_46 = arith.constant 0 : i32
    %dma_start3A_47 = arith.constant 0 : i32
    %dma_start3A_48 = arith.constant 0 : i32
    %dma_start3A_49 = arith.constant 0 : i32
    %dma_start3A_50 = tpu.memref_slice %arg8[%dma_start3A_47, %dma_start3A_48, %dma_start3A_49] : memref<2x128x128xf32, #tpu.memory_space<vmem>> -> memref<1x128x128xf32, #tpu.memory_space<vmem>>
    %dma_start3A_51 = tpu.memref_squeeze %dma_start3A_50 : memref<1x128x128xf32, #tpu.memory_space<vmem>> -> memref<128x128xf32, #tpu.memory_space<vmem>>
    %dma_start3A_52 = arith.constant 0 : i32
    %dma_start3A_53 = tpu.memref_slice %arg9[%dma_start3A_46, %dma_start3A_52] : memref<48x128xi32, #tpu.memory_space<vmem>> -> memref<1x128xi32, #tpu.memory_space<vmem>>
    %dma_start3A_54 = tpu.memref_squeeze %dma_start3A_53 : memref<1x128xi32, #tpu.memory_space<vmem>> -> memref<128xi32, #tpu.memory_space<vmem>>
    %dma_start3A_55 = arith.constant 0 : i32
    %dma_start3A_56 = arith.constant 0 : i32
    %dma_start3A_57 = tpu.memref_slice %arg2[%dma_start3A_55, %dma_start3A_56] : memref<10000x128xf32, #tpu.memory_space<hbm>> -> memref<10000x128xf32, #tpu.memory_space<hbm>>
    tpu.enqueue_indirect_dma source(%dma_start3A_57 : memref<10000x128xf32, #tpu.memory_space<hbm>>) target(%dma_start3A_51 : memref<128x128xf32, #tpu.memory_space<vmem>>) offsets(%dma_start3A_54 : memref<128xi32, #tpu.memory_space<vmem>>) semaphore(%arg11 : memref<!tpu.dma_semaphore, #tpu.memory_space<semaphore_mem>>)
    %scan3A_58 = arith.constant 0 : i32
    %scan3A_59 = arith.constant 0 : i32
    %scan3A_60 = arith.constant 40 : i32
    %scan3A_61 = arith.addi %scan3A_59, %scan3A_60 : i32
    %scan3A_62 = arith.constant 1 : i32
    scf.for %scan3A_83 = %scan3A_59 to %scan3A_61 step %scan3A_62  : i32 {
      %rem3A = arith.constant 2 : i32
      %rem3A_84 = arith.remsi %scan3A_83, %rem3A : i32
      %add3A_85 = arith.constant 1 : i32
      %add3A_86 = arith.addi %scan3A_83, %add3A_85 : i32
      %rem3A_87 = arith.constant 2 : i32
      %rem3A_88 = arith.remsi %add3A_86, %rem3A_87 : i32
      %dma_wait3A_89 = arith.constant 0 : i32
      %dma_wait3A_90 = arith.constant 0 : i32
      %dma_wait3A_91 = tpu.memref_slice %arg8[%rem3A_84, %dma_wait3A_89, %dma_wait3A_90] : memref<2x128x128xf32, #tpu.memory_space<vmem>> -> memref<1x128x128xf32, #tpu.memory_space<vmem>>
      %dma_wait3A_92 = tpu.memref_squeeze %dma_wait3A_91 : memref<1x128x128xf32, #tpu.memory_space<vmem>> -> memref<128x128xf32, #tpu.memory_space<vmem>>
      %dma_wait3A_93 = arith.constant 0 : i32
      %dma_wait3A_94 = tpu.memref_slice %arg9[%scan3A_83, %dma_wait3A_93] : memref<48x128xi32, #tpu.memory_space<vmem>> -> memref<1x128xi32, #tpu.memory_space<vmem>>
      %dma_wait3A_95 = tpu.memref_squeeze %dma_wait3A_94 : memref<1x128xi32, #tpu.memory_space<vmem>> -> memref<128xi32, #tpu.memory_space<vmem>>
      %dma_wait3A_96 = arith.constant 0 : i32
      %dma_wait3A_97 = arith.constant 0 : i32
      %dma_wait3A_98 = tpu.memref_slice %arg2[%dma_wait3A_96, %dma_wait3A_97] : memref<10000x128xf32, #tpu.memory_space<hbm>> -> memref<10000x128xf32, #tpu.memory_space<hbm>>
      tpu.wait_indirect_dma semaphore(%arg11 : memref<!tpu.dma_semaphore, #tpu.memory_space<semaphore_mem>>) src(%dma_wait3A_98 : memref<10000x128xf32, #tpu.memory_space<hbm>>) dst(%dma_wait3A_92 : memref<128x128xf32, #tpu.memory_space<vmem>>)
      %ge3A = arith.constant 1 : i32
      %ge3A_99 = arith.cmpi sge, %scan3A_83, %ge3A : i32
      %convert_element_type3A = arith.extui %ge3A_99 : i1 to i32
      %cond3A = arith.constant 0 : i32
      %cond3A_100 = arith.cmpi ne, %convert_element_type3A, %cond3A : i32
      scf.if %cond3A_100 {
        %sub3A = arith.constant 1 : i32
        %sub3A_117 = arith.subi %scan3A_83, %sub3A : i32
        %dma_wait3A_118 = arith.constant 0 : i32
        %dma_wait3A_119 = arith.constant 0 : i32
        %dma_wait3A_120 = tpu.memref_slice %arg8[%rem3A_88, %dma_wait3A_118, %dma_wait3A_119] : memref<2x128x128xf32, #tpu.memory_space<vmem>> -> memref<1x128x128xf32, #tpu.memory_space<vmem>>
        %dma_wait3A_121 = tpu.memref_squeeze %dma_wait3A_120 : memref<1x128x128xf32, #tpu.memory_space<vmem>> -> memref<128x128xf32, #tpu.memory_space<vmem>>
        %dma_wait3A_122 = arith.constant 0 : i32
        %dma_wait3A_123 = tpu.memref_slice %arg10[%sub3A_117, %dma_wait3A_122] : memref<48x128xi32, #tpu.memory_space<vmem>> -> memref<1x128xi32, #tpu.memory_space<vmem>>
        %dma_wait3A_124 = tpu.memref_squeeze %dma_wait3A_123 : memref<1x128xi32, #tpu.memory_space<vmem>> -> memref<128xi32, #tpu.memory_space<vmem>>
        %dma_wait3A_125 = arith.constant 0 : i32
        %dma_wait3A_126 = arith.constant 0 : i32
        %dma_wait3A_127 = tpu.memref_slice %arg7[%dma_wait3A_125, %dma_wait3A_126] : memref<10240x128xf32, #tpu.memory_space<vmem_shared>> -> memref<10240x128xf32, #tpu.memory_space<vmem_shared>>
        tpu.wait_indirect_dma semaphore(%arg12 : memref<!tpu.dma_semaphore, #tpu.memory_space<semaphore_mem>>) src(%dma_wait3A_121 : memref<128x128xf32, #tpu.memory_space<vmem>>) dst(%dma_wait3A_127 : memref<10240x128xf32, #tpu.memory_space<vmem_shared>>)
      } else {
      }
      %add3A_101 = arith.constant 1 : i32
      %add3A_102 = arith.addi %scan3A_83, %add3A_101 : i32
      %lt3A = arith.constant 40 : i32
      %lt3A_103 = arith.cmpi slt, %add3A_102, %lt3A : i32
      %convert_element_type3A_104 = arith.extui %lt3A_103 : i1 to i32
      %cond3A_105 = arith.constant 0 : i32
      %cond3A_106 = arith.cmpi ne, %convert_element_type3A_104, %cond3A_105 : i32
      scf.if %cond3A_106 {
        %add3A_117 = arith.constant 1 : i32
        %add3A_118 = arith.addi %scan3A_83, %add3A_117 : i32
        %dma_start3A_119 = arith.constant 0 : i32
        %dma_start3A_120 = arith.constant 0 : i32
        %dma_start3A_121 = tpu.memref_slice %arg8[%rem3A_88, %dma_start3A_119, %dma_start3A_120] : memref<2x128x128xf32, #tpu.memory_space<vmem>> -> memref<1x128x128xf32, #tpu.memory_space<vmem>>
        %dma_start3A_122 = tpu.memref_squeeze %dma_start3A_121 : memref<1x128x128xf32, #tpu.memory_space<vmem>> -> memref<128x128xf32, #tpu.memory_space<vmem>>
        %dma_start3A_123 = arith.constant 0 : i32
        %dma_start3A_124 = tpu.memref_slice %arg9[%add3A_118, %dma_start3A_123] : memref<48x128xi32, #tpu.memory_space<vmem>> -> memref<1x128xi32, #tpu.memory_space<vmem>>
        %dma_start3A_125 = tpu.memref_squeeze %dma_start3A_124 : memref<1x128xi32, #tpu.memory_space<vmem>> -> memref<128xi32, #tpu.memory_space<vmem>>
        %dma_start3A_126 = arith.constant 0 : i32
        %dma_start3A_127 = arith.constant 0 : i32
        %dma_start3A_128 = tpu.memref_slice %arg2[%dma_start3A_126, %dma_start3A_127] : memref<10000x128xf32, #tpu.memory_space<hbm>> -> memref<10000x128xf32, #tpu.memory_space<hbm>>
        tpu.enqueue_indirect_dma source(%dma_start3A_128 : memref<10000x128xf32, #tpu.memory_space<hbm>>) target(%dma_start3A_122 : memref<128x128xf32, #tpu.memory_space<vmem>>) offsets(%dma_start3A_125 : memref<128xi32, #tpu.memory_space<vmem>>) semaphore(%arg11 : memref<!tpu.dma_semaphore, #tpu.memory_space<semaphore_mem>>)
      } else {
      }
      %dma_start3A_107 = arith.constant 0 : i32
      %dma_start3A_108 = arith.constant 0 : i32
      %dma_start3A_109 = tpu.memref_slice %arg8[%rem3A_84, %dma_start3A_107, %dma_start3A_108] : memref<2x128x128xf32, #tpu.memory_space<vmem>> -> memref<1x128x128xf32, #tpu.memory_space<vmem>>
      %dma_start3A_110 = tpu.memref_squeeze %dma_start3A_109 : memref<1x128x128xf32, #tpu.memory_space<vmem>> -> memref<128x128xf32, #tpu.memory_space<vmem>>
      %dma_start3A_111 = arith.constant 0 : i32
      %dma_start3A_112 = tpu.memref_slice %arg10[%scan3A_83, %dma_start3A_111] : memref<48x128xi32, #tpu.memory_space<vmem>> -> memref<1x128xi32, #tpu.memory_space<vmem>>
      %dma_start3A_113 = tpu.memref_squeeze %dma_start3A_112 : memref<1x128xi32, #tpu.memory_space<vmem>> -> memref<128xi32, #tpu.memory_space<vmem>>
      %dma_start3A_114 = arith.constant 0 : i32
      %dma_start3A_115 = arith.constant 0 : i32
      %dma_start3A_116 = tpu.memref_slice %arg7[%dma_start3A_114, %dma_start3A_115] : memref<10240x128xf32, #tpu.memory_space<vmem_shared>> -> memref<10240x128xf32, #tpu.memory_space<vmem_shared>>
      tpu.enqueue_indirect_dma source(%dma_start3A_110 : memref<128x128xf32, #tpu.memory_space<vmem>>) target(%dma_start3A_116 : memref<10240x128xf32, #tpu.memory_space<vmem_shared>>) offsets(%dma_start3A_113 : memref<128xi32, #tpu.memory_space<vmem>>) semaphore(%arg12 : memref<!tpu.dma_semaphore, #tpu.memory_space<semaphore_mem>>) {add = true}
    }
    %scan3A_63 = arith.constant 40 : i32
    %dma_wait3A_64 = arith.constant 1 : i32
    %dma_wait3A_65 = arith.constant 39 : i32
    %dma_wait3A_66 = arith.constant 0 : i32
    %dma_wait3A_67 = arith.constant 0 : i32
    %dma_wait3A_68 = tpu.memref_slice %arg8[%dma_wait3A_64, %dma_wait3A_66, %dma_wait3A_67] : memref<2x128x128xf32, #tpu.memory_space<vmem>> -> memref<1x128x128xf32, #tpu.memory_space<vmem>>
    %dma_wait3A_69 = tpu.memref_squeeze %dma_wait3A_68 : memref<1x128x128xf32, #tpu.memory_space<vmem>> -> memref<128x128xf32, #tpu.memory_space<vmem>>
    %dma_wait3A_70 = arith.constant 0 : i32
    %dma_wait3A_71 = tpu.memref_slice %arg10[%dma_wait3A_65, %dma_wait3A_70] : memref<48x128xi32, #tpu.memory_space<vmem>> -> memref<1x128xi32, #tpu.memory_space<vmem>>
    %dma_wait3A_72 = tpu.memref_squeeze %dma_wait3A_71 : memref<1x128xi32, #tpu.memory_space<vmem>> -> memref<128xi32, #tpu.memory_space<vmem>>
    %dma_wait3A_73 = arith.constant 0 : i32
    %dma_wait3A_74 = arith.constant 0 : i32
    %dma_wait3A_75 = tpu.memref_slice %arg7[%dma_wait3A_73, %dma_wait3A_74] : memref<10240x128xf32, #tpu.memory_space<vmem_shared>> -> memref<10240x128xf32, #tpu.memory_space<vmem_shared>>
    tpu.wait_indirect_dma semaphore(%arg12 : memref<!tpu.dma_semaphore, #tpu.memory_space<semaphore_mem>>) src(%dma_wait3A_69 : memref<128x128xf32, #tpu.memory_space<vmem>>) dst(%dma_wait3A_75 : memref<10240x128xf32, #tpu.memory_space<vmem_shared>>)
    %barrier3A_76 = arith.constant 0 : index
    tpu.barrier barrier_id(%barrier3A_76)
    %scan3A_77 = arith.constant 0 : i32
    %scan3A_78 = arith.constant 0 : i32
    %scan3A_79 = arith.constant 5 : i32
    %scan3A_80 = arith.addi %scan3A_78, %scan3A_79 : i32
    %scan3A_81 = arith.constant 1 : i32
    scf.for %scan3A_83 = %scan3A_78 to %scan3A_80 step %scan3A_81  : i32 {
      %mul3A_84 = arith.constant 128 : i32
      %mul3A_85 = arith.muli %scan3A_83, %mul3A_84 : i32
      %add3A_86 = arith.addi %mul3A_0, %mul3A_85 : i32
      %run_scoped3A_87 = arith.constant 0 : i32
      "tpu.region"() ({
        %run_scoped3A_92 = tpu.sem_alloc : memref<!tpu.dma_semaphore, #tpu.memory_space<semaphore_mem>>
        %dma_start3A_93 = arith.constant 0 : i32
        %dma_start3A_94 = arith.constant 0 : i32
        %dma_start3A_95 = tpu.memref_slice %arg8[%run_scoped3A_87, %dma_start3A_93, %dma_start3A_94] : memref<2x128x128xf32, #tpu.memory_space<vmem>> -> memref<1x128x128xf32, #tpu.memory_space<vmem>>
        %dma_start3A_96 = tpu.memref_squeeze %dma_start3A_95 : memref<1x128x128xf32, #tpu.memory_space<vmem>> -> memref<128x128xf32, #tpu.memory_space<vmem>>
        %dma_start3A_97 = arith.constant 0 : i32
        %dma_start3A_98 = tpu.memref_slice %arg7[%add3A_86, %dma_start3A_97] : memref<10240x128xf32, #tpu.memory_space<vmem_shared>> -> memref<128x128xf32, #tpu.memory_space<vmem_shared>>
        %dma_start3A_99 = arith.constant 0 : i32
        %dma_start3A_100 = arith.constant 0 : i32
        %dma_start3A_101 = tpu.memref_slice %arg8[%run_scoped3A_87, %dma_start3A_99, %dma_start3A_100] : memref<2x128x128xf32, #tpu.memory_space<vmem>> -> memref<1x128x128xf32, #tpu.memory_space<vmem>>
        %dma_start3A_102 = tpu.memref_squeeze %dma_start3A_101 : memref<1x128x128xf32, #tpu.memory_space<vmem>> -> memref<128x128xf32, #tpu.memory_space<vmem>>
        %dma_start3A_103 = arith.constant 0 : i32
        %dma_start3A_104 = tpu.memref_slice %arg7[%add3A_86, %dma_start3A_103] : memref<10240x128xf32, #tpu.memory_space<vmem_shared>> -> memref<128x128xf32, #tpu.memory_space<vmem_shared>>
        tpu.enqueue_dma source(%dma_start3A_104 : memref<128x128xf32, #tpu.memory_space<vmem_shared>>) target(%dma_start3A_102 : memref<128x128xf32, #tpu.memory_space<vmem>>) target_semaphore(%run_scoped3A_92 : memref<!tpu.dma_semaphore, #tpu.memory_space<semaphore_mem>>)
        %dma_wait3A_105 = arith.constant 0 : i32
        %dma_wait3A_106 = arith.constant 0 : i32
        %dma_wait3A_107 = tpu.memref_slice %arg8[%run_scoped3A_87, %dma_wait3A_105, %dma_wait3A_106] : memref<2x128x128xf32, #tpu.memory_space<vmem>> -> memref<1x128x128xf32, #tpu.memory_space<vmem>>
        %dma_wait3A_108 = tpu.memref_squeeze %dma_wait3A_107 : memref<1x128x128xf32, #tpu.memory_space<vmem>> -> memref<128x128xf32, #tpu.memory_space<vmem>>
        %dma_wait3A_109 = arith.constant 0 : i32
        %dma_wait3A_110 = tpu.memref_slice %arg7[%add3A_86, %dma_wait3A_109] : memref<10240x128xf32, #tpu.memory_space<vmem_shared>> -> memref<128x128xf32, #tpu.memory_space<vmem_shared>>
        %dma_wait3A_111 = arith.constant 0 : i32
        %dma_wait3A_112 = arith.constant 0 : i32
        %dma_wait3A_113 = tpu.memref_slice %arg8[%run_scoped3A_87, %dma_wait3A_111, %dma_wait3A_112] : memref<2x128x128xf32, #tpu.memory_space<vmem>> -> memref<1x128x128xf32, #tpu.memory_space<vmem>>
        %dma_wait3A_114 = tpu.memref_squeeze %dma_wait3A_113 : memref<1x128x128xf32, #tpu.memory_space<vmem>> -> memref<128x128xf32, #tpu.memory_space<vmem>>
        %dma_wait3A_115 = arith.constant 0 : i32
        %dma_wait3A_116 = tpu.memref_slice %arg7[%add3A_86, %dma_wait3A_115] : memref<10240x128xf32, #tpu.memory_space<vmem_shared>> -> memref<128x128xf32, #tpu.memory_space<vmem_shared>>
        tpu.wait_dma2 semaphore(%run_scoped3A_92 : memref<!tpu.dma_semaphore, #tpu.memory_space<semaphore_mem>>) src(%dma_wait3A_116 : memref<128x128xf32, #tpu.memory_space<vmem_shared>>) dst(%dma_wait3A_114 : memref<128x128xf32, #tpu.memory_space<vmem>>)
        tpu.yield
      }) : () -> ()
      %mul3A_88 = arith.constant 128 : i32
      %mul3A_89 = arith.muli %scan3A_83, %mul3A_88 : i32
      %add3A_90 = arith.addi %mul3A_0, %mul3A_89 : i32
      %run_scoped3A_91 = arith.constant 0 : i32
      "tpu.region"() ({
        %run_scoped3A_92 = tpu.sem_alloc : memref<!tpu.dma_semaphore, #tpu.memory_space<semaphore_mem>>
        %dma_start3A_93 = arith.constant 0 : i32
        %dma_start3A_94 = arith.constant 0 : i32
        %dma_start3A_95 = tpu.memref_slice %arg8[%run_scoped3A_91, %dma_start3A_93, %dma_start3A_94] : memref<2x128x128xf32, #tpu.memory_space<vmem>> -> memref<1x128x128xf32, #tpu.memory_space<vmem>>
        %dma_start3A_96 = tpu.memref_squeeze %dma_start3A_95 : memref<1x128x128xf32, #tpu.memory_space<vmem>> -> memref<128x128xf32, #tpu.memory_space<vmem>>
        %dma_start3A_97 = arith.constant 0 : i32
        %dma_start3A_98 = tpu.memref_slice %arg6[%arg0, %add3A_90, %dma_start3A_97] : memref<2x10240x128xf32, #tpu.memory_space<hbm>> -> memref<1x128x128xf32, #tpu.memory_space<hbm>>
        %dma_start3A_99 = tpu.memref_squeeze %dma_start3A_98 : memref<1x128x128xf32, #tpu.memory_space<hbm>> -> memref<128x128xf32, #tpu.memory_space<hbm>>
        %dma_start3A_100 = arith.constant 0 : i32
        %dma_start3A_101 = tpu.memref_slice %arg6[%arg0, %add3A_90, %dma_start3A_100] : memref<2x10240x128xf32, #tpu.memory_space<hbm>> -> memref<1x128x128xf32, #tpu.memory_space<hbm>>
        %dma_start3A_102 = tpu.memref_squeeze %dma_start3A_101 : memref<1x128x128xf32, #tpu.memory_space<hbm>> -> memref<128x128xf32, #tpu.memory_space<hbm>>
        %dma_start3A_103 = arith.constant 0 : i32
        %dma_start3A_104 = arith.constant 0 : i32
        %dma_start3A_105 = tpu.memref_slice %arg8[%run_scoped3A_91, %dma_start3A_103, %dma_start3A_104] : memref<2x128x128xf32, #tpu.memory_space<vmem>> -> memref<1x128x128xf32, #tpu.memory_space<vmem>>
        %dma_start3A_106 = tpu.memref_squeeze %dma_start3A_105 : memref<1x128x128xf32, #tpu.memory_space<vmem>> -> memref<128x128xf32, #tpu.memory_space<vmem>>
        tpu.enqueue_dma source(%dma_start3A_106 : memref<128x128xf32, #tpu.memory_space<vmem>>) target(%dma_start3A_102 : memref<128x128xf32, #tpu.memory_space<hbm>>) target_semaphore(%run_scoped3A_92 : memref<!tpu.dma_semaphore, #tpu.memory_space<semaphore_mem>>)
        %dma_wait3A_107 = arith.constant 0 : i32
        %dma_wait3A_108 = arith.constant 0 : i32
        %dma_wait3A_109 = tpu.memref_slice %arg8[%run_scoped3A_91, %dma_wait3A_107, %dma_wait3A_108] : memref<2x128x128xf32, #tpu.memory_space<vmem>> -> memref<1x128x128xf32, #tpu.memory_space<vmem>>
        %dma_wait3A_110 = tpu.memref_squeeze %dma_wait3A_109 : memref<1x128x128xf32, #tpu.memory_space<vmem>> -> memref<128x128xf32, #tpu.memory_space<vmem>>
        %dma_wait3A_111 = arith.constant 0 : i32
        %dma_wait3A_112 = tpu.memref_slice %arg6[%arg0, %add3A_90, %dma_wait3A_111] : memref<2x10240x128xf32, #tpu.memory_space<hbm>> -> memref<1x128x128xf32, #tpu.memory_space<hbm>>
        %dma_wait3A_113 = tpu.memref_squeeze %dma_wait3A_112 : memref<1x128x128xf32, #tpu.memory_space<hbm>> -> memref<128x128xf32, #tpu.memory_space<hbm>>
        %dma_wait3A_114 = arith.constant 0 : i32
        %dma_wait3A_115 = tpu.memref_slice %arg6[%arg0, %add3A_90, %dma_wait3A_114] : memref<2x10240x128xf32, #tpu.memory_space<hbm>> -> memref<1x128x128xf32, #tpu.memory_space<hbm>>
        %dma_wait3A_116 = tpu.memref_squeeze %dma_wait3A_115 : memref<1x128x128xf32, #tpu.memory_space<hbm>> -> memref<128x128xf32, #tpu.memory_space<hbm>>
        %dma_wait3A_117 = arith.constant 0 : i32
        %dma_wait3A_118 = arith.constant 0 : i32
        %dma_wait3A_119 = tpu.memref_slice %arg8[%run_scoped3A_91, %dma_wait3A_117, %dma_wait3A_118] : memref<2x128x128xf32, #tpu.memory_space<vmem>> -> memref<1x128x128xf32, #tpu.memory_space<vmem>>
        %dma_wait3A_120 = tpu.memref_squeeze %dma_wait3A_119 : memref<1x128x128xf32, #tpu.memory_space<vmem>> -> memref<128x128xf32, #tpu.memory_space<vmem>>
        tpu.wait_dma2 semaphore(%run_scoped3A_92 : memref<!tpu.dma_semaphore, #tpu.memory_space<semaphore_mem>>) src(%dma_wait3A_120 : memref<128x128xf32, #tpu.memory_space<vmem>>) dst(%dma_wait3A_116 : memref<128x128xf32, #tpu.memory_space<hbm>>)
        tpu.yield
      }) : () -> ()
    }
    %scan3A_82 = arith.constant 5 : i32
    return
  }
}

#map = affine_map<(d0, d1) -> (0, 0)>
#map1 = affine_map<(d0, d1) -> (0, 0, 0)>
module attributes {stable_mosaic.version = 14 : i64} {
  func.func @_raw_agg(%arg0: i32, %arg1: i32, %arg2: memref<10000x128xf32, #tpu.memory_space<hbm>>, %arg3: memref<2816x128xi32, #tpu.memory_space<hbm>>, %arg4: memref<2816x128xi32, #tpu.memory_space<hbm>>, %arg5: memref<128x128xf32, #tpu.memory_space<hbm>>, %arg6: memref<2x10240x128xf32, #tpu.memory_space<hbm>>, %arg7: memref<10240x128xf32, #tpu.memory_space<vmem_shared>>, %arg8: memref<2x128x128xf32, #tpu.memory_space<vmem>>, %arg9: memref<48x128xi32, #tpu.memory_space<vmem>>, %arg10: memref<48x128xi32, #tpu.memory_space<vmem>>, %arg11: memref<!tpu.dma_semaphore, #tpu.memory_space<semaphore_mem>>, %arg12: memref<!tpu.dma_semaphore, #tpu.memory_space<semaphore_mem>>) attributes {dimension_semantics = [#tpu.dimension_semantics<core_parallel>, #tpu.dimension_semantics<subcore_parallel>], iteration_bounds = array<i64: 2, 16>, scalar_prefetch = 0 : i64, scratch_operands = 6 : i64, tpu.core_type = #tpu.core_type<sc_vector_subcore>, window_params = [{transform_indices = #map}, {transform_indices = #map}, {transform_indices = #map}, {transform_indices = #map}, {transform_indices = #map1}]} {
    %mul3A = arith.constant 640 : i32
    %mul3A_0 = arith.muli %arg1, %mul3A : i32
    %mul3A_1 = arith.constant 16 : i32
    %mul3A_2 = arith.muli %arg0, %mul3A_1 : i32
    %add3A = arith.addi %mul3A_2, %arg1 : i32
    %mul3A_3 = arith.constant 88 : i32
    %mul3A_4 = arith.muli %add3A, %mul3A_3 : i32
    %run_scoped3A = arith.constant 0 : i32
    "tpu.region"() ({
      %run_scoped3A_83 = tpu.sem_alloc : memref<!tpu.dma_semaphore, #tpu.memory_space<semaphore_mem>>
      %dma_start3A_84 = arith.constant 0 : i32
      %dma_start3A_85 = arith.constant 0 : i32
      %dma_start3A_86 = tpu.memref_slice %arg8[%run_scoped3A, %dma_start3A_84, %dma_start3A_85] : memref<2x128x128xf32, #tpu.memory_space<vmem>> -> memref<1x128x128xf32, #tpu.memory_space<vmem>>
      %dma_start3A_87 = tpu.memref_squeeze %dma_start3A_86 : memref<1x128x128xf32, #tpu.memory_space<vmem>> -> memref<128x128xf32, #tpu.memory_space<vmem>>
      %dma_start3A_88 = arith.constant 0 : i32
      %dma_start3A_89 = arith.constant 0 : i32
      %dma_start3A_90 = tpu.memref_slice %arg8[%run_scoped3A, %dma_start3A_88, %dma_start3A_89] : memref<2x128x128xf32, #tpu.memory_space<vmem>> -> memref<1x128x128xf32, #tpu.memory_space<vmem>>
      %dma_start3A_91 = tpu.memref_squeeze %dma_start3A_90 : memref<1x128x128xf32, #tpu.memory_space<vmem>> -> memref<128x128xf32, #tpu.memory_space<vmem>>
      tpu.enqueue_dma source(%arg5 : memref<128x128xf32, #tpu.memory_space<hbm>>) target(%dma_start3A_91 : memref<128x128xf32, #tpu.memory_space<vmem>>) target_semaphore(%run_scoped3A_83 : memref<!tpu.dma_semaphore, #tpu.memory_space<semaphore_mem>>)
      %dma_wait3A_92 = arith.constant 0 : i32
      %dma_wait3A_93 = arith.constant 0 : i32
      %dma_wait3A_94 = tpu.memref_slice %arg8[%run_scoped3A, %dma_wait3A_92, %dma_wait3A_93] : memref<2x128x128xf32, #tpu.memory_space<vmem>> -> memref<1x128x128xf32, #tpu.memory_space<vmem>>
      %dma_wait3A_95 = tpu.memref_squeeze %dma_wait3A_94 : memref<1x128x128xf32, #tpu.memory_space<vmem>> -> memref<128x128xf32, #tpu.memory_space<vmem>>
      %dma_wait3A_96 = arith.constant 0 : i32
      %dma_wait3A_97 = arith.constant 0 : i32
      %dma_wait3A_98 = tpu.memref_slice %arg8[%run_scoped3A, %dma_wait3A_96, %dma_wait3A_97] : memref<2x128x128xf32, #tpu.memory_space<vmem>> -> memref<1x128x128xf32, #tpu.memory_space<vmem>>
      %dma_wait3A_99 = tpu.memref_squeeze %dma_wait3A_98 : memref<1x128x128xf32, #tpu.memory_space<vmem>> -> memref<128x128xf32, #tpu.memory_space<vmem>>
      tpu.wait_dma2 semaphore(%run_scoped3A_83 : memref<!tpu.dma_semaphore, #tpu.memory_space<semaphore_mem>>) src(%arg5 : memref<128x128xf32, #tpu.memory_space<hbm>>) dst(%dma_wait3A_99 : memref<128x128xf32, #tpu.memory_space<vmem>>)
      tpu.yield
    }) : () -> ()
    %scan3A = arith.constant 0 : i32
    %scan3A_5 = arith.constant 0 : i32
    %scan3A_6 = arith.constant 5 : i32
    %scan3A_7 = arith.addi %scan3A_5, %scan3A_6 : i32
    %scan3A_8 = arith.constant 1 : i32
    scf.for %scan3A_83 = %scan3A_5 to %scan3A_7 step %scan3A_8  : i32 {
      %mul3A_84 = arith.constant 128 : i32
      %mul3A_85 = arith.muli %scan3A_83, %mul3A_84 : i32
      %add3A_86 = arith.addi %mul3A_0, %mul3A_85 : i32
      %run_scoped3A_87 = arith.constant 0 : i32
      "tpu.region"() ({
        %run_scoped3A_88 = tpu.sem_alloc : memref<!tpu.dma_semaphore, #tpu.memory_space<semaphore_mem>>
        %dma_start3A_89 = arith.constant 0 : i32
        %dma_start3A_90 = arith.constant 0 : i32
        %dma_start3A_91 = tpu.memref_slice %arg8[%run_scoped3A_87, %dma_start3A_89, %dma_start3A_90] : memref<2x128x128xf32, #tpu.memory_space<vmem>> -> memref<1x128x128xf32, #tpu.memory_space<vmem>>
        %dma_start3A_92 = tpu.memref_squeeze %dma_start3A_91 : memref<1x128x128xf32, #tpu.memory_space<vmem>> -> memref<128x128xf32, #tpu.memory_space<vmem>>
        %dma_start3A_93 = arith.constant 0 : i32
        %dma_start3A_94 = tpu.memref_slice %arg7[%add3A_86, %dma_start3A_93] : memref<10240x128xf32, #tpu.memory_space<vmem_shared>> -> memref<128x128xf32, #tpu.memory_space<vmem_shared>>
        %dma_start3A_95 = arith.constant 0 : i32
        %dma_start3A_96 = tpu.memref_slice %arg7[%add3A_86, %dma_start3A_95] : memref<10240x128xf32, #tpu.memory_space<vmem_shared>> -> memref<128x128xf32, #tpu.memory_space<vmem_shared>>
        %dma_start3A_97 = arith.constant 0 : i32
        %dma_start3A_98 = arith.constant 0 : i32
        %dma_start3A_99 = tpu.memref_slice %arg8[%run_scoped3A_87, %dma_start3A_97, %dma_start3A_98] : memref<2x128x128xf32, #tpu.memory_space<vmem>> -> memref<1x128x128xf32, #tpu.memory_space<vmem>>
        %dma_start3A_100 = tpu.memref_squeeze %dma_start3A_99 : memref<1x128x128xf32, #tpu.memory_space<vmem>> -> memref<128x128xf32, #tpu.memory_space<vmem>>
        tpu.enqueue_dma source(%dma_start3A_100 : memref<128x128xf32, #tpu.memory_space<vmem>>) target(%dma_start3A_96 : memref<128x128xf32, #tpu.memory_space<vmem_shared>>) target_semaphore(%run_scoped3A_88 : memref<!tpu.dma_semaphore, #tpu.memory_space<semaphore_mem>>)
        %dma_wait3A_101 = arith.constant 0 : i32
        %dma_wait3A_102 = arith.constant 0 : i32
        %dma_wait3A_103 = tpu.memref_slice %arg8[%run_scoped3A_87, %dma_wait3A_101, %dma_wait3A_102] : memref<2x128x128xf32, #tpu.memory_space<vmem>> -> memref<1x128x128xf32, #tpu.memory_space<vmem>>
        %dma_wait3A_104 = tpu.memref_squeeze %dma_wait3A_103 : memref<1x128x128xf32, #tpu.memory_space<vmem>> -> memref<128x128xf32, #tpu.memory_space<vmem>>
        %dma_wait3A_105 = arith.constant 0 : i32
        %dma_wait3A_106 = tpu.memref_slice %arg7[%add3A_86, %dma_wait3A_105] : memref<10240x128xf32, #tpu.memory_space<vmem_shared>> -> memref<128x128xf32, #tpu.memory_space<vmem_shared>>
        %dma_wait3A_107 = arith.constant 0 : i32
        %dma_wait3A_108 = tpu.memref_slice %arg7[%add3A_86, %dma_wait3A_107] : memref<10240x128xf32, #tpu.memory_space<vmem_shared>> -> memref<128x128xf32, #tpu.memory_space<vmem_shared>>
        %dma_wait3A_109 = arith.constant 0 : i32
        %dma_wait3A_110 = arith.constant 0 : i32
        %dma_wait3A_111 = tpu.memref_slice %arg8[%run_scoped3A_87, %dma_wait3A_109, %dma_wait3A_110] : memref<2x128x128xf32, #tpu.memory_space<vmem>> -> memref<1x128x128xf32, #tpu.memory_space<vmem>>
        %dma_wait3A_112 = tpu.memref_squeeze %dma_wait3A_111 : memref<1x128x128xf32, #tpu.memory_space<vmem>> -> memref<128x128xf32, #tpu.memory_space<vmem>>
        tpu.wait_dma2 semaphore(%run_scoped3A_88 : memref<!tpu.dma_semaphore, #tpu.memory_space<semaphore_mem>>) src(%dma_wait3A_112 : memref<128x128xf32, #tpu.memory_space<vmem>>) dst(%dma_wait3A_108 : memref<128x128xf32, #tpu.memory_space<vmem_shared>>)
        tpu.yield
      }) : () -> ()
    }
    %scan3A_9 = arith.constant 5 : i32
    %barrier3A = arith.constant 0 : index
    tpu.barrier barrier_id(%barrier3A)
    %add3A_10 = arith.constant 0 : i32
    %add3A_11 = arith.addi %mul3A_4, %add3A_10 : i32
    "tpu.region"() ({
      %run_scoped3A_83 = tpu.sem_alloc : memref<!tpu.dma_semaphore, #tpu.memory_space<semaphore_mem>>
      %dma_start3A_84 = arith.constant 0 : i32
      %dma_start3A_85 = arith.constant 0 : i32
      %dma_start3A_86 = tpu.memref_slice %arg9[%dma_start3A_84, %dma_start3A_85] : memref<48x128xi32, #tpu.memory_space<vmem>> -> memref<48x128xi32, #tpu.memory_space<vmem>>
      %dma_start3A_87 = arith.constant 0 : i32
      %dma_start3A_88 = tpu.memref_slice %arg3[%add3A_11, %dma_start3A_87] : memref<2816x128xi32, #tpu.memory_space<hbm>> -> memref<48x128xi32, #tpu.memory_space<hbm>>
      %dma_start3A_89 = arith.constant 0 : i32
      %dma_start3A_90 = arith.constant 0 : i32
      %dma_start3A_91 = tpu.memref_slice %arg9[%dma_start3A_89, %dma_start3A_90] : memref<48x128xi32, #tpu.memory_space<vmem>> -> memref<48x128xi32, #tpu.memory_space<vmem>>
      %dma_start3A_92 = arith.constant 0 : i32
      %dma_start3A_93 = tpu.memref_slice %arg3[%add3A_11, %dma_start3A_92] : memref<2816x128xi32, #tpu.memory_space<hbm>> -> memref<48x128xi32, #tpu.memory_space<hbm>>
      tpu.enqueue_dma source(%dma_start3A_93 : memref<48x128xi32, #tpu.memory_space<hbm>>) target(%dma_start3A_91 : memref<48x128xi32, #tpu.memory_space<vmem>>) target_semaphore(%run_scoped3A_83 : memref<!tpu.dma_semaphore, #tpu.memory_space<semaphore_mem>>)
      %dma_wait3A_94 = arith.constant 0 : i32
      %dma_wait3A_95 = arith.constant 0 : i32
      %dma_wait3A_96 = tpu.memref_slice %arg9[%dma_wait3A_94, %dma_wait3A_95] : memref<48x128xi32, #tpu.memory_space<vmem>> -> memref<48x128xi32, #tpu.memory_space<vmem>>
      %dma_wait3A_97 = arith.constant 0 : i32
      %dma_wait3A_98 = tpu.memref_slice %arg3[%add3A_11, %dma_wait3A_97] : memref<2816x128xi32, #tpu.memory_space<hbm>> -> memref<48x128xi32, #tpu.memory_space<hbm>>
      %dma_wait3A_99 = arith.constant 0 : i32
      %dma_wait3A_100 = arith.constant 0 : i32
      %dma_wait3A_101 = tpu.memref_slice %arg9[%dma_wait3A_99, %dma_wait3A_100] : memref<48x128xi32, #tpu.memory_space<vmem>> -> memref<48x128xi32, #tpu.memory_space<vmem>>
      %dma_wait3A_102 = arith.constant 0 : i32
      %dma_wait3A_103 = tpu.memref_slice %arg3[%add3A_11, %dma_wait3A_102] : memref<2816x128xi32, #tpu.memory_space<hbm>> -> memref<48x128xi32, #tpu.memory_space<hbm>>
      tpu.wait_dma2 semaphore(%run_scoped3A_83 : memref<!tpu.dma_semaphore, #tpu.memory_space<semaphore_mem>>) src(%dma_wait3A_103 : memref<48x128xi32, #tpu.memory_space<hbm>>) dst(%dma_wait3A_101 : memref<48x128xi32, #tpu.memory_space<vmem>>)
      tpu.yield
    }) : () -> ()
    %add3A_12 = arith.constant 0 : i32
    %add3A_13 = arith.addi %mul3A_4, %add3A_12 : i32
    "tpu.region"() ({
      %run_scoped3A_83 = tpu.sem_alloc : memref<!tpu.dma_semaphore, #tpu.memory_space<semaphore_mem>>
      %dma_start3A_84 = arith.constant 0 : i32
      %dma_start3A_85 = arith.constant 0 : i32
      %dma_start3A_86 = tpu.memref_slice %arg10[%dma_start3A_84, %dma_start3A_85] : memref<48x128xi32, #tpu.memory_space<vmem>> -> memref<48x128xi32, #tpu.memory_space<vmem>>
      %dma_start3A_87 = arith.constant 0 : i32
      %dma_start3A_88 = tpu.memref_slice %arg4[%add3A_13, %dma_start3A_87] : memref<2816x128xi32, #tpu.memory_space<hbm>> -> memref<48x128xi32, #tpu.memory_space<hbm>>
      %dma_start3A_89 = arith.constant 0 : i32
      %dma_start3A_90 = arith.constant 0 : i32
      %dma_start3A_91 = tpu.memref_slice %arg10[%dma_start3A_89, %dma_start3A_90] : memref<48x128xi32, #tpu.memory_space<vmem>> -> memref<48x128xi32, #tpu.memory_space<vmem>>
      %dma_start3A_92 = arith.constant 0 : i32
      %dma_start3A_93 = tpu.memref_slice %arg4[%add3A_13, %dma_start3A_92] : memref<2816x128xi32, #tpu.memory_space<hbm>> -> memref<48x128xi32, #tpu.memory_space<hbm>>
      tpu.enqueue_dma source(%dma_start3A_93 : memref<48x128xi32, #tpu.memory_space<hbm>>) target(%dma_start3A_91 : memref<48x128xi32, #tpu.memory_space<vmem>>) target_semaphore(%run_scoped3A_83 : memref<!tpu.dma_semaphore, #tpu.memory_space<semaphore_mem>>)
      %dma_wait3A_94 = arith.constant 0 : i32
      %dma_wait3A_95 = arith.constant 0 : i32
      %dma_wait3A_96 = tpu.memref_slice %arg10[%dma_wait3A_94, %dma_wait3A_95] : memref<48x128xi32, #tpu.memory_space<vmem>> -> memref<48x128xi32, #tpu.memory_space<vmem>>
      %dma_wait3A_97 = arith.constant 0 : i32
      %dma_wait3A_98 = tpu.memref_slice %arg4[%add3A_13, %dma_wait3A_97] : memref<2816x128xi32, #tpu.memory_space<hbm>> -> memref<48x128xi32, #tpu.memory_space<hbm>>
      %dma_wait3A_99 = arith.constant 0 : i32
      %dma_wait3A_100 = arith.constant 0 : i32
      %dma_wait3A_101 = tpu.memref_slice %arg10[%dma_wait3A_99, %dma_wait3A_100] : memref<48x128xi32, #tpu.memory_space<vmem>> -> memref<48x128xi32, #tpu.memory_space<vmem>>
      %dma_wait3A_102 = arith.constant 0 : i32
      %dma_wait3A_103 = tpu.memref_slice %arg4[%add3A_13, %dma_wait3A_102] : memref<2816x128xi32, #tpu.memory_space<hbm>> -> memref<48x128xi32, #tpu.memory_space<hbm>>
      tpu.wait_dma2 semaphore(%run_scoped3A_83 : memref<!tpu.dma_semaphore, #tpu.memory_space<semaphore_mem>>) src(%dma_wait3A_103 : memref<48x128xi32, #tpu.memory_space<hbm>>) dst(%dma_wait3A_101 : memref<48x128xi32, #tpu.memory_space<vmem>>)
      tpu.yield
    }) : () -> ()
    %dma_start3A = arith.constant 0 : i32
    %dma_start3A_14 = arith.constant 0 : i32
    %dma_start3A_15 = arith.constant 0 : i32
    %dma_start3A_16 = arith.constant 0 : i32
    %dma_start3A_17 = tpu.memref_slice %arg8[%dma_start3A_14, %dma_start3A_15, %dma_start3A_16] : memref<2x128x128xf32, #tpu.memory_space<vmem>> -> memref<1x128x128xf32, #tpu.memory_space<vmem>>
    %dma_start3A_18 = tpu.memref_squeeze %dma_start3A_17 : memref<1x128x128xf32, #tpu.memory_space<vmem>> -> memref<128x128xf32, #tpu.memory_space<vmem>>
    %dma_start3A_19 = arith.constant 0 : i32
    %dma_start3A_20 = tpu.memref_slice %arg9[%dma_start3A, %dma_start3A_19] : memref<48x128xi32, #tpu.memory_space<vmem>> -> memref<1x128xi32, #tpu.memory_space<vmem>>
    %dma_start3A_21 = tpu.memref_squeeze %dma_start3A_20 : memref<1x128xi32, #tpu.memory_space<vmem>> -> memref<128xi32, #tpu.memory_space<vmem>>
    %dma_start3A_22 = arith.constant 0 : i32
    %dma_start3A_23 = arith.constant 0 : i32
    %dma_start3A_24 = tpu.memref_slice %arg2[%dma_start3A_22, %dma_start3A_23] : memref<10000x128xf32, #tpu.memory_space<hbm>> -> memref<10000x128xf32, #tpu.memory_space<hbm>>
    tpu.enqueue_indirect_dma source(%dma_start3A_24 : memref<10000x128xf32, #tpu.memory_space<hbm>>) target(%dma_start3A_18 : memref<128x128xf32, #tpu.memory_space<vmem>>) offsets(%dma_start3A_21 : memref<128xi32, #tpu.memory_space<vmem>>) semaphore(%arg11 : memref<!tpu.dma_semaphore, #tpu.memory_space<semaphore_mem>>)
    %scan3A_25 = arith.constant 0 : i32
    %scan3A_26 = arith.constant 0 : i32
    %scan3A_27 = arith.constant 48 : i32
    %scan3A_28 = arith.addi %scan3A_26, %scan3A_27 : i32
    %scan3A_29 = arith.constant 1 : i32
    scf.for %scan3A_83 = %scan3A_26 to %scan3A_28 step %scan3A_29  : i32 {
      %rem3A = arith.constant 2 : i32
      %rem3A_84 = arith.remsi %scan3A_83, %rem3A : i32
      %add3A_85 = arith.constant 1 : i32
      %add3A_86 = arith.addi %scan3A_83, %add3A_85 : i32
      %rem3A_87 = arith.constant 2 : i32
      %rem3A_88 = arith.remsi %add3A_86, %rem3A_87 : i32
      %dma_wait3A_89 = arith.constant 0 : i32
      %dma_wait3A_90 = arith.constant 0 : i32
      %dma_wait3A_91 = tpu.memref_slice %arg8[%rem3A_84, %dma_wait3A_89, %dma_wait3A_90] : memref<2x128x128xf32, #tpu.memory_space<vmem>> -> memref<1x128x128xf32, #tpu.memory_space<vmem>>
      %dma_wait3A_92 = tpu.memref_squeeze %dma_wait3A_91 : memref<1x128x128xf32, #tpu.memory_space<vmem>> -> memref<128x128xf32, #tpu.memory_space<vmem>>
      %dma_wait3A_93 = arith.constant 0 : i32
      %dma_wait3A_94 = tpu.memref_slice %arg9[%scan3A_83, %dma_wait3A_93] : memref<48x128xi32, #tpu.memory_space<vmem>> -> memref<1x128xi32, #tpu.memory_space<vmem>>
      %dma_wait3A_95 = tpu.memref_squeeze %dma_wait3A_94 : memref<1x128xi32, #tpu.memory_space<vmem>> -> memref<128xi32, #tpu.memory_space<vmem>>
      %dma_wait3A_96 = arith.constant 0 : i32
      %dma_wait3A_97 = arith.constant 0 : i32
      %dma_wait3A_98 = tpu.memref_slice %arg2[%dma_wait3A_96, %dma_wait3A_97] : memref<10000x128xf32, #tpu.memory_space<hbm>> -> memref<10000x128xf32, #tpu.memory_space<hbm>>
      tpu.wait_indirect_dma semaphore(%arg11 : memref<!tpu.dma_semaphore, #tpu.memory_space<semaphore_mem>>) src(%dma_wait3A_98 : memref<10000x128xf32, #tpu.memory_space<hbm>>) dst(%dma_wait3A_92 : memref<128x128xf32, #tpu.memory_space<vmem>>)
      %ge3A = arith.constant 1 : i32
      %ge3A_99 = arith.cmpi sge, %scan3A_83, %ge3A : i32
      %convert_element_type3A = arith.extui %ge3A_99 : i1 to i32
      %cond3A = arith.constant 0 : i32
      %cond3A_100 = arith.cmpi ne, %convert_element_type3A, %cond3A : i32
      scf.if %cond3A_100 {
        %sub3A = arith.constant 1 : i32
        %sub3A_117 = arith.subi %scan3A_83, %sub3A : i32
        %dma_wait3A_118 = arith.constant 0 : i32
        %dma_wait3A_119 = arith.constant 0 : i32
        %dma_wait3A_120 = tpu.memref_slice %arg8[%rem3A_88, %dma_wait3A_118, %dma_wait3A_119] : memref<2x128x128xf32, #tpu.memory_space<vmem>> -> memref<1x128x128xf32, #tpu.memory_space<vmem>>
        %dma_wait3A_121 = tpu.memref_squeeze %dma_wait3A_120 : memref<1x128x128xf32, #tpu.memory_space<vmem>> -> memref<128x128xf32, #tpu.memory_space<vmem>>
        %dma_wait3A_122 = arith.constant 0 : i32
        %dma_wait3A_123 = tpu.memref_slice %arg10[%sub3A_117, %dma_wait3A_122] : memref<48x128xi32, #tpu.memory_space<vmem>> -> memref<1x128xi32, #tpu.memory_space<vmem>>
        %dma_wait3A_124 = tpu.memref_squeeze %dma_wait3A_123 : memref<1x128xi32, #tpu.memory_space<vmem>> -> memref<128xi32, #tpu.memory_space<vmem>>
        %dma_wait3A_125 = arith.constant 0 : i32
        %dma_wait3A_126 = arith.constant 0 : i32
        %dma_wait3A_127 = tpu.memref_slice %arg7[%dma_wait3A_125, %dma_wait3A_126] : memref<10240x128xf32, #tpu.memory_space<vmem_shared>> -> memref<10240x128xf32, #tpu.memory_space<vmem_shared>>
        tpu.wait_indirect_dma semaphore(%arg12 : memref<!tpu.dma_semaphore, #tpu.memory_space<semaphore_mem>>) src(%dma_wait3A_121 : memref<128x128xf32, #tpu.memory_space<vmem>>) dst(%dma_wait3A_127 : memref<10240x128xf32, #tpu.memory_space<vmem_shared>>)
      } else {
      }
      %add3A_101 = arith.constant 1 : i32
      %add3A_102 = arith.addi %scan3A_83, %add3A_101 : i32
      %lt3A = arith.constant 48 : i32
      %lt3A_103 = arith.cmpi slt, %add3A_102, %lt3A : i32
      %convert_element_type3A_104 = arith.extui %lt3A_103 : i1 to i32
      %cond3A_105 = arith.constant 0 : i32
      %cond3A_106 = arith.cmpi ne, %convert_element_type3A_104, %cond3A_105 : i32
      scf.if %cond3A_106 {
        %add3A_117 = arith.constant 1 : i32
        %add3A_118 = arith.addi %scan3A_83, %add3A_117 : i32
        %dma_start3A_119 = arith.constant 0 : i32
        %dma_start3A_120 = arith.constant 0 : i32
        %dma_start3A_121 = tpu.memref_slice %arg8[%rem3A_88, %dma_start3A_119, %dma_start3A_120] : memref<2x128x128xf32, #tpu.memory_space<vmem>> -> memref<1x128x128xf32, #tpu.memory_space<vmem>>
        %dma_start3A_122 = tpu.memref_squeeze %dma_start3A_121 : memref<1x128x128xf32, #tpu.memory_space<vmem>> -> memref<128x128xf32, #tpu.memory_space<vmem>>
        %dma_start3A_123 = arith.constant 0 : i32
        %dma_start3A_124 = tpu.memref_slice %arg9[%add3A_118, %dma_start3A_123] : memref<48x128xi32, #tpu.memory_space<vmem>> -> memref<1x128xi32, #tpu.memory_space<vmem>>
        %dma_start3A_125 = tpu.memref_squeeze %dma_start3A_124 : memref<1x128xi32, #tpu.memory_space<vmem>> -> memref<128xi32, #tpu.memory_space<vmem>>
        %dma_start3A_126 = arith.constant 0 : i32
        %dma_start3A_127 = arith.constant 0 : i32
        %dma_start3A_128 = tpu.memref_slice %arg2[%dma_start3A_126, %dma_start3A_127] : memref<10000x128xf32, #tpu.memory_space<hbm>> -> memref<10000x128xf32, #tpu.memory_space<hbm>>
        tpu.enqueue_indirect_dma source(%dma_start3A_128 : memref<10000x128xf32, #tpu.memory_space<hbm>>) target(%dma_start3A_122 : memref<128x128xf32, #tpu.memory_space<vmem>>) offsets(%dma_start3A_125 : memref<128xi32, #tpu.memory_space<vmem>>) semaphore(%arg11 : memref<!tpu.dma_semaphore, #tpu.memory_space<semaphore_mem>>)
      } else {
      }
      %dma_start3A_107 = arith.constant 0 : i32
      %dma_start3A_108 = arith.constant 0 : i32
      %dma_start3A_109 = tpu.memref_slice %arg8[%rem3A_84, %dma_start3A_107, %dma_start3A_108] : memref<2x128x128xf32, #tpu.memory_space<vmem>> -> memref<1x128x128xf32, #tpu.memory_space<vmem>>
      %dma_start3A_110 = tpu.memref_squeeze %dma_start3A_109 : memref<1x128x128xf32, #tpu.memory_space<vmem>> -> memref<128x128xf32, #tpu.memory_space<vmem>>
      %dma_start3A_111 = arith.constant 0 : i32
      %dma_start3A_112 = tpu.memref_slice %arg10[%scan3A_83, %dma_start3A_111] : memref<48x128xi32, #tpu.memory_space<vmem>> -> memref<1x128xi32, #tpu.memory_space<vmem>>
      %dma_start3A_113 = tpu.memref_squeeze %dma_start3A_112 : memref<1x128xi32, #tpu.memory_space<vmem>> -> memref<128xi32, #tpu.memory_space<vmem>>
      %dma_start3A_114 = arith.constant 0 : i32
      %dma_start3A_115 = arith.constant 0 : i32
      %dma_start3A_116 = tpu.memref_slice %arg7[%dma_start3A_114, %dma_start3A_115] : memref<10240x128xf32, #tpu.memory_space<vmem_shared>> -> memref<10240x128xf32, #tpu.memory_space<vmem_shared>>
      tpu.enqueue_indirect_dma source(%dma_start3A_110 : memref<128x128xf32, #tpu.memory_space<vmem>>) target(%dma_start3A_116 : memref<10240x128xf32, #tpu.memory_space<vmem_shared>>) offsets(%dma_start3A_113 : memref<128xi32, #tpu.memory_space<vmem>>) semaphore(%arg12 : memref<!tpu.dma_semaphore, #tpu.memory_space<semaphore_mem>>) {add = true}
    }
    %scan3A_30 = arith.constant 48 : i32
    %dma_wait3A = arith.constant 1 : i32
    %dma_wait3A_31 = arith.constant 47 : i32
    %dma_wait3A_32 = arith.constant 0 : i32
    %dma_wait3A_33 = arith.constant 0 : i32
    %dma_wait3A_34 = tpu.memref_slice %arg8[%dma_wait3A, %dma_wait3A_32, %dma_wait3A_33] : memref<2x128x128xf32, #tpu.memory_space<vmem>> -> memref<1x128x128xf32, #tpu.memory_space<vmem>>
    %dma_wait3A_35 = tpu.memref_squeeze %dma_wait3A_34 : memref<1x128x128xf32, #tpu.memory_space<vmem>> -> memref<128x128xf32, #tpu.memory_space<vmem>>
    %dma_wait3A_36 = arith.constant 0 : i32
    %dma_wait3A_37 = tpu.memref_slice %arg10[%dma_wait3A_31, %dma_wait3A_36] : memref<48x128xi32, #tpu.memory_space<vmem>> -> memref<1x128xi32, #tpu.memory_space<vmem>>
    %dma_wait3A_38 = tpu.memref_squeeze %dma_wait3A_37 : memref<1x128xi32, #tpu.memory_space<vmem>> -> memref<128xi32, #tpu.memory_space<vmem>>
    %dma_wait3A_39 = arith.constant 0 : i32
    %dma_wait3A_40 = arith.constant 0 : i32
    %dma_wait3A_41 = tpu.memref_slice %arg7[%dma_wait3A_39, %dma_wait3A_40] : memref<10240x128xf32, #tpu.memory_space<vmem_shared>> -> memref<10240x128xf32, #tpu.memory_space<vmem_shared>>
    tpu.wait_indirect_dma semaphore(%arg12 : memref<!tpu.dma_semaphore, #tpu.memory_space<semaphore_mem>>) src(%dma_wait3A_35 : memref<128x128xf32, #tpu.memory_space<vmem>>) dst(%dma_wait3A_41 : memref<10240x128xf32, #tpu.memory_space<vmem_shared>>)
    %add3A_42 = arith.constant 48 : i32
    %add3A_43 = arith.addi %mul3A_4, %add3A_42 : i32
    "tpu.region"() ({
      %run_scoped3A_83 = tpu.sem_alloc : memref<!tpu.dma_semaphore, #tpu.memory_space<semaphore_mem>>
      %dma_start3A_84 = arith.constant 0 : i32
      %dma_start3A_85 = arith.constant 0 : i32
      %dma_start3A_86 = tpu.memref_slice %arg9[%dma_start3A_84, %dma_start3A_85] : memref<48x128xi32, #tpu.memory_space<vmem>> -> memref<40x128xi32, #tpu.memory_space<vmem>>
      %dma_start3A_87 = arith.constant 0 : i32
      %dma_start3A_88 = tpu.memref_slice %arg3[%add3A_43, %dma_start3A_87] : memref<2816x128xi32, #tpu.memory_space<hbm>> -> memref<40x128xi32, #tpu.memory_space<hbm>>
      %dma_start3A_89 = arith.constant 0 : i32
      %dma_start3A_90 = arith.constant 0 : i32
      %dma_start3A_91 = tpu.memref_slice %arg9[%dma_start3A_89, %dma_start3A_90] : memref<48x128xi32, #tpu.memory_space<vmem>> -> memref<40x128xi32, #tpu.memory_space<vmem>>
      %dma_start3A_92 = arith.constant 0 : i32
      %dma_start3A_93 = tpu.memref_slice %arg3[%add3A_43, %dma_start3A_92] : memref<2816x128xi32, #tpu.memory_space<hbm>> -> memref<40x128xi32, #tpu.memory_space<hbm>>
      tpu.enqueue_dma source(%dma_start3A_93 : memref<40x128xi32, #tpu.memory_space<hbm>>) target(%dma_start3A_91 : memref<40x128xi32, #tpu.memory_space<vmem>>) target_semaphore(%run_scoped3A_83 : memref<!tpu.dma_semaphore, #tpu.memory_space<semaphore_mem>>)
      %dma_wait3A_94 = arith.constant 0 : i32
      %dma_wait3A_95 = arith.constant 0 : i32
      %dma_wait3A_96 = tpu.memref_slice %arg9[%dma_wait3A_94, %dma_wait3A_95] : memref<48x128xi32, #tpu.memory_space<vmem>> -> memref<40x128xi32, #tpu.memory_space<vmem>>
      %dma_wait3A_97 = arith.constant 0 : i32
      %dma_wait3A_98 = tpu.memref_slice %arg3[%add3A_43, %dma_wait3A_97] : memref<2816x128xi32, #tpu.memory_space<hbm>> -> memref<40x128xi32, #tpu.memory_space<hbm>>
      %dma_wait3A_99 = arith.constant 0 : i32
      %dma_wait3A_100 = arith.constant 0 : i32
      %dma_wait3A_101 = tpu.memref_slice %arg9[%dma_wait3A_99, %dma_wait3A_100] : memref<48x128xi32, #tpu.memory_space<vmem>> -> memref<40x128xi32, #tpu.memory_space<vmem>>
      %dma_wait3A_102 = arith.constant 0 : i32
      %dma_wait3A_103 = tpu.memref_slice %arg3[%add3A_43, %dma_wait3A_102] : memref<2816x128xi32, #tpu.memory_space<hbm>> -> memref<40x128xi32, #tpu.memory_space<hbm>>
      tpu.wait_dma2 semaphore(%run_scoped3A_83 : memref<!tpu.dma_semaphore, #tpu.memory_space<semaphore_mem>>) src(%dma_wait3A_103 : memref<40x128xi32, #tpu.memory_space<hbm>>) dst(%dma_wait3A_101 : memref<40x128xi32, #tpu.memory_space<vmem>>)
      tpu.yield
    }) : () -> ()
    %add3A_44 = arith.constant 48 : i32
    %add3A_45 = arith.addi %mul3A_4, %add3A_44 : i32
    "tpu.region"() ({
      %run_scoped3A_83 = tpu.sem_alloc : memref<!tpu.dma_semaphore, #tpu.memory_space<semaphore_mem>>
      %dma_start3A_84 = arith.constant 0 : i32
      %dma_start3A_85 = arith.constant 0 : i32
      %dma_start3A_86 = tpu.memref_slice %arg10[%dma_start3A_84, %dma_start3A_85] : memref<48x128xi32, #tpu.memory_space<vmem>> -> memref<40x128xi32, #tpu.memory_space<vmem>>
      %dma_start3A_87 = arith.constant 0 : i32
      %dma_start3A_88 = tpu.memref_slice %arg4[%add3A_45, %dma_start3A_87] : memref<2816x128xi32, #tpu.memory_space<hbm>> -> memref<40x128xi32, #tpu.memory_space<hbm>>
      %dma_start3A_89 = arith.constant 0 : i32
      %dma_start3A_90 = arith.constant 0 : i32
      %dma_start3A_91 = tpu.memref_slice %arg10[%dma_start3A_89, %dma_start3A_90] : memref<48x128xi32, #tpu.memory_space<vmem>> -> memref<40x128xi32, #tpu.memory_space<vmem>>
      %dma_start3A_92 = arith.constant 0 : i32
      %dma_start3A_93 = tpu.memref_slice %arg4[%add3A_45, %dma_start3A_92] : memref<2816x128xi32, #tpu.memory_space<hbm>> -> memref<40x128xi32, #tpu.memory_space<hbm>>
      tpu.enqueue_dma source(%dma_start3A_93 : memref<40x128xi32, #tpu.memory_space<hbm>>) target(%dma_start3A_91 : memref<40x128xi32, #tpu.memory_space<vmem>>) target_semaphore(%run_scoped3A_83 : memref<!tpu.dma_semaphore, #tpu.memory_space<semaphore_mem>>)
      %dma_wait3A_94 = arith.constant 0 : i32
      %dma_wait3A_95 = arith.constant 0 : i32
      %dma_wait3A_96 = tpu.memref_slice %arg10[%dma_wait3A_94, %dma_wait3A_95] : memref<48x128xi32, #tpu.memory_space<vmem>> -> memref<40x128xi32, #tpu.memory_space<vmem>>
      %dma_wait3A_97 = arith.constant 0 : i32
      %dma_wait3A_98 = tpu.memref_slice %arg4[%add3A_45, %dma_wait3A_97] : memref<2816x128xi32, #tpu.memory_space<hbm>> -> memref<40x128xi32, #tpu.memory_space<hbm>>
      %dma_wait3A_99 = arith.constant 0 : i32
      %dma_wait3A_100 = arith.constant 0 : i32
      %dma_wait3A_101 = tpu.memref_slice %arg10[%dma_wait3A_99, %dma_wait3A_100] : memref<48x128xi32, #tpu.memory_space<vmem>> -> memref<40x128xi32, #tpu.memory_space<vmem>>
      %dma_wait3A_102 = arith.constant 0 : i32
      %dma_wait3A_103 = tpu.memref_slice %arg4[%add3A_45, %dma_wait3A_102] : memref<2816x128xi32, #tpu.memory_space<hbm>> -> memref<40x128xi32, #tpu.memory_space<hbm>>
      tpu.wait_dma2 semaphore(%run_scoped3A_83 : memref<!tpu.dma_semaphore, #tpu.memory_space<semaphore_mem>>) src(%dma_wait3A_103 : memref<40x128xi32, #tpu.memory_space<hbm>>) dst(%dma_wait3A_101 : memref<40x128xi32, #tpu.memory_space<vmem>>)
      tpu.yield
    }) : () -> ()
    %dma_start3A_46 = arith.constant 0 : i32
    %dma_start3A_47 = arith.constant 0 : i32
    %dma_start3A_48 = arith.constant 0 : i32
    %dma_start3A_49 = arith.constant 0 : i32
    %dma_start3A_50 = tpu.memref_slice %arg8[%dma_start3A_47, %dma_start3A_48, %dma_start3A_49] : memref<2x128x128xf32, #tpu.memory_space<vmem>> -> memref<1x128x128xf32, #tpu.memory_space<vmem>>
    %dma_start3A_51 = tpu.memref_squeeze %dma_start3A_50 : memref<1x128x128xf32, #tpu.memory_space<vmem>> -> memref<128x128xf32, #tpu.memory_space<vmem>>
    %dma_start3A_52 = arith.constant 0 : i32
    %dma_start3A_53 = tpu.memref_slice %arg9[%dma_start3A_46, %dma_start3A_52] : memref<48x128xi32, #tpu.memory_space<vmem>> -> memref<1x128xi32, #tpu.memory_space<vmem>>
    %dma_start3A_54 = tpu.memref_squeeze %dma_start3A_53 : memref<1x128xi32, #tpu.memory_space<vmem>> -> memref<128xi32, #tpu.memory_space<vmem>>
    %dma_start3A_55 = arith.constant 0 : i32
    %dma_start3A_56 = arith.constant 0 : i32
    %dma_start3A_57 = tpu.memref_slice %arg2[%dma_start3A_55, %dma_start3A_56] : memref<10000x128xf32, #tpu.memory_space<hbm>> -> memref<10000x128xf32, #tpu.memory_space<hbm>>
    tpu.enqueue_indirect_dma source(%dma_start3A_57 : memref<10000x128xf32, #tpu.memory_space<hbm>>) target(%dma_start3A_51 : memref<128x128xf32, #tpu.memory_space<vmem>>) offsets(%dma_start3A_54 : memref<128xi32, #tpu.memory_space<vmem>>) semaphore(%arg11 : memref<!tpu.dma_semaphore, #tpu.memory_space<semaphore_mem>>)
    %scan3A_58 = arith.constant 0 : i32
    %scan3A_59 = arith.constant 0 : i32
    %scan3A_60 = arith.constant 40 : i32
    %scan3A_61 = arith.addi %scan3A_59, %scan3A_60 : i32
    %scan3A_62 = arith.constant 1 : i32
    scf.for %scan3A_83 = %scan3A_59 to %scan3A_61 step %scan3A_62  : i32 {
      %rem3A = arith.constant 2 : i32
      %rem3A_84 = arith.remsi %scan3A_83, %rem3A : i32
      %add3A_85 = arith.constant 1 : i32
      %add3A_86 = arith.addi %scan3A_83, %add3A_85 : i32
      %rem3A_87 = arith.constant 2 : i32
      %rem3A_88 = arith.remsi %add3A_86, %rem3A_87 : i32
      %dma_wait3A_89 = arith.constant 0 : i32
      %dma_wait3A_90 = arith.constant 0 : i32
      %dma_wait3A_91 = tpu.memref_slice %arg8[%rem3A_84, %dma_wait3A_89, %dma_wait3A_90] : memref<2x128x128xf32, #tpu.memory_space<vmem>> -> memref<1x128x128xf32, #tpu.memory_space<vmem>>
      %dma_wait3A_92 = tpu.memref_squeeze %dma_wait3A_91 : memref<1x128x128xf32, #tpu.memory_space<vmem>> -> memref<128x128xf32, #tpu.memory_space<vmem>>
      %dma_wait3A_93 = arith.constant 0 : i32
      %dma_wait3A_94 = tpu.memref_slice %arg9[%scan3A_83, %dma_wait3A_93] : memref<48x128xi32, #tpu.memory_space<vmem>> -> memref<1x128xi32, #tpu.memory_space<vmem>>
      %dma_wait3A_95 = tpu.memref_squeeze %dma_wait3A_94 : memref<1x128xi32, #tpu.memory_space<vmem>> -> memref<128xi32, #tpu.memory_space<vmem>>
      %dma_wait3A_96 = arith.constant 0 : i32
      %dma_wait3A_97 = arith.constant 0 : i32
      %dma_wait3A_98 = tpu.memref_slice %arg2[%dma_wait3A_96, %dma_wait3A_97] : memref<10000x128xf32, #tpu.memory_space<hbm>> -> memref<10000x128xf32, #tpu.memory_space<hbm>>
      tpu.wait_indirect_dma semaphore(%arg11 : memref<!tpu.dma_semaphore, #tpu.memory_space<semaphore_mem>>) src(%dma_wait3A_98 : memref<10000x128xf32, #tpu.memory_space<hbm>>) dst(%dma_wait3A_92 : memref<128x128xf32, #tpu.memory_space<vmem>>)
      %ge3A = arith.constant 1 : i32
      %ge3A_99 = arith.cmpi sge, %scan3A_83, %ge3A : i32
      %convert_element_type3A = arith.extui %ge3A_99 : i1 to i32
      %cond3A = arith.constant 0 : i32
      %cond3A_100 = arith.cmpi ne, %convert_element_type3A, %cond3A : i32
      scf.if %cond3A_100 {
        %sub3A = arith.constant 1 : i32
        %sub3A_117 = arith.subi %scan3A_83, %sub3A : i32
        %dma_wait3A_118 = arith.constant 0 : i32
        %dma_wait3A_119 = arith.constant 0 : i32
        %dma_wait3A_120 = tpu.memref_slice %arg8[%rem3A_88, %dma_wait3A_118, %dma_wait3A_119] : memref<2x128x128xf32, #tpu.memory_space<vmem>> -> memref<1x128x128xf32, #tpu.memory_space<vmem>>
        %dma_wait3A_121 = tpu.memref_squeeze %dma_wait3A_120 : memref<1x128x128xf32, #tpu.memory_space<vmem>> -> memref<128x128xf32, #tpu.memory_space<vmem>>
        %dma_wait3A_122 = arith.constant 0 : i32
        %dma_wait3A_123 = tpu.memref_slice %arg10[%sub3A_117, %dma_wait3A_122] : memref<48x128xi32, #tpu.memory_space<vmem>> -> memref<1x128xi32, #tpu.memory_space<vmem>>
        %dma_wait3A_124 = tpu.memref_squeeze %dma_wait3A_123 : memref<1x128xi32, #tpu.memory_space<vmem>> -> memref<128xi32, #tpu.memory_space<vmem>>
        %dma_wait3A_125 = arith.constant 0 : i32
        %dma_wait3A_126 = arith.constant 0 : i32
        %dma_wait3A_127 = tpu.memref_slice %arg7[%dma_wait3A_125, %dma_wait3A_126] : memref<10240x128xf32, #tpu.memory_space<vmem_shared>> -> memref<10240x128xf32, #tpu.memory_space<vmem_shared>>
        tpu.wait_indirect_dma semaphore(%arg12 : memref<!tpu.dma_semaphore, #tpu.memory_space<semaphore_mem>>) src(%dma_wait3A_121 : memref<128x128xf32, #tpu.memory_space<vmem>>) dst(%dma_wait3A_127 : memref<10240x128xf32, #tpu.memory_space<vmem_shared>>)
      } else {
      }
      %add3A_101 = arith.constant 1 : i32
      %add3A_102 = arith.addi %scan3A_83, %add3A_101 : i32
      %lt3A = arith.constant 40 : i32
      %lt3A_103 = arith.cmpi slt, %add3A_102, %lt3A : i32
      %convert_element_type3A_104 = arith.extui %lt3A_103 : i1 to i32
      %cond3A_105 = arith.constant 0 : i32
      %cond3A_106 = arith.cmpi ne, %convert_element_type3A_104, %cond3A_105 : i32
      scf.if %cond3A_106 {
        %add3A_117 = arith.constant 1 : i32
        %add3A_118 = arith.addi %scan3A_83, %add3A_117 : i32
        %dma_start3A_119 = arith.constant 0 : i32
        %dma_start3A_120 = arith.constant 0 : i32
        %dma_start3A_121 = tpu.memref_slice %arg8[%rem3A_88, %dma_start3A_119, %dma_start3A_120] : memref<2x128x128xf32, #tpu.memory_space<vmem>> -> memref<1x128x128xf32, #tpu.memory_space<vmem>>
        %dma_start3A_122 = tpu.memref_squeeze %dma_start3A_121 : memref<1x128x128xf32, #tpu.memory_space<vmem>> -> memref<128x128xf32, #tpu.memory_space<vmem>>
        %dma_start3A_123 = arith.constant 0 : i32
        %dma_start3A_124 = tpu.memref_slice %arg9[%add3A_118, %dma_start3A_123] : memref<48x128xi32, #tpu.memory_space<vmem>> -> memref<1x128xi32, #tpu.memory_space<vmem>>
        %dma_start3A_125 = tpu.memref_squeeze %dma_start3A_124 : memref<1x128xi32, #tpu.memory_space<vmem>> -> memref<128xi32, #tpu.memory_space<vmem>>
        %dma_start3A_126 = arith.constant 0 : i32
        %dma_start3A_127 = arith.constant 0 : i32
        %dma_start3A_128 = tpu.memref_slice %arg2[%dma_start3A_126, %dma_start3A_127] : memref<10000x128xf32, #tpu.memory_space<hbm>> -> memref<10000x128xf32, #tpu.memory_space<hbm>>
        tpu.enqueue_indirect_dma source(%dma_start3A_128 : memref<10000x128xf32, #tpu.memory_space<hbm>>) target(%dma_start3A_122 : memref<128x128xf32, #tpu.memory_space<vmem>>) offsets(%dma_start3A_125 : memref<128xi32, #tpu.memory_space<vmem>>) semaphore(%arg11 : memref<!tpu.dma_semaphore, #tpu.memory_space<semaphore_mem>>)
      } else {
      }
      %dma_start3A_107 = arith.constant 0 : i32
      %dma_start3A_108 = arith.constant 0 : i32
      %dma_start3A_109 = tpu.memref_slice %arg8[%rem3A_84, %dma_start3A_107, %dma_start3A_108] : memref<2x128x128xf32, #tpu.memory_space<vmem>> -> memref<1x128x128xf32, #tpu.memory_space<vmem>>
      %dma_start3A_110 = tpu.memref_squeeze %dma_start3A_109 : memref<1x128x128xf32, #tpu.memory_space<vmem>> -> memref<128x128xf32, #tpu.memory_space<vmem>>
      %dma_start3A_111 = arith.constant 0 : i32
      %dma_start3A_112 = tpu.memref_slice %arg10[%scan3A_83, %dma_start3A_111] : memref<48x128xi32, #tpu.memory_space<vmem>> -> memref<1x128xi32, #tpu.memory_space<vmem>>
      %dma_start3A_113 = tpu.memref_squeeze %dma_start3A_112 : memref<1x128xi32, #tpu.memory_space<vmem>> -> memref<128xi32, #tpu.memory_space<vmem>>
      %dma_start3A_114 = arith.constant 0 : i32
      %dma_start3A_115 = arith.constant 0 : i32
      %dma_start3A_116 = tpu.memref_slice %arg7[%dma_start3A_114, %dma_start3A_115] : memref<10240x128xf32, #tpu.memory_space<vmem_shared>> -> memref<10240x128xf32, #tpu.memory_space<vmem_shared>>
      tpu.enqueue_indirect_dma source(%dma_start3A_110 : memref<128x128xf32, #tpu.memory_space<vmem>>) target(%dma_start3A_116 : memref<10240x128xf32, #tpu.memory_space<vmem_shared>>) offsets(%dma_start3A_113 : memref<128xi32, #tpu.memory_space<vmem>>) semaphore(%arg12 : memref<!tpu.dma_semaphore, #tpu.memory_space<semaphore_mem>>) {add = true}
    }
    %scan3A_63 = arith.constant 40 : i32
    %dma_wait3A_64 = arith.constant 1 : i32
    %dma_wait3A_65 = arith.constant 39 : i32
    %dma_wait3A_66 = arith.constant 0 : i32
    %dma_wait3A_67 = arith.constant 0 : i32
    %dma_wait3A_68 = tpu.memref_slice %arg8[%dma_wait3A_64, %dma_wait3A_66, %dma_wait3A_67] : memref<2x128x128xf32, #tpu.memory_space<vmem>> -> memref<1x128x128xf32, #tpu.memory_space<vmem>>
    %dma_wait3A_69 = tpu.memref_squeeze %dma_wait3A_68 : memref<1x128x128xf32, #tpu.memory_space<vmem>> -> memref<128x128xf32, #tpu.memory_space<vmem>>
    %dma_wait3A_70 = arith.constant 0 : i32
    %dma_wait3A_71 = tpu.memref_slice %arg10[%dma_wait3A_65, %dma_wait3A_70] : memref<48x128xi32, #tpu.memory_space<vmem>> -> memref<1x128xi32, #tpu.memory_space<vmem>>
    %dma_wait3A_72 = tpu.memref_squeeze %dma_wait3A_71 : memref<1x128xi32, #tpu.memory_space<vmem>> -> memref<128xi32, #tpu.memory_space<vmem>>
    %dma_wait3A_73 = arith.constant 0 : i32
    %dma_wait3A_74 = arith.constant 0 : i32
    %dma_wait3A_75 = tpu.memref_slice %arg7[%dma_wait3A_73, %dma_wait3A_74] : memref<10240x128xf32, #tpu.memory_space<vmem_shared>> -> memref<10240x128xf32, #tpu.memory_space<vmem_shared>>
    tpu.wait_indirect_dma semaphore(%arg12 : memref<!tpu.dma_semaphore, #tpu.memory_space<semaphore_mem>>) src(%dma_wait3A_69 : memref<128x128xf32, #tpu.memory_space<vmem>>) dst(%dma_wait3A_75 : memref<10240x128xf32, #tpu.memory_space<vmem_shared>>)
    %barrier3A_76 = arith.constant 0 : index
    tpu.barrier barrier_id(%barrier3A_76)
    %scan3A_77 = arith.constant 0 : i32
    %scan3A_78 = arith.constant 0 : i32
    %scan3A_79 = arith.constant 5 : i32
    %scan3A_80 = arith.addi %scan3A_78, %scan3A_79 : i32
    %scan3A_81 = arith.constant 1 : i32
    scf.for %scan3A_83 = %scan3A_78 to %scan3A_80 step %scan3A_81  : i32 {
      %mul3A_84 = arith.constant 128 : i32
      %mul3A_85 = arith.muli %scan3A_83, %mul3A_84 : i32
      %add3A_86 = arith.addi %mul3A_0, %mul3A_85 : i32
      %run_scoped3A_87 = arith.constant 0 : i32
      "tpu.region"() ({
        %run_scoped3A_92 = tpu.sem_alloc : memref<!tpu.dma_semaphore, #tpu.memory_space<semaphore_mem>>
        %dma_start3A_93 = arith.constant 0 : i32
        %dma_start3A_94 = arith.constant 0 : i32
        %dma_start3A_95 = tpu.memref_slice %arg8[%run_scoped3A_87, %dma_start3A_93, %dma_start3A_94] : memref<2x128x128xf32, #tpu.memory_space<vmem>> -> memref<1x128x128xf32, #tpu.memory_space<vmem>>
        %dma_start3A_96 = tpu.memref_squeeze %dma_start3A_95 : memref<1x128x128xf32, #tpu.memory_space<vmem>> -> memref<128x128xf32, #tpu.memory_space<vmem>>
        %dma_start3A_97 = arith.constant 0 : i32
        %dma_start3A_98 = tpu.memref_slice %arg7[%add3A_86, %dma_start3A_97] : memref<10240x128xf32, #tpu.memory_space<vmem_shared>> -> memref<128x128xf32, #tpu.memory_space<vmem_shared>>
        %dma_start3A_99 = arith.constant 0 : i32
        %dma_start3A_100 = arith.constant 0 : i32
        %dma_start3A_101 = tpu.memref_slice %arg8[%run_scoped3A_87, %dma_start3A_99, %dma_start3A_100] : memref<2x128x128xf32, #tpu.memory_space<vmem>> -> memref<1x128x128xf32, #tpu.memory_space<vmem>>
        %dma_start3A_102 = tpu.memref_squeeze %dma_start3A_101 : memref<1x128x128xf32, #tpu.memory_space<vmem>> -> memref<128x128xf32, #tpu.memory_space<vmem>>
        %dma_start3A_103 = arith.constant 0 : i32
        %dma_start3A_104 = tpu.memref_slice %arg7[%add3A_86, %dma_start3A_103] : memref<10240x128xf32, #tpu.memory_space<vmem_shared>> -> memref<128x128xf32, #tpu.memory_space<vmem_shared>>
        tpu.enqueue_dma source(%dma_start3A_104 : memref<128x128xf32, #tpu.memory_space<vmem_shared>>) target(%dma_start3A_102 : memref<128x128xf32, #tpu.memory_space<vmem>>) target_semaphore(%run_scoped3A_92 : memref<!tpu.dma_semaphore, #tpu.memory_space<semaphore_mem>>)
        %dma_wait3A_105 = arith.constant 0 : i32
        %dma_wait3A_106 = arith.constant 0 : i32
        %dma_wait3A_107 = tpu.memref_slice %arg8[%run_scoped3A_87, %dma_wait3A_105, %dma_wait3A_106] : memref<2x128x128xf32, #tpu.memory_space<vmem>> -> memref<1x128x128xf32, #tpu.memory_space<vmem>>
        %dma_wait3A_108 = tpu.memref_squeeze %dma_wait3A_107 : memref<1x128x128xf32, #tpu.memory_space<vmem>> -> memref<128x128xf32, #tpu.memory_space<vmem>>
        %dma_wait3A_109 = arith.constant 0 : i32
        %dma_wait3A_110 = tpu.memref_slice %arg7[%add3A_86, %dma_wait3A_109] : memref<10240x128xf32, #tpu.memory_space<vmem_shared>> -> memref<128x128xf32, #tpu.memory_space<vmem_shared>>
        %dma_wait3A_111 = arith.constant 0 : i32
        %dma_wait3A_112 = arith.constant 0 : i32
        %dma_wait3A_113 = tpu.memref_slice %arg8[%run_scoped3A_87, %dma_wait3A_111, %dma_wait3A_112] : memref<2x128x128xf32, #tpu.memory_space<vmem>> -> memref<1x128x128xf32, #tpu.memory_space<vmem>>
        %dma_wait3A_114 = tpu.memref_squeeze %dma_wait3A_113 : memref<1x128x128xf32, #tpu.memory_space<vmem>> -> memref<128x128xf32, #tpu.memory_space<vmem>>
        %dma_wait3A_115 = arith.constant 0 : i32
        %dma_wait3A_116 = tpu.memref_slice %arg7[%add3A_86, %dma_wait3A_115] : memref<10240x128xf32, #tpu.memory_space<vmem_shared>> -> memref<128x128xf32, #tpu.memory_space<vmem_shared>>
        tpu.wait_dma2 semaphore(%run_scoped3A_92 : memref<!tpu.dma_semaphore, #tpu.memory_space<semaphore_mem>>) src(%dma_wait3A_116 : memref<128x128xf32, #tpu.memory_space<vmem_shared>>) dst(%dma_wait3A_114 : memref<128x128xf32, #tpu.memory_space<vmem>>)
        tpu.yield
      }) : () -> ()
      %mul3A_88 = arith.constant 128 : i32
      %mul3A_89 = arith.muli %scan3A_83, %mul3A_88 : i32
      %add3A_90 = arith.addi %mul3A_0, %mul3A_89 : i32
      %run_scoped3A_91 = arith.constant 0 : i32
      "tpu.region"() ({
        %run_scoped3A_92 = tpu.sem_alloc : memref<!tpu.dma_semaphore, #tpu.memory_space<semaphore_mem>>
        %dma_start3A_93 = arith.constant 0 : i32
        %dma_start3A_94 = arith.constant 0 : i32
        %dma_start3A_95 = tpu.memref_slice %arg8[%run_scoped3A_91, %dma_start3A_93, %dma_start3A_94] : memref<2x128x128xf32, #tpu.memory_space<vmem>> -> memref<1x128x128xf32, #tpu.memory_space<vmem>>
        %dma_start3A_96 = tpu.memref_squeeze %dma_start3A_95 : memref<1x128x128xf32, #tpu.memory_space<vmem>> -> memref<128x128xf32, #tpu.memory_space<vmem>>
        %dma_start3A_97 = arith.constant 0 : i32
        %dma_start3A_98 = tpu.memref_slice %arg6[%arg0, %add3A_90, %dma_start3A_97] : memref<2x10240x128xf32, #tpu.memory_space<hbm>> -> memref<1x128x128xf32, #tpu.memory_space<hbm>>
        %dma_start3A_99 = tpu.memref_squeeze %dma_start3A_98 : memref<1x128x128xf32, #tpu.memory_space<hbm>> -> memref<128x128xf32, #tpu.memory_space<hbm>>
        %dma_start3A_100 = arith.constant 0 : i32
        %dma_start3A_101 = tpu.memref_slice %arg6[%arg0, %add3A_90, %dma_start3A_100] : memref<2x10240x128xf32, #tpu.memory_space<hbm>> -> memref<1x128x128xf32, #tpu.memory_space<hbm>>
        %dma_start3A_102 = tpu.memref_squeeze %dma_start3A_101 : memref<1x128x128xf32, #tpu.memory_space<hbm>> -> memref<128x128xf32, #tpu.memory_space<hbm>>
        %dma_start3A_103 = arith.constant 0 : i32
        %dma_start3A_104 = arith.constant 0 : i32
        %dma_start3A_105 = tpu.memref_slice %arg8[%run_scoped3A_91, %dma_start3A_103, %dma_start3A_104] : memref<2x128x128xf32, #tpu.memory_space<vmem>> -> memref<1x128x128xf32, #tpu.memory_space<vmem>>
        %dma_start3A_106 = tpu.memref_squeeze %dma_start3A_105 : memref<1x128x128xf32, #tpu.memory_space<vmem>> -> memref<128x128xf32, #tpu.memory_space<vmem>>
        tpu.enqueue_dma source(%dma_start3A_106 : memref<128x128xf32, #tpu.memory_space<vmem>>) target(%dma_start3A_102 : memref<128x128xf32, #tpu.memory_space<hbm>>) target_semaphore(%run_scoped3A_92 : memref<!tpu.dma_semaphore, #tpu.memory_space<semaphore_mem>>)
        %dma_wait3A_107 = arith.constant 0 : i32
        %dma_wait3A_108 = arith.constant 0 : i32
        %dma_wait3A_109 = tpu.memref_slice %arg8[%run_scoped3A_91, %dma_wait3A_107, %dma_wait3A_108] : memref<2x128x128xf32, #tpu.memory_space<vmem>> -> memref<1x128x128xf32, #tpu.memory_space<vmem>>
        %dma_wait3A_110 = tpu.memref_squeeze %dma_wait3A_109 : memref<1x128x128xf32, #tpu.memory_space<vmem>> -> memref<128x128xf32, #tpu.memory_space<vmem>>
        %dma_wait3A_111 = arith.constant 0 : i32
        %dma_wait3A_112 = tpu.memref_slice %arg6[%arg0, %add3A_90, %dma_wait3A_111] : memref<2x10240x128xf32, #tpu.memory_space<hbm>> -> memref<1x128x128xf32, #tpu.memory_space<hbm>>
        %dma_wait3A_113 = tpu.memref_squeeze %dma_wait3A_112 : memref<1x128x128xf32, #tpu.memory_space<hbm>> -> memref<128x128xf32, #tpu.memory_space<hbm>>
        %dma_wait3A_114 = arith.constant 0 : i32
        %dma_wait3A_115 = tpu.memref_slice %arg6[%arg0, %add3A_90, %dma_wait3A_114] : memref<2x10240x128xf32, #tpu.memory_space<hbm>> -> memref<1x128x128xf32, #tpu.memory_space<hbm>>
        %dma_wait3A_116 = tpu.memref_squeeze %dma_wait3A_115 : memref<1x128x128xf32, #tpu.memory_space<hbm>> -> memref<128x128xf32, #tpu.memory_space<hbm>>
        %dma_wait3A_117 = arith.constant 0 : i32
        %dma_wait3A_118 = arith.constant 0 : i32
        %dma_wait3A_119 = tpu.memref_slice %arg8[%run_scoped3A_91, %dma_wait3A_117, %dma_wait3A_118] : memref<2x128x128xf32, #tpu.memory_space<vmem>> -> memref<1x128x128xf32, #tpu.memory_space<vmem>>
        %dma_wait3A_120 = tpu.memref_squeeze %dma_wait3A_119 : memref<1x128x128xf32, #tpu.memory_space<vmem>> -> memref<128x128xf32, #tpu.memory_space<vmem>>
        tpu.wait_dma2 semaphore(%run_scoped3A_92 : memref<!tpu.dma_semaphore, #tpu.memory_space<semaphore_mem>>) src(%dma_wait3A_120 : memref<128x128xf32, #tpu.memory_space<vmem>>) dst(%dma_wait3A_116 : memref<128x128xf32, #tpu.memory_space<hbm>>)
        tpu.yield
      }) : () -> ()
    }
    %scan3A_82 = arith.constant 5 : i32
    return
  }
}

#map = affine_map<(d0, d1) -> (0, 0)>
#map1 = affine_map<(d0, d1) -> (0, 0, 0)>
module attributes {stable_mosaic.version = 14 : i64} {
  func.func @_raw_agg(%arg0: i32, %arg1: i32, %arg2: memref<10000x128xf32, #tpu.memory_space<hbm>>, %arg3: memref<2816x128xi32, #tpu.memory_space<hbm>>, %arg4: memref<2816x128xi32, #tpu.memory_space<hbm>>, %arg5: memref<128x128xf32, #tpu.memory_space<hbm>>, %arg6: memref<2x10240x128xf32, #tpu.memory_space<hbm>>, %arg7: memref<10240x128xf32, #tpu.memory_space<vmem_shared>>, %arg8: memref<2x128x128xf32, #tpu.memory_space<vmem>>, %arg9: memref<48x128xi32, #tpu.memory_space<vmem>>, %arg10: memref<48x128xi32, #tpu.memory_space<vmem>>, %arg11: memref<!tpu.dma_semaphore, #tpu.memory_space<semaphore_mem>>, %arg12: memref<!tpu.dma_semaphore, #tpu.memory_space<semaphore_mem>>) attributes {dimension_semantics = [#tpu.dimension_semantics<core_parallel>, #tpu.dimension_semantics<subcore_parallel>], iteration_bounds = array<i64: 2, 16>, scalar_prefetch = 0 : i64, scratch_operands = 6 : i64, tpu.core_type = #tpu.core_type<sc_vector_subcore>, window_params = [{transform_indices = #map}, {transform_indices = #map}, {transform_indices = #map}, {transform_indices = #map}, {transform_indices = #map1}]} {
    %mul3A = arith.constant 640 : i32
    %mul3A_0 = arith.muli %arg1, %mul3A : i32
    %mul3A_1 = arith.constant 16 : i32
    %mul3A_2 = arith.muli %arg0, %mul3A_1 : i32
    %add3A = arith.addi %mul3A_2, %arg1 : i32
    %mul3A_3 = arith.constant 88 : i32
    %mul3A_4 = arith.muli %add3A, %mul3A_3 : i32
    %run_scoped3A = arith.constant 0 : i32
    "tpu.region"() ({
      %run_scoped3A_83 = tpu.sem_alloc : memref<!tpu.dma_semaphore, #tpu.memory_space<semaphore_mem>>
      %dma_start3A_84 = arith.constant 0 : i32
      %dma_start3A_85 = arith.constant 0 : i32
      %dma_start3A_86 = tpu.memref_slice %arg8[%run_scoped3A, %dma_start3A_84, %dma_start3A_85] : memref<2x128x128xf32, #tpu.memory_space<vmem>> -> memref<1x128x128xf32, #tpu.memory_space<vmem>>
      %dma_start3A_87 = tpu.memref_squeeze %dma_start3A_86 : memref<1x128x128xf32, #tpu.memory_space<vmem>> -> memref<128x128xf32, #tpu.memory_space<vmem>>
      %dma_start3A_88 = arith.constant 0 : i32
      %dma_start3A_89 = arith.constant 0 : i32
      %dma_start3A_90 = tpu.memref_slice %arg8[%run_scoped3A, %dma_start3A_88, %dma_start3A_89] : memref<2x128x128xf32, #tpu.memory_space<vmem>> -> memref<1x128x128xf32, #tpu.memory_space<vmem>>
      %dma_start3A_91 = tpu.memref_squeeze %dma_start3A_90 : memref<1x128x128xf32, #tpu.memory_space<vmem>> -> memref<128x128xf32, #tpu.memory_space<vmem>>
      tpu.enqueue_dma source(%arg5 : memref<128x128xf32, #tpu.memory_space<hbm>>) target(%dma_start3A_91 : memref<128x128xf32, #tpu.memory_space<vmem>>) target_semaphore(%run_scoped3A_83 : memref<!tpu.dma_semaphore, #tpu.memory_space<semaphore_mem>>)
      %dma_wait3A_92 = arith.constant 0 : i32
      %dma_wait3A_93 = arith.constant 0 : i32
      %dma_wait3A_94 = tpu.memref_slice %arg8[%run_scoped3A, %dma_wait3A_92, %dma_wait3A_93] : memref<2x128x128xf32, #tpu.memory_space<vmem>> -> memref<1x128x128xf32, #tpu.memory_space<vmem>>
      %dma_wait3A_95 = tpu.memref_squeeze %dma_wait3A_94 : memref<1x128x128xf32, #tpu.memory_space<vmem>> -> memref<128x128xf32, #tpu.memory_space<vmem>>
      %dma_wait3A_96 = arith.constant 0 : i32
      %dma_wait3A_97 = arith.constant 0 : i32
      %dma_wait3A_98 = tpu.memref_slice %arg8[%run_scoped3A, %dma_wait3A_96, %dma_wait3A_97] : memref<2x128x128xf32, #tpu.memory_space<vmem>> -> memref<1x128x128xf32, #tpu.memory_space<vmem>>
      %dma_wait3A_99 = tpu.memref_squeeze %dma_wait3A_98 : memref<1x128x128xf32, #tpu.memory_space<vmem>> -> memref<128x128xf32, #tpu.memory_space<vmem>>
      tpu.wait_dma2 semaphore(%run_scoped3A_83 : memref<!tpu.dma_semaphore, #tpu.memory_space<semaphore_mem>>) src(%arg5 : memref<128x128xf32, #tpu.memory_space<hbm>>) dst(%dma_wait3A_99 : memref<128x128xf32, #tpu.memory_space<vmem>>)
      tpu.yield
    }) : () -> ()
    %scan3A = arith.constant 0 : i32
    %scan3A_5 = arith.constant 0 : i32
    %scan3A_6 = arith.constant 5 : i32
    %scan3A_7 = arith.addi %scan3A_5, %scan3A_6 : i32
    %scan3A_8 = arith.constant 1 : i32
    scf.for %scan3A_83 = %scan3A_5 to %scan3A_7 step %scan3A_8  : i32 {
      %mul3A_84 = arith.constant 128 : i32
      %mul3A_85 = arith.muli %scan3A_83, %mul3A_84 : i32
      %add3A_86 = arith.addi %mul3A_0, %mul3A_85 : i32
      %run_scoped3A_87 = arith.constant 0 : i32
      "tpu.region"() ({
        %run_scoped3A_88 = tpu.sem_alloc : memref<!tpu.dma_semaphore, #tpu.memory_space<semaphore_mem>>
        %dma_start3A_89 = arith.constant 0 : i32
        %dma_start3A_90 = arith.constant 0 : i32
        %dma_start3A_91 = tpu.memref_slice %arg8[%run_scoped3A_87, %dma_start3A_89, %dma_start3A_90] : memref<2x128x128xf32, #tpu.memory_space<vmem>> -> memref<1x128x128xf32, #tpu.memory_space<vmem>>
        %dma_start3A_92 = tpu.memref_squeeze %dma_start3A_91 : memref<1x128x128xf32, #tpu.memory_space<vmem>> -> memref<128x128xf32, #tpu.memory_space<vmem>>
        %dma_start3A_93 = arith.constant 0 : i32
        %dma_start3A_94 = tpu.memref_slice %arg7[%add3A_86, %dma_start3A_93] : memref<10240x128xf32, #tpu.memory_space<vmem_shared>> -> memref<128x128xf32, #tpu.memory_space<vmem_shared>>
        %dma_start3A_95 = arith.constant 0 : i32
        %dma_start3A_96 = tpu.memref_slice %arg7[%add3A_86, %dma_start3A_95] : memref<10240x128xf32, #tpu.memory_space<vmem_shared>> -> memref<128x128xf32, #tpu.memory_space<vmem_shared>>
        %dma_start3A_97 = arith.constant 0 : i32
        %dma_start3A_98 = arith.constant 0 : i32
        %dma_start3A_99 = tpu.memref_slice %arg8[%run_scoped3A_87, %dma_start3A_97, %dma_start3A_98] : memref<2x128x128xf32, #tpu.memory_space<vmem>> -> memref<1x128x128xf32, #tpu.memory_space<vmem>>
        %dma_start3A_100 = tpu.memref_squeeze %dma_start3A_99 : memref<1x128x128xf32, #tpu.memory_space<vmem>> -> memref<128x128xf32, #tpu.memory_space<vmem>>
        tpu.enqueue_dma source(%dma_start3A_100 : memref<128x128xf32, #tpu.memory_space<vmem>>) target(%dma_start3A_96 : memref<128x128xf32, #tpu.memory_space<vmem_shared>>) target_semaphore(%run_scoped3A_88 : memref<!tpu.dma_semaphore, #tpu.memory_space<semaphore_mem>>)
        %dma_wait3A_101 = arith.constant 0 : i32
        %dma_wait3A_102 = arith.constant 0 : i32
        %dma_wait3A_103 = tpu.memref_slice %arg8[%run_scoped3A_87, %dma_wait3A_101, %dma_wait3A_102] : memref<2x128x128xf32, #tpu.memory_space<vmem>> -> memref<1x128x128xf32, #tpu.memory_space<vmem>>
        %dma_wait3A_104 = tpu.memref_squeeze %dma_wait3A_103 : memref<1x128x128xf32, #tpu.memory_space<vmem>> -> memref<128x128xf32, #tpu.memory_space<vmem>>
        %dma_wait3A_105 = arith.constant 0 : i32
        %dma_wait3A_106 = tpu.memref_slice %arg7[%add3A_86, %dma_wait3A_105] : memref<10240x128xf32, #tpu.memory_space<vmem_shared>> -> memref<128x128xf32, #tpu.memory_space<vmem_shared>>
        %dma_wait3A_107 = arith.constant 0 : i32
        %dma_wait3A_108 = tpu.memref_slice %arg7[%add3A_86, %dma_wait3A_107] : memref<10240x128xf32, #tpu.memory_space<vmem_shared>> -> memref<128x128xf32, #tpu.memory_space<vmem_shared>>
        %dma_wait3A_109 = arith.constant 0 : i32
        %dma_wait3A_110 = arith.constant 0 : i32
        %dma_wait3A_111 = tpu.memref_slice %arg8[%run_scoped3A_87, %dma_wait3A_109, %dma_wait3A_110] : memref<2x128x128xf32, #tpu.memory_space<vmem>> -> memref<1x128x128xf32, #tpu.memory_space<vmem>>
        %dma_wait3A_112 = tpu.memref_squeeze %dma_wait3A_111 : memref<1x128x128xf32, #tpu.memory_space<vmem>> -> memref<128x128xf32, #tpu.memory_space<vmem>>
        tpu.wait_dma2 semaphore(%run_scoped3A_88 : memref<!tpu.dma_semaphore, #tpu.memory_space<semaphore_mem>>) src(%dma_wait3A_112 : memref<128x128xf32, #tpu.memory_space<vmem>>) dst(%dma_wait3A_108 : memref<128x128xf32, #tpu.memory_space<vmem_shared>>)
        tpu.yield
      }) : () -> ()
    }
    %scan3A_9 = arith.constant 5 : i32
    %barrier3A = arith.constant 0 : index
    tpu.barrier barrier_id(%barrier3A)
    %add3A_10 = arith.constant 0 : i32
    %add3A_11 = arith.addi %mul3A_4, %add3A_10 : i32
    "tpu.region"() ({
      %run_scoped3A_83 = tpu.sem_alloc : memref<!tpu.dma_semaphore, #tpu.memory_space<semaphore_mem>>
      %dma_start3A_84 = arith.constant 0 : i32
      %dma_start3A_85 = arith.constant 0 : i32
      %dma_start3A_86 = tpu.memref_slice %arg9[%dma_start3A_84, %dma_start3A_85] : memref<48x128xi32, #tpu.memory_space<vmem>> -> memref<48x128xi32, #tpu.memory_space<vmem>>
      %dma_start3A_87 = arith.constant 0 : i32
      %dma_start3A_88 = tpu.memref_slice %arg3[%add3A_11, %dma_start3A_87] : memref<2816x128xi32, #tpu.memory_space<hbm>> -> memref<48x128xi32, #tpu.memory_space<hbm>>
      %dma_start3A_89 = arith.constant 0 : i32
      %dma_start3A_90 = arith.constant 0 : i32
      %dma_start3A_91 = tpu.memref_slice %arg9[%dma_start3A_89, %dma_start3A_90] : memref<48x128xi32, #tpu.memory_space<vmem>> -> memref<48x128xi32, #tpu.memory_space<vmem>>
      %dma_start3A_92 = arith.constant 0 : i32
      %dma_start3A_93 = tpu.memref_slice %arg3[%add3A_11, %dma_start3A_92] : memref<2816x128xi32, #tpu.memory_space<hbm>> -> memref<48x128xi32, #tpu.memory_space<hbm>>
      tpu.enqueue_dma source(%dma_start3A_93 : memref<48x128xi32, #tpu.memory_space<hbm>>) target(%dma_start3A_91 : memref<48x128xi32, #tpu.memory_space<vmem>>) target_semaphore(%run_scoped3A_83 : memref<!tpu.dma_semaphore, #tpu.memory_space<semaphore_mem>>)
      %dma_wait3A_94 = arith.constant 0 : i32
      %dma_wait3A_95 = arith.constant 0 : i32
      %dma_wait3A_96 = tpu.memref_slice %arg9[%dma_wait3A_94, %dma_wait3A_95] : memref<48x128xi32, #tpu.memory_space<vmem>> -> memref<48x128xi32, #tpu.memory_space<vmem>>
      %dma_wait3A_97 = arith.constant 0 : i32
      %dma_wait3A_98 = tpu.memref_slice %arg3[%add3A_11, %dma_wait3A_97] : memref<2816x128xi32, #tpu.memory_space<hbm>> -> memref<48x128xi32, #tpu.memory_space<hbm>>
      %dma_wait3A_99 = arith.constant 0 : i32
      %dma_wait3A_100 = arith.constant 0 : i32
      %dma_wait3A_101 = tpu.memref_slice %arg9[%dma_wait3A_99, %dma_wait3A_100] : memref<48x128xi32, #tpu.memory_space<vmem>> -> memref<48x128xi32, #tpu.memory_space<vmem>>
      %dma_wait3A_102 = arith.constant 0 : i32
      %dma_wait3A_103 = tpu.memref_slice %arg3[%add3A_11, %dma_wait3A_102] : memref<2816x128xi32, #tpu.memory_space<hbm>> -> memref<48x128xi32, #tpu.memory_space<hbm>>
      tpu.wait_dma2 semaphore(%run_scoped3A_83 : memref<!tpu.dma_semaphore, #tpu.memory_space<semaphore_mem>>) src(%dma_wait3A_103 : memref<48x128xi32, #tpu.memory_space<hbm>>) dst(%dma_wait3A_101 : memref<48x128xi32, #tpu.memory_space<vmem>>)
      tpu.yield
    }) : () -> ()
    %add3A_12 = arith.constant 0 : i32
    %add3A_13 = arith.addi %mul3A_4, %add3A_12 : i32
    "tpu.region"() ({
      %run_scoped3A_83 = tpu.sem_alloc : memref<!tpu.dma_semaphore, #tpu.memory_space<semaphore_mem>>
      %dma_start3A_84 = arith.constant 0 : i32
      %dma_start3A_85 = arith.constant 0 : i32
      %dma_start3A_86 = tpu.memref_slice %arg10[%dma_start3A_84, %dma_start3A_85] : memref<48x128xi32, #tpu.memory_space<vmem>> -> memref<48x128xi32, #tpu.memory_space<vmem>>
      %dma_start3A_87 = arith.constant 0 : i32
      %dma_start3A_88 = tpu.memref_slice %arg4[%add3A_13, %dma_start3A_87] : memref<2816x128xi32, #tpu.memory_space<hbm>> -> memref<48x128xi32, #tpu.memory_space<hbm>>
      %dma_start3A_89 = arith.constant 0 : i32
      %dma_start3A_90 = arith.constant 0 : i32
      %dma_start3A_91 = tpu.memref_slice %arg10[%dma_start3A_89, %dma_start3A_90] : memref<48x128xi32, #tpu.memory_space<vmem>> -> memref<48x128xi32, #tpu.memory_space<vmem>>
      %dma_start3A_92 = arith.constant 0 : i32
      %dma_start3A_93 = tpu.memref_slice %arg4[%add3A_13, %dma_start3A_92] : memref<2816x128xi32, #tpu.memory_space<hbm>> -> memref<48x128xi32, #tpu.memory_space<hbm>>
      tpu.enqueue_dma source(%dma_start3A_93 : memref<48x128xi32, #tpu.memory_space<hbm>>) target(%dma_start3A_91 : memref<48x128xi32, #tpu.memory_space<vmem>>) target_semaphore(%run_scoped3A_83 : memref<!tpu.dma_semaphore, #tpu.memory_space<semaphore_mem>>)
      %dma_wait3A_94 = arith.constant 0 : i32
      %dma_wait3A_95 = arith.constant 0 : i32
      %dma_wait3A_96 = tpu.memref_slice %arg10[%dma_wait3A_94, %dma_wait3A_95] : memref<48x128xi32, #tpu.memory_space<vmem>> -> memref<48x128xi32, #tpu.memory_space<vmem>>
      %dma_wait3A_97 = arith.constant 0 : i32
      %dma_wait3A_98 = tpu.memref_slice %arg4[%add3A_13, %dma_wait3A_97] : memref<2816x128xi32, #tpu.memory_space<hbm>> -> memref<48x128xi32, #tpu.memory_space<hbm>>
      %dma_wait3A_99 = arith.constant 0 : i32
      %dma_wait3A_100 = arith.constant 0 : i32
      %dma_wait3A_101 = tpu.memref_slice %arg10[%dma_wait3A_99, %dma_wait3A_100] : memref<48x128xi32, #tpu.memory_space<vmem>> -> memref<48x128xi32, #tpu.memory_space<vmem>>
      %dma_wait3A_102 = arith.constant 0 : i32
      %dma_wait3A_103 = tpu.memref_slice %arg4[%add3A_13, %dma_wait3A_102] : memref<2816x128xi32, #tpu.memory_space<hbm>> -> memref<48x128xi32, #tpu.memory_space<hbm>>
      tpu.wait_dma2 semaphore(%run_scoped3A_83 : memref<!tpu.dma_semaphore, #tpu.memory_space<semaphore_mem>>) src(%dma_wait3A_103 : memref<48x128xi32, #tpu.memory_space<hbm>>) dst(%dma_wait3A_101 : memref<48x128xi32, #tpu.memory_space<vmem>>)
      tpu.yield
    }) : () -> ()
    %dma_start3A = arith.constant 0 : i32
    %dma_start3A_14 = arith.constant 0 : i32
    %dma_start3A_15 = arith.constant 0 : i32
    %dma_start3A_16 = arith.constant 0 : i32
    %dma_start3A_17 = tpu.memref_slice %arg8[%dma_start3A_14, %dma_start3A_15, %dma_start3A_16] : memref<2x128x128xf32, #tpu.memory_space<vmem>> -> memref<1x128x128xf32, #tpu.memory_space<vmem>>
    %dma_start3A_18 = tpu.memref_squeeze %dma_start3A_17 : memref<1x128x128xf32, #tpu.memory_space<vmem>> -> memref<128x128xf32, #tpu.memory_space<vmem>>
    %dma_start3A_19 = arith.constant 0 : i32
    %dma_start3A_20 = tpu.memref_slice %arg9[%dma_start3A, %dma_start3A_19] : memref<48x128xi32, #tpu.memory_space<vmem>> -> memref<1x128xi32, #tpu.memory_space<vmem>>
    %dma_start3A_21 = tpu.memref_squeeze %dma_start3A_20 : memref<1x128xi32, #tpu.memory_space<vmem>> -> memref<128xi32, #tpu.memory_space<vmem>>
    %dma_start3A_22 = arith.constant 0 : i32
    %dma_start3A_23 = arith.constant 0 : i32
    %dma_start3A_24 = tpu.memref_slice %arg2[%dma_start3A_22, %dma_start3A_23] : memref<10000x128xf32, #tpu.memory_space<hbm>> -> memref<10000x128xf32, #tpu.memory_space<hbm>>
    tpu.enqueue_indirect_dma source(%dma_start3A_24 : memref<10000x128xf32, #tpu.memory_space<hbm>>) target(%dma_start3A_18 : memref<128x128xf32, #tpu.memory_space<vmem>>) offsets(%dma_start3A_21 : memref<128xi32, #tpu.memory_space<vmem>>) semaphore(%arg11 : memref<!tpu.dma_semaphore, #tpu.memory_space<semaphore_mem>>)
    %scan3A_25 = arith.constant 0 : i32
    %scan3A_26 = arith.constant 0 : i32
    %scan3A_27 = arith.constant 48 : i32
    %scan3A_28 = arith.addi %scan3A_26, %scan3A_27 : i32
    %scan3A_29 = arith.constant 1 : i32
    scf.for %scan3A_83 = %scan3A_26 to %scan3A_28 step %scan3A_29  : i32 {
      %rem3A = arith.constant 2 : i32
      %rem3A_84 = arith.remsi %scan3A_83, %rem3A : i32
      %add3A_85 = arith.constant 1 : i32
      %add3A_86 = arith.addi %scan3A_83, %add3A_85 : i32
      %rem3A_87 = arith.constant 2 : i32
      %rem3A_88 = arith.remsi %add3A_86, %rem3A_87 : i32
      %dma_wait3A_89 = arith.constant 0 : i32
      %dma_wait3A_90 = arith.constant 0 : i32
      %dma_wait3A_91 = tpu.memref_slice %arg8[%rem3A_84, %dma_wait3A_89, %dma_wait3A_90] : memref<2x128x128xf32, #tpu.memory_space<vmem>> -> memref<1x128x128xf32, #tpu.memory_space<vmem>>
      %dma_wait3A_92 = tpu.memref_squeeze %dma_wait3A_91 : memref<1x128x128xf32, #tpu.memory_space<vmem>> -> memref<128x128xf32, #tpu.memory_space<vmem>>
      %dma_wait3A_93 = arith.constant 0 : i32
      %dma_wait3A_94 = tpu.memref_slice %arg9[%scan3A_83, %dma_wait3A_93] : memref<48x128xi32, #tpu.memory_space<vmem>> -> memref<1x128xi32, #tpu.memory_space<vmem>>
      %dma_wait3A_95 = tpu.memref_squeeze %dma_wait3A_94 : memref<1x128xi32, #tpu.memory_space<vmem>> -> memref<128xi32, #tpu.memory_space<vmem>>
      %dma_wait3A_96 = arith.constant 0 : i32
      %dma_wait3A_97 = arith.constant 0 : i32
      %dma_wait3A_98 = tpu.memref_slice %arg2[%dma_wait3A_96, %dma_wait3A_97] : memref<10000x128xf32, #tpu.memory_space<hbm>> -> memref<10000x128xf32, #tpu.memory_space<hbm>>
      tpu.wait_indirect_dma semaphore(%arg11 : memref<!tpu.dma_semaphore, #tpu.memory_space<semaphore_mem>>) src(%dma_wait3A_98 : memref<10000x128xf32, #tpu.memory_space<hbm>>) dst(%dma_wait3A_92 : memref<128x128xf32, #tpu.memory_space<vmem>>)
      %ge3A = arith.constant 1 : i32
      %ge3A_99 = arith.cmpi sge, %scan3A_83, %ge3A : i32
      %convert_element_type3A = arith.extui %ge3A_99 : i1 to i32
      %cond3A = arith.constant 0 : i32
      %cond3A_100 = arith.cmpi ne, %convert_element_type3A, %cond3A : i32
      scf.if %cond3A_100 {
        %sub3A = arith.constant 1 : i32
        %sub3A_117 = arith.subi %scan3A_83, %sub3A : i32
        %dma_wait3A_118 = arith.constant 0 : i32
        %dma_wait3A_119 = arith.constant 0 : i32
        %dma_wait3A_120 = tpu.memref_slice %arg8[%rem3A_88, %dma_wait3A_118, %dma_wait3A_119] : memref<2x128x128xf32, #tpu.memory_space<vmem>> -> memref<1x128x128xf32, #tpu.memory_space<vmem>>
        %dma_wait3A_121 = tpu.memref_squeeze %dma_wait3A_120 : memref<1x128x128xf32, #tpu.memory_space<vmem>> -> memref<128x128xf32, #tpu.memory_space<vmem>>
        %dma_wait3A_122 = arith.constant 0 : i32
        %dma_wait3A_123 = tpu.memref_slice %arg10[%sub3A_117, %dma_wait3A_122] : memref<48x128xi32, #tpu.memory_space<vmem>> -> memref<1x128xi32, #tpu.memory_space<vmem>>
        %dma_wait3A_124 = tpu.memref_squeeze %dma_wait3A_123 : memref<1x128xi32, #tpu.memory_space<vmem>> -> memref<128xi32, #tpu.memory_space<vmem>>
        %dma_wait3A_125 = arith.constant 0 : i32
        %dma_wait3A_126 = arith.constant 0 : i32
        %dma_wait3A_127 = tpu.memref_slice %arg7[%dma_wait3A_125, %dma_wait3A_126] : memref<10240x128xf32, #tpu.memory_space<vmem_shared>> -> memref<10240x128xf32, #tpu.memory_space<vmem_shared>>
        tpu.wait_indirect_dma semaphore(%arg12 : memref<!tpu.dma_semaphore, #tpu.memory_space<semaphore_mem>>) src(%dma_wait3A_121 : memref<128x128xf32, #tpu.memory_space<vmem>>) dst(%dma_wait3A_127 : memref<10240x128xf32, #tpu.memory_space<vmem_shared>>)
      } else {
      }
      %add3A_101 = arith.constant 1 : i32
      %add3A_102 = arith.addi %scan3A_83, %add3A_101 : i32
      %lt3A = arith.constant 48 : i32
      %lt3A_103 = arith.cmpi slt, %add3A_102, %lt3A : i32
      %convert_element_type3A_104 = arith.extui %lt3A_103 : i1 to i32
      %cond3A_105 = arith.constant 0 : i32
      %cond3A_106 = arith.cmpi ne, %convert_element_type3A_104, %cond3A_105 : i32
      scf.if %cond3A_106 {
        %add3A_117 = arith.constant 1 : i32
        %add3A_118 = arith.addi %scan3A_83, %add3A_117 : i32
        %dma_start3A_119 = arith.constant 0 : i32
        %dma_start3A_120 = arith.constant 0 : i32
        %dma_start3A_121 = tpu.memref_slice %arg8[%rem3A_88, %dma_start3A_119, %dma_start3A_120] : memref<2x128x128xf32, #tpu.memory_space<vmem>> -> memref<1x128x128xf32, #tpu.memory_space<vmem>>
        %dma_start3A_122 = tpu.memref_squeeze %dma_start3A_121 : memref<1x128x128xf32, #tpu.memory_space<vmem>> -> memref<128x128xf32, #tpu.memory_space<vmem>>
        %dma_start3A_123 = arith.constant 0 : i32
        %dma_start3A_124 = tpu.memref_slice %arg9[%add3A_118, %dma_start3A_123] : memref<48x128xi32, #tpu.memory_space<vmem>> -> memref<1x128xi32, #tpu.memory_space<vmem>>
        %dma_start3A_125 = tpu.memref_squeeze %dma_start3A_124 : memref<1x128xi32, #tpu.memory_space<vmem>> -> memref<128xi32, #tpu.memory_space<vmem>>
        %dma_start3A_126 = arith.constant 0 : i32
        %dma_start3A_127 = arith.constant 0 : i32
        %dma_start3A_128 = tpu.memref_slice %arg2[%dma_start3A_126, %dma_start3A_127] : memref<10000x128xf32, #tpu.memory_space<hbm>> -> memref<10000x128xf32, #tpu.memory_space<hbm>>
        tpu.enqueue_indirect_dma source(%dma_start3A_128 : memref<10000x128xf32, #tpu.memory_space<hbm>>) target(%dma_start3A_122 : memref<128x128xf32, #tpu.memory_space<vmem>>) offsets(%dma_start3A_125 : memref<128xi32, #tpu.memory_space<vmem>>) semaphore(%arg11 : memref<!tpu.dma_semaphore, #tpu.memory_space<semaphore_mem>>)
      } else {
      }
      %dma_start3A_107 = arith.constant 0 : i32
      %dma_start3A_108 = arith.constant 0 : i32
      %dma_start3A_109 = tpu.memref_slice %arg8[%rem3A_84, %dma_start3A_107, %dma_start3A_108] : memref<2x128x128xf32, #tpu.memory_space<vmem>> -> memref<1x128x128xf32, #tpu.memory_space<vmem>>
      %dma_start3A_110 = tpu.memref_squeeze %dma_start3A_109 : memref<1x128x128xf32, #tpu.memory_space<vmem>> -> memref<128x128xf32, #tpu.memory_space<vmem>>
      %dma_start3A_111 = arith.constant 0 : i32
      %dma_start3A_112 = tpu.memref_slice %arg10[%scan3A_83, %dma_start3A_111] : memref<48x128xi32, #tpu.memory_space<vmem>> -> memref<1x128xi32, #tpu.memory_space<vmem>>
      %dma_start3A_113 = tpu.memref_squeeze %dma_start3A_112 : memref<1x128xi32, #tpu.memory_space<vmem>> -> memref<128xi32, #tpu.memory_space<vmem>>
      %dma_start3A_114 = arith.constant 0 : i32
      %dma_start3A_115 = arith.constant 0 : i32
      %dma_start3A_116 = tpu.memref_slice %arg7[%dma_start3A_114, %dma_start3A_115] : memref<10240x128xf32, #tpu.memory_space<vmem_shared>> -> memref<10240x128xf32, #tpu.memory_space<vmem_shared>>
      tpu.enqueue_indirect_dma source(%dma_start3A_110 : memref<128x128xf32, #tpu.memory_space<vmem>>) target(%dma_start3A_116 : memref<10240x128xf32, #tpu.memory_space<vmem_shared>>) offsets(%dma_start3A_113 : memref<128xi32, #tpu.memory_space<vmem>>) semaphore(%arg12 : memref<!tpu.dma_semaphore, #tpu.memory_space<semaphore_mem>>) {add = true}
    }
    %scan3A_30 = arith.constant 48 : i32
    %dma_wait3A = arith.constant 1 : i32
    %dma_wait3A_31 = arith.constant 47 : i32
    %dma_wait3A_32 = arith.constant 0 : i32
    %dma_wait3A_33 = arith.constant 0 : i32
    %dma_wait3A_34 = tpu.memref_slice %arg8[%dma_wait3A, %dma_wait3A_32, %dma_wait3A_33] : memref<2x128x128xf32, #tpu.memory_space<vmem>> -> memref<1x128x128xf32, #tpu.memory_space<vmem>>
    %dma_wait3A_35 = tpu.memref_squeeze %dma_wait3A_34 : memref<1x128x128xf32, #tpu.memory_space<vmem>> -> memref<128x128xf32, #tpu.memory_space<vmem>>
    %dma_wait3A_36 = arith.constant 0 : i32
    %dma_wait3A_37 = tpu.memref_slice %arg10[%dma_wait3A_31, %dma_wait3A_36] : memref<48x128xi32, #tpu.memory_space<vmem>> -> memref<1x128xi32, #tpu.memory_space<vmem>>
    %dma_wait3A_38 = tpu.memref_squeeze %dma_wait3A_37 : memref<1x128xi32, #tpu.memory_space<vmem>> -> memref<128xi32, #tpu.memory_space<vmem>>
    %dma_wait3A_39 = arith.constant 0 : i32
    %dma_wait3A_40 = arith.constant 0 : i32
    %dma_wait3A_41 = tpu.memref_slice %arg7[%dma_wait3A_39, %dma_wait3A_40] : memref<10240x128xf32, #tpu.memory_space<vmem_shared>> -> memref<10240x128xf32, #tpu.memory_space<vmem_shared>>
    tpu.wait_indirect_dma semaphore(%arg12 : memref<!tpu.dma_semaphore, #tpu.memory_space<semaphore_mem>>) src(%dma_wait3A_35 : memref<128x128xf32, #tpu.memory_space<vmem>>) dst(%dma_wait3A_41 : memref<10240x128xf32, #tpu.memory_space<vmem_shared>>)
    %add3A_42 = arith.constant 48 : i32
    %add3A_43 = arith.addi %mul3A_4, %add3A_42 : i32
    "tpu.region"() ({
      %run_scoped3A_83 = tpu.sem_alloc : memref<!tpu.dma_semaphore, #tpu.memory_space<semaphore_mem>>
      %dma_start3A_84 = arith.constant 0 : i32
      %dma_start3A_85 = arith.constant 0 : i32
      %dma_start3A_86 = tpu.memref_slice %arg9[%dma_start3A_84, %dma_start3A_85] : memref<48x128xi32, #tpu.memory_space<vmem>> -> memref<40x128xi32, #tpu.memory_space<vmem>>
      %dma_start3A_87 = arith.constant 0 : i32
      %dma_start3A_88 = tpu.memref_slice %arg3[%add3A_43, %dma_start3A_87] : memref<2816x128xi32, #tpu.memory_space<hbm>> -> memref<40x128xi32, #tpu.memory_space<hbm>>
      %dma_start3A_89 = arith.constant 0 : i32
      %dma_start3A_90 = arith.constant 0 : i32
      %dma_start3A_91 = tpu.memref_slice %arg9[%dma_start3A_89, %dma_start3A_90] : memref<48x128xi32, #tpu.memory_space<vmem>> -> memref<40x128xi32, #tpu.memory_space<vmem>>
      %dma_start3A_92 = arith.constant 0 : i32
      %dma_start3A_93 = tpu.memref_slice %arg3[%add3A_43, %dma_start3A_92] : memref<2816x128xi32, #tpu.memory_space<hbm>> -> memref<40x128xi32, #tpu.memory_space<hbm>>
      tpu.enqueue_dma source(%dma_start3A_93 : memref<40x128xi32, #tpu.memory_space<hbm>>) target(%dma_start3A_91 : memref<40x128xi32, #tpu.memory_space<vmem>>) target_semaphore(%run_scoped3A_83 : memref<!tpu.dma_semaphore, #tpu.memory_space<semaphore_mem>>)
      %dma_wait3A_94 = arith.constant 0 : i32
      %dma_wait3A_95 = arith.constant 0 : i32
      %dma_wait3A_96 = tpu.memref_slice %arg9[%dma_wait3A_94, %dma_wait3A_95] : memref<48x128xi32, #tpu.memory_space<vmem>> -> memref<40x128xi32, #tpu.memory_space<vmem>>
      %dma_wait3A_97 = arith.constant 0 : i32
      %dma_wait3A_98 = tpu.memref_slice %arg3[%add3A_43, %dma_wait3A_97] : memref<2816x128xi32, #tpu.memory_space<hbm>> -> memref<40x128xi32, #tpu.memory_space<hbm>>
      %dma_wait3A_99 = arith.constant 0 : i32
      %dma_wait3A_100 = arith.constant 0 : i32
      %dma_wait3A_101 = tpu.memref_slice %arg9[%dma_wait3A_99, %dma_wait3A_100] : memref<48x128xi32, #tpu.memory_space<vmem>> -> memref<40x128xi32, #tpu.memory_space<vmem>>
      %dma_wait3A_102 = arith.constant 0 : i32
      %dma_wait3A_103 = tpu.memref_slice %arg3[%add3A_43, %dma_wait3A_102] : memref<2816x128xi32, #tpu.memory_space<hbm>> -> memref<40x128xi32, #tpu.memory_space<hbm>>
      tpu.wait_dma2 semaphore(%run_scoped3A_83 : memref<!tpu.dma_semaphore, #tpu.memory_space<semaphore_mem>>) src(%dma_wait3A_103 : memref<40x128xi32, #tpu.memory_space<hbm>>) dst(%dma_wait3A_101 : memref<40x128xi32, #tpu.memory_space<vmem>>)
      tpu.yield
    }) : () -> ()
    %add3A_44 = arith.constant 48 : i32
    %add3A_45 = arith.addi %mul3A_4, %add3A_44 : i32
    "tpu.region"() ({
      %run_scoped3A_83 = tpu.sem_alloc : memref<!tpu.dma_semaphore, #tpu.memory_space<semaphore_mem>>
      %dma_start3A_84 = arith.constant 0 : i32
      %dma_start3A_85 = arith.constant 0 : i32
      %dma_start3A_86 = tpu.memref_slice %arg10[%dma_start3A_84, %dma_start3A_85] : memref<48x128xi32, #tpu.memory_space<vmem>> -> memref<40x128xi32, #tpu.memory_space<vmem>>
      %dma_start3A_87 = arith.constant 0 : i32
      %dma_start3A_88 = tpu.memref_slice %arg4[%add3A_45, %dma_start3A_87] : memref<2816x128xi32, #tpu.memory_space<hbm>> -> memref<40x128xi32, #tpu.memory_space<hbm>>
      %dma_start3A_89 = arith.constant 0 : i32
      %dma_start3A_90 = arith.constant 0 : i32
      %dma_start3A_91 = tpu.memref_slice %arg10[%dma_start3A_89, %dma_start3A_90] : memref<48x128xi32, #tpu.memory_space<vmem>> -> memref<40x128xi32, #tpu.memory_space<vmem>>
      %dma_start3A_92 = arith.constant 0 : i32
      %dma_start3A_93 = tpu.memref_slice %arg4[%add3A_45, %dma_start3A_92] : memref<2816x128xi32, #tpu.memory_space<hbm>> -> memref<40x128xi32, #tpu.memory_space<hbm>>
      tpu.enqueue_dma source(%dma_start3A_93 : memref<40x128xi32, #tpu.memory_space<hbm>>) target(%dma_start3A_91 : memref<40x128xi32, #tpu.memory_space<vmem>>) target_semaphore(%run_scoped3A_83 : memref<!tpu.dma_semaphore, #tpu.memory_space<semaphore_mem>>)
      %dma_wait3A_94 = arith.constant 0 : i32
      %dma_wait3A_95 = arith.constant 0 : i32
      %dma_wait3A_96 = tpu.memref_slice %arg10[%dma_wait3A_94, %dma_wait3A_95] : memref<48x128xi32, #tpu.memory_space<vmem>> -> memref<40x128xi32, #tpu.memory_space<vmem>>
      %dma_wait3A_97 = arith.constant 0 : i32
      %dma_wait3A_98 = tpu.memref_slice %arg4[%add3A_45, %dma_wait3A_97] : memref<2816x128xi32, #tpu.memory_space<hbm>> -> memref<40x128xi32, #tpu.memory_space<hbm>>
      %dma_wait3A_99 = arith.constant 0 : i32
      %dma_wait3A_100 = arith.constant 0 : i32
      %dma_wait3A_101 = tpu.memref_slice %arg10[%dma_wait3A_99, %dma_wait3A_100] : memref<48x128xi32, #tpu.memory_space<vmem>> -> memref<40x128xi32, #tpu.memory_space<vmem>>
      %dma_wait3A_102 = arith.constant 0 : i32
      %dma_wait3A_103 = tpu.memref_slice %arg4[%add3A_45, %dma_wait3A_102] : memref<2816x128xi32, #tpu.memory_space<hbm>> -> memref<40x128xi32, #tpu.memory_space<hbm>>
      tpu.wait_dma2 semaphore(%run_scoped3A_83 : memref<!tpu.dma_semaphore, #tpu.memory_space<semaphore_mem>>) src(%dma_wait3A_103 : memref<40x128xi32, #tpu.memory_space<hbm>>) dst(%dma_wait3A_101 : memref<40x128xi32, #tpu.memory_space<vmem>>)
      tpu.yield
    }) : () -> ()
    %dma_start3A_46 = arith.constant 0 : i32
    %dma_start3A_47 = arith.constant 0 : i32
    %dma_start3A_48 = arith.constant 0 : i32
    %dma_start3A_49 = arith.constant 0 : i32
    %dma_start3A_50 = tpu.memref_slice %arg8[%dma_start3A_47, %dma_start3A_48, %dma_start3A_49] : memref<2x128x128xf32, #tpu.memory_space<vmem>> -> memref<1x128x128xf32, #tpu.memory_space<vmem>>
    %dma_start3A_51 = tpu.memref_squeeze %dma_start3A_50 : memref<1x128x128xf32, #tpu.memory_space<vmem>> -> memref<128x128xf32, #tpu.memory_space<vmem>>
    %dma_start3A_52 = arith.constant 0 : i32
    %dma_start3A_53 = tpu.memref_slice %arg9[%dma_start3A_46, %dma_start3A_52] : memref<48x128xi32, #tpu.memory_space<vmem>> -> memref<1x128xi32, #tpu.memory_space<vmem>>
    %dma_start3A_54 = tpu.memref_squeeze %dma_start3A_53 : memref<1x128xi32, #tpu.memory_space<vmem>> -> memref<128xi32, #tpu.memory_space<vmem>>
    %dma_start3A_55 = arith.constant 0 : i32
    %dma_start3A_56 = arith.constant 0 : i32
    %dma_start3A_57 = tpu.memref_slice %arg2[%dma_start3A_55, %dma_start3A_56] : memref<10000x128xf32, #tpu.memory_space<hbm>> -> memref<10000x128xf32, #tpu.memory_space<hbm>>
    tpu.enqueue_indirect_dma source(%dma_start3A_57 : memref<10000x128xf32, #tpu.memory_space<hbm>>) target(%dma_start3A_51 : memref<128x128xf32, #tpu.memory_space<vmem>>) offsets(%dma_start3A_54 : memref<128xi32, #tpu.memory_space<vmem>>) semaphore(%arg11 : memref<!tpu.dma_semaphore, #tpu.memory_space<semaphore_mem>>)
    %scan3A_58 = arith.constant 0 : i32
    %scan3A_59 = arith.constant 0 : i32
    %scan3A_60 = arith.constant 40 : i32
    %scan3A_61 = arith.addi %scan3A_59, %scan3A_60 : i32
    %scan3A_62 = arith.constant 1 : i32
    scf.for %scan3A_83 = %scan3A_59 to %scan3A_61 step %scan3A_62  : i32 {
      %rem3A = arith.constant 2 : i32
      %rem3A_84 = arith.remsi %scan3A_83, %rem3A : i32
      %add3A_85 = arith.constant 1 : i32
      %add3A_86 = arith.addi %scan3A_83, %add3A_85 : i32
      %rem3A_87 = arith.constant 2 : i32
      %rem3A_88 = arith.remsi %add3A_86, %rem3A_87 : i32
      %dma_wait3A_89 = arith.constant 0 : i32
      %dma_wait3A_90 = arith.constant 0 : i32
      %dma_wait3A_91 = tpu.memref_slice %arg8[%rem3A_84, %dma_wait3A_89, %dma_wait3A_90] : memref<2x128x128xf32, #tpu.memory_space<vmem>> -> memref<1x128x128xf32, #tpu.memory_space<vmem>>
      %dma_wait3A_92 = tpu.memref_squeeze %dma_wait3A_91 : memref<1x128x128xf32, #tpu.memory_space<vmem>> -> memref<128x128xf32, #tpu.memory_space<vmem>>
      %dma_wait3A_93 = arith.constant 0 : i32
      %dma_wait3A_94 = tpu.memref_slice %arg9[%scan3A_83, %dma_wait3A_93] : memref<48x128xi32, #tpu.memory_space<vmem>> -> memref<1x128xi32, #tpu.memory_space<vmem>>
      %dma_wait3A_95 = tpu.memref_squeeze %dma_wait3A_94 : memref<1x128xi32, #tpu.memory_space<vmem>> -> memref<128xi32, #tpu.memory_space<vmem>>
      %dma_wait3A_96 = arith.constant 0 : i32
      %dma_wait3A_97 = arith.constant 0 : i32
      %dma_wait3A_98 = tpu.memref_slice %arg2[%dma_wait3A_96, %dma_wait3A_97] : memref<10000x128xf32, #tpu.memory_space<hbm>> -> memref<10000x128xf32, #tpu.memory_space<hbm>>
      tpu.wait_indirect_dma semaphore(%arg11 : memref<!tpu.dma_semaphore, #tpu.memory_space<semaphore_mem>>) src(%dma_wait3A_98 : memref<10000x128xf32, #tpu.memory_space<hbm>>) dst(%dma_wait3A_92 : memref<128x128xf32, #tpu.memory_space<vmem>>)
      %ge3A = arith.constant 1 : i32
      %ge3A_99 = arith.cmpi sge, %scan3A_83, %ge3A : i32
      %convert_element_type3A = arith.extui %ge3A_99 : i1 to i32
      %cond3A = arith.constant 0 : i32
      %cond3A_100 = arith.cmpi ne, %convert_element_type3A, %cond3A : i32
      scf.if %cond3A_100 {
        %sub3A = arith.constant 1 : i32
        %sub3A_117 = arith.subi %scan3A_83, %sub3A : i32
        %dma_wait3A_118 = arith.constant 0 : i32
        %dma_wait3A_119 = arith.constant 0 : i32
        %dma_wait3A_120 = tpu.memref_slice %arg8[%rem3A_88, %dma_wait3A_118, %dma_wait3A_119] : memref<2x128x128xf32, #tpu.memory_space<vmem>> -> memref<1x128x128xf32, #tpu.memory_space<vmem>>
        %dma_wait3A_121 = tpu.memref_squeeze %dma_wait3A_120 : memref<1x128x128xf32, #tpu.memory_space<vmem>> -> memref<128x128xf32, #tpu.memory_space<vmem>>
        %dma_wait3A_122 = arith.constant 0 : i32
        %dma_wait3A_123 = tpu.memref_slice %arg10[%sub3A_117, %dma_wait3A_122] : memref<48x128xi32, #tpu.memory_space<vmem>> -> memref<1x128xi32, #tpu.memory_space<vmem>>
        %dma_wait3A_124 = tpu.memref_squeeze %dma_wait3A_123 : memref<1x128xi32, #tpu.memory_space<vmem>> -> memref<128xi32, #tpu.memory_space<vmem>>
        %dma_wait3A_125 = arith.constant 0 : i32
        %dma_wait3A_126 = arith.constant 0 : i32
        %dma_wait3A_127 = tpu.memref_slice %arg7[%dma_wait3A_125, %dma_wait3A_126] : memref<10240x128xf32, #tpu.memory_space<vmem_shared>> -> memref<10240x128xf32, #tpu.memory_space<vmem_shared>>
        tpu.wait_indirect_dma semaphore(%arg12 : memref<!tpu.dma_semaphore, #tpu.memory_space<semaphore_mem>>) src(%dma_wait3A_121 : memref<128x128xf32, #tpu.memory_space<vmem>>) dst(%dma_wait3A_127 : memref<10240x128xf32, #tpu.memory_space<vmem_shared>>)
      } else {
      }
      %add3A_101 = arith.constant 1 : i32
      %add3A_102 = arith.addi %scan3A_83, %add3A_101 : i32
      %lt3A = arith.constant 40 : i32
      %lt3A_103 = arith.cmpi slt, %add3A_102, %lt3A : i32
      %convert_element_type3A_104 = arith.extui %lt3A_103 : i1 to i32
      %cond3A_105 = arith.constant 0 : i32
      %cond3A_106 = arith.cmpi ne, %convert_element_type3A_104, %cond3A_105 : i32
      scf.if %cond3A_106 {
        %add3A_117 = arith.constant 1 : i32
        %add3A_118 = arith.addi %scan3A_83, %add3A_117 : i32
        %dma_start3A_119 = arith.constant 0 : i32
        %dma_start3A_120 = arith.constant 0 : i32
        %dma_start3A_121 = tpu.memref_slice %arg8[%rem3A_88, %dma_start3A_119, %dma_start3A_120] : memref<2x128x128xf32, #tpu.memory_space<vmem>> -> memref<1x128x128xf32, #tpu.memory_space<vmem>>
        %dma_start3A_122 = tpu.memref_squeeze %dma_start3A_121 : memref<1x128x128xf32, #tpu.memory_space<vmem>> -> memref<128x128xf32, #tpu.memory_space<vmem>>
        %dma_start3A_123 = arith.constant 0 : i32
        %dma_start3A_124 = tpu.memref_slice %arg9[%add3A_118, %dma_start3A_123] : memref<48x128xi32, #tpu.memory_space<vmem>> -> memref<1x128xi32, #tpu.memory_space<vmem>>
        %dma_start3A_125 = tpu.memref_squeeze %dma_start3A_124 : memref<1x128xi32, #tpu.memory_space<vmem>> -> memref<128xi32, #tpu.memory_space<vmem>>
        %dma_start3A_126 = arith.constant 0 : i32
        %dma_start3A_127 = arith.constant 0 : i32
        %dma_start3A_128 = tpu.memref_slice %arg2[%dma_start3A_126, %dma_start3A_127] : memref<10000x128xf32, #tpu.memory_space<hbm>> -> memref<10000x128xf32, #tpu.memory_space<hbm>>
        tpu.enqueue_indirect_dma source(%dma_start3A_128 : memref<10000x128xf32, #tpu.memory_space<hbm>>) target(%dma_start3A_122 : memref<128x128xf32, #tpu.memory_space<vmem>>) offsets(%dma_start3A_125 : memref<128xi32, #tpu.memory_space<vmem>>) semaphore(%arg11 : memref<!tpu.dma_semaphore, #tpu.memory_space<semaphore_mem>>)
      } else {
      }
      %dma_start3A_107 = arith.constant 0 : i32
      %dma_start3A_108 = arith.constant 0 : i32
      %dma_start3A_109 = tpu.memref_slice %arg8[%rem3A_84, %dma_start3A_107, %dma_start3A_108] : memref<2x128x128xf32, #tpu.memory_space<vmem>> -> memref<1x128x128xf32, #tpu.memory_space<vmem>>
      %dma_start3A_110 = tpu.memref_squeeze %dma_start3A_109 : memref<1x128x128xf32, #tpu.memory_space<vmem>> -> memref<128x128xf32, #tpu.memory_space<vmem>>
      %dma_start3A_111 = arith.constant 0 : i32
      %dma_start3A_112 = tpu.memref_slice %arg10[%scan3A_83, %dma_start3A_111] : memref<48x128xi32, #tpu.memory_space<vmem>> -> memref<1x128xi32, #tpu.memory_space<vmem>>
      %dma_start3A_113 = tpu.memref_squeeze %dma_start3A_112 : memref<1x128xi32, #tpu.memory_space<vmem>> -> memref<128xi32, #tpu.memory_space<vmem>>
      %dma_start3A_114 = arith.constant 0 : i32
      %dma_start3A_115 = arith.constant 0 : i32
      %dma_start3A_116 = tpu.memref_slice %arg7[%dma_start3A_114, %dma_start3A_115] : memref<10240x128xf32, #tpu.memory_space<vmem_shared>> -> memref<10240x128xf32, #tpu.memory_space<vmem_shared>>
      tpu.enqueue_indirect_dma source(%dma_start3A_110 : memref<128x128xf32, #tpu.memory_space<vmem>>) target(%dma_start3A_116 : memref<10240x128xf32, #tpu.memory_space<vmem_shared>>) offsets(%dma_start3A_113 : memref<128xi32, #tpu.memory_space<vmem>>) semaphore(%arg12 : memref<!tpu.dma_semaphore, #tpu.memory_space<semaphore_mem>>) {add = true}
    }
    %scan3A_63 = arith.constant 40 : i32
    %dma_wait3A_64 = arith.constant 1 : i32
    %dma_wait3A_65 = arith.constant 39 : i32
    %dma_wait3A_66 = arith.constant 0 : i32
    %dma_wait3A_67 = arith.constant 0 : i32
    %dma_wait3A_68 = tpu.memref_slice %arg8[%dma_wait3A_64, %dma_wait3A_66, %dma_wait3A_67] : memref<2x128x128xf32, #tpu.memory_space<vmem>> -> memref<1x128x128xf32, #tpu.memory_space<vmem>>
    %dma_wait3A_69 = tpu.memref_squeeze %dma_wait3A_68 : memref<1x128x128xf32, #tpu.memory_space<vmem>> -> memref<128x128xf32, #tpu.memory_space<vmem>>
    %dma_wait3A_70 = arith.constant 0 : i32
    %dma_wait3A_71 = tpu.memref_slice %arg10[%dma_wait3A_65, %dma_wait3A_70] : memref<48x128xi32, #tpu.memory_space<vmem>> -> memref<1x128xi32, #tpu.memory_space<vmem>>
    %dma_wait3A_72 = tpu.memref_squeeze %dma_wait3A_71 : memref<1x128xi32, #tpu.memory_space<vmem>> -> memref<128xi32, #tpu.memory_space<vmem>>
    %dma_wait3A_73 = arith.constant 0 : i32
    %dma_wait3A_74 = arith.constant 0 : i32
    %dma_wait3A_75 = tpu.memref_slice %arg7[%dma_wait3A_73, %dma_wait3A_74] : memref<10240x128xf32, #tpu.memory_space<vmem_shared>> -> memref<10240x128xf32, #tpu.memory_space<vmem_shared>>
    tpu.wait_indirect_dma semaphore(%arg12 : memref<!tpu.dma_semaphore, #tpu.memory_space<semaphore_mem>>) src(%dma_wait3A_69 : memref<128x128xf32, #tpu.memory_space<vmem>>) dst(%dma_wait3A_75 : memref<10240x128xf32, #tpu.memory_space<vmem_shared>>)
    %barrier3A_76 = arith.constant 0 : index
    tpu.barrier barrier_id(%barrier3A_76)
    %scan3A_77 = arith.constant 0 : i32
    %scan3A_78 = arith.constant 0 : i32
    %scan3A_79 = arith.constant 5 : i32
    %scan3A_80 = arith.addi %scan3A_78, %scan3A_79 : i32
    %scan3A_81 = arith.constant 1 : i32
    scf.for %scan3A_83 = %scan3A_78 to %scan3A_80 step %scan3A_81  : i32 {
      %mul3A_84 = arith.constant 128 : i32
      %mul3A_85 = arith.muli %scan3A_83, %mul3A_84 : i32
      %add3A_86 = arith.addi %mul3A_0, %mul3A_85 : i32
      %run_scoped3A_87 = arith.constant 0 : i32
      "tpu.region"() ({
        %run_scoped3A_92 = tpu.sem_alloc : memref<!tpu.dma_semaphore, #tpu.memory_space<semaphore_mem>>
        %dma_start3A_93 = arith.constant 0 : i32
        %dma_start3A_94 = arith.constant 0 : i32
        %dma_start3A_95 = tpu.memref_slice %arg8[%run_scoped3A_87, %dma_start3A_93, %dma_start3A_94] : memref<2x128x128xf32, #tpu.memory_space<vmem>> -> memref<1x128x128xf32, #tpu.memory_space<vmem>>
        %dma_start3A_96 = tpu.memref_squeeze %dma_start3A_95 : memref<1x128x128xf32, #tpu.memory_space<vmem>> -> memref<128x128xf32, #tpu.memory_space<vmem>>
        %dma_start3A_97 = arith.constant 0 : i32
        %dma_start3A_98 = tpu.memref_slice %arg7[%add3A_86, %dma_start3A_97] : memref<10240x128xf32, #tpu.memory_space<vmem_shared>> -> memref<128x128xf32, #tpu.memory_space<vmem_shared>>
        %dma_start3A_99 = arith.constant 0 : i32
        %dma_start3A_100 = arith.constant 0 : i32
        %dma_start3A_101 = tpu.memref_slice %arg8[%run_scoped3A_87, %dma_start3A_99, %dma_start3A_100] : memref<2x128x128xf32, #tpu.memory_space<vmem>> -> memref<1x128x128xf32, #tpu.memory_space<vmem>>
        %dma_start3A_102 = tpu.memref_squeeze %dma_start3A_101 : memref<1x128x128xf32, #tpu.memory_space<vmem>> -> memref<128x128xf32, #tpu.memory_space<vmem>>
        %dma_start3A_103 = arith.constant 0 : i32
        %dma_start3A_104 = tpu.memref_slice %arg7[%add3A_86, %dma_start3A_103] : memref<10240x128xf32, #tpu.memory_space<vmem_shared>> -> memref<128x128xf32, #tpu.memory_space<vmem_shared>>
        tpu.enqueue_dma source(%dma_start3A_104 : memref<128x128xf32, #tpu.memory_space<vmem_shared>>) target(%dma_start3A_102 : memref<128x128xf32, #tpu.memory_space<vmem>>) target_semaphore(%run_scoped3A_92 : memref<!tpu.dma_semaphore, #tpu.memory_space<semaphore_mem>>)
        %dma_wait3A_105 = arith.constant 0 : i32
        %dma_wait3A_106 = arith.constant 0 : i32
        %dma_wait3A_107 = tpu.memref_slice %arg8[%run_scoped3A_87, %dma_wait3A_105, %dma_wait3A_106] : memref<2x128x128xf32, #tpu.memory_space<vmem>> -> memref<1x128x128xf32, #tpu.memory_space<vmem>>
        %dma_wait3A_108 = tpu.memref_squeeze %dma_wait3A_107 : memref<1x128x128xf32, #tpu.memory_space<vmem>> -> memref<128x128xf32, #tpu.memory_space<vmem>>
        %dma_wait3A_109 = arith.constant 0 : i32
        %dma_wait3A_110 = tpu.memref_slice %arg7[%add3A_86, %dma_wait3A_109] : memref<10240x128xf32, #tpu.memory_space<vmem_shared>> -> memref<128x128xf32, #tpu.memory_space<vmem_shared>>
        %dma_wait3A_111 = arith.constant 0 : i32
        %dma_wait3A_112 = arith.constant 0 : i32
        %dma_wait3A_113 = tpu.memref_slice %arg8[%run_scoped3A_87, %dma_wait3A_111, %dma_wait3A_112] : memref<2x128x128xf32, #tpu.memory_space<vmem>> -> memref<1x128x128xf32, #tpu.memory_space<vmem>>
        %dma_wait3A_114 = tpu.memref_squeeze %dma_wait3A_113 : memref<1x128x128xf32, #tpu.memory_space<vmem>> -> memref<128x128xf32, #tpu.memory_space<vmem>>
        %dma_wait3A_115 = arith.constant 0 : i32
        %dma_wait3A_116 = tpu.memref_slice %arg7[%add3A_86, %dma_wait3A_115] : memref<10240x128xf32, #tpu.memory_space<vmem_shared>> -> memref<128x128xf32, #tpu.memory_space<vmem_shared>>
        tpu.wait_dma2 semaphore(%run_scoped3A_92 : memref<!tpu.dma_semaphore, #tpu.memory_space<semaphore_mem>>) src(%dma_wait3A_116 : memref<128x128xf32, #tpu.memory_space<vmem_shared>>) dst(%dma_wait3A_114 : memref<128x128xf32, #tpu.memory_space<vmem>>)
        tpu.yield
      }) : () -> ()
      %mul3A_88 = arith.constant 128 : i32
      %mul3A_89 = arith.muli %scan3A_83, %mul3A_88 : i32
      %add3A_90 = arith.addi %mul3A_0, %mul3A_89 : i32
      %run_scoped3A_91 = arith.constant 0 : i32
      "tpu.region"() ({
        %run_scoped3A_92 = tpu.sem_alloc : memref<!tpu.dma_semaphore, #tpu.memory_space<semaphore_mem>>
        %dma_start3A_93 = arith.constant 0 : i32
        %dma_start3A_94 = arith.constant 0 : i32
        %dma_start3A_95 = tpu.memref_slice %arg8[%run_scoped3A_91, %dma_start3A_93, %dma_start3A_94] : memref<2x128x128xf32, #tpu.memory_space<vmem>> -> memref<1x128x128xf32, #tpu.memory_space<vmem>>
        %dma_start3A_96 = tpu.memref_squeeze %dma_start3A_95 : memref<1x128x128xf32, #tpu.memory_space<vmem>> -> memref<128x128xf32, #tpu.memory_space<vmem>>
        %dma_start3A_97 = arith.constant 0 : i32
        %dma_start3A_98 = tpu.memref_slice %arg6[%arg0, %add3A_90, %dma_start3A_97] : memref<2x10240x128xf32, #tpu.memory_space<hbm>> -> memref<1x128x128xf32, #tpu.memory_space<hbm>>
        %dma_start3A_99 = tpu.memref_squeeze %dma_start3A_98 : memref<1x128x128xf32, #tpu.memory_space<hbm>> -> memref<128x128xf32, #tpu.memory_space<hbm>>
        %dma_start3A_100 = arith.constant 0 : i32
        %dma_start3A_101 = tpu.memref_slice %arg6[%arg0, %add3A_90, %dma_start3A_100] : memref<2x10240x128xf32, #tpu.memory_space<hbm>> -> memref<1x128x128xf32, #tpu.memory_space<hbm>>
        %dma_start3A_102 = tpu.memref_squeeze %dma_start3A_101 : memref<1x128x128xf32, #tpu.memory_space<hbm>> -> memref<128x128xf32, #tpu.memory_space<hbm>>
        %dma_start3A_103 = arith.constant 0 : i32
        %dma_start3A_104 = arith.constant 0 : i32
        %dma_start3A_105 = tpu.memref_slice %arg8[%run_scoped3A_91, %dma_start3A_103, %dma_start3A_104] : memref<2x128x128xf32, #tpu.memory_space<vmem>> -> memref<1x128x128xf32, #tpu.memory_space<vmem>>
        %dma_start3A_106 = tpu.memref_squeeze %dma_start3A_105 : memref<1x128x128xf32, #tpu.memory_space<vmem>> -> memref<128x128xf32, #tpu.memory_space<vmem>>
        tpu.enqueue_dma source(%dma_start3A_106 : memref<128x128xf32, #tpu.memory_space<vmem>>) target(%dma_start3A_102 : memref<128x128xf32, #tpu.memory_space<hbm>>) target_semaphore(%run_scoped3A_92 : memref<!tpu.dma_semaphore, #tpu.memory_space<semaphore_mem>>)
        %dma_wait3A_107 = arith.constant 0 : i32
        %dma_wait3A_108 = arith.constant 0 : i32
        %dma_wait3A_109 = tpu.memref_slice %arg8[%run_scoped3A_91, %dma_wait3A_107, %dma_wait3A_108] : memref<2x128x128xf32, #tpu.memory_space<vmem>> -> memref<1x128x128xf32, #tpu.memory_space<vmem>>
        %dma_wait3A_110 = tpu.memref_squeeze %dma_wait3A_109 : memref<1x128x128xf32, #tpu.memory_space<vmem>> -> memref<128x128xf32, #tpu.memory_space<vmem>>
        %dma_wait3A_111 = arith.constant 0 : i32
        %dma_wait3A_112 = tpu.memref_slice %arg6[%arg0, %add3A_90, %dma_wait3A_111] : memref<2x10240x128xf32, #tpu.memory_space<hbm>> -> memref<1x128x128xf32, #tpu.memory_space<hbm>>
        %dma_wait3A_113 = tpu.memref_squeeze %dma_wait3A_112 : memref<1x128x128xf32, #tpu.memory_space<hbm>> -> memref<128x128xf32, #tpu.memory_space<hbm>>
        %dma_wait3A_114 = arith.constant 0 : i32
        %dma_wait3A_115 = tpu.memref_slice %arg6[%arg0, %add3A_90, %dma_wait3A_114] : memref<2x10240x128xf32, #tpu.memory_space<hbm>> -> memref<1x128x128xf32, #tpu.memory_space<hbm>>
        %dma_wait3A_116 = tpu.memref_squeeze %dma_wait3A_115 : memref<1x128x128xf32, #tpu.memory_space<hbm>> -> memref<128x128xf32, #tpu.memory_space<hbm>>
        %dma_wait3A_117 = arith.constant 0 : i32
        %dma_wait3A_118 = arith.constant 0 : i32
        %dma_wait3A_119 = tpu.memref_slice %arg8[%run_scoped3A_91, %dma_wait3A_117, %dma_wait3A_118] : memref<2x128x128xf32, #tpu.memory_space<vmem>> -> memref<1x128x128xf32, #tpu.memory_space<vmem>>
        %dma_wait3A_120 = tpu.memref_squeeze %dma_wait3A_119 : memref<1x128x128xf32, #tpu.memory_space<vmem>> -> memref<128x128xf32, #tpu.memory_space<vmem>>
        tpu.wait_dma2 semaphore(%run_scoped3A_92 : memref<!tpu.dma_semaphore, #tpu.memory_space<semaphore_mem>>) src(%dma_wait3A_120 : memref<128x128xf32, #tpu.memory_space<vmem>>) dst(%dma_wait3A_116 : memref<128x128xf32, #tpu.memory_space<hbm>>)
        tpu.yield
      }) : () -> ()
    }
    %scan3A_82 = arith.constant 5 : i32
    return
  }
}

#map = affine_map<(d0, d1) -> (0, 0)>
#map1 = affine_map<(d0, d1) -> (0, 0, 0)>
module attributes {stable_mosaic.version = 14 : i64} {
  func.func @_raw_agg(%arg0: i32, %arg1: i32, %arg2: memref<10000x128xf32, #tpu.memory_space<hbm>>, %arg3: memref<2816x128xi32, #tpu.memory_space<hbm>>, %arg4: memref<2816x128xi32, #tpu.memory_space<hbm>>, %arg5: memref<128x128xf32, #tpu.memory_space<hbm>>, %arg6: memref<2x10240x128xf32, #tpu.memory_space<hbm>>, %arg7: memref<10240x128xf32, #tpu.memory_space<vmem_shared>>, %arg8: memref<2x128x128xf32, #tpu.memory_space<vmem>>, %arg9: memref<48x128xi32, #tpu.memory_space<vmem>>, %arg10: memref<48x128xi32, #tpu.memory_space<vmem>>, %arg11: memref<!tpu.dma_semaphore, #tpu.memory_space<semaphore_mem>>, %arg12: memref<!tpu.dma_semaphore, #tpu.memory_space<semaphore_mem>>) attributes {dimension_semantics = [#tpu.dimension_semantics<core_parallel>, #tpu.dimension_semantics<subcore_parallel>], iteration_bounds = array<i64: 2, 16>, scalar_prefetch = 0 : i64, scratch_operands = 6 : i64, tpu.core_type = #tpu.core_type<sc_vector_subcore>, window_params = [{transform_indices = #map}, {transform_indices = #map}, {transform_indices = #map}, {transform_indices = #map}, {transform_indices = #map1}]} {
    %mul3A = arith.constant 640 : i32
    %mul3A_0 = arith.muli %arg1, %mul3A : i32
    %mul3A_1 = arith.constant 16 : i32
    %mul3A_2 = arith.muli %arg0, %mul3A_1 : i32
    %add3A = arith.addi %mul3A_2, %arg1 : i32
    %mul3A_3 = arith.constant 88 : i32
    %mul3A_4 = arith.muli %add3A, %mul3A_3 : i32
    %run_scoped3A = arith.constant 0 : i32
    "tpu.region"() ({
      %run_scoped3A_83 = tpu.sem_alloc : memref<!tpu.dma_semaphore, #tpu.memory_space<semaphore_mem>>
      %dma_start3A_84 = arith.constant 0 : i32
      %dma_start3A_85 = arith.constant 0 : i32
      %dma_start3A_86 = tpu.memref_slice %arg8[%run_scoped3A, %dma_start3A_84, %dma_start3A_85] : memref<2x128x128xf32, #tpu.memory_space<vmem>> -> memref<1x128x128xf32, #tpu.memory_space<vmem>>
      %dma_start3A_87 = tpu.memref_squeeze %dma_start3A_86 : memref<1x128x128xf32, #tpu.memory_space<vmem>> -> memref<128x128xf32, #tpu.memory_space<vmem>>
      %dma_start3A_88 = arith.constant 0 : i32
      %dma_start3A_89 = arith.constant 0 : i32
      %dma_start3A_90 = tpu.memref_slice %arg8[%run_scoped3A, %dma_start3A_88, %dma_start3A_89] : memref<2x128x128xf32, #tpu.memory_space<vmem>> -> memref<1x128x128xf32, #tpu.memory_space<vmem>>
      %dma_start3A_91 = tpu.memref_squeeze %dma_start3A_90 : memref<1x128x128xf32, #tpu.memory_space<vmem>> -> memref<128x128xf32, #tpu.memory_space<vmem>>
      tpu.enqueue_dma source(%arg5 : memref<128x128xf32, #tpu.memory_space<hbm>>) target(%dma_start3A_91 : memref<128x128xf32, #tpu.memory_space<vmem>>) target_semaphore(%run_scoped3A_83 : memref<!tpu.dma_semaphore, #tpu.memory_space<semaphore_mem>>)
      %dma_wait3A_92 = arith.constant 0 : i32
      %dma_wait3A_93 = arith.constant 0 : i32
      %dma_wait3A_94 = tpu.memref_slice %arg8[%run_scoped3A, %dma_wait3A_92, %dma_wait3A_93] : memref<2x128x128xf32, #tpu.memory_space<vmem>> -> memref<1x128x128xf32, #tpu.memory_space<vmem>>
      %dma_wait3A_95 = tpu.memref_squeeze %dma_wait3A_94 : memref<1x128x128xf32, #tpu.memory_space<vmem>> -> memref<128x128xf32, #tpu.memory_space<vmem>>
      %dma_wait3A_96 = arith.constant 0 : i32
      %dma_wait3A_97 = arith.constant 0 : i32
      %dma_wait3A_98 = tpu.memref_slice %arg8[%run_scoped3A, %dma_wait3A_96, %dma_wait3A_97] : memref<2x128x128xf32, #tpu.memory_space<vmem>> -> memref<1x128x128xf32, #tpu.memory_space<vmem>>
      %dma_wait3A_99 = tpu.memref_squeeze %dma_wait3A_98 : memref<1x128x128xf32, #tpu.memory_space<vmem>> -> memref<128x128xf32, #tpu.memory_space<vmem>>
      tpu.wait_dma2 semaphore(%run_scoped3A_83 : memref<!tpu.dma_semaphore, #tpu.memory_space<semaphore_mem>>) src(%arg5 : memref<128x128xf32, #tpu.memory_space<hbm>>) dst(%dma_wait3A_99 : memref<128x128xf32, #tpu.memory_space<vmem>>)
      tpu.yield
    }) : () -> ()
    %scan3A = arith.constant 0 : i32
    %scan3A_5 = arith.constant 0 : i32
    %scan3A_6 = arith.constant 5 : i32
    %scan3A_7 = arith.addi %scan3A_5, %scan3A_6 : i32
    %scan3A_8 = arith.constant 1 : i32
    scf.for %scan3A_83 = %scan3A_5 to %scan3A_7 step %scan3A_8  : i32 {
      %mul3A_84 = arith.constant 128 : i32
      %mul3A_85 = arith.muli %scan3A_83, %mul3A_84 : i32
      %add3A_86 = arith.addi %mul3A_0, %mul3A_85 : i32
      %run_scoped3A_87 = arith.constant 0 : i32
      "tpu.region"() ({
        %run_scoped3A_88 = tpu.sem_alloc : memref<!tpu.dma_semaphore, #tpu.memory_space<semaphore_mem>>
        %dma_start3A_89 = arith.constant 0 : i32
        %dma_start3A_90 = arith.constant 0 : i32
        %dma_start3A_91 = tpu.memref_slice %arg8[%run_scoped3A_87, %dma_start3A_89, %dma_start3A_90] : memref<2x128x128xf32, #tpu.memory_space<vmem>> -> memref<1x128x128xf32, #tpu.memory_space<vmem>>
        %dma_start3A_92 = tpu.memref_squeeze %dma_start3A_91 : memref<1x128x128xf32, #tpu.memory_space<vmem>> -> memref<128x128xf32, #tpu.memory_space<vmem>>
        %dma_start3A_93 = arith.constant 0 : i32
        %dma_start3A_94 = tpu.memref_slice %arg7[%add3A_86, %dma_start3A_93] : memref<10240x128xf32, #tpu.memory_space<vmem_shared>> -> memref<128x128xf32, #tpu.memory_space<vmem_shared>>
        %dma_start3A_95 = arith.constant 0 : i32
        %dma_start3A_96 = tpu.memref_slice %arg7[%add3A_86, %dma_start3A_95] : memref<10240x128xf32, #tpu.memory_space<vmem_shared>> -> memref<128x128xf32, #tpu.memory_space<vmem_shared>>
        %dma_start3A_97 = arith.constant 0 : i32
        %dma_start3A_98 = arith.constant 0 : i32
        %dma_start3A_99 = tpu.memref_slice %arg8[%run_scoped3A_87, %dma_start3A_97, %dma_start3A_98] : memref<2x128x128xf32, #tpu.memory_space<vmem>> -> memref<1x128x128xf32, #tpu.memory_space<vmem>>
        %dma_start3A_100 = tpu.memref_squeeze %dma_start3A_99 : memref<1x128x128xf32, #tpu.memory_space<vmem>> -> memref<128x128xf32, #tpu.memory_space<vmem>>
        tpu.enqueue_dma source(%dma_start3A_100 : memref<128x128xf32, #tpu.memory_space<vmem>>) target(%dma_start3A_96 : memref<128x128xf32, #tpu.memory_space<vmem_shared>>) target_semaphore(%run_scoped3A_88 : memref<!tpu.dma_semaphore, #tpu.memory_space<semaphore_mem>>)
        %dma_wait3A_101 = arith.constant 0 : i32
        %dma_wait3A_102 = arith.constant 0 : i32
        %dma_wait3A_103 = tpu.memref_slice %arg8[%run_scoped3A_87, %dma_wait3A_101, %dma_wait3A_102] : memref<2x128x128xf32, #tpu.memory_space<vmem>> -> memref<1x128x128xf32, #tpu.memory_space<vmem>>
        %dma_wait3A_104 = tpu.memref_squeeze %dma_wait3A_103 : memref<1x128x128xf32, #tpu.memory_space<vmem>> -> memref<128x128xf32, #tpu.memory_space<vmem>>
        %dma_wait3A_105 = arith.constant 0 : i32
        %dma_wait3A_106 = tpu.memref_slice %arg7[%add3A_86, %dma_wait3A_105] : memref<10240x128xf32, #tpu.memory_space<vmem_shared>> -> memref<128x128xf32, #tpu.memory_space<vmem_shared>>
        %dma_wait3A_107 = arith.constant 0 : i32
        %dma_wait3A_108 = tpu.memref_slice %arg7[%add3A_86, %dma_wait3A_107] : memref<10240x128xf32, #tpu.memory_space<vmem_shared>> -> memref<128x128xf32, #tpu.memory_space<vmem_shared>>
        %dma_wait3A_109 = arith.constant 0 : i32
        %dma_wait3A_110 = arith.constant 0 : i32
        %dma_wait3A_111 = tpu.memref_slice %arg8[%run_scoped3A_87, %dma_wait3A_109, %dma_wait3A_110] : memref<2x128x128xf32, #tpu.memory_space<vmem>> -> memref<1x128x128xf32, #tpu.memory_space<vmem>>
        %dma_wait3A_112 = tpu.memref_squeeze %dma_wait3A_111 : memref<1x128x128xf32, #tpu.memory_space<vmem>> -> memref<128x128xf32, #tpu.memory_space<vmem>>
        tpu.wait_dma2 semaphore(%run_scoped3A_88 : memref<!tpu.dma_semaphore, #tpu.memory_space<semaphore_mem>>) src(%dma_wait3A_112 : memref<128x128xf32, #tpu.memory_space<vmem>>) dst(%dma_wait3A_108 : memref<128x128xf32, #tpu.memory_space<vmem_shared>>)
        tpu.yield
      }) : () -> ()
    }
    %scan3A_9 = arith.constant 5 : i32
    %barrier3A = arith.constant 0 : index
    tpu.barrier barrier_id(%barrier3A)
    %add3A_10 = arith.constant 0 : i32
    %add3A_11 = arith.addi %mul3A_4, %add3A_10 : i32
    "tpu.region"() ({
      %run_scoped3A_83 = tpu.sem_alloc : memref<!tpu.dma_semaphore, #tpu.memory_space<semaphore_mem>>
      %dma_start3A_84 = arith.constant 0 : i32
      %dma_start3A_85 = arith.constant 0 : i32
      %dma_start3A_86 = tpu.memref_slice %arg9[%dma_start3A_84, %dma_start3A_85] : memref<48x128xi32, #tpu.memory_space<vmem>> -> memref<48x128xi32, #tpu.memory_space<vmem>>
      %dma_start3A_87 = arith.constant 0 : i32
      %dma_start3A_88 = tpu.memref_slice %arg3[%add3A_11, %dma_start3A_87] : memref<2816x128xi32, #tpu.memory_space<hbm>> -> memref<48x128xi32, #tpu.memory_space<hbm>>
      %dma_start3A_89 = arith.constant 0 : i32
      %dma_start3A_90 = arith.constant 0 : i32
      %dma_start3A_91 = tpu.memref_slice %arg9[%dma_start3A_89, %dma_start3A_90] : memref<48x128xi32, #tpu.memory_space<vmem>> -> memref<48x128xi32, #tpu.memory_space<vmem>>
      %dma_start3A_92 = arith.constant 0 : i32
      %dma_start3A_93 = tpu.memref_slice %arg3[%add3A_11, %dma_start3A_92] : memref<2816x128xi32, #tpu.memory_space<hbm>> -> memref<48x128xi32, #tpu.memory_space<hbm>>
      tpu.enqueue_dma source(%dma_start3A_93 : memref<48x128xi32, #tpu.memory_space<hbm>>) target(%dma_start3A_91 : memref<48x128xi32, #tpu.memory_space<vmem>>) target_semaphore(%run_scoped3A_83 : memref<!tpu.dma_semaphore, #tpu.memory_space<semaphore_mem>>)
      %dma_wait3A_94 = arith.constant 0 : i32
      %dma_wait3A_95 = arith.constant 0 : i32
      %dma_wait3A_96 = tpu.memref_slice %arg9[%dma_wait3A_94, %dma_wait3A_95] : memref<48x128xi32, #tpu.memory_space<vmem>> -> memref<48x128xi32, #tpu.memory_space<vmem>>
      %dma_wait3A_97 = arith.constant 0 : i32
      %dma_wait3A_98 = tpu.memref_slice %arg3[%add3A_11, %dma_wait3A_97] : memref<2816x128xi32, #tpu.memory_space<hbm>> -> memref<48x128xi32, #tpu.memory_space<hbm>>
      %dma_wait3A_99 = arith.constant 0 : i32
      %dma_wait3A_100 = arith.constant 0 : i32
      %dma_wait3A_101 = tpu.memref_slice %arg9[%dma_wait3A_99, %dma_wait3A_100] : memref<48x128xi32, #tpu.memory_space<vmem>> -> memref<48x128xi32, #tpu.memory_space<vmem>>
      %dma_wait3A_102 = arith.constant 0 : i32
      %dma_wait3A_103 = tpu.memref_slice %arg3[%add3A_11, %dma_wait3A_102] : memref<2816x128xi32, #tpu.memory_space<hbm>> -> memref<48x128xi32, #tpu.memory_space<hbm>>
      tpu.wait_dma2 semaphore(%run_scoped3A_83 : memref<!tpu.dma_semaphore, #tpu.memory_space<semaphore_mem>>) src(%dma_wait3A_103 : memref<48x128xi32, #tpu.memory_space<hbm>>) dst(%dma_wait3A_101 : memref<48x128xi32, #tpu.memory_space<vmem>>)
      tpu.yield
    }) : () -> ()
    %add3A_12 = arith.constant 0 : i32
    %add3A_13 = arith.addi %mul3A_4, %add3A_12 : i32
    "tpu.region"() ({
      %run_scoped3A_83 = tpu.sem_alloc : memref<!tpu.dma_semaphore, #tpu.memory_space<semaphore_mem>>
      %dma_start3A_84 = arith.constant 0 : i32
      %dma_start3A_85 = arith.constant 0 : i32
      %dma_start3A_86 = tpu.memref_slice %arg10[%dma_start3A_84, %dma_start3A_85] : memref<48x128xi32, #tpu.memory_space<vmem>> -> memref<48x128xi32, #tpu.memory_space<vmem>>
      %dma_start3A_87 = arith.constant 0 : i32
      %dma_start3A_88 = tpu.memref_slice %arg4[%add3A_13, %dma_start3A_87] : memref<2816x128xi32, #tpu.memory_space<hbm>> -> memref<48x128xi32, #tpu.memory_space<hbm>>
      %dma_start3A_89 = arith.constant 0 : i32
      %dma_start3A_90 = arith.constant 0 : i32
      %dma_start3A_91 = tpu.memref_slice %arg10[%dma_start3A_89, %dma_start3A_90] : memref<48x128xi32, #tpu.memory_space<vmem>> -> memref<48x128xi32, #tpu.memory_space<vmem>>
      %dma_start3A_92 = arith.constant 0 : i32
      %dma_start3A_93 = tpu.memref_slice %arg4[%add3A_13, %dma_start3A_92] : memref<2816x128xi32, #tpu.memory_space<hbm>> -> memref<48x128xi32, #tpu.memory_space<hbm>>
      tpu.enqueue_dma source(%dma_start3A_93 : memref<48x128xi32, #tpu.memory_space<hbm>>) target(%dma_start3A_91 : memref<48x128xi32, #tpu.memory_space<vmem>>) target_semaphore(%run_scoped3A_83 : memref<!tpu.dma_semaphore, #tpu.memory_space<semaphore_mem>>)
      %dma_wait3A_94 = arith.constant 0 : i32
      %dma_wait3A_95 = arith.constant 0 : i32
      %dma_wait3A_96 = tpu.memref_slice %arg10[%dma_wait3A_94, %dma_wait3A_95] : memref<48x128xi32, #tpu.memory_space<vmem>> -> memref<48x128xi32, #tpu.memory_space<vmem>>
      %dma_wait3A_97 = arith.constant 0 : i32
      %dma_wait3A_98 = tpu.memref_slice %arg4[%add3A_13, %dma_wait3A_97] : memref<2816x128xi32, #tpu.memory_space<hbm>> -> memref<48x128xi32, #tpu.memory_space<hbm>>
      %dma_wait3A_99 = arith.constant 0 : i32
      %dma_wait3A_100 = arith.constant 0 : i32
      %dma_wait3A_101 = tpu.memref_slice %arg10[%dma_wait3A_99, %dma_wait3A_100] : memref<48x128xi32, #tpu.memory_space<vmem>> -> memref<48x128xi32, #tpu.memory_space<vmem>>
      %dma_wait3A_102 = arith.constant 0 : i32
      %dma_wait3A_103 = tpu.memref_slice %arg4[%add3A_13, %dma_wait3A_102] : memref<2816x128xi32, #tpu.memory_space<hbm>> -> memref<48x128xi32, #tpu.memory_space<hbm>>
      tpu.wait_dma2 semaphore(%run_scoped3A_83 : memref<!tpu.dma_semaphore, #tpu.memory_space<semaphore_mem>>) src(%dma_wait3A_103 : memref<48x128xi32, #tpu.memory_space<hbm>>) dst(%dma_wait3A_101 : memref<48x128xi32, #tpu.memory_space<vmem>>)
      tpu.yield
    }) : () -> ()
    %dma_start3A = arith.constant 0 : i32
    %dma_start3A_14 = arith.constant 0 : i32
    %dma_start3A_15 = arith.constant 0 : i32
    %dma_start3A_16 = arith.constant 0 : i32
    %dma_start3A_17 = tpu.memref_slice %arg8[%dma_start3A_14, %dma_start3A_15, %dma_start3A_16] : memref<2x128x128xf32, #tpu.memory_space<vmem>> -> memref<1x128x128xf32, #tpu.memory_space<vmem>>
    %dma_start3A_18 = tpu.memref_squeeze %dma_start3A_17 : memref<1x128x128xf32, #tpu.memory_space<vmem>> -> memref<128x128xf32, #tpu.memory_space<vmem>>
    %dma_start3A_19 = arith.constant 0 : i32
    %dma_start3A_20 = tpu.memref_slice %arg9[%dma_start3A, %dma_start3A_19] : memref<48x128xi32, #tpu.memory_space<vmem>> -> memref<1x128xi32, #tpu.memory_space<vmem>>
    %dma_start3A_21 = tpu.memref_squeeze %dma_start3A_20 : memref<1x128xi32, #tpu.memory_space<vmem>> -> memref<128xi32, #tpu.memory_space<vmem>>
    %dma_start3A_22 = arith.constant 0 : i32
    %dma_start3A_23 = arith.constant 0 : i32
    %dma_start3A_24 = tpu.memref_slice %arg2[%dma_start3A_22, %dma_start3A_23] : memref<10000x128xf32, #tpu.memory_space<hbm>> -> memref<10000x128xf32, #tpu.memory_space<hbm>>
    tpu.enqueue_indirect_dma source(%dma_start3A_24 : memref<10000x128xf32, #tpu.memory_space<hbm>>) target(%dma_start3A_18 : memref<128x128xf32, #tpu.memory_space<vmem>>) offsets(%dma_start3A_21 : memref<128xi32, #tpu.memory_space<vmem>>) semaphore(%arg11 : memref<!tpu.dma_semaphore, #tpu.memory_space<semaphore_mem>>)
    %scan3A_25 = arith.constant 0 : i32
    %scan3A_26 = arith.constant 0 : i32
    %scan3A_27 = arith.constant 48 : i32
    %scan3A_28 = arith.addi %scan3A_26, %scan3A_27 : i32
    %scan3A_29 = arith.constant 1 : i32
    scf.for %scan3A_83 = %scan3A_26 to %scan3A_28 step %scan3A_29  : i32 {
      %rem3A = arith.constant 2 : i32
      %rem3A_84 = arith.remsi %scan3A_83, %rem3A : i32
      %add3A_85 = arith.constant 1 : i32
      %add3A_86 = arith.addi %scan3A_83, %add3A_85 : i32
      %rem3A_87 = arith.constant 2 : i32
      %rem3A_88 = arith.remsi %add3A_86, %rem3A_87 : i32
      %dma_wait3A_89 = arith.constant 0 : i32
      %dma_wait3A_90 = arith.constant 0 : i32
      %dma_wait3A_91 = tpu.memref_slice %arg8[%rem3A_84, %dma_wait3A_89, %dma_wait3A_90] : memref<2x128x128xf32, #tpu.memory_space<vmem>> -> memref<1x128x128xf32, #tpu.memory_space<vmem>>
      %dma_wait3A_92 = tpu.memref_squeeze %dma_wait3A_91 : memref<1x128x128xf32, #tpu.memory_space<vmem>> -> memref<128x128xf32, #tpu.memory_space<vmem>>
      %dma_wait3A_93 = arith.constant 0 : i32
      %dma_wait3A_94 = tpu.memref_slice %arg9[%scan3A_83, %dma_wait3A_93] : memref<48x128xi32, #tpu.memory_space<vmem>> -> memref<1x128xi32, #tpu.memory_space<vmem>>
      %dma_wait3A_95 = tpu.memref_squeeze %dma_wait3A_94 : memref<1x128xi32, #tpu.memory_space<vmem>> -> memref<128xi32, #tpu.memory_space<vmem>>
      %dma_wait3A_96 = arith.constant 0 : i32
      %dma_wait3A_97 = arith.constant 0 : i32
      %dma_wait3A_98 = tpu.memref_slice %arg2[%dma_wait3A_96, %dma_wait3A_97] : memref<10000x128xf32, #tpu.memory_space<hbm>> -> memref<10000x128xf32, #tpu.memory_space<hbm>>
      tpu.wait_indirect_dma semaphore(%arg11 : memref<!tpu.dma_semaphore, #tpu.memory_space<semaphore_mem>>) src(%dma_wait3A_98 : memref<10000x128xf32, #tpu.memory_space<hbm>>) dst(%dma_wait3A_92 : memref<128x128xf32, #tpu.memory_space<vmem>>)
      %ge3A = arith.constant 1 : i32
      %ge3A_99 = arith.cmpi sge, %scan3A_83, %ge3A : i32
      %convert_element_type3A = arith.extui %ge3A_99 : i1 to i32
      %cond3A = arith.constant 0 : i32
      %cond3A_100 = arith.cmpi ne, %convert_element_type3A, %cond3A : i32
      scf.if %cond3A_100 {
        %sub3A = arith.constant 1 : i32
        %sub3A_117 = arith.subi %scan3A_83, %sub3A : i32
        %dma_wait3A_118 = arith.constant 0 : i32
        %dma_wait3A_119 = arith.constant 0 : i32
        %dma_wait3A_120 = tpu.memref_slice %arg8[%rem3A_88, %dma_wait3A_118, %dma_wait3A_119] : memref<2x128x128xf32, #tpu.memory_space<vmem>> -> memref<1x128x128xf32, #tpu.memory_space<vmem>>
        %dma_wait3A_121 = tpu.memref_squeeze %dma_wait3A_120 : memref<1x128x128xf32, #tpu.memory_space<vmem>> -> memref<128x128xf32, #tpu.memory_space<vmem>>
        %dma_wait3A_122 = arith.constant 0 : i32
        %dma_wait3A_123 = tpu.memref_slice %arg10[%sub3A_117, %dma_wait3A_122] : memref<48x128xi32, #tpu.memory_space<vmem>> -> memref<1x128xi32, #tpu.memory_space<vmem>>
        %dma_wait3A_124 = tpu.memref_squeeze %dma_wait3A_123 : memref<1x128xi32, #tpu.memory_space<vmem>> -> memref<128xi32, #tpu.memory_space<vmem>>
        %dma_wait3A_125 = arith.constant 0 : i32
        %dma_wait3A_126 = arith.constant 0 : i32
        %dma_wait3A_127 = tpu.memref_slice %arg7[%dma_wait3A_125, %dma_wait3A_126] : memref<10240x128xf32, #tpu.memory_space<vmem_shared>> -> memref<10240x128xf32, #tpu.memory_space<vmem_shared>>
        tpu.wait_indirect_dma semaphore(%arg12 : memref<!tpu.dma_semaphore, #tpu.memory_space<semaphore_mem>>) src(%dma_wait3A_121 : memref<128x128xf32, #tpu.memory_space<vmem>>) dst(%dma_wait3A_127 : memref<10240x128xf32, #tpu.memory_space<vmem_shared>>)
      } else {
      }
      %add3A_101 = arith.constant 1 : i32
      %add3A_102 = arith.addi %scan3A_83, %add3A_101 : i32
      %lt3A = arith.constant 48 : i32
      %lt3A_103 = arith.cmpi slt, %add3A_102, %lt3A : i32
      %convert_element_type3A_104 = arith.extui %lt3A_103 : i1 to i32
      %cond3A_105 = arith.constant 0 : i32
      %cond3A_106 = arith.cmpi ne, %convert_element_type3A_104, %cond3A_105 : i32
      scf.if %cond3A_106 {
        %add3A_117 = arith.constant 1 : i32
        %add3A_118 = arith.addi %scan3A_83, %add3A_117 : i32
        %dma_start3A_119 = arith.constant 0 : i32
        %dma_start3A_120 = arith.constant 0 : i32
        %dma_start3A_121 = tpu.memref_slice %arg8[%rem3A_88, %dma_start3A_119, %dma_start3A_120] : memref<2x128x128xf32, #tpu.memory_space<vmem>> -> memref<1x128x128xf32, #tpu.memory_space<vmem>>
        %dma_start3A_122 = tpu.memref_squeeze %dma_start3A_121 : memref<1x128x128xf32, #tpu.memory_space<vmem>> -> memref<128x128xf32, #tpu.memory_space<vmem>>
        %dma_start3A_123 = arith.constant 0 : i32
        %dma_start3A_124 = tpu.memref_slice %arg9[%add3A_118, %dma_start3A_123] : memref<48x128xi32, #tpu.memory_space<vmem>> -> memref<1x128xi32, #tpu.memory_space<vmem>>
        %dma_start3A_125 = tpu.memref_squeeze %dma_start3A_124 : memref<1x128xi32, #tpu.memory_space<vmem>> -> memref<128xi32, #tpu.memory_space<vmem>>
        %dma_start3A_126 = arith.constant 0 : i32
        %dma_start3A_127 = arith.constant 0 : i32
        %dma_start3A_128 = tpu.memref_slice %arg2[%dma_start3A_126, %dma_start3A_127] : memref<10000x128xf32, #tpu.memory_space<hbm>> -> memref<10000x128xf32, #tpu.memory_space<hbm>>
        tpu.enqueue_indirect_dma source(%dma_start3A_128 : memref<10000x128xf32, #tpu.memory_space<hbm>>) target(%dma_start3A_122 : memref<128x128xf32, #tpu.memory_space<vmem>>) offsets(%dma_start3A_125 : memref<128xi32, #tpu.memory_space<vmem>>) semaphore(%arg11 : memref<!tpu.dma_semaphore, #tpu.memory_space<semaphore_mem>>)
      } else {
      }
      %dma_start3A_107 = arith.constant 0 : i32
      %dma_start3A_108 = arith.constant 0 : i32
      %dma_start3A_109 = tpu.memref_slice %arg8[%rem3A_84, %dma_start3A_107, %dma_start3A_108] : memref<2x128x128xf32, #tpu.memory_space<vmem>> -> memref<1x128x128xf32, #tpu.memory_space<vmem>>
      %dma_start3A_110 = tpu.memref_squeeze %dma_start3A_109 : memref<1x128x128xf32, #tpu.memory_space<vmem>> -> memref<128x128xf32, #tpu.memory_space<vmem>>
      %dma_start3A_111 = arith.constant 0 : i32
      %dma_start3A_112 = tpu.memref_slice %arg10[%scan3A_83, %dma_start3A_111] : memref<48x128xi32, #tpu.memory_space<vmem>> -> memref<1x128xi32, #tpu.memory_space<vmem>>
      %dma_start3A_113 = tpu.memref_squeeze %dma_start3A_112 : memref<1x128xi32, #tpu.memory_space<vmem>> -> memref<128xi32, #tpu.memory_space<vmem>>
      %dma_start3A_114 = arith.constant 0 : i32
      %dma_start3A_115 = arith.constant 0 : i32
      %dma_start3A_116 = tpu.memref_slice %arg7[%dma_start3A_114, %dma_start3A_115] : memref<10240x128xf32, #tpu.memory_space<vmem_shared>> -> memref<10240x128xf32, #tpu.memory_space<vmem_shared>>
      tpu.enqueue_indirect_dma source(%dma_start3A_110 : memref<128x128xf32, #tpu.memory_space<vmem>>) target(%dma_start3A_116 : memref<10240x128xf32, #tpu.memory_space<vmem_shared>>) offsets(%dma_start3A_113 : memref<128xi32, #tpu.memory_space<vmem>>) semaphore(%arg12 : memref<!tpu.dma_semaphore, #tpu.memory_space<semaphore_mem>>) {add = true}
    }
    %scan3A_30 = arith.constant 48 : i32
    %dma_wait3A = arith.constant 1 : i32
    %dma_wait3A_31 = arith.constant 47 : i32
    %dma_wait3A_32 = arith.constant 0 : i32
    %dma_wait3A_33 = arith.constant 0 : i32
    %dma_wait3A_34 = tpu.memref_slice %arg8[%dma_wait3A, %dma_wait3A_32, %dma_wait3A_33] : memref<2x128x128xf32, #tpu.memory_space<vmem>> -> memref<1x128x128xf32, #tpu.memory_space<vmem>>
    %dma_wait3A_35 = tpu.memref_squeeze %dma_wait3A_34 : memref<1x128x128xf32, #tpu.memory_space<vmem>> -> memref<128x128xf32, #tpu.memory_space<vmem>>
    %dma_wait3A_36 = arith.constant 0 : i32
    %dma_wait3A_37 = tpu.memref_slice %arg10[%dma_wait3A_31, %dma_wait3A_36] : memref<48x128xi32, #tpu.memory_space<vmem>> -> memref<1x128xi32, #tpu.memory_space<vmem>>
    %dma_wait3A_38 = tpu.memref_squeeze %dma_wait3A_37 : memref<1x128xi32, #tpu.memory_space<vmem>> -> memref<128xi32, #tpu.memory_space<vmem>>
    %dma_wait3A_39 = arith.constant 0 : i32
    %dma_wait3A_40 = arith.constant 0 : i32
    %dma_wait3A_41 = tpu.memref_slice %arg7[%dma_wait3A_39, %dma_wait3A_40] : memref<10240x128xf32, #tpu.memory_space<vmem_shared>> -> memref<10240x128xf32, #tpu.memory_space<vmem_shared>>
    tpu.wait_indirect_dma semaphore(%arg12 : memref<!tpu.dma_semaphore, #tpu.memory_space<semaphore_mem>>) src(%dma_wait3A_35 : memref<128x128xf32, #tpu.memory_space<vmem>>) dst(%dma_wait3A_41 : memref<10240x128xf32, #tpu.memory_space<vmem_shared>>)
    %add3A_42 = arith.constant 48 : i32
    %add3A_43 = arith.addi %mul3A_4, %add3A_42 : i32
    "tpu.region"() ({
      %run_scoped3A_83 = tpu.sem_alloc : memref<!tpu.dma_semaphore, #tpu.memory_space<semaphore_mem>>
      %dma_start3A_84 = arith.constant 0 : i32
      %dma_start3A_85 = arith.constant 0 : i32
      %dma_start3A_86 = tpu.memref_slice %arg9[%dma_start3A_84, %dma_start3A_85] : memref<48x128xi32, #tpu.memory_space<vmem>> -> memref<40x128xi32, #tpu.memory_space<vmem>>
      %dma_start3A_87 = arith.constant 0 : i32
      %dma_start3A_88 = tpu.memref_slice %arg3[%add3A_43, %dma_start3A_87] : memref<2816x128xi32, #tpu.memory_space<hbm>> -> memref<40x128xi32, #tpu.memory_space<hbm>>
      %dma_start3A_89 = arith.constant 0 : i32
      %dma_start3A_90 = arith.constant 0 : i32
      %dma_start3A_91 = tpu.memref_slice %arg9[%dma_start3A_89, %dma_start3A_90] : memref<48x128xi32, #tpu.memory_space<vmem>> -> memref<40x128xi32, #tpu.memory_space<vmem>>
      %dma_start3A_92 = arith.constant 0 : i32
      %dma_start3A_93 = tpu.memref_slice %arg3[%add3A_43, %dma_start3A_92] : memref<2816x128xi32, #tpu.memory_space<hbm>> -> memref<40x128xi32, #tpu.memory_space<hbm>>
      tpu.enqueue_dma source(%dma_start3A_93 : memref<40x128xi32, #tpu.memory_space<hbm>>) target(%dma_start3A_91 : memref<40x128xi32, #tpu.memory_space<vmem>>) target_semaphore(%run_scoped3A_83 : memref<!tpu.dma_semaphore, #tpu.memory_space<semaphore_mem>>)
      %dma_wait3A_94 = arith.constant 0 : i32
      %dma_wait3A_95 = arith.constant 0 : i32
      %dma_wait3A_96 = tpu.memref_slice %arg9[%dma_wait3A_94, %dma_wait3A_95] : memref<48x128xi32, #tpu.memory_space<vmem>> -> memref<40x128xi32, #tpu.memory_space<vmem>>
      %dma_wait3A_97 = arith.constant 0 : i32
      %dma_wait3A_98 = tpu.memref_slice %arg3[%add3A_43, %dma_wait3A_97] : memref<2816x128xi32, #tpu.memory_space<hbm>> -> memref<40x128xi32, #tpu.memory_space<hbm>>
      %dma_wait3A_99 = arith.constant 0 : i32
      %dma_wait3A_100 = arith.constant 0 : i32
      %dma_wait3A_101 = tpu.memref_slice %arg9[%dma_wait3A_99, %dma_wait3A_100] : memref<48x128xi32, #tpu.memory_space<vmem>> -> memref<40x128xi32, #tpu.memory_space<vmem>>
      %dma_wait3A_102 = arith.constant 0 : i32
      %dma_wait3A_103 = tpu.memref_slice %arg3[%add3A_43, %dma_wait3A_102] : memref<2816x128xi32, #tpu.memory_space<hbm>> -> memref<40x128xi32, #tpu.memory_space<hbm>>
      tpu.wait_dma2 semaphore(%run_scoped3A_83 : memref<!tpu.dma_semaphore, #tpu.memory_space<semaphore_mem>>) src(%dma_wait3A_103 : memref<40x128xi32, #tpu.memory_space<hbm>>) dst(%dma_wait3A_101 : memref<40x128xi32, #tpu.memory_space<vmem>>)
      tpu.yield
    }) : () -> ()
    %add3A_44 = arith.constant 48 : i32
    %add3A_45 = arith.addi %mul3A_4, %add3A_44 : i32
    "tpu.region"() ({
      %run_scoped3A_83 = tpu.sem_alloc : memref<!tpu.dma_semaphore, #tpu.memory_space<semaphore_mem>>
      %dma_start3A_84 = arith.constant 0 : i32
      %dma_start3A_85 = arith.constant 0 : i32
      %dma_start3A_86 = tpu.memref_slice %arg10[%dma_start3A_84, %dma_start3A_85] : memref<48x128xi32, #tpu.memory_space<vmem>> -> memref<40x128xi32, #tpu.memory_space<vmem>>
      %dma_start3A_87 = arith.constant 0 : i32
      %dma_start3A_88 = tpu.memref_slice %arg4[%add3A_45, %dma_start3A_87] : memref<2816x128xi32, #tpu.memory_space<hbm>> -> memref<40x128xi32, #tpu.memory_space<hbm>>
      %dma_start3A_89 = arith.constant 0 : i32
      %dma_start3A_90 = arith.constant 0 : i32
      %dma_start3A_91 = tpu.memref_slice %arg10[%dma_start3A_89, %dma_start3A_90] : memref<48x128xi32, #tpu.memory_space<vmem>> -> memref<40x128xi32, #tpu.memory_space<vmem>>
      %dma_start3A_92 = arith.constant 0 : i32
      %dma_start3A_93 = tpu.memref_slice %arg4[%add3A_45, %dma_start3A_92] : memref<2816x128xi32, #tpu.memory_space<hbm>> -> memref<40x128xi32, #tpu.memory_space<hbm>>
      tpu.enqueue_dma source(%dma_start3A_93 : memref<40x128xi32, #tpu.memory_space<hbm>>) target(%dma_start3A_91 : memref<40x128xi32, #tpu.memory_space<vmem>>) target_semaphore(%run_scoped3A_83 : memref<!tpu.dma_semaphore, #tpu.memory_space<semaphore_mem>>)
      %dma_wait3A_94 = arith.constant 0 : i32
      %dma_wait3A_95 = arith.constant 0 : i32
      %dma_wait3A_96 = tpu.memref_slice %arg10[%dma_wait3A_94, %dma_wait3A_95] : memref<48x128xi32, #tpu.memory_space<vmem>> -> memref<40x128xi32, #tpu.memory_space<vmem>>
      %dma_wait3A_97 = arith.constant 0 : i32
      %dma_wait3A_98 = tpu.memref_slice %arg4[%add3A_45, %dma_wait3A_97] : memref<2816x128xi32, #tpu.memory_space<hbm>> -> memref<40x128xi32, #tpu.memory_space<hbm>>
      %dma_wait3A_99 = arith.constant 0 : i32
      %dma_wait3A_100 = arith.constant 0 : i32
      %dma_wait3A_101 = tpu.memref_slice %arg10[%dma_wait3A_99, %dma_wait3A_100] : memref<48x128xi32, #tpu.memory_space<vmem>> -> memref<40x128xi32, #tpu.memory_space<vmem>>
      %dma_wait3A_102 = arith.constant 0 : i32
      %dma_wait3A_103 = tpu.memref_slice %arg4[%add3A_45, %dma_wait3A_102] : memref<2816x128xi32, #tpu.memory_space<hbm>> -> memref<40x128xi32, #tpu.memory_space<hbm>>
      tpu.wait_dma2 semaphore(%run_scoped3A_83 : memref<!tpu.dma_semaphore, #tpu.memory_space<semaphore_mem>>) src(%dma_wait3A_103 : memref<40x128xi32, #tpu.memory_space<hbm>>) dst(%dma_wait3A_101 : memref<40x128xi32, #tpu.memory_space<vmem>>)
      tpu.yield
    }) : () -> ()
    %dma_start3A_46 = arith.constant 0 : i32
    %dma_start3A_47 = arith.constant 0 : i32
    %dma_start3A_48 = arith.constant 0 : i32
    %dma_start3A_49 = arith.constant 0 : i32
    %dma_start3A_50 = tpu.memref_slice %arg8[%dma_start3A_47, %dma_start3A_48, %dma_start3A_49] : memref<2x128x128xf32, #tpu.memory_space<vmem>> -> memref<1x128x128xf32, #tpu.memory_space<vmem>>
    %dma_start3A_51 = tpu.memref_squeeze %dma_start3A_50 : memref<1x128x128xf32, #tpu.memory_space<vmem>> -> memref<128x128xf32, #tpu.memory_space<vmem>>
    %dma_start3A_52 = arith.constant 0 : i32
    %dma_start3A_53 = tpu.memref_slice %arg9[%dma_start3A_46, %dma_start3A_52] : memref<48x128xi32, #tpu.memory_space<vmem>> -> memref<1x128xi32, #tpu.memory_space<vmem>>
    %dma_start3A_54 = tpu.memref_squeeze %dma_start3A_53 : memref<1x128xi32, #tpu.memory_space<vmem>> -> memref<128xi32, #tpu.memory_space<vmem>>
    %dma_start3A_55 = arith.constant 0 : i32
    %dma_start3A_56 = arith.constant 0 : i32
    %dma_start3A_57 = tpu.memref_slice %arg2[%dma_start3A_55, %dma_start3A_56] : memref<10000x128xf32, #tpu.memory_space<hbm>> -> memref<10000x128xf32, #tpu.memory_space<hbm>>
    tpu.enqueue_indirect_dma source(%dma_start3A_57 : memref<10000x128xf32, #tpu.memory_space<hbm>>) target(%dma_start3A_51 : memref<128x128xf32, #tpu.memory_space<vmem>>) offsets(%dma_start3A_54 : memref<128xi32, #tpu.memory_space<vmem>>) semaphore(%arg11 : memref<!tpu.dma_semaphore, #tpu.memory_space<semaphore_mem>>)
    %scan3A_58 = arith.constant 0 : i32
    %scan3A_59 = arith.constant 0 : i32
    %scan3A_60 = arith.constant 40 : i32
    %scan3A_61 = arith.addi %scan3A_59, %scan3A_60 : i32
    %scan3A_62 = arith.constant 1 : i32
    scf.for %scan3A_83 = %scan3A_59 to %scan3A_61 step %scan3A_62  : i32 {
      %rem3A = arith.constant 2 : i32
      %rem3A_84 = arith.remsi %scan3A_83, %rem3A : i32
      %add3A_85 = arith.constant 1 : i32
      %add3A_86 = arith.addi %scan3A_83, %add3A_85 : i32
      %rem3A_87 = arith.constant 2 : i32
      %rem3A_88 = arith.remsi %add3A_86, %rem3A_87 : i32
      %dma_wait3A_89 = arith.constant 0 : i32
      %dma_wait3A_90 = arith.constant 0 : i32
      %dma_wait3A_91 = tpu.memref_slice %arg8[%rem3A_84, %dma_wait3A_89, %dma_wait3A_90] : memref<2x128x128xf32, #tpu.memory_space<vmem>> -> memref<1x128x128xf32, #tpu.memory_space<vmem>>
      %dma_wait3A_92 = tpu.memref_squeeze %dma_wait3A_91 : memref<1x128x128xf32, #tpu.memory_space<vmem>> -> memref<128x128xf32, #tpu.memory_space<vmem>>
      %dma_wait3A_93 = arith.constant 0 : i32
      %dma_wait3A_94 = tpu.memref_slice %arg9[%scan3A_83, %dma_wait3A_93] : memref<48x128xi32, #tpu.memory_space<vmem>> -> memref<1x128xi32, #tpu.memory_space<vmem>>
      %dma_wait3A_95 = tpu.memref_squeeze %dma_wait3A_94 : memref<1x128xi32, #tpu.memory_space<vmem>> -> memref<128xi32, #tpu.memory_space<vmem>>
      %dma_wait3A_96 = arith.constant 0 : i32
      %dma_wait3A_97 = arith.constant 0 : i32
      %dma_wait3A_98 = tpu.memref_slice %arg2[%dma_wait3A_96, %dma_wait3A_97] : memref<10000x128xf32, #tpu.memory_space<hbm>> -> memref<10000x128xf32, #tpu.memory_space<hbm>>
      tpu.wait_indirect_dma semaphore(%arg11 : memref<!tpu.dma_semaphore, #tpu.memory_space<semaphore_mem>>) src(%dma_wait3A_98 : memref<10000x128xf32, #tpu.memory_space<hbm>>) dst(%dma_wait3A_92 : memref<128x128xf32, #tpu.memory_space<vmem>>)
      %ge3A = arith.constant 1 : i32
      %ge3A_99 = arith.cmpi sge, %scan3A_83, %ge3A : i32
      %convert_element_type3A = arith.extui %ge3A_99 : i1 to i32
      %cond3A = arith.constant 0 : i32
      %cond3A_100 = arith.cmpi ne, %convert_element_type3A, %cond3A : i32
      scf.if %cond3A_100 {
        %sub3A = arith.constant 1 : i32
        %sub3A_117 = arith.subi %scan3A_83, %sub3A : i32
        %dma_wait3A_118 = arith.constant 0 : i32
        %dma_wait3A_119 = arith.constant 0 : i32
        %dma_wait3A_120 = tpu.memref_slice %arg8[%rem3A_88, %dma_wait3A_118, %dma_wait3A_119] : memref<2x128x128xf32, #tpu.memory_space<vmem>> -> memref<1x128x128xf32, #tpu.memory_space<vmem>>
        %dma_wait3A_121 = tpu.memref_squeeze %dma_wait3A_120 : memref<1x128x128xf32, #tpu.memory_space<vmem>> -> memref<128x128xf32, #tpu.memory_space<vmem>>
        %dma_wait3A_122 = arith.constant 0 : i32
        %dma_wait3A_123 = tpu.memref_slice %arg10[%sub3A_117, %dma_wait3A_122] : memref<48x128xi32, #tpu.memory_space<vmem>> -> memref<1x128xi32, #tpu.memory_space<vmem>>
        %dma_wait3A_124 = tpu.memref_squeeze %dma_wait3A_123 : memref<1x128xi32, #tpu.memory_space<vmem>> -> memref<128xi32, #tpu.memory_space<vmem>>
        %dma_wait3A_125 = arith.constant 0 : i32
        %dma_wait3A_126 = arith.constant 0 : i32
        %dma_wait3A_127 = tpu.memref_slice %arg7[%dma_wait3A_125, %dma_wait3A_126] : memref<10240x128xf32, #tpu.memory_space<vmem_shared>> -> memref<10240x128xf32, #tpu.memory_space<vmem_shared>>
        tpu.wait_indirect_dma semaphore(%arg12 : memref<!tpu.dma_semaphore, #tpu.memory_space<semaphore_mem>>) src(%dma_wait3A_121 : memref<128x128xf32, #tpu.memory_space<vmem>>) dst(%dma_wait3A_127 : memref<10240x128xf32, #tpu.memory_space<vmem_shared>>)
      } else {
      }
      %add3A_101 = arith.constant 1 : i32
      %add3A_102 = arith.addi %scan3A_83, %add3A_101 : i32
      %lt3A = arith.constant 40 : i32
      %lt3A_103 = arith.cmpi slt, %add3A_102, %lt3A : i32
      %convert_element_type3A_104 = arith.extui %lt3A_103 : i1 to i32
      %cond3A_105 = arith.constant 0 : i32
      %cond3A_106 = arith.cmpi ne, %convert_element_type3A_104, %cond3A_105 : i32
      scf.if %cond3A_106 {
        %add3A_117 = arith.constant 1 : i32
        %add3A_118 = arith.addi %scan3A_83, %add3A_117 : i32
        %dma_start3A_119 = arith.constant 0 : i32
        %dma_start3A_120 = arith.constant 0 : i32
        %dma_start3A_121 = tpu.memref_slice %arg8[%rem3A_88, %dma_start3A_119, %dma_start3A_120] : memref<2x128x128xf32, #tpu.memory_space<vmem>> -> memref<1x128x128xf32, #tpu.memory_space<vmem>>
        %dma_start3A_122 = tpu.memref_squeeze %dma_start3A_121 : memref<1x128x128xf32, #tpu.memory_space<vmem>> -> memref<128x128xf32, #tpu.memory_space<vmem>>
        %dma_start3A_123 = arith.constant 0 : i32
        %dma_start3A_124 = tpu.memref_slice %arg9[%add3A_118, %dma_start3A_123] : memref<48x128xi32, #tpu.memory_space<vmem>> -> memref<1x128xi32, #tpu.memory_space<vmem>>
        %dma_start3A_125 = tpu.memref_squeeze %dma_start3A_124 : memref<1x128xi32, #tpu.memory_space<vmem>> -> memref<128xi32, #tpu.memory_space<vmem>>
        %dma_start3A_126 = arith.constant 0 : i32
        %dma_start3A_127 = arith.constant 0 : i32
        %dma_start3A_128 = tpu.memref_slice %arg2[%dma_start3A_126, %dma_start3A_127] : memref<10000x128xf32, #tpu.memory_space<hbm>> -> memref<10000x128xf32, #tpu.memory_space<hbm>>
        tpu.enqueue_indirect_dma source(%dma_start3A_128 : memref<10000x128xf32, #tpu.memory_space<hbm>>) target(%dma_start3A_122 : memref<128x128xf32, #tpu.memory_space<vmem>>) offsets(%dma_start3A_125 : memref<128xi32, #tpu.memory_space<vmem>>) semaphore(%arg11 : memref<!tpu.dma_semaphore, #tpu.memory_space<semaphore_mem>>)
      } else {
      }
      %dma_start3A_107 = arith.constant 0 : i32
      %dma_start3A_108 = arith.constant 0 : i32
      %dma_start3A_109 = tpu.memref_slice %arg8[%rem3A_84, %dma_start3A_107, %dma_start3A_108] : memref<2x128x128xf32, #tpu.memory_space<vmem>> -> memref<1x128x128xf32, #tpu.memory_space<vmem>>
      %dma_start3A_110 = tpu.memref_squeeze %dma_start3A_109 : memref<1x128x128xf32, #tpu.memory_space<vmem>> -> memref<128x128xf32, #tpu.memory_space<vmem>>
      %dma_start3A_111 = arith.constant 0 : i32
      %dma_start3A_112 = tpu.memref_slice %arg10[%scan3A_83, %dma_start3A_111] : memref<48x128xi32, #tpu.memory_space<vmem>> -> memref<1x128xi32, #tpu.memory_space<vmem>>
      %dma_start3A_113 = tpu.memref_squeeze %dma_start3A_112 : memref<1x128xi32, #tpu.memory_space<vmem>> -> memref<128xi32, #tpu.memory_space<vmem>>
      %dma_start3A_114 = arith.constant 0 : i32
      %dma_start3A_115 = arith.constant 0 : i32
      %dma_start3A_116 = tpu.memref_slice %arg7[%dma_start3A_114, %dma_start3A_115] : memref<10240x128xf32, #tpu.memory_space<vmem_shared>> -> memref<10240x128xf32, #tpu.memory_space<vmem_shared>>
      tpu.enqueue_indirect_dma source(%dma_start3A_110 : memref<128x128xf32, #tpu.memory_space<vmem>>) target(%dma_start3A_116 : memref<10240x128xf32, #tpu.memory_space<vmem_shared>>) offsets(%dma_start3A_113 : memref<128xi32, #tpu.memory_space<vmem>>) semaphore(%arg12 : memref<!tpu.dma_semaphore, #tpu.memory_space<semaphore_mem>>) {add = true}
    }
    %scan3A_63 = arith.constant 40 : i32
    %dma_wait3A_64 = arith.constant 1 : i32
    %dma_wait3A_65 = arith.constant 39 : i32
    %dma_wait3A_66 = arith.constant 0 : i32
    %dma_wait3A_67 = arith.constant 0 : i32
    %dma_wait3A_68 = tpu.memref_slice %arg8[%dma_wait3A_64, %dma_wait3A_66, %dma_wait3A_67] : memref<2x128x128xf32, #tpu.memory_space<vmem>> -> memref<1x128x128xf32, #tpu.memory_space<vmem>>
    %dma_wait3A_69 = tpu.memref_squeeze %dma_wait3A_68 : memref<1x128x128xf32, #tpu.memory_space<vmem>> -> memref<128x128xf32, #tpu.memory_space<vmem>>
    %dma_wait3A_70 = arith.constant 0 : i32
    %dma_wait3A_71 = tpu.memref_slice %arg10[%dma_wait3A_65, %dma_wait3A_70] : memref<48x128xi32, #tpu.memory_space<vmem>> -> memref<1x128xi32, #tpu.memory_space<vmem>>
    %dma_wait3A_72 = tpu.memref_squeeze %dma_wait3A_71 : memref<1x128xi32, #tpu.memory_space<vmem>> -> memref<128xi32, #tpu.memory_space<vmem>>
    %dma_wait3A_73 = arith.constant 0 : i32
    %dma_wait3A_74 = arith.constant 0 : i32
    %dma_wait3A_75 = tpu.memref_slice %arg7[%dma_wait3A_73, %dma_wait3A_74] : memref<10240x128xf32, #tpu.memory_space<vmem_shared>> -> memref<10240x128xf32, #tpu.memory_space<vmem_shared>>
    tpu.wait_indirect_dma semaphore(%arg12 : memref<!tpu.dma_semaphore, #tpu.memory_space<semaphore_mem>>) src(%dma_wait3A_69 : memref<128x128xf32, #tpu.memory_space<vmem>>) dst(%dma_wait3A_75 : memref<10240x128xf32, #tpu.memory_space<vmem_shared>>)
    %barrier3A_76 = arith.constant 0 : index
    tpu.barrier barrier_id(%barrier3A_76)
    %scan3A_77 = arith.constant 0 : i32
    %scan3A_78 = arith.constant 0 : i32
    %scan3A_79 = arith.constant 5 : i32
    %scan3A_80 = arith.addi %scan3A_78, %scan3A_79 : i32
    %scan3A_81 = arith.constant 1 : i32
    scf.for %scan3A_83 = %scan3A_78 to %scan3A_80 step %scan3A_81  : i32 {
      %mul3A_84 = arith.constant 128 : i32
      %mul3A_85 = arith.muli %scan3A_83, %mul3A_84 : i32
      %add3A_86 = arith.addi %mul3A_0, %mul3A_85 : i32
      %run_scoped3A_87 = arith.constant 0 : i32
      "tpu.region"() ({
        %run_scoped3A_92 = tpu.sem_alloc : memref<!tpu.dma_semaphore, #tpu.memory_space<semaphore_mem>>
        %dma_start3A_93 = arith.constant 0 : i32
        %dma_start3A_94 = arith.constant 0 : i32
        %dma_start3A_95 = tpu.memref_slice %arg8[%run_scoped3A_87, %dma_start3A_93, %dma_start3A_94] : memref<2x128x128xf32, #tpu.memory_space<vmem>> -> memref<1x128x128xf32, #tpu.memory_space<vmem>>
        %dma_start3A_96 = tpu.memref_squeeze %dma_start3A_95 : memref<1x128x128xf32, #tpu.memory_space<vmem>> -> memref<128x128xf32, #tpu.memory_space<vmem>>
        %dma_start3A_97 = arith.constant 0 : i32
        %dma_start3A_98 = tpu.memref_slice %arg7[%add3A_86, %dma_start3A_97] : memref<10240x128xf32, #tpu.memory_space<vmem_shared>> -> memref<128x128xf32, #tpu.memory_space<vmem_shared>>
        %dma_start3A_99 = arith.constant 0 : i32
        %dma_start3A_100 = arith.constant 0 : i32
        %dma_start3A_101 = tpu.memref_slice %arg8[%run_scoped3A_87, %dma_start3A_99, %dma_start3A_100] : memref<2x128x128xf32, #tpu.memory_space<vmem>> -> memref<1x128x128xf32, #tpu.memory_space<vmem>>
        %dma_start3A_102 = tpu.memref_squeeze %dma_start3A_101 : memref<1x128x128xf32, #tpu.memory_space<vmem>> -> memref<128x128xf32, #tpu.memory_space<vmem>>
        %dma_start3A_103 = arith.constant 0 : i32
        %dma_start3A_104 = tpu.memref_slice %arg7[%add3A_86, %dma_start3A_103] : memref<10240x128xf32, #tpu.memory_space<vmem_shared>> -> memref<128x128xf32, #tpu.memory_space<vmem_shared>>
        tpu.enqueue_dma source(%dma_start3A_104 : memref<128x128xf32, #tpu.memory_space<vmem_shared>>) target(%dma_start3A_102 : memref<128x128xf32, #tpu.memory_space<vmem>>) target_semaphore(%run_scoped3A_92 : memref<!tpu.dma_semaphore, #tpu.memory_space<semaphore_mem>>)
        %dma_wait3A_105 = arith.constant 0 : i32
        %dma_wait3A_106 = arith.constant 0 : i32
        %dma_wait3A_107 = tpu.memref_slice %arg8[%run_scoped3A_87, %dma_wait3A_105, %dma_wait3A_106] : memref<2x128x128xf32, #tpu.memory_space<vmem>> -> memref<1x128x128xf32, #tpu.memory_space<vmem>>
        %dma_wait3A_108 = tpu.memref_squeeze %dma_wait3A_107 : memref<1x128x128xf32, #tpu.memory_space<vmem>> -> memref<128x128xf32, #tpu.memory_space<vmem>>
        %dma_wait3A_109 = arith.constant 0 : i32
        %dma_wait3A_110 = tpu.memref_slice %arg7[%add3A_86, %dma_wait3A_109] : memref<10240x128xf32, #tpu.memory_space<vmem_shared>> -> memref<128x128xf32, #tpu.memory_space<vmem_shared>>
        %dma_wait3A_111 = arith.constant 0 : i32
        %dma_wait3A_112 = arith.constant 0 : i32
        %dma_wait3A_113 = tpu.memref_slice %arg8[%run_scoped3A_87, %dma_wait3A_111, %dma_wait3A_112] : memref<2x128x128xf32, #tpu.memory_space<vmem>> -> memref<1x128x128xf32, #tpu.memory_space<vmem>>
        %dma_wait3A_114 = tpu.memref_squeeze %dma_wait3A_113 : memref<1x128x128xf32, #tpu.memory_space<vmem>> -> memref<128x128xf32, #tpu.memory_space<vmem>>
        %dma_wait3A_115 = arith.constant 0 : i32
        %dma_wait3A_116 = tpu.memref_slice %arg7[%add3A_86, %dma_wait3A_115] : memref<10240x128xf32, #tpu.memory_space<vmem_shared>> -> memref<128x128xf32, #tpu.memory_space<vmem_shared>>
        tpu.wait_dma2 semaphore(%run_scoped3A_92 : memref<!tpu.dma_semaphore, #tpu.memory_space<semaphore_mem>>) src(%dma_wait3A_116 : memref<128x128xf32, #tpu.memory_space<vmem_shared>>) dst(%dma_wait3A_114 : memref<128x128xf32, #tpu.memory_space<vmem>>)
        tpu.yield
      }) : () -> ()
      %mul3A_88 = arith.constant 128 : i32
      %mul3A_89 = arith.muli %scan3A_83, %mul3A_88 : i32
      %add3A_90 = arith.addi %mul3A_0, %mul3A_89 : i32
      %run_scoped3A_91 = arith.constant 0 : i32
      "tpu.region"() ({
        %run_scoped3A_92 = tpu.sem_alloc : memref<!tpu.dma_semaphore, #tpu.memory_space<semaphore_mem>>
        %dma_start3A_93 = arith.constant 0 : i32
        %dma_start3A_94 = arith.constant 0 : i32
        %dma_start3A_95 = tpu.memref_slice %arg8[%run_scoped3A_91, %dma_start3A_93, %dma_start3A_94] : memref<2x128x128xf32, #tpu.memory_space<vmem>> -> memref<1x128x128xf32, #tpu.memory_space<vmem>>
        %dma_start3A_96 = tpu.memref_squeeze %dma_start3A_95 : memref<1x128x128xf32, #tpu.memory_space<vmem>> -> memref<128x128xf32, #tpu.memory_space<vmem>>
        %dma_start3A_97 = arith.constant 0 : i32
        %dma_start3A_98 = tpu.memref_slice %arg6[%arg0, %add3A_90, %dma_start3A_97] : memref<2x10240x128xf32, #tpu.memory_space<hbm>> -> memref<1x128x128xf32, #tpu.memory_space<hbm>>
        %dma_start3A_99 = tpu.memref_squeeze %dma_start3A_98 : memref<1x128x128xf32, #tpu.memory_space<hbm>> -> memref<128x128xf32, #tpu.memory_space<hbm>>
        %dma_start3A_100 = arith.constant 0 : i32
        %dma_start3A_101 = tpu.memref_slice %arg6[%arg0, %add3A_90, %dma_start3A_100] : memref<2x10240x128xf32, #tpu.memory_space<hbm>> -> memref<1x128x128xf32, #tpu.memory_space<hbm>>
        %dma_start3A_102 = tpu.memref_squeeze %dma_start3A_101 : memref<1x128x128xf32, #tpu.memory_space<hbm>> -> memref<128x128xf32, #tpu.memory_space<hbm>>
        %dma_start3A_103 = arith.constant 0 : i32
        %dma_start3A_104 = arith.constant 0 : i32
        %dma_start3A_105 = tpu.memref_slice %arg8[%run_scoped3A_91, %dma_start3A_103, %dma_start3A_104] : memref<2x128x128xf32, #tpu.memory_space<vmem>> -> memref<1x128x128xf32, #tpu.memory_space<vmem>>
        %dma_start3A_106 = tpu.memref_squeeze %dma_start3A_105 : memref<1x128x128xf32, #tpu.memory_space<vmem>> -> memref<128x128xf32, #tpu.memory_space<vmem>>
        tpu.enqueue_dma source(%dma_start3A_106 : memref<128x128xf32, #tpu.memory_space<vmem>>) target(%dma_start3A_102 : memref<128x128xf32, #tpu.memory_space<hbm>>) target_semaphore(%run_scoped3A_92 : memref<!tpu.dma_semaphore, #tpu.memory_space<semaphore_mem>>)
        %dma_wait3A_107 = arith.constant 0 : i32
        %dma_wait3A_108 = arith.constant 0 : i32
        %dma_wait3A_109 = tpu.memref_slice %arg8[%run_scoped3A_91, %dma_wait3A_107, %dma_wait3A_108] : memref<2x128x128xf32, #tpu.memory_space<vmem>> -> memref<1x128x128xf32, #tpu.memory_space<vmem>>
        %dma_wait3A_110 = tpu.memref_squeeze %dma_wait3A_109 : memref<1x128x128xf32, #tpu.memory_space<vmem>> -> memref<128x128xf32, #tpu.memory_space<vmem>>
        %dma_wait3A_111 = arith.constant 0 : i32
        %dma_wait3A_112 = tpu.memref_slice %arg6[%arg0, %add3A_90, %dma_wait3A_111] : memref<2x10240x128xf32, #tpu.memory_space<hbm>> -> memref<1x128x128xf32, #tpu.memory_space<hbm>>
        %dma_wait3A_113 = tpu.memref_squeeze %dma_wait3A_112 : memref<1x128x128xf32, #tpu.memory_space<hbm>> -> memref<128x128xf32, #tpu.memory_space<hbm>>
        %dma_wait3A_114 = arith.constant 0 : i32
        %dma_wait3A_115 = tpu.memref_slice %arg6[%arg0, %add3A_90, %dma_wait3A_114] : memref<2x10240x128xf32, #tpu.memory_space<hbm>> -> memref<1x128x128xf32, #tpu.memory_space<hbm>>
        %dma_wait3A_116 = tpu.memref_squeeze %dma_wait3A_115 : memref<1x128x128xf32, #tpu.memory_space<hbm>> -> memref<128x128xf32, #tpu.memory_space<hbm>>
        %dma_wait3A_117 = arith.constant 0 : i32
        %dma_wait3A_118 = arith.constant 0 : i32
        %dma_wait3A_119 = tpu.memref_slice %arg8[%run_scoped3A_91, %dma_wait3A_117, %dma_wait3A_118] : memref<2x128x128xf32, #tpu.memory_space<vmem>> -> memref<1x128x128xf32, #tpu.memory_space<vmem>>
        %dma_wait3A_120 = tpu.memref_squeeze %dma_wait3A_119 : memref<1x128x128xf32, #tpu.memory_space<vmem>> -> memref<128x128xf32, #tpu.memory_space<vmem>>
        tpu.wait_dma2 semaphore(%run_scoped3A_92 : memref<!tpu.dma_semaphore, #tpu.memory_space<semaphore_mem>>) src(%dma_wait3A_120 : memref<128x128xf32, #tpu.memory_space<vmem>>) dst(%dma_wait3A_116 : memref<128x128xf32, #tpu.memory_space<hbm>>)
        tpu.yield
      }) : () -> ()
    }
    %scan3A_82 = arith.constant 5 : i32
    return
  }
}

module attributes {stable_mosaic.version = 14 : i64} {
  func.func @_t0_body(%arg0: i32, %arg1: memref<400x128xf32, #tpu.memory_space<vmem>>, %arg2: memref<2x400x16xf32, #tpu.memory_space<vmem>>, %arg3: memref<400x128xf32, #tpu.memory_space<vmem>>) attributes {dimension_semantics = [#tpu.dimension_semantics<arbitrary>], iteration_bounds = array<i64: 25>, scalar_prefetch = 0 : i64, scratch_operands = 0 : i64, tpu.core_type = #tpu.core_type<tc>, window_params = [{transform_indices = @transform_0, window_bounds = array<i64: 400, 128>}, {transform_indices = @transform_1, window_bounds = array<i64: 2, 400, 16>}, {transform_indices = @transform_2, window_bounds = array<i64: 400, 128>}]} {
    %get3A = arith.constant 0 : index
    %get3A_0 = arith.constant 0 : index
    %get3A_1 = vector.load %arg1[%get3A, %get3A_0] : memref<400x128xf32, #tpu.memory_space<vmem>>, vector<400x128xf32>
    %get3A_2 = arith.constant 0 : index
    %get3A_3 = arith.constant 0 : index
    %get3A_4 = arith.constant 0 : index
    %get3A_5 = vector.load %arg2[%get3A_2, %get3A_3, %get3A_4] : memref<2x400x16xf32, #tpu.memory_space<vmem>>, vector<1x400x1xf32>
    %get3A_6 = vector.shape_cast %get3A_5 : vector<1x400x1xf32> to vector<400x1xf32>
    %get3A_7 = arith.constant 1 : index
    %get3A_8 = arith.constant 0 : index
    %get3A_9 = arith.constant 0 : index
    %get3A_10 = vector.load %arg2[%get3A_7, %get3A_8, %get3A_9] : memref<2x400x16xf32, #tpu.memory_space<vmem>>, vector<1x400x1xf32>
    %get3A_11 = vector.shape_cast %get3A_10 : vector<1x400x1xf32> to vector<400x1xf32>
    %add3A = arith.addf %get3A_6, %get3A_11 : vector<400x1xf32>
    %rsqrt3A = math.rsqrt %add3A : vector<400x1xf32>
    %mul3A = vector.broadcast %rsqrt3A : vector<400x1xf32> to vector<400x128xf32>
    %mul3A_12 = arith.mulf %get3A_1, %mul3A : vector<400x128xf32>
    %swap3A = arith.constant 0 : index
    %swap3A_13 = arith.constant 0 : index
    %swap3A_14 = vector.load %arg3[%swap3A, %swap3A_13] : memref<400x128xf32, #tpu.memory_space<vmem>>, vector<400x128xf32>
    tpu.vector_store %arg3[%swap3A, %swap3A_13], %mul3A_12 {strides = array<i32>} : memref<400x128xf32, #tpu.memory_space<vmem>>, vector<400x128xf32>,
    return
  }
  func.func @transform_0(%arg0: i32) -> (i32, i32) {
    %c0_i32 = arith.constant 0 : i32
    %c0_i32_0 = arith.constant 0 : i32
    return %arg0, %c0_i32 : i32, i32
  }
  func.func @transform_1(%arg0: i32) -> (i32, i32, i32) {
    %c0_i32 = arith.constant 0 : i32
    %c0_i32_0 = arith.constant 0 : i32
    %c0_i32_1 = arith.constant 0 : i32
    return %c0_i32, %arg0, %c0_i32_0 : i32, i32, i32
  }
  func.func @transform_2(%arg0: i32) -> (i32, i32) {
    %c0_i32 = arith.constant 0 : i32
    %c0_i32_0 = arith.constant 0 : i32
    return %arg0, %c0_i32 : i32, i32
  }
}

module attributes {stable_mosaic.version = 14 : i64} {
  func.func @_mlp_body(%arg0: i32, %arg1: memref<2x400x128xf32, #tpu.memory_space<vmem>>, %arg2: memref<2x400x16xf32, #tpu.memory_space<vmem>>, %arg3: memref<128x512xf32, #tpu.memory_space<vmem>>, %arg4: memref<1x512xf32, #tpu.memory_space<vmem>>, %arg5: memref<512x128xf32, #tpu.memory_space<vmem>>, %arg6: memref<400x128xf32, #tpu.memory_space<vmem>>) attributes {dimension_semantics = [#tpu.dimension_semantics<arbitrary>], iteration_bounds = array<i64: 25>, scalar_prefetch = 0 : i64, scratch_operands = 0 : i64, tpu.core_type = #tpu.core_type<tc>, window_params = [{transform_indices = @transform_0, window_bounds = array<i64: 2, 400, 128>}, {transform_indices = @transform_1, window_bounds = array<i64: 2, 400, 16>}, {pipeline_mode = #tpu.pipeline_mode<synchronous>, transform_indices = @transform_2, window_bounds = array<i64: 128, 512>}, {pipeline_mode = #tpu.pipeline_mode<synchronous>, transform_indices = @transform_3, window_bounds = array<i64: 1, 512>}, {pipeline_mode = #tpu.pipeline_mode<synchronous>, transform_indices = @transform_4, window_bounds = array<i64: 512, 128>}, {transform_indices = @transform_5, window_bounds = array<i64: 400, 128>}]} {
    %get3A = arith.constant 0 : index
    %get3A_0 = arith.constant 0 : index
    %get3A_1 = arith.constant 0 : index
    %get3A_2 = vector.load %arg2[%get3A, %get3A_0, %get3A_1] : memref<2x400x16xf32, #tpu.memory_space<vmem>>, vector<1x400x1xf32>
    %get3A_3 = vector.shape_cast %get3A_2 : vector<1x400x1xf32> to vector<400x1xf32>
    %get3A_4 = arith.constant 1 : index
    %get3A_5 = arith.constant 0 : index
    %get3A_6 = arith.constant 0 : index
    %get3A_7 = vector.load %arg2[%get3A_4, %get3A_5, %get3A_6] : memref<2x400x16xf32, #tpu.memory_space<vmem>>, vector<1x400x1xf32>
    %get3A_8 = vector.shape_cast %get3A_7 : vector<1x400x1xf32> to vector<400x1xf32>
    %add3A = arith.addf %get3A_3, %get3A_8 : vector<400x1xf32>
    %rsqrt3A = math.rsqrt %add3A : vector<400x1xf32>
    %get3A_9 = arith.constant 0 : index
    %get3A_10 = arith.constant 0 : index
    %get3A_11 = arith.constant 0 : index
    %get3A_12 = vector.load %arg1[%get3A_9, %get3A_10, %get3A_11] : memref<2x400x128xf32, #tpu.memory_space<vmem>>, vector<1x400x128xf32>
    %get3A_13 = vector.shape_cast %get3A_12 : vector<1x400x128xf32> to vector<400x128xf32>
    %get3A_14 = arith.constant 1 : index
    %get3A_15 = arith.constant 0 : index
    %get3A_16 = arith.constant 0 : index
    %get3A_17 = vector.load %arg1[%get3A_14, %get3A_15, %get3A_16] : memref<2x400x128xf32, #tpu.memory_space<vmem>>, vector<1x400x128xf32>
    %get3A_18 = vector.shape_cast %get3A_17 : vector<1x400x128xf32> to vector<400x128xf32>
    %add3A_19 = arith.addf %get3A_13, %get3A_18 : vector<400x128xf32>
    %mul3A = vector.broadcast %rsqrt3A : vector<400x1xf32> to vector<400x128xf32>
    %mul3A_20 = arith.mulf %add3A_19, %mul3A : vector<400x128xf32>
    %get3A_21 = arith.constant 0 : index
    %get3A_22 = arith.constant 0 : index
    %get3A_23 = vector.load %arg3[%get3A_21, %get3A_22] : memref<128x512xf32, #tpu.memory_space<vmem>>, vector<128x512xf32>
    %dot_general3A = arith.constant dense<0.000000e+00> : vector<400x512xf32>
    %dot_general3A_24 = tpu.matmul %mul3A_20, %get3A_23, %dot_general3A {dimension_numbers = #tpu.dot_dimension_numbers<[1], [0], [0], [1], [0, 0, 1, 1], [], []>, precision = #tpu.contract_precision<fp32>, transpose_lhs_hint = false} : vector<400x128xf32>, vector<128x512xf32>, vector<400x512xf32> -> vector<400x512xf32>
    %get3A_25 = arith.constant 0 : index
    %get3A_26 = arith.constant 0 : index
    %get3A_27 = vector.load %arg4[%get3A_25, %get3A_26] : memref<1x512xf32, #tpu.memory_space<vmem>>, vector<1x512xf32>
    %add3A_28 = vector.broadcast %get3A_27 : vector<1x512xf32> to vector<400x512xf32>
    %add3A_29 = arith.addf %dot_general3A_24, %add3A_28 : vector<400x512xf32>
    %max3A = arith.constant 0.000000e+00 : f32
    %max3A_30 = vector.broadcast %max3A : f32 to vector<400x512xf32>
    %max3A_31 = arith.maximumf %add3A_29, %max3A_30 : vector<400x512xf32>
    %get3A_32 = arith.constant 0 : index
    %get3A_33 = arith.constant 0 : index
    %get3A_34 = vector.load %arg5[%get3A_32, %get3A_33] : memref<512x128xf32, #tpu.memory_space<vmem>>, vector<512x128xf32>
    %dot_general3A_35 = arith.constant dense<0.000000e+00> : vector<400x128xf32>
    %dot_general3A_36 = tpu.matmul %max3A_31, %get3A_34, %dot_general3A_35 {dimension_numbers = #tpu.dot_dimension_numbers<[1], [0], [0], [1], [0, 0, 1, 1], [], []>, precision = #tpu.contract_precision<fp32>, transpose_lhs_hint = false} : vector<400x512xf32>, vector<512x128xf32>, vector<400x128xf32> -> vector<400x128xf32>
    %mul3A_37 = vector.broadcast %rsqrt3A : vector<400x1xf32> to vector<400x128xf32>
    %mul3A_38 = arith.mulf %dot_general3A_36, %mul3A_37 : vector<400x128xf32>
    %swap3A = arith.constant 0 : index
    %swap3A_39 = arith.constant 0 : index
    %swap3A_40 = vector.load %arg6[%swap3A, %swap3A_39] : memref<400x128xf32, #tpu.memory_space<vmem>>, vector<400x128xf32>
    tpu.vector_store %arg6[%swap3A, %swap3A_39], %mul3A_38 {strides = array<i32>} : memref<400x128xf32, #tpu.memory_space<vmem>>, vector<400x128xf32>,
    return
  }
  func.func @transform_0(%arg0: i32) -> (i32, i32, i32) {
    %c0_i32 = arith.constant 0 : i32
    %c0_i32_0 = arith.constant 0 : i32
    %c0_i32_1 = arith.constant 0 : i32
    return %c0_i32, %arg0, %c0_i32_0 : i32, i32, i32
  }
  func.func @transform_1(%arg0: i32) -> (i32, i32, i32) {
    %c0_i32 = arith.constant 0 : i32
    %c0_i32_0 = arith.constant 0 : i32
    %c0_i32_1 = arith.constant 0 : i32
    return %c0_i32, %arg0, %c0_i32_0 : i32, i32, i32
  }
  func.func @transform_2(%arg0: i32) -> (i32, i32) {
    %c0_i32 = arith.constant 0 : i32
    %c0_i32_0 = arith.constant 0 : i32
    %c0_i32_1 = arith.constant 0 : i32
    return %c0_i32, %c0_i32_0 : i32, i32
  }
  func.func @transform_3(%arg0: i32) -> (i32, i32) {
    %c0_i32 = arith.constant 0 : i32
    %c0_i32_0 = arith.constant 0 : i32
    %c0_i32_1 = arith.constant 0 : i32
    return %c0_i32, %c0_i32_0 : i32, i32
  }
  func.func @transform_4(%arg0: i32) -> (i32, i32) {
    %c0_i32 = arith.constant 0 : i32
    %c0_i32_0 = arith.constant 0 : i32
    %c0_i32_1 = arith.constant 0 : i32
    return %c0_i32, %c0_i32_0 : i32, i32
  }
  func.func @transform_5(%arg0: i32) -> (i32, i32) {
    %c0_i32 = arith.constant 0 : i32
    %c0_i32_0 = arith.constant 0 : i32
    return %arg0, %c0_i32 : i32, i32
  }
}

module attributes {stable_mosaic.version = 14 : i64} {
  func.func @_t2_body(%arg0: i32, %arg1: memref<2x400x128xf32, #tpu.memory_space<vmem>>, %arg2: memref<2x400x16xf32, #tpu.memory_space<vmem>>, %arg3: memref<1x128xf32, #tpu.memory_space<vmem>>, %arg4: memref<400x128xf32, #tpu.memory_space<vmem>>) attributes {dimension_semantics = [#tpu.dimension_semantics<arbitrary>], iteration_bounds = array<i64: 25>, scalar_prefetch = 0 : i64, scratch_operands = 0 : i64, tpu.core_type = #tpu.core_type<tc>, window_params = [{transform_indices = @transform_0, window_bounds = array<i64: 2, 400, 128>}, {transform_indices = @transform_1, window_bounds = array<i64: 2, 400, 16>}, {pipeline_mode = #tpu.pipeline_mode<synchronous>, transform_indices = @transform_2, window_bounds = array<i64: 1, 128>}, {transform_indices = @transform_3, window_bounds = array<i64: 400, 128>}]} {
    %get3A = arith.constant 0 : index
    %get3A_0 = arith.constant 0 : index
    %get3A_1 = arith.constant 0 : index
    %get3A_2 = vector.load %arg2[%get3A, %get3A_0, %get3A_1] : memref<2x400x16xf32, #tpu.memory_space<vmem>>, vector<1x400x1xf32>
    %get3A_3 = vector.shape_cast %get3A_2 : vector<1x400x1xf32> to vector<400x1xf32>
    %get3A_4 = arith.constant 1 : index
    %get3A_5 = arith.constant 0 : index
    %get3A_6 = arith.constant 0 : index
    %get3A_7 = vector.load %arg2[%get3A_4, %get3A_5, %get3A_6] : memref<2x400x16xf32, #tpu.memory_space<vmem>>, vector<1x400x1xf32>
    %get3A_8 = vector.shape_cast %get3A_7 : vector<1x400x1xf32> to vector<400x1xf32>
    %add3A = arith.addf %get3A_3, %get3A_8 : vector<400x1xf32>
    %rsqrt3A = math.rsqrt %add3A : vector<400x1xf32>
    %get3A_9 = arith.constant 0 : index
    %get3A_10 = arith.constant 0 : index
    %get3A_11 = arith.constant 0 : index
    %get3A_12 = vector.load %arg1[%get3A_9, %get3A_10, %get3A_11] : memref<2x400x128xf32, #tpu.memory_space<vmem>>, vector<1x400x128xf32>
    %get3A_13 = vector.shape_cast %get3A_12 : vector<1x400x128xf32> to vector<400x128xf32>
    %get3A_14 = arith.constant 1 : index
    %get3A_15 = arith.constant 0 : index
    %get3A_16 = arith.constant 0 : index
    %get3A_17 = vector.load %arg1[%get3A_14, %get3A_15, %get3A_16] : memref<2x400x128xf32, #tpu.memory_space<vmem>>, vector<1x400x128xf32>
    %get3A_18 = vector.shape_cast %get3A_17 : vector<1x400x128xf32> to vector<400x128xf32>
    %add3A_19 = arith.addf %get3A_13, %get3A_18 : vector<400x128xf32>
    %mul3A = vector.broadcast %rsqrt3A : vector<400x1xf32> to vector<400x128xf32>
    %mul3A_20 = arith.mulf %add3A_19, %mul3A : vector<400x128xf32>
    %get3A_21 = arith.constant 0 : index
    %get3A_22 = arith.constant 0 : index
    %get3A_23 = vector.load %arg3[%get3A_21, %get3A_22] : memref<1x128xf32, #tpu.memory_space<vmem>>, vector<1x128xf32>
    %add3A_24 = vector.broadcast %get3A_23 : vector<1x128xf32> to vector<400x128xf32>
    %add3A_25 = arith.addf %mul3A_20, %add3A_24 : vector<400x128xf32>
    %mul3A_26 = vector.broadcast %rsqrt3A : vector<400x1xf32> to vector<400x128xf32>
    %mul3A_27 = arith.mulf %add3A_25, %mul3A_26 : vector<400x128xf32>
    %swap3A = arith.constant 0 : index
    %swap3A_28 = arith.constant 0 : index
    %swap3A_29 = vector.load %arg4[%swap3A, %swap3A_28] : memref<400x128xf32, #tpu.memory_space<vmem>>, vector<400x128xf32>
    tpu.vector_store %arg4[%swap3A, %swap3A_28], %mul3A_27 {strides = array<i32>} : memref<400x128xf32, #tpu.memory_space<vmem>>, vector<400x128xf32>,
    return
  }
  func.func @transform_0(%arg0: i32) -> (i32, i32, i32) {
    %c0_i32 = arith.constant 0 : i32
    %c0_i32_0 = arith.constant 0 : i32
    %c0_i32_1 = arith.constant 0 : i32
    return %c0_i32, %arg0, %c0_i32_0 : i32, i32, i32
  }
  func.func @transform_1(%arg0: i32) -> (i32, i32, i32) {
    %c0_i32 = arith.constant 0 : i32
    %c0_i32_0 = arith.constant 0 : i32
    %c0_i32_1 = arith.constant 0 : i32
    return %c0_i32, %arg0, %c0_i32_0 : i32, i32, i32
  }
  func.func @transform_2(%arg0: i32) -> (i32, i32) {
    %c0_i32 = arith.constant 0 : i32
    %c0_i32_0 = arith.constant 0 : i32
    %c0_i32_1 = arith.constant 0 : i32
    return %c0_i32, %c0_i32_0 : i32, i32
  }
  func.func @transform_3(%arg0: i32) -> (i32, i32) {
    %c0_i32 = arith.constant 0 : i32
    %c0_i32_0 = arith.constant 0 : i32
    return %arg0, %c0_i32 : i32, i32
  }
}

module attributes {stable_mosaic.version = 14 : i64} {
  func.func @_t4_body(%arg0: i32, %arg1: memref<2x400x128xf32, #tpu.memory_space<vmem>>, %arg2: memref<2x400x16xf32, #tpu.memory_space<vmem>>, %arg3: memref<1x128xf32, #tpu.memory_space<vmem>>, %arg4: memref<400x128xf32, #tpu.memory_space<vmem>>) attributes {dimension_semantics = [#tpu.dimension_semantics<arbitrary>], iteration_bounds = array<i64: 25>, scalar_prefetch = 0 : i64, scratch_operands = 0 : i64, tpu.core_type = #tpu.core_type<tc>, window_params = [{transform_indices = @transform_0, window_bounds = array<i64: 2, 400, 128>}, {transform_indices = @transform_1, window_bounds = array<i64: 2, 400, 16>}, {pipeline_mode = #tpu.pipeline_mode<synchronous>, transform_indices = @transform_2, window_bounds = array<i64: 1, 128>}, {transform_indices = @transform_3, window_bounds = array<i64: 400, 128>}]} {
    %get3A = arith.constant 0 : index
    %get3A_0 = arith.constant 0 : index
    %get3A_1 = arith.constant 0 : index
    %get3A_2 = vector.load %arg2[%get3A, %get3A_0, %get3A_1] : memref<2x400x16xf32, #tpu.memory_space<vmem>>, vector<1x400x1xf32>
    %get3A_3 = vector.shape_cast %get3A_2 : vector<1x400x1xf32> to vector<400x1xf32>
    %get3A_4 = arith.constant 1 : index
    %get3A_5 = arith.constant 0 : index
    %get3A_6 = arith.constant 0 : index
    %get3A_7 = vector.load %arg2[%get3A_4, %get3A_5, %get3A_6] : memref<2x400x16xf32, #tpu.memory_space<vmem>>, vector<1x400x1xf32>
    %get3A_8 = vector.shape_cast %get3A_7 : vector<1x400x1xf32> to vector<400x1xf32>
    %add3A = arith.addf %get3A_3, %get3A_8 : vector<400x1xf32>
    %rsqrt3A = math.rsqrt %add3A : vector<400x1xf32>
    %get3A_9 = arith.constant 0 : index
    %get3A_10 = arith.constant 0 : index
    %get3A_11 = arith.constant 0 : index
    %get3A_12 = vector.load %arg1[%get3A_9, %get3A_10, %get3A_11] : memref<2x400x128xf32, #tpu.memory_space<vmem>>, vector<1x400x128xf32>
    %get3A_13 = vector.shape_cast %get3A_12 : vector<1x400x128xf32> to vector<400x128xf32>
    %get3A_14 = arith.constant 1 : index
    %get3A_15 = arith.constant 0 : index
    %get3A_16 = arith.constant 0 : index
    %get3A_17 = vector.load %arg1[%get3A_14, %get3A_15, %get3A_16] : memref<2x400x128xf32, #tpu.memory_space<vmem>>, vector<1x400x128xf32>
    %get3A_18 = vector.shape_cast %get3A_17 : vector<1x400x128xf32> to vector<400x128xf32>
    %add3A_19 = arith.addf %get3A_13, %get3A_18 : vector<400x128xf32>
    %mul3A = vector.broadcast %rsqrt3A : vector<400x1xf32> to vector<400x128xf32>
    %mul3A_20 = arith.mulf %add3A_19, %mul3A : vector<400x128xf32>
    %get3A_21 = arith.constant 0 : index
    %get3A_22 = arith.constant 0 : index
    %get3A_23 = vector.load %arg3[%get3A_21, %get3A_22] : memref<1x128xf32, #tpu.memory_space<vmem>>, vector<1x128xf32>
    %add3A_24 = vector.broadcast %get3A_23 : vector<1x128xf32> to vector<400x128xf32>
    %add3A_25 = arith.addf %mul3A_20, %add3A_24 : vector<400x128xf32>
    %swap3A = arith.constant 0 : index
    %swap3A_26 = arith.constant 0 : index
    %swap3A_27 = vector.load %arg4[%swap3A, %swap3A_26] : memref<400x128xf32, #tpu.memory_space<vmem>>, vector<400x128xf32>
    tpu.vector_store %arg4[%swap3A, %swap3A_26], %add3A_25 {strides = array<i32>} : memref<400x128xf32, #tpu.memory_space<vmem>>, vector<400x128xf32>,
    return
  }
  func.func @transform_0(%arg0: i32) -> (i32, i32, i32) {
    %c0_i32 = arith.constant 0 : i32
    %c0_i32_0 = arith.constant 0 : i32
    %c0_i32_1 = arith.constant 0 : i32
    return %c0_i32, %arg0, %c0_i32_0 : i32, i32, i32
  }
  func.func @transform_1(%arg0: i32) -> (i32, i32, i32) {
    %c0_i32 = arith.constant 0 : i32
    %c0_i32_0 = arith.constant 0 : i32
    %c0_i32_1 = arith.constant 0 : i32
    return %c0_i32, %arg0, %c0_i32_0 : i32, i32, i32
  }
  func.func @transform_2(%arg0: i32) -> (i32, i32) {
    %c0_i32 = arith.constant 0 : i32
    %c0_i32_0 = arith.constant 0 : i32
    %c0_i32_1 = arith.constant 0 : i32
    return %c0_i32, %c0_i32_0 : i32, i32
  }
  func.func @transform_3(%arg0: i32) -> (i32, i32) {
    %c0_i32 = arith.constant 0 : i32
    %c0_i32_0 = arith.constant 0 : i32
    return %arg0, %c0_i32 : i32, i32
  }
}

</mosaic_0001>

<sc_bundles>
// kernel: kernel.12.cloned.1.call-start
scs
__scs_entry_jumppad:
0x0: {  	(pc) =	sbr.rel $0x88, $3  }
0x1: {  	(tag) =	ssettag $0x0;
	lr =	simm.s32 $0x1  }
0x2: {  	[smem:$0x3F97] =	sst lr;
	_ =	strace $0xD0000000  }
0x3: {  	_ = 	snop  }
0x4: {  	_ = 	snop  }
0x5: {  	_ = 	snop  }
0x6: {  	_ = 	snop  }
0x7: {  	_ = 	snop  }
__scs_overlays_trampoline_lowered:
0x8: {  	[smem:$0x3FA6] =	sst s0  }
0x9: {  	[smem:$0x3FA7] =	sst s1  }
0xa: {  	[smem:$0x3FA8] =	sst s2  }
0xb: {  	[smem:$0x3FA9] =	sst s3  }
0xc: {  	[smem:$0x3FAA] =	sst s4  }
0xd: {  	[smem:$0x3FAB] =	sst s5  }
0xe: {  	[smem:$0x3FAC] =	sst s6  }
0xf: {  	[smem:$0x3FAD] =	sst s7  }
0x10: {  	[smem:$0x3FAE] =	sst s8  }
0x11: {  	[smem:$0x3FAF] =	sst s9;
	s0 =	simm.s32 @!p0 $0x0  }
0x12: {  	s1 =	sld [smem:$0x3F95];
	s0 =	simm.s32 @p0 $0x1  }
0x13: {  	[smem:$0x3FB0] =	sst s0;
	s0 =	simm.s32 @!p1 $0x0  }
0x14: {  	s2 =	sld [smem:$0x3F94];
	s0 =	simm.s32 @p1 $0x1  }
0x15: {  	[smem:$0x3FB1] =	sst s0;
	s0 =	simm.s32 @!p2 $0x0  }
0x16: {  	s3 =	sld [smem:$0x3FDB];
	s0 =	simm.s32 @p2 $0x1  }
0x17: {  	s4 =	simm.s32 $0x1BF5;
	[smem:$0x3FB3] =	sst s0  }
0x18: {  	s0 =	sld [smem:$0x3F96];
	_ =	swait.ge [sflag:s4], $0x0  }
0x19: {  	s7 =	sld [smem:$0x3F97]  }
0x1a: {  	s8 =	sadd.s32 $0xFFFFE003, lr  }
0x1b: {  	s9 =	sadd.s32 $0xFFFFFEF7, lr;
	s5 =	simm.s32 $0xFFFFFFFF;
	p2 =	slt.u32 s8, $0xFFFFF086  }
0x1c: {  	p1 =	slt.u32 s9, $0xF7A;
	s5 =	simm.s32 @!p2 $0x0  }
0x1d: {  	s5 =	simm.s32 @p1 $0x1;
	p0 =	seq.s32 s7, s2  }
0x1e: {  	s7 =	smul.u32 @!p0 $0xF7A, s2;
	p2 =	seq.s32 @!p0 s5, $0x0  }
0x1f: {  	s9 =	smul.u32 $0xF7A, s1;
	s8 =	simm.s32 @!p0 $0x1BF5;
	p2 =	por !p2, p0  }
0x20: {  	[sflag:s8] =	ssyncset.s32 @!p0 $0xFFFFF086;
	s6 =	sadd.s32 @!p0 s3, s7;
	s7 =	simm.s32 @!p0 $0x108  }
0x21: {  	s3 =	sadd.s32 s3, s9;
	s6 =	sadd.s32 @!p0 $0x88, s6;
	s7 =	simm.s32 @p2 $0x1082  }
0x22: {  	[simem:s7], [sflag:s8] =	dma.local @!p0 [hbm:s6], $0xF7A  }
0x23: {  	s9 =	sor.u32 $0xD0000000, s2;
	s6 =	simm.s32 $0x108;
	_ =	swait.ge @!p0 [sflag:s8], $0x0  }
0x24: {  	s3 =	sadd.s32 $0x88, s3;
	s6 =	simm.s32 @!p1 $0x1082;
	[sflag:s4] =	ssyncset.s32 $0xFFFFF086  }
0x25: {  	[simem:s6], [sflag:s4] =	dma.local [hbm:s3], $0xF7A  }
0x26: {  	[smem:$0x3F97] =	sst s1;
	(tag) =	ssettag s2;
	_ =	strace s9  }
0x27: {  	s1 =	sld [smem:$0x3FA7]  }
0x28: {  	s2 =	sld [smem:$0x3FA8]  }
0x29: {  	s4 =	sld [smem:$0x3FAA]  }
0x2a: {  	p0 =	seq.s32 s5, $0x0;
	s5 =	sld [smem:$0x3FAB]  }
0x2b: {  	s6 =	sld [smem:$0x3FAC]  }
0x2c: {  	s7 =	sld [smem:$0x3FAD]  }
0x2d: {  	s3 =	simm.s32 $0x108;
	s8 =	sld [smem:$0x3FAE]  }
0x2e: {  	s3 =	simm.s32 @!p0 $0x1082;
	s9 =	sld [smem:$0x3FAF]  }
0x2f: {  	lr =	sadd.s32 s0, s3;
	s0 =	sld [smem:$0x3FA6]  }
0x30: {  	s3 =	sld [smem:$0x3FA9]  }
0x31: {  	[smem:$0x3FB2] =	sst s10  }
0x32: {  	s10 =	sld [smem:$0x3FB0];
	_ =	sdelay $0x3  }
0x33: {  	p0 =	seq.s32 s10, $0x1;
	s10 =	sld [smem:$0x3FB2];
	_ =	sdelay $0x3  }
0x34: {  	[smem:$0x3FB2] =	sst s10  }
0x35: {  	s10 =	sld [smem:$0x3FB1];
	_ =	sdelay $0x3  }
0x36: {  	p1 =	seq.s32 s10, $0x1;
	s10 =	sld [smem:$0x3FB2];
	_ =	sdelay $0x3  }
0x37: {  	[smem:$0x3FB2] =	sst s10  }
0x38: {  	s10 =	sld [smem:$0x3FB3]  }
0x39: {  	_ = 	snop;
	(pc) =	sbr.ind lr, $3  }
0x3a: {  	_ = 	snop  }
0x3b: {  	_ = 	snop  }
0x3c: {  	p2 =	seq.s32 s10, $0x1;
	s10 =	sld [smem:$0x3FB2]  }
0x3d: {  	_ =	shalt  }
0x3e: {  	_ =	shalt  }
0x3f: {  	_ =	shalt  }
0x40: {  	_ =	shalt  }
0x41: {  	_ =	shalt  }
0x42: {  	_ =	shalt  }
0x43: {  	_ =	shalt  }
0x44: {  	_ =	shalt  }
0x45: {  	_ =	shalt  }
0x46: {  	_ =	shalt  }
0x47: {  	_ =	shalt  }
0x48: {  	_ =	shalt  }
0x49: {  	_ =	shalt  }
0x4a: {  	_ =	shalt  }
0x4b: {  	_ =	shalt  }
0x4c: {  	_ =	shalt  }
0x4d: {  	_ =	shalt  }
0x4e: {  	_ =	shalt  }
0x4f: {  	_ =	shalt  }
0x50: {  	_ =	shalt  }
0x51: {  	_ =	shalt  }
0x52: {  	_ =	shalt  }
0x53: {  	_ =	shalt  }
0x54: {  	_ =	shalt  }
0x55: {  	_ =	shalt  }
0x56: {  	_ =	shalt  }
0x57: {  	_ =	shalt  }
0x58: {  	_ =	shalt  }
0x59: {  	_ =	shalt  }
0x5a: {  	_ =	shalt  }
0x5b: {  	_ =	shalt  }
0x5c: {  	_ =	shalt  }
0x5d: {  	_ =	shalt  }
0x5e: {  	_ =	shalt  }
0x5f: {  	_ =	shalt  }
0x60: {  	_ =	shalt  }
0x61: {  	_ =	shalt  }
0x62: {  	_ =	shalt  }
0x63: {  	_ =	shalt  }
0x64: {  	_ =	shalt  }
0x65: {  	_ =	shalt  }
0x66: {  	_ =	shalt  }
0x67: {  	_ =	shalt  }
0x68: {  	_ =	shalt  }
0x69: {  	_ =	shalt  }
0x6a: {  	_ =	shalt  }
0x6b: {  	_ =	shalt  }
0x6c: {  	_ =	shalt  }
0x6d: {  	_ =	shalt  }
0x6e: {  	_ =	shalt  }
0x6f: {  	_ =	shalt  }
0x70: {  	_ =	shalt  }
0x71: {  	_ =	shalt  }
0x72: {  	_ =	shalt  }
0x73: {  	_ =	shalt  }
0x74: {  	_ =	shalt  }
0x75: {  	_ =	shalt  }
0x76: {  	_ =	shalt  }
0x77: {  	_ =	shalt  }
0x78: {  	_ =	shalt  }
0x79: {  	_ =	shalt  }
0x7a: {  	_ =	shalt  }
0x7b: {  	_ =	shalt  }
0x7c: {  	_ =	shalt  }
0x7d: {  	_ =	shalt  }
0x7e: {  	_ =	shalt  }
0x7f: {  	_ =	shalt  }
0x80: {  	_ =	shalt  }
0x81: {  	_ =	shalt  }
0x82: {  	_ =	shalt  }
0x83: {  	_ =	shalt  }
0x84: {  	_ =	shalt  }
0x85: {  	_ =	shalt  }
0x86: {  	_ =	shalt  }
0x87: {  	_ =	shalt  }
.Lfunc_end0:
.L_simem_size_0:
called_computation_lowered:
.L_overlay_start_0:
0x88: {  	s2 =	sld [smem:$0x3FD9]  }
0x89: {  	s3 =	sld [smem:$0x3FFE];
	_ =	sdelay $0x1  }
0x8a: {  	s1 =	srdreg.scid  }
0x8b: {  	s0 =	sand.u32 $0x1, s1  }
0x8c: {  	s17 =	sshll.u32 s0, $0xA;
	s2 =	sadd.s32 s3, s2  }
0x8d: {  	s2 =	sadd.s32 s2, s17  }
0x8e: {  	[smem:$0x3FBE] =	sst s2  }
0x8f: {  	_ = 	snop  }
0x90: {  	s2 =	sld [smem:$0x3FD0];
	(tm) =	ssettm $0x1  }
0x91: {  	s18 =	sld [smem:$0x3FFB];
	_ =	sdelay $0x3  }
0x92: {  	_ =	strace s18  }
0x93: {  	s3 =	sld [smem:$0x3FFC];
	_ =	sdelay $0x3  }
0x94: {  	_ =	strace s3  }
0x95: {  	s3 =	sld [smem:$0x3FFD];
	_ =	sdelay $0x3  }
0x96: {  	_ =	strace s3  }
0x97: {  	_ =	strace $0x8FFFFFFF  }
0x98: {  	s19 =	sld [smem:$0x3FDB];
	_ =	sdelay $0x1  }
0x99: {  	s4 =	simm.s32 $_scs_section_size  }
0x9a: {  	s5 =	simm.s32 $_size__tile_overlayer_lowered;
	s6 =	simm.s32 $_tile_overlayer_lowered  }
0x9b: {  	s22 =	simm.s32 $0x1BFF;
	s21 =	sshll.u32 s6, $0x1;
	s3 =	sadd.s32 s4, s19  }
0x9c: {  	s7 =	simm.s32 $0x0;
	s20 =	sshll.u32 s5, $0x1;
	s5 =	sadd.s32 s21, s3  }
0x9d: {  	[timem:s7], [sflag:s22] =	dma.local [hbm:s5], s20  }
0x9e: {  	_ =	swait.ge [sflag:s22], s20  }
0x9f: {  	s4 =	ssub.s32 $0x0, s20;
	[sflag:s22] =	ssyncset.done $0x0  }
0xa0: {  	[sflag:s22] =	ssyncadd.s32 s4;
	_ =	sdelay $0x1  }
0xa1: {  	s23 =	simm.s32 $0x1B8B  }
0xa2: {  	_ =	swait.ge [sflag:s23], $0x1  }
0xa3: {  	[sflag:s23] =	ssyncset.done $0x0  }
0xa4: {  	s25 =	simm.s32 $0x1B8E;
	s24 =	sld [smem:$0x3FFE];
	[sflag:s23] =	ssyncadd.s32 $0xFFFFFFFF  }
0xa5: {  	s26 =	simm.s32 $execute0_lowered;
	[smem:$0x3FD2] =	sst s25  }
0xa6: {  	s5 =	sshll.u32 s26, $0x1;
	_ =	strace $0x80000046;
	[dreg:$0x1] =	wrdreg $0xFFFFFFFF  }
0xa7: {  	s28 =	simm.s32 $_size_execute0_lowered;
	s3 =	sadd.s32 s3, s5;
	[dreg:$0x0] =	wrdreg $0x0  }
0xa8: {  	s5 =	sshll.u32 s28, $0x1;
	[dreg:$0x2] =	wrdreg s3  }
0xa9: {  	[dreg:$0x3] =	wrdreg s5  }
0xaa: {  	[dreg:$0x4] =	wrdreg $0xC0  }
0xab: {  	_ =	task [dreg:s7], $0x5FFFF  }
0xac: {  	[dreg:$0x1] =	wrdreg $0xFFFFFFFF  }
0xad: {  	[dreg:$0x0] =	wrdreg $0x60  }
0xae: {  	[dreg:$0x2] =	wrdreg s24  }
0xaf: {  	[dreg:$0x3] =	wrdreg s2  }
0xb0: {  	[dreg:$0x4] =	wrdreg $0x0  }
0xb1: {  	[dreg:$0x5] =	wrdreg $0x9  }
0xb2: {  	_ =	task.clear_ibuf [dreg:s7], $0x6FFFF;
	_ =	strace $0x90000046  }
0xb3: {  	s29 =	simm.s32 $0x9;
	_ =	strace $0x80000048  }
0xb4: {  	_ =	swait.ge [sflag:s29], $0x1  }
0xb5: {  	[sflag:s29] =	ssyncadd.s32 $0xFFFFFFFF  }
0xb6: {  	_ =	strace $0x90000048  }
0xb7: {  	_ =	sfence  }
0xb8: {  	s30 =	sld [smem:$0x0];
	_ =	sdelay $0x2  }
0xb9: {  	s31 =	sshll.u32 s1, $0xD;
	s1 =	sshrl.u32 s1, $0x2  }
0xba: {  	s3 =	sand.u32 $0x4000, s31;
	s1 =	sadd.s32 s1, s30  }
0xbb: {  	s0 =	sor.u32 s3, s0;
	s1 =	sshll.u32 s1, $0x11  }
0xbc: {  	s0 =	sor.u32 s1, s0  }
0xbd: {  	s0 =	sadd.s32 $0x8F2B, s0  }
0xbe: {  	[sflag:s0] =	ssyncadd.remote.s32 $0x1  }
0xbf: {  	_ =	sfence.sel $0xFFFF  }
0xc0: {  	[dreg:$0x0] =	wrdreg $0xFFFFFFFF;
	(pc) =	sbr.abs _section_cstart, $3  }
0xc1: {  	[dreg:$0x1] =	wrdreg $0xFFFFFFFF  }
0xc2: {  	_ =	task.clear_ibuf [dreg:s7], $0x2FFFF;
	_ =	strace $0x9FFFFFFF  }
0xc3: {  	(tm) =	ssettm $0x7FFFFFFF  }
tec
execute0_lowered:
.L_overlay_start_1:
0x0: {  	(tag) =	ssettag $0x1  }
0x1: {  	s6 =	rddreg [dreg:$0x0]  }
0x2: {  	s2 =	rddreg [dreg:$0x1]  }
0x3: {  	s0 =	srdreg.scid;
	s3 =	rddreg [dreg:$0x2]  }
0x4: {  	s1 =	stileid.u32;
	s4 =	simm.s32 $0x0;
	s24 =	simm.s32 $0x6800  }
0x5: {  	s25 =	simm.s32 $0x80;
	s7 =	sand.u32 $0x1, s0;
	s0 =	rddreg [dreg:$0x3]  }
0x6: {  	s26 =	simm.s32 $0x0;
	[smem:$0x7FF] =	sst s4;
	s10 =	smul.u32 $0x50000, s1  }
0x7: {  	s21 =	sadd.s32 $0xFA00, s6;
	s18 =	smul.u32 $0x14000, s1;
	s5 =	sshll.u32 s7, $0x4  }
0x8: {  	_ =	strace $0x80000047;
	s9 =	ssub.s32 $0x2, s7;
	s19 =	smul.u32 $0x140000, s7  }
0x9: {  	s5 =	sor.u32 s1, s5;
	s28 =	sshrl.u32 s9, $0x1;
	s29 =	sshrl.u32 s10, $0x2  }
0xa: {  	s14 =	sadd.s32 $0x4000, s18;
	s16 =	sadd.s32 $0x8000, s18;
	s20 =	sadd.s32 $0xC000, s18  }
0xb: {  	s23 =	sadd.s32 $0x10000, s18;
	s5 =	smul.u32 $0x580, s5;
	s9 =	ssub.s32 s9, s28  }
0xc: {  	s13 =	sadd.s32 s19, s18;
	s15 =	sadd.s32 s19, s14;
	s14 =	sadd.s32 s14, s3  }
0xd: {  	s17 =	sadd.s32 s19, s16;
	s16 =	sadd.s32 s16, s3;
	s22 =	sadd.s32 s19, s20  }
0xe: {  	s18 =	sadd.s32 s20, s3;
	s31 =	sadd.s32 s19, s23;
	s20 =	sadd.s32 s23, s3  }
0xf: {  	s23 =	simm.s32 $0x1;
	s13 =	sshrl.u32 s13, $0x3;
	s15 =	sshrl.u32 s15, $0x3  }
0x10: {  	s17 =	sshrl.u32 s17, $0x3;
	s30 =	sshrl.u32 s22, $0x3;
	s22 =	sshrl.u32 s31, $0x3  }
0x11: {  	s8 =	sadd.s32 s5, s6;
	s5 =	sadd.s32 $0xF200, s6;
	s6 =	sadd.s32 s29, s3  }
0x12: {  	s13 =	sadd.s32 s21, s13;
	s15 =	sadd.s32 s21, s15;
	s17 =	sadd.s32 s21, s17  }
0x13: {  	s19 =	sadd.s32 s21, s30;
	s21 =	sadd.s32 s21, s22;
	s22 =	simm.s32 $0x2800  }
0x14: {  	s7 =	sadd.s32 $0x4200, s8;
	s8 =	smax.u32 s9, $0x1;
	s9 =	sadd.s32 $0x4000, s6  }
0x15: {  	s10 =	sadd.s32 $0x8000, s6;
	s11 =	sadd.s32 $0xC000, s6;
	s12 =	sadd.s32 $0x10000, s6  }
.LBB2_1:
0x16: {  	[tilespmem:s22], [sflag:$0x1] =	stream.linear.gather [hbm4b:s5+s4], $0x4000, $0x38;
	[tilespmem:$0x9400] =	vst v63  }
0x17: {  	_ =	swait.ge [sflag:s23], $0x4000  }
0x18: {  	[sflag:s23] =	ssyncset.done $0x0  }
0x19: {  	[sflag:s23] =	ssyncadd.s32 $0xFFFFC000  }
0x1a: {  	[spmem:s6] =	stream.linear.scatter [tilespmem:s22], [sflag:$0x1], $0x4000, $0x38;
	[tilespmem:$0x9400] =	vst v63  }
0x1b: {  	_ =	swait.ge [sflag:s23], $0x4000  }
0x1c: {  	[sflag:s23] =	ssyncset.done $0x0  }
0x1d: {  	[sflag:s23] =	ssyncadd.s32 $0xFFFFC000  }
0x1e: {  	[spmem:s9] =	stream.linear.scatter [tilespmem:s22], [sflag:$0x1], $0x4000, $0x38;
	[tilespmem:$0x9400] =	vst v63  }
0x1f: {  	_ =	swait.ge [sflag:s23], $0x4000  }
0x20: {  	[sflag:s23] =	ssyncset.done $0x0  }
0x21: {  	[sflag:s23] =	ssyncadd.s32 $0xFFFFC000  }
0x22: {  	[spmem:s10] =	stream.linear.scatter [tilespmem:s22], [sflag:$0x1], $0x4000, $0x38;
	[tilespmem:$0x9400] =	vst v63  }
0x23: {  	_ =	swait.ge [sflag:s23], $0x4000  }
0x24: {  	[sflag:s23] =	ssyncset.done $0x0  }
0x25: {  	[sflag:s23] =	ssyncadd.s32 $0xFFFFC000  }
0x26: {  	[spmem:s11] =	stream.linear.scatter [tilespmem:s22], [sflag:$0x1], $0x4000, $0x38;
	[tilespmem:$0x9400] =	vst v63  }
0x27: {  	_ =	swait.ge [sflag:s23], $0x4000  }
0x28: {  	[sflag:s23] =	ssyncset.done $0x0  }
0x29: {  	[sflag:s23] =	ssyncadd.s32 $0xFFFFC000  }
0x2a: {  	[spmem:s12] =	stream.linear.scatter [tilespmem:s22], [sflag:$0x1], $0x4000, $0x38;
	[tilespmem:$0x9400] =	vst v63  }
0x2b: {  	_ =	swait.ge [sflag:s23], $0x4000  }
0x2c: {  	[sflag:s23] =	ssyncset.done $0x0  }
0x2d: {  	[sflag:s23] =	ssyncadd.s32 $0xFFFFC000  }
0x2e: {  	[tilespmem:s24], [sflag:$0x1] =	stream.linear.gather [hbm4b:s7+s4], $0x2C00, $0x38;
	[tilespmem:$0x9400] =	vst v63  }
0x2f: {  	_ =	swait.ge [sflag:s23], $0x2C00  }
0x30: {  	[sflag:s23] =	ssyncset.done $0x0  }
0x31: {  	[sflag:s23] =	ssyncadd.s32 $0xFFFFD400  }
0x32: {  	[tilespmem:s22], [sflag:$0x1] =	stream.linear.gather [hbm4b:s2+s4], $0x4000, $0x38;
	[tilespmem:$0x9400] =	vst v63  }
0x33: {  	_ =	swait.ge [sflag:s23], $0x4000  }
0x34: {  	[sflag:s23] =	ssyncset.done $0x0  }
0x35: {  	[sflag:s23] =	ssyncadd.s32 $0xFFFFC000  }
0x36: {  	s28 =	simm.s32 $0x6800;
	[bflag:$0x0] =	sbarrier.arrive $0xFFFF  }
0x37: {  	[spmem:s3] =	stream.indirect.scatter.add.f32 [tilespmem:s22], [sflag:$0x1], $0x10, s28, s25, $0xb8;
	[tilespmem:$0x9400] =	vst v63  }
0x38: {  	s28 =	simm.s32 $0x200;
	_ =	swait.ge [sflag:s23], $0x800  }
.LBB2_2:
0x39: {  	s29 =	sshra.s32 s28, $0x2;
	[sflag:s23] =	ssyncset.done $0x0;
	p0 =	sne.s32 s28, $0xAE00  }
.Ltmp0:
0x3a: {  	s29 =	sadd.s32 $0x6800, s29;
	[sflag:s23] =	ssyncadd.s32 $0xFFFFF800;
	(pc) =	sbr.rel @p0 .LBB2_2-.Ltmp0, $3  }
0x3b: {  	[spmem:s3] =	stream.indirect.scatter.add.f32 [tilespmem:s22], [sflag:$0x1], $0x10, s29, s25, $0xb8;
	[tilespmem:$0x9400] =	vst v63  }
0x3c: {  	s28 =	sadd.s32 $0x200, s28;
	_ =	sdelay $0x1  }
0x3d: {  	_ =	swait.ge [sflag:s23], $0x800  }
0x3e: {  	[sflag:s23] =	ssyncset.done $0x0  }
0x3f: {  	[sflag:s23] =	ssyncadd.s32 $0xFFFFF800  }
0x40: {  	[bflag:$0x0] =	sbarrier.arrive $0xFFFF  }
0x41: {  	[tilespmem:s22], [sflag:$0x1] =	stream.linear.gather [spmem:s6], $0x4000, $0x38;
	[tilespmem:$0x9400] =	vst v63  }
0x42: {  	_ =	swait.ge [sflag:s23], $0x4000  }
0x43: {  	[sflag:s23] =	ssyncset.done $0x0  }
0x44: {  	[sflag:s23] =	ssyncadd.s32 $0xFFFFC000  }
0x45: {  	[hbm4b:s13+s4] =	stream.linear.scatter [tilespmem:s22], [sflag:$0x1], $0x4000, $0x38;
	[tilespmem:$0x9400] =	vst v63  }
0x46: {  	_ =	swait.ge [sflag:s23], $0x4000  }
0x47: {  	[sflag:s23] =	ssyncset.done $0x0  }
0x48: {  	[sflag:s23] =	ssyncadd.s32 $0xFFFFC000  }
0x49: {  	[tilespmem:s22], [sflag:$0x1] =	stream.linear.gather [spmem:s14], $0x4000, $0x38;
	[tilespmem:$0x9400] =	vst v63  }
0x4a: {  	_ =	swait.ge [sflag:s23], $0x4000  }
0x4b: {  	[sflag:s23] =	ssyncset.done $0x0  }
0x4c: {  	[sflag:s23] =	ssyncadd.s32 $0xFFFFC000  }
0x4d: {  	[hbm4b:s15+s4] =	stream.linear.scatter [tilespmem:s22], [sflag:$0x1], $0x4000, $0x38;
	[tilespmem:$0x9400] =	vst v63  }
0x4e: {  	_ =	swait.ge [sflag:s23], $0x4000  }
0x4f: {  	[sflag:s23] =	ssyncset.done $0x0  }
0x50: {  	[sflag:s23] =	ssyncadd.s32 $0xFFFFC000  }
0x51: {  	[tilespmem:s22], [sflag:$0x1] =	stream.linear.gather [spmem:s16], $0x4000, $0x38;
	[tilespmem:$0x9400] =	vst v63  }
0x52: {  	_ =	swait.ge [sflag:s23], $0x4000  }
0x53: {  	[sflag:s23] =	ssyncset.done $0x0  }
0x54: {  	[sflag:s23] =	ssyncadd.s32 $0xFFFFC000  }
0x55: {  	[hbm4b:s17+s4] =	stream.linear.scatter [tilespmem:s22], [sflag:$0x1], $0x4000, $0x38;
	[tilespmem:$0x9400] =	vst v63  }
0x56: {  	_ =	swait.ge [sflag:s23], $0x4000  }
0x57: {  	[sflag:s23] =	ssyncset.done $0x0  }
0x58: {  	[sflag:s23] =	ssyncadd.s32 $0xFFFFC000  }
0x59: {  	[tilespmem:s22], [sflag:$0x1] =	stream.linear.gather [spmem:s18], $0x4000, $0x38;
	[tilespmem:$0x9400] =	vst v63  }
0x5a: {  	_ =	swait.ge [sflag:s23], $0x4000  }
0x5b: {  	[sflag:s23] =	ssyncset.done $0x0  }
0x5c: {  	[sflag:s23] =	ssyncadd.s32 $0xFFFFC000  }
0x5d: {  	[hbm4b:s19+s4] =	stream.linear.scatter [tilespmem:s22], [sflag:$0x1], $0x4000, $0x38;
	[tilespmem:$0x9400] =	vst v63  }
0x5e: {  	_ =	swait.ge [sflag:s23], $0x4000  }
0x5f: {  	[sflag:s23] =	ssyncset.done $0x0  }
0x60: {  	[sflag:s23] =	ssyncadd.s32 $0xFFFFC000  }
0x61: {  	[tilespmem:s22], [sflag:$0x1] =	stream.linear.gather [spmem:s20], $0x4000, $0x38;
	[tilespmem:$0x9400] =	vst v63  }
0x62: {  	s26 =	sadd.s32 $0x1, s26;
	_ =	swait.ge [sflag:s23], $0x4000  }
0x63: {  	p0 =	sne.s32 s26, s8;
	[sflag:s23] =	ssyncset.done $0x0  }
.Ltmp1:
0x64: {  	[sflag:s23] =	ssyncadd.s32 $0xFFFFC000;
	(pc) =	sbr.rel @p0 .LBB2_1-.Ltmp1, $4  }
0x65: {  	[hbm4b:s21+s4] =	stream.linear.scatter [tilespmem:s22], [sflag:$0x1], $0x4000, $0x38;
	[tilespmem:$0x9400] =	vst v63  }
0x66: {  	_ =	swait.ge [sflag:s23], $0x4000  }
0x67: {  	[sflag:s23] =	ssyncset.done $0x0  }
0x68: {  	[sflag:s23] =	ssyncadd.s32 $0xFFFFC000  }
0x69: {  	_ =	sfence.sel $0x180000  }
0x6a: {  	[bflag:$0x0] =	sbarrier.arrive $0xFFFF  }
0x6b: {  	p0 =	sne.s32 s1, $0x0;
	_ =	strace $0x90000047  }
0x6c: {  	s0 =	sadd.s32 @!p0 $0x100000, s0;
	[bflag:$0x2] =	sbarrier.arrive $0xFFFF  }
0x6d: {  	[sflag:s0] =	ssyncadd.tile.s32 @!p0 $0x1;
	_ =	shalt  }
.Lfunc_end2:
_tile_overlayer_lowered:
.L_overlay_start_2:
0x6e: {  	(tag) =	ssettag $0x2  }
0x6f: {  	s0 =	rddreg [dreg:$0x0];
	s2 =	stileid.u32  }
0x70: {  	s1 =	rddreg [dreg:$0x1];
	p0 =	sne.s32 s2, $0x0  }
0x71: {  	s3 =	rddreg [dreg:$0x2];
	[bflag:$0x3] =	sbarrier.arrive $0xFFFF;
	s2 =	simm.s32 @!p0 $0x1C01  }
0x72: {  	[timem:s3], [sflag:s2] =	dma.local @!p0 [hbm:s0], s1  }
0x73: {  	s0 =	simm.s32 @!p0 $0x1  }
0x74: {  	_ =	swait.ge @!p0 [sflag:s0], s1  }
0x75: {  	s1 =	ssub.s32 @!p0 $0x0, s1;
	[sflag:s0] =	ssyncset.done @!p0 $0x0  }
0x76: {  	[sflag:s0] =	ssyncadd.s32 @!p0 s1  }
0x77: {  	[bflag:$0x3] =	sbarrier.arrive $0xFFFF  }
0x78: {  	_ =	shalt  }

// kernel: kernel.15.cloned.1.call-start
scs
__scs_entry_jumppad:
0x0: {  	(pc) =	sbr.rel $0x88, $3  }
0x1: {  	(tag) =	ssettag $0x0;
	lr =	simm.s32 $0x1  }
0x2: {  	[smem:$0x3F97] =	sst lr;
	_ =	strace $0xD0000000  }
0x3: {  	_ = 	snop  }
0x4: {  	_ = 	snop  }
0x5: {  	_ = 	snop  }
0x6: {  	_ = 	snop  }
0x7: {  	_ = 	snop  }
__scs_overlays_trampoline_lowered:
0x8: {  	[smem:$0x3FA6] =	sst s0  }
0x9: {  	[smem:$0x3FA7] =	sst s1  }
0xa: {  	[smem:$0x3FA8] =	sst s2  }
0xb: {  	[smem:$0x3FA9] =	sst s3  }
0xc: {  	[smem:$0x3FAA] =	sst s4  }
0xd: {  	[smem:$0x3FAB] =	sst s5  }
0xe: {  	[smem:$0x3FAC] =	sst s6  }
0xf: {  	[smem:$0x3FAD] =	sst s7  }
0x10: {  	[smem:$0x3FAE] =	sst s8  }
0x11: {  	[smem:$0x3FAF] =	sst s9;
	s0 =	simm.s32 @!p0 $0x0  }
0x12: {  	s1 =	sld [smem:$0x3F95];
	s0 =	simm.s32 @p0 $0x1  }
0x13: {  	[smem:$0x3FB0] =	sst s0;
	s0 =	simm.s32 @!p1 $0x0  }
0x14: {  	s2 =	sld [smem:$0x3F94];
	s0 =	simm.s32 @p1 $0x1  }
0x15: {  	[smem:$0x3FB1] =	sst s0;
	s0 =	simm.s32 @!p2 $0x0  }
0x16: {  	s3 =	sld [smem:$0x3FDB];
	s0 =	simm.s32 @p2 $0x1  }
0x17: {  	s4 =	simm.s32 $0x1BF5;
	[smem:$0x3FB3] =	sst s0  }
0x18: {  	s0 =	sld [smem:$0x3F96];
	_ =	swait.ge [sflag:s4], $0x0  }
0x19: {  	s7 =	sld [smem:$0x3F97]  }
0x1a: {  	s8 =	sadd.s32 $0xFFFFE003, lr  }
0x1b: {  	s9 =	sadd.s32 $0xFFFFFEF7, lr;
	s5 =	simm.s32 $0xFFFFFFFF;
	p2 =	slt.u32 s8, $0xFFFFF086  }
0x1c: {  	p1 =	slt.u32 s9, $0xF7A;
	s5 =	simm.s32 @!p2 $0x0  }
0x1d: {  	s5 =	simm.s32 @p1 $0x1;
	p0 =	seq.s32 s7, s2  }
0x1e: {  	s7 =	smul.u32 @!p0 $0xF7A, s2;
	p2 =	seq.s32 @!p0 s5, $0x0  }
0x1f: {  	s9 =	smul.u32 $0xF7A, s1;
	s8 =	simm.s32 @!p0 $0x1BF5;
	p2 =	por !p2, p0  }
0x20: {  	[sflag:s8] =	ssyncset.s32 @!p0 $0xFFFFF086;
	s6 =	sadd.s32 @!p0 s3, s7;
	s7 =	simm.s32 @!p0 $0x108  }
0x21: {  	s3 =	sadd.s32 s3, s9;
	s6 =	sadd.s32 @!p0 $0x88, s6;
	s7 =	simm.s32 @p2 $0x1082  }
0x22: {  	[simem:s7], [sflag:s8] =	dma.local @!p0 [hbm:s6], $0xF7A  }
0x23: {  	s9 =	sor.u32 $0xD0000000, s2;
	s6 =	simm.s32 $0x108;
	_ =	swait.ge @!p0 [sflag:s8], $0x0  }
0x24: {  	s3 =	sadd.s32 $0x88, s3;
	s6 =	simm.s32 @!p1 $0x1082;
	[sflag:s4] =	ssyncset.s32 $0xFFFFF086  }
0x25: {  	[simem:s6], [sflag:s4] =	dma.local [hbm:s3], $0xF7A  }
0x26: {  	[smem:$0x3F97] =	sst s1;
	(tag) =	ssettag s2;
	_ =	strace s9  }
0x27: {  	s1 =	sld [smem:$0x3FA7]  }
0x28: {  	s2 =	sld [smem:$0x3FA8]  }
0x29: {  	s4 =	sld [smem:$0x3FAA]  }
0x2a: {  	p0 =	seq.s32 s5, $0x0;
	s5 =	sld [smem:$0x3FAB]  }
0x2b: {  	s6 =	sld [smem:$0x3FAC]  }
0x2c: {  	s7 =	sld [smem:$0x3FAD]  }
0x2d: {  	s3 =	simm.s32 $0x108;
	s8 =	sld [smem:$0x3FAE]  }
0x2e: {  	s3 =	simm.s32 @!p0 $0x1082;
	s9 =	sld [smem:$0x3FAF]  }
0x2f: {  	lr =	sadd.s32 s0, s3;
	s0 =	sld [smem:$0x3FA6]  }
0x30: {  	s3 =	sld [smem:$0x3FA9]  }
0x31: {  	[smem:$0x3FB2] =	sst s10  }
0x32: {  	s10 =	sld [smem:$0x3FB0];
	_ =	sdelay $0x3  }
0x33: {  	p0 =	seq.s32 s10, $0x1;
	s10 =	sld [smem:$0x3FB2];
	_ =	sdelay $0x3  }
0x34: {  	[smem:$0x3FB2] =	sst s10  }
0x35: {  	s10 =	sld [smem:$0x3FB1];
	_ =	sdelay $0x3  }
0x36: {  	p1 =	seq.s32 s10, $0x1;
	s10 =	sld [smem:$0x3FB2];
	_ =	sdelay $0x3  }
0x37: {  	[smem:$0x3FB2] =	sst s10  }
0x38: {  	s10 =	sld [smem:$0x3FB3]  }
0x39: {  	_ = 	snop;
	(pc) =	sbr.ind lr, $3  }
0x3a: {  	_ = 	snop  }
0x3b: {  	_ = 	snop  }
0x3c: {  	p2 =	seq.s32 s10, $0x1;
	s10 =	sld [smem:$0x3FB2]  }
0x3d: {  	_ =	shalt  }
0x3e: {  	_ =	shalt  }
0x3f: {  	_ =	shalt  }
0x40: {  	_ =	shalt  }
0x41: {  	_ =	shalt  }
0x42: {  	_ =	shalt  }
0x43: {  	_ =	shalt  }
0x44: {  	_ =	shalt  }
0x45: {  	_ =	shalt  }
0x46: {  	_ =	shalt  }
0x47: {  	_ =	shalt  }
0x48: {  	_ =	shalt  }
0x49: {  	_ =	shalt  }
0x4a: {  	_ =	shalt  }
0x4b: {  	_ =	shalt  }
0x4c: {  	_ =	shalt  }
0x4d: {  	_ =	shalt  }
0x4e: {  	_ =	shalt  }
0x4f: {  	_ =	shalt  }
0x50: {  	_ =	shalt  }
0x51: {  	_ =	shalt  }
0x52: {  	_ =	shalt  }
0x53: {  	_ =	shalt  }
0x54: {  	_ =	shalt  }
0x55: {  	_ =	shalt  }
0x56: {  	_ =	shalt  }
0x57: {  	_ =	shalt  }
0x58: {  	_ =	shalt  }
0x59: {  	_ =	shalt  }
0x5a: {  	_ =	shalt  }
0x5b: {  	_ =	shalt  }
0x5c: {  	_ =	shalt  }
0x5d: {  	_ =	shalt  }
0x5e: {  	_ =	shalt  }
0x5f: {  	_ =	shalt  }
0x60: {  	_ =	shalt  }
0x61: {  	_ =	shalt  }
0x62: {  	_ =	shalt  }
0x63: {  	_ =	shalt  }
0x64: {  	_ =	shalt  }
0x65: {  	_ =	shalt  }
0x66: {  	_ =	shalt  }
0x67: {  	_ =	shalt  }
0x68: {  	_ =	shalt  }
0x69: {  	_ =	shalt  }
0x6a: {  	_ =	shalt  }
0x6b: {  	_ =	shalt  }
0x6c: {  	_ =	shalt  }
0x6d: {  	_ =	shalt  }
0x6e: {  	_ =	shalt  }
0x6f: {  	_ =	shalt  }
0x70: {  	_ =	shalt  }
0x71: {  	_ =	shalt  }
0x72: {  	_ =	shalt  }
0x73: {  	_ =	shalt  }
0x74: {  	_ =	shalt  }
0x75: {  	_ =	shalt  }
0x76: {  	_ =	shalt  }
0x77: {  	_ =	shalt  }
0x78: {  	_ =	shalt  }
0x79: {  	_ =	shalt  }
0x7a: {  	_ =	shalt  }
0x7b: {  	_ =	shalt  }
0x7c: {  	_ =	shalt  }
0x7d: {  	_ =	shalt  }
0x7e: {  	_ =	shalt  }
0x7f: {  	_ =	shalt  }
0x80: {  	_ =	shalt  }
0x81: {  	_ =	shalt  }
0x82: {  	_ =	shalt  }
0x83: {  	_ =	shalt  }
0x84: {  	_ =	shalt  }
0x85: {  	_ =	shalt  }
0x86: {  	_ =	shalt  }
0x87: {  	_ =	shalt  }
.Lfunc_end0:
.L_simem_size_0:
called_computation.1_lowered:
.L_overlay_start_0:
0x88: {  	s2 =	sld [smem:$0x3FD9]  }
0x89: {  	s3 =	sld [smem:$0x3FFE];
	_ =	sdelay $0x1  }
0x8a: {  	s1 =	srdreg.scid  }
0x8b: {  	s0 =	sand.u32 $0x1, s1  }
0x8c: {  	s17 =	sshll.u32 s0, $0xA;
	s2 =	sadd.s32 s3, s2  }
0x8d: {  	s2 =	sadd.s32 s2, s17  }
0x8e: {  	[smem:$0x3FBE] =	sst s2  }
0x8f: {  	_ = 	snop  }
0x90: {  	s2 =	sld [smem:$0x3FD0];
	(tm) =	ssettm $0x1  }
0x91: {  	s18 =	sld [smem:$0x3FFB];
	_ =	sdelay $0x3  }
0x92: {  	_ =	strace s18  }
0x93: {  	s3 =	sld [smem:$0x3FFC];
	_ =	sdelay $0x3  }
0x94: {  	_ =	strace s3  }
0x95: {  	s3 =	sld [smem:$0x3FFD];
	_ =	sdelay $0x3  }
0x96: {  	_ =	strace s3  }
0x97: {  	_ =	strace $0x8FFFFFFF  }
0x98: {  	s19 =	sld [smem:$0x3FDB];
	_ =	sdelay $0x1  }
0x99: {  	s4 =	simm.s32 $_scs_section_size  }
0x9a: {  	s5 =	simm.s32 $_size__tile_overlayer_lowered;
	s6 =	simm.s32 $_tile_overlayer_lowered  }
0x9b: {  	s22 =	simm.s32 $0x1BFF;
	s21 =	sshll.u32 s6, $0x1;
	s3 =	sadd.s32 s4, s19  }
0x9c: {  	s7 =	simm.s32 $0x0;
	s20 =	sshll.u32 s5, $0x1;
	s5 =	sadd.s32 s21, s3  }
0x9d: {  	[timem:s7], [sflag:s22] =	dma.local [hbm:s5], s20  }
0x9e: {  	_ =	swait.ge [sflag:s22], s20  }
0x9f: {  	s4 =	ssub.s32 $0x0, s20;
	[sflag:s22] =	ssyncset.done $0x0  }
0xa0: {  	[sflag:s22] =	ssyncadd.s32 s4;
	_ =	sdelay $0x1  }
0xa1: {  	s23 =	simm.s32 $0x1B8B  }
0xa2: {  	_ =	swait.ge [sflag:s23], $0x1  }
0xa3: {  	[sflag:s23] =	ssyncset.done $0x0  }
0xa4: {  	s25 =	simm.s32 $0x1B8E;
	s24 =	sld [smem:$0x3FFE];
	[sflag:s23] =	ssyncadd.s32 $0xFFFFFFFF  }
0xa5: {  	s26 =	simm.s32 $execute0_lowered;
	[smem:$0x3FD2] =	sst s25  }
0xa6: {  	s5 =	sshll.u32 s26, $0x1;
	_ =	strace $0x80000049;
	[dreg:$0x1] =	wrdreg $0xFFFFFFFF  }
0xa7: {  	s28 =	simm.s32 $_size_execute0_lowered;
	s3 =	sadd.s32 s3, s5;
	[dreg:$0x0] =	wrdreg $0x0  }
0xa8: {  	s5 =	sshll.u32 s28, $0x1;
	[dreg:$0x2] =	wrdreg s3  }
0xa9: {  	[dreg:$0x3] =	wrdreg s5  }
0xaa: {  	[dreg:$0x4] =	wrdreg $0xC0  }
0xab: {  	_ =	task [dreg:s7], $0x5FFFF  }
0xac: {  	[dreg:$0x1] =	wrdreg $0xFFFFFFFF  }
0xad: {  	[dreg:$0x0] =	wrdreg $0x60  }
0xae: {  	[dreg:$0x2] =	wrdreg s2  }
0xaf: {  	[dreg:$0x3] =	wrdreg s24  }
0xb0: {  	[dreg:$0x4] =	wrdreg $0x0  }
0xb1: {  	[dreg:$0x5] =	wrdreg $0x9  }
0xb2: {  	_ =	task.clear_ibuf [dreg:s7], $0x6FFFF;
	_ =	strace $0x90000049  }
0xb3: {  	s29 =	simm.s32 $0x9;
	_ =	strace $0x8000004B  }
0xb4: {  	_ =	swait.ge [sflag:s29], $0x1  }
0xb5: {  	[sflag:s29] =	ssyncadd.s32 $0xFFFFFFFF  }
0xb6: {  	_ =	strace $0x9000004B  }
0xb7: {  	_ =	sfence  }
0xb8: {  	s30 =	sld [smem:$0x0];
	_ =	sdelay $0x2  }
0xb9: {  	s31 =	sshll.u32 s1, $0xD;
	s1 =	sshrl.u32 s1, $0x2  }
0xba: {  	s3 =	sand.u32 $0x4000, s31;
	s1 =	sadd.s32 s1, s30  }
0xbb: {  	s0 =	sor.u32 s3, s0;
	s1 =	sshll.u32 s1, $0x11  }
0xbc: {  	s0 =	sor.u32 s1, s0  }
0xbd: {  	s0 =	sadd.s32 $0x8F2B, s0  }
0xbe: {  	[sflag:s0] =	ssyncadd.remote.s32 $0x1  }
0xbf: {  	_ =	sfence.sel $0xFFFF  }
0xc0: {  	[dreg:$0x0] =	wrdreg $0xFFFFFFFF;
	(pc) =	sbr.abs _section_cstart, $3  }
0xc1: {  	[dreg:$0x1] =	wrdreg $0xFFFFFFFF  }
0xc2: {  	_ =	task.clear_ibuf [dreg:s7], $0x2FFFF;
	_ =	strace $0x9FFFFFFF  }
0xc3: {  	(tm) =	ssettm $0x7FFFFFFF  }
tec
execute0_lowered:
.L_overlay_start_1:
0x0: {  	(tag) =	ssettag $0x1  }
0x1: {  	s1 =	rddreg [dreg:$0x0]  }
0x2: {  	s0 =	rddreg [dreg:$0x1]  }
0x3: {  	s2 =	rddreg [dreg:$0x2];
	s3 =	simm.s32 $0x0;
	s4 =	srdreg.scid  }
0x4: {  	s13 =	stileid.u32;
	s28 =	simm.s32 $0x1C000;
	s29 =	simm.s32 $0x1D800  }
0x5: {  	s30 =	simm.s32 $0x80;
	s31 =	simm.s32 $0x1;
	[smem:$0x7FF] =	sst s3  }
0x6: {  	s4 =	sand.u32 $0x1, s4;
	s5 =	sadd.s32 $0x5FA00, s0;
	s7 =	sadd.s32 $0x4200, s0  }
0x7: {  	s8 =	smul.u32 $0x50000, s13;
	s9 =	sadd.s32 $0xF200, s0;
	s0 =	sadd.s32 $0x6AA00, s0  }
0x8: {  	_ =	strace $0x8000004A;
	s6 =	sshll.u32 s4, $0x4;
	[dreg:$0x4] =	wrdreg s9  }
0x9: {  	s25 =	ssub.s32 $0x2, s4;
	s4 =	smul.u32 $0x140000, s4;
	s6 =	sor.u32 s13, s6  }
0xa: {  	s11 =	sshrl.u32 s25, $0x1;
	s8 =	sshrl.u32 s8, $0x2;
	s10 =	smul.u32 $0x580, s6  }
0xb: {  	s12 =	smul.u32 $0x2C00, s6;
	s9 =	ssub.s32 s25, s11;
	s6 =	sadd.s32 s8, s2  }
0xc: {  	s17 =	smax.u32 s9, $0x1;
	s18 =	sadd.s32 $0x4000, s6;
	s14 =	sadd.s32 $0xC000, s6  }
0xd: {  	s15 =	sadd.s32 $0x10000, s6;
	s26 =	sadd.s32 s5, s10;
	[dreg:$0x9] =	wrdreg s17  }
0xe: {  	s11 =	sshrl.u32 s12, $0x3;
	s10 =	sadd.s32 s7, s10;
	[dreg:$0xa] =	wrdreg s18  }
0xf: {  	s12 =	smul.u32 $0x14000, s13;
	[dreg:$0x5] =	wrdreg s26;
	s8 =	sadd.s32 $0x300, s11  }
0x10: {  	s13 =	sadd.s32 $0x8000, s6;
	[dreg:$0x6] =	wrdreg s10;
	s5 =	sadd.s32 s5, s8  }
0x11: {  	s16 =	sadd.s32 s7, s8;
	s19 =	sadd.s32 s4, s12;
	s20 =	sadd.s32 $0x4000, s12  }
0x12: {  	s22 =	sadd.s32 $0x8000, s12;
	s24 =	sadd.s32 $0xC000, s12;
	[dreg:$0x7] =	wrdreg s5  }
0x13: {  	s25 =	sadd.s32 $0x10000, s12;
	s7 =	simm.s32 $0x0;
	[dreg:$0x8] =	wrdreg s16  }
0x14: {  	s5 =	sshrl.u32 s19, $0x3;
	s21 =	sadd.s32 s4, s20;
	s17 =	sadd.s32 s20, s2  }
0x15: {  	s19 =	sadd.s32 s22, s2;
	s23 =	sadd.s32 s4, s22;
	s26 =	sadd.s32 s4, s24  }
0x16: {  	s4 =	sadd.s32 s4, s25;
	s16 =	sadd.s32 s0, s5;
	s5 =	sshrl.u32 s21, $0x3  }
.Ltmp0:
0x17: {  	s21 =	sadd.s32 s24, s2;
	s4 =	sshrl.u32 s4, $0x3;
	(pc) =	sbr.rel .LBB2_1-.Ltmp0, $4  }
0x18: {  	s18 =	sadd.s32 s0, s5;
	s5 =	sshrl.u32 s23, $0x3;
	s23 =	sadd.s32 s25, s2  }
0x19: {  	s24 =	sadd.s32 s0, s4;
	s25 =	simm.s32 $0x14000;
	s4 =	simm.s32 $0x18000  }
0x1a: {  	s20 =	sadd.s32 s0, s5;
	s5 =	sshrl.u32 s26, $0x3;
	s26 =	simm.s32 $0x3  }
0x1b: {  	s22 =	sadd.s32 s0, s5;
	s0 =	simm.s32 $0x1C080;
	s5 =	simm.s32 $0x2  }
.LBB2_7:
0x1c: {  	s8 =	simm.s32 $0x1EB80  }
0x1d: {  	[spmem:s2] =	stream.indirect.scatter.add.f32 [tilespmem:s11], [sflag:$0x2], $0x80, s8, s30, $0xb8;
	[tilespmem:$0x1F000] =	vst v63  }
.LBB2_9:
0x1e: {  	_ =	swait.ge [sflag:s5], $0x4000  }
0x1f: {  	[sflag:s5] =	ssyncset.done $0x0  }
0x20: {  	[sflag:s5] =	ssyncadd.s32 $0xFFFFC000  }
0x21: {  	[bflag:$0x0] =	sbarrier.arrive $0xFFFF  }
0x22: {  	[tilespmem:s25], [sflag:$0x3] =	stream.linear.gather [spmem:s6], $0x4000, $0x38;
	[tilespmem:$0x1F000] =	vst v63  }
0x23: {  	_ =	swait.ge [sflag:s26], $0x4000  }
0x24: {  	[sflag:s26] =	ssyncset.done $0x0  }
0x25: {  	[sflag:s26] =	ssyncadd.s32 $0xFFFFC000  }
0x26: {  	[hbm4b:s16+s3] =	stream.linear.scatter [tilespmem:s25], [sflag:$0x3], $0x4000, $0x38;
	[tilespmem:$0x1F000] =	vst v63  }
0x27: {  	_ =	swait.ge [sflag:s26], $0x4000  }
0x28: {  	[sflag:s26] =	ssyncset.done $0x0  }
0x29: {  	[sflag:s26] =	ssyncadd.s32 $0xFFFFC000  }
0x2a: {  	[tilespmem:s25], [sflag:$0x3] =	stream.linear.gather [spmem:s17], $0x4000, $0x38;
	[tilespmem:$0x1F000] =	vst v63  }
0x2b: {  	_ =	swait.ge [sflag:s26], $0x4000  }
0x2c: {  	[sflag:s26] =	ssyncset.done $0x0  }
0x2d: {  	[sflag:s26] =	ssyncadd.s32 $0xFFFFC000  }
0x2e: {  	[hbm4b:s18+s3] =	stream.linear.scatter [tilespmem:s25], [sflag:$0x3], $0x4000, $0x38;
	[tilespmem:$0x1F000] =	vst v63  }
0x2f: {  	_ =	swait.ge [sflag:s26], $0x4000  }
0x30: {  	[sflag:s26] =	ssyncset.done $0x0  }
0x31: {  	[sflag:s26] =	ssyncadd.s32 $0xFFFFC000  }
0x32: {  	[tilespmem:s25], [sflag:$0x3] =	stream.linear.gather [spmem:s19], $0x4000, $0x38;
	[tilespmem:$0x1F000] =	vst v63  }
0x33: {  	_ =	swait.ge [sflag:s26], $0x4000  }
0x34: {  	[sflag:s26] =	ssyncset.done $0x0  }
0x35: {  	[sflag:s26] =	ssyncadd.s32 $0xFFFFC000  }
0x36: {  	[hbm4b:s20+s3] =	stream.linear.scatter [tilespmem:s25], [sflag:$0x3], $0x4000, $0x38;
	[tilespmem:$0x1F000] =	vst v63  }
0x37: {  	_ =	swait.ge [sflag:s26], $0x4000  }
0x38: {  	[sflag:s26] =	ssyncset.done $0x0  }
0x39: {  	[sflag:s26] =	ssyncadd.s32 $0xFFFFC000  }
0x3a: {  	[tilespmem:s25], [sflag:$0x3] =	stream.linear.gather [spmem:s21], $0x4000, $0x38;
	[tilespmem:$0x1F000] =	vst v63  }
0x3b: {  	_ =	swait.ge [sflag:s26], $0x4000  }
0x3c: {  	[sflag:s26] =	ssyncset.done $0x0  }
0x3d: {  	[sflag:s26] =	ssyncadd.s32 $0xFFFFC000  }
0x3e: {  	[hbm4b:s22+s3] =	stream.linear.scatter [tilespmem:s25], [sflag:$0x3], $0x4000, $0x38;
	[tilespmem:$0x1F000] =	vst v63  }
0x3f: {  	_ =	swait.ge [sflag:s26], $0x4000  }
0x40: {  	[sflag:s26] =	ssyncset.done $0x0  }
0x41: {  	[sflag:s26] =	ssyncadd.s32 $0xFFFFC000  }
0x42: {  	[tilespmem:s25], [sflag:$0x3] =	stream.linear.gather [spmem:s23], $0x4000, $0x38;
	[tilespmem:$0x1F000] =	vst v63  }
0x43: {  	_ =	swait.ge [sflag:s26], $0x4000  }
0x44: {  	[sflag:s26] =	ssyncset.done $0x0  }
0x45: {  	[sflag:s26] =	ssyncadd.s32 $0xFFFFC000  }
0x46: {  	[hbm4b:s24+s3] =	stream.linear.scatter [tilespmem:s25], [sflag:$0x3], $0x4000, $0x38;
	[tilespmem:$0x1F000] =	vst v63  }
0x47: {  	_ =	swait.ge [sflag:s26], $0x4000  }
0x48: {  	s7 =	sadd.s32 $0x1, s7;
	s8 =	rddreg [dreg:$0x9]  }
0x49: {  	p0 =	sne.s32 s7, s8  }
.Ltmp1:
0x4a: {  	_ = 	snop;
	(pc) =	sbr.rel @!p0 .LBB2_10-.Ltmp1, $3  }
0x4b: {  	_ =	sdelay $0x1  }
0x4c: {  	[sflag:s26] =	ssyncset.done $0x0  }
0x4d: {  	[sflag:s26] =	ssyncadd.s32 $0xFFFFC000  }
.LBB2_1:
0x4e: {  	s8 =	rddreg [dreg:$0x4]  }
0x4f: {  	[tilespmem:s25], [sflag:$0x3] =	stream.linear.gather [hbm4b:s8+s3], $0x4000, $0x38;
	[tilespmem:$0x1F000] =	vst v63  }
0x50: {  	_ =	swait.ge [sflag:s26], $0x4000  }
0x51: {  	[sflag:s26] =	ssyncset.done $0x0  }
0x52: {  	[sflag:s26] =	ssyncadd.s32 $0xFFFFC000  }
0x53: {  	[spmem:s6] =	stream.linear.scatter [tilespmem:s25], [sflag:$0x3], $0x4000, $0x38;
	[tilespmem:$0x1F000] =	vst v63  }
0x54: {  	_ =	swait.ge [sflag:s26], $0x4000  }
0x55: {  	[sflag:s26] =	ssyncset.done $0x0  }
0x56: {  	s10 =	rddreg [dreg:$0xa];
	[sflag:s26] =	ssyncadd.s32 $0xFFFFC000  }
0x57: {  	[spmem:s10] =	stream.linear.scatter [tilespmem:s25], [sflag:$0x3], $0x4000, $0x38;
	[tilespmem:$0x1F000] =	vst v63  }
0x58: {  	_ =	swait.ge [sflag:s26], $0x4000  }
0x59: {  	[sflag:s26] =	ssyncset.done $0x0  }
0x5a: {  	[sflag:s26] =	ssyncadd.s32 $0xFFFFC000  }
0x5b: {  	[spmem:s13] =	stream.linear.scatter [tilespmem:s25], [sflag:$0x3], $0x4000, $0x38;
	[tilespmem:$0x1F000] =	vst v63  }
0x5c: {  	_ =	swait.ge [sflag:s26], $0x4000  }
0x5d: {  	[sflag:s26] =	ssyncset.done $0x0  }
0x5e: {  	[sflag:s26] =	ssyncadd.s32 $0xFFFFC000  }
0x5f: {  	[spmem:s14] =	stream.linear.scatter [tilespmem:s25], [sflag:$0x3], $0x4000, $0x38;
	[tilespmem:$0x1F000] =	vst v63  }
0x60: {  	_ =	swait.ge [sflag:s26], $0x4000  }
0x61: {  	[sflag:s26] =	ssyncset.done $0x0  }
0x62: {  	[sflag:s26] =	ssyncadd.s32 $0xFFFFC000  }
0x63: {  	[spmem:s15] =	stream.linear.scatter [tilespmem:s25], [sflag:$0x3], $0x4000, $0x38;
	[tilespmem:$0x1F000] =	vst v63  }
0x64: {  	_ =	swait.ge [sflag:s26], $0x4000  }
0x65: {  	[sflag:s26] =	ssyncset.done $0x0  }
0x66: {  	[sflag:s26] =	ssyncadd.s32 $0xFFFFC000  }
0x67: {  	[bflag:$0x0] =	sbarrier.arrive $0xFFFF  }
0x68: {  	s11 =	rddreg [dreg:$0x5]  }
0x69: {  	[tilespmem:s28], [sflag:$0x3] =	stream.linear.gather [hbm4b:s11+s3], $0x1800, $0x38;
	[tilespmem:$0x1F000] =	vst v63  }
0x6a: {  	_ =	swait.ge [sflag:s26], $0x1800  }
0x6b: {  	[sflag:s26] =	ssyncset.done $0x0  }
0x6c: {  	s12 =	rddreg [dreg:$0x6];
	[sflag:s26] =	ssyncadd.s32 $0xFFFFE800  }
0x6d: {  	[tilespmem:s29], [sflag:$0x3] =	stream.linear.gather [hbm4b:s12+s3], $0x1800, $0x38;
	[tilespmem:$0x1F000] =	vst v63  }
0x6e: {  	_ =	swait.ge [sflag:s26], $0x1800  }
0x6f: {  	[sflag:s26] =	ssyncset.done $0x0  }
0x70: {  	[sflag:s26] =	ssyncadd.s32 $0xFFFFE800  }
0x71: {  	[tilespmem:s25], [sflag:$0x1] =	stream.indirect.gather [hbm4b:s1+s30], $0x80, s28, s30, $0xb8;
	[tilespmem:$0x1F000] =	vst v63  }
0x72: {  	_ =	swait.ge [sflag:s31], $0x4000  }
0x73: {  	[sflag:s31] =	ssyncset.done $0x0  }
0x74: {  	[sflag:s31] =	ssyncadd.s32 $0xFFFFC000  }
0x75: {  	[tilespmem:s4], [sflag:$0x1] =	stream.indirect.gather [hbm4b:s1+s30], $0x80, s0, s30, $0xb8;
	[tilespmem:$0x1F000] =	vst v63  }
0x76: {  	s9 =	simm.s32 $0x20000;
	s8 =	simm.s32 $0x1D880;
	s10 =	simm.s32 $0x1C100  }
0x77: {  	[spmem:s2] =	stream.indirect.scatter.add.f32 [tilespmem:s25], [sflag:$0x2], $0x80, s29, s30, $0xb8;
	[tilespmem:$0x1F000] =	vst v63  }
.LBB2_2:
0x78: {  	_ =	swait.ge [sflag:s31], $0x4000;
	p0 =	sne.s32 s9, $0x300000  }
.Ltmp2:
0x79: {  	[sflag:s31] =	ssyncset.done $0x0;
	(pc) =	sbr.rel @!p0 .LBB2_3-.Ltmp2, $4  }
0x7a: {  	s11 =	sadd.s32 $0xFFFF0000, s9;
	[sflag:s31] =	ssyncadd.s32 $0xFFFFC000  }
0x7b: {  	s11 =	sand.u32 $0x10000, s11;
	_ =	swait.ge [sflag:s5], $0x4000  }
0x7c: {  	s11 =	sshrl.u32 s11, $0x2;
	[sflag:s5] =	ssyncset.done $0x0  }
0x7d: {  	s11 =	sadd.s32 $0x14000, s11;
	[sflag:s5] =	ssyncadd.s32 $0xFFFFC000  }
0x7e: {  	s12 =	sand.u32 $0x10000, s9  }
0x7f: {  	s9 =	sadd.s32 $0x10000, s9;
	s12 =	sshrl.u32 s12, $0x2  }
0x80: {  	p0 =	sne.s32 s9, $0x310000;
	s12 =	sadd.s32 $0x14000, s12  }
0x81: {  	[tilespmem:s12], [sflag:$0x1] =	stream.indirect.gather [hbm4b:s1+s30], $0x80, s10, s30, $0xb8;
	[tilespmem:$0x1F000] =	vst v63  }
.Ltmp3:
0x82: {  	_ = 	snop;
	(pc) =	sbr.rel @p0 .LBB2_2-.Ltmp3, $4  }
.Ltmp4:
0x83: {  	_ = 	snop;
	(pc) =	sbr.rel @!p0 .LBB2_5-.Ltmp4, $4  }
0x84: {  	_ = 	snop  }
0x85: {  	[spmem:s2] =	stream.indirect.scatter.add.f32 [tilespmem:s11], [sflag:$0x2], $0x80, s8, s30, $0xb8;
	[tilespmem:$0x1F000] =	vst v63  }
0x86: {  	s10 =	sadd.s32 $0x80, s10;
	s8 =	sadd.s32 $0x80, s8  }
0x87: {  	_ = 	snop  }
.LBB2_3:
0x88: {  	s8 =	simm.s32 $0x1EF80  }
0x89: {  	[spmem:s2] =	stream.indirect.scatter.add.f32 [tilespmem:s11], [sflag:$0x2], $0x80, s8, s30, $0xb8;
	[tilespmem:$0x1F000] =	vst v63  }
.LBB2_5:
0x8a: {  	_ =	swait.ge [sflag:s5], $0x4000  }
0x8b: {  	[sflag:s5] =	ssyncset.done $0x0  }
0x8c: {  	s8 =	rddreg [dreg:$0x7];
	[sflag:s5] =	ssyncadd.s32 $0xFFFFC000  }
0x8d: {  	[tilespmem:s28], [sflag:$0x3] =	stream.linear.gather [hbm4b:s8+s3], $0x1400, $0x38;
	[tilespmem:$0x1F000] =	vst v63  }
0x8e: {  	_ =	swait.ge [sflag:s26], $0x1400  }
0x8f: {  	[sflag:s26] =	ssyncset.done $0x0  }
0x90: {  	s12 =	rddreg [dreg:$0x8];
	[sflag:s26] =	ssyncadd.s32 $0xFFFFEC00  }
0x91: {  	[tilespmem:s29], [sflag:$0x3] =	stream.linear.gather [hbm4b:s12+s3], $0x1400, $0x38;
	[tilespmem:$0x1F000] =	vst v63  }
0x92: {  	_ =	swait.ge [sflag:s26], $0x1400  }
0x93: {  	[sflag:s26] =	ssyncset.done $0x0  }
0x94: {  	[sflag:s26] =	ssyncadd.s32 $0xFFFFEC00  }
0x95: {  	[tilespmem:s25], [sflag:$0x1] =	stream.indirect.gather [hbm4b:s1+s30], $0x80, s28, s30, $0xb8;
	[tilespmem:$0x1F000] =	vst v63  }
0x96: {  	_ =	swait.ge [sflag:s31], $0x4000  }
0x97: {  	[sflag:s31] =	ssyncset.done $0x0  }
0x98: {  	[sflag:s31] =	ssyncadd.s32 $0xFFFFC000  }
0x99: {  	[tilespmem:s4], [sflag:$0x1] =	stream.indirect.gather [hbm4b:s1+s30], $0x80, s0, s30, $0xb8;
	[tilespmem:$0x1F000] =	vst v63  }
0x9a: {  	s9 =	simm.s32 $0x20000;
	s10 =	simm.s32 $0x1C100;
	s8 =	simm.s32 $0x1D880  }
0x9b: {  	[spmem:s2] =	stream.indirect.scatter.add.f32 [tilespmem:s25], [sflag:$0x2], $0x80, s29, s30, $0xb8;
	[tilespmem:$0x1F000] =	vst v63  }
.LBB2_6:
0x9c: {  	_ =	swait.ge [sflag:s31], $0x4000;
	p0 =	sne.s32 s9, $0x280000  }
.Ltmp5:
0x9d: {  	[sflag:s31] =	ssyncset.done $0x0;
	(pc) =	sbr.rel @!p0 .LBB2_7-.Ltmp5, $4  }
0x9e: {  	s11 =	sadd.s32 $0xFFFF0000, s9;
	[sflag:s31] =	ssyncadd.s32 $0xFFFFC000  }
0x9f: {  	s11 =	sand.u32 $0x10000, s11;
	_ =	swait.ge [sflag:s5], $0x4000  }
0xa0: {  	s11 =	sshrl.u32 s11, $0x2;
	[sflag:s5] =	ssyncset.done $0x0  }
0xa1: {  	s11 =	sadd.s32 $0x14000, s11;
	[sflag:s5] =	ssyncadd.s32 $0xFFFFC000  }
0xa2: {  	s12 =	sand.u32 $0x10000, s9  }
0xa3: {  	s9 =	sadd.s32 $0x10000, s9;
	s12 =	sshrl.u32 s12, $0x2  }
0xa4: {  	p0 =	sne.s32 s9, $0x290000;
	s12 =	sadd.s32 $0x14000, s12  }
0xa5: {  	[tilespmem:s12], [sflag:$0x1] =	stream.indirect.gather [hbm4b:s1+s30], $0x80, s10, s30, $0xb8;
	[tilespmem:$0x1F000] =	vst v63  }
.Ltmp6:
0xa6: {  	_ = 	snop;
	(pc) =	sbr.rel @p0 .LBB2_6-.Ltmp6, $4  }
.Ltmp7:
0xa7: {  	_ = 	snop;
	(pc) =	sbr.rel @!p0 .LBB2_9-.Ltmp7, $4  }
0xa8: {  	_ = 	snop  }
0xa9: {  	[spmem:s2] =	stream.indirect.scatter.add.f32 [tilespmem:s11], [sflag:$0x2], $0x80, s8, s30, $0xb8;
	[tilespmem:$0x1F000] =	vst v63  }
0xaa: {  	s10 =	sadd.s32 $0x80, s10;
	s8 =	sadd.s32 $0x80, s8  }
0xab: {  	_ = 	snop  }
.LBB2_10:
0xac: {  	_ =	sfence.sel $0x180000  }
0xad: {  	[bflag:$0x0] =	sbarrier.arrive $0xFFFF  }
0xae: {  	_ =	strace $0x9000004A  }
0xaf: {  	s0 =	stileid.u32;
	[bflag:$0x2] =	sbarrier.arrive $0xFFFF  }
0xb0: {  	p0 =	sne.s32 s0, $0x0;
	s0 =	rddreg [dreg:$0x3]  }
0xb1: {  	s0 =	sadd.s32 @!p0 $0x100000, s0  }
0xb2: {  	[sflag:s0] =	ssyncadd.tile.s32 @!p0 $0x1;
	_ =	shalt  }
.Lfunc_end2:
_tile_overlayer_lowered:
.L_overlay_start_2:
0xb3: {  	(tag) =	ssettag $0x2  }
0xb4: {  	s0 =	rddreg [dreg:$0x0];
	s2 =	stileid.u32  }
0xb5: {  	s1 =	rddreg [dreg:$0x1];
	p0 =	sne.s32 s2, $0x0  }
0xb6: {  	s3 =	rddreg [dreg:$0x2];
	[bflag:$0x3] =	sbarrier.arrive $0xFFFF;
	s2 =	simm.s32 @!p0 $0x1C03  }
0xb7: {  	[timem:s3], [sflag:s2] =	dma.local @!p0 [hbm:s0], s1  }
0xb8: {  	s0 =	simm.s32 @!p0 $0x3  }
0xb9: {  	_ =	swait.ge @!p0 [sflag:s0], s1  }
0xba: {  	s1 =	ssub.s32 @!p0 $0x0, s1;
	[sflag:s0] =	ssyncset.done @!p0 $0x0  }
0xbb: {  	[sflag:s0] =	ssyncadd.s32 @!p0 s1  }
0xbc: {  	[bflag:$0x3] =	sbarrier.arrive $0xFFFF  }
0xbd: {  	_ =	shalt  }

// kernel: kernel.18.cloned.1.call-start
scs
__scs_entry_jumppad:
0x0: {  	(pc) =	sbr.rel $0x88, $3  }
0x1: {  	(tag) =	ssettag $0x0;
	lr =	simm.s32 $0x1  }
0x2: {  	[smem:$0x3F97] =	sst lr;
	_ =	strace $0xD0000000  }
0x3: {  	_ = 	snop  }
0x4: {  	_ = 	snop  }
0x5: {  	_ = 	snop  }
0x6: {  	_ = 	snop  }
0x7: {  	_ = 	snop  }
__scs_overlays_trampoline_lowered:
0x8: {  	[smem:$0x3FA6] =	sst s0  }
0x9: {  	[smem:$0x3FA7] =	sst s1  }
0xa: {  	[smem:$0x3FA8] =	sst s2  }
0xb: {  	[smem:$0x3FA9] =	sst s3  }
0xc: {  	[smem:$0x3FAA] =	sst s4  }
0xd: {  	[smem:$0x3FAB] =	sst s5  }
0xe: {  	[smem:$0x3FAC] =	sst s6  }
0xf: {  	[smem:$0x3FAD] =	sst s7  }
0x10: {  	[smem:$0x3FAE] =	sst s8  }
0x11: {  	[smem:$0x3FAF] =	sst s9;
	s0 =	simm.s32 @!p0 $0x0  }
0x12: {  	s1 =	sld [smem:$0x3F95];
	s0 =	simm.s32 @p0 $0x1  }
0x13: {  	[smem:$0x3FB0] =	sst s0;
	s0 =	simm.s32 @!p1 $0x0  }
0x14: {  	s2 =	sld [smem:$0x3F94];
	s0 =	simm.s32 @p1 $0x1  }
0x15: {  	[smem:$0x3FB1] =	sst s0;
	s0 =	simm.s32 @!p2 $0x0  }
0x16: {  	s3 =	sld [smem:$0x3FDB];
	s0 =	simm.s32 @p2 $0x1  }
0x17: {  	s4 =	simm.s32 $0x1BF5;
	[smem:$0x3FB3] =	sst s0  }
0x18: {  	s0 =	sld [smem:$0x3F96];
	_ =	swait.ge [sflag:s4], $0x0  }
0x19: {  	s7 =	sld [smem:$0x3F97]  }
0x1a: {  	s8 =	sadd.s32 $0xFFFFE003, lr  }
0x1b: {  	s9 =	sadd.s32 $0xFFFFFEF7, lr;
	s5 =	simm.s32 $0xFFFFFFFF;
	p2 =	slt.u32 s8, $0xFFFFF086  }
0x1c: {  	p1 =	slt.u32 s9, $0xF7A;
	s5 =	simm.s32 @!p2 $0x0  }
0x1d: {  	s5 =	simm.s32 @p1 $0x1;
	p0 =	seq.s32 s7, s2  }
0x1e: {  	s7 =	smul.u32 @!p0 $0xF7A, s2;
	p2 =	seq.s32 @!p0 s5, $0x0  }
0x1f: {  	s9 =	smul.u32 $0xF7A, s1;
	s8 =	simm.s32 @!p0 $0x1BF5;
	p2 =	por !p2, p0  }
0x20: {  	[sflag:s8] =	ssyncset.s32 @!p0 $0xFFFFF086;
	s6 =	sadd.s32 @!p0 s3, s7;
	s7 =	simm.s32 @!p0 $0x108  }
0x21: {  	s3 =	sadd.s32 s3, s9;
	s6 =	sadd.s32 @!p0 $0x88, s6;
	s7 =	simm.s32 @p2 $0x1082  }
0x22: {  	[simem:s7], [sflag:s8] =	dma.local @!p0 [hbm:s6], $0xF7A  }
0x23: {  	s9 =	sor.u32 $0xD0000000, s2;
	s6 =	simm.s32 $0x108;
	_ =	swait.ge @!p0 [sflag:s8], $0x0  }
0x24: {  	s3 =	sadd.s32 $0x88, s3;
	s6 =	simm.s32 @!p1 $0x1082;
	[sflag:s4] =	ssyncset.s32 $0xFFFFF086  }
0x25: {  	[simem:s6], [sflag:s4] =	dma.local [hbm:s3], $0xF7A  }
0x26: {  	[smem:$0x3F97] =	sst s1;
	(tag) =	ssettag s2;
	_ =	strace s9  }
0x27: {  	s1 =	sld [smem:$0x3FA7]  }
0x28: {  	s2 =	sld [smem:$0x3FA8]  }
0x29: {  	s4 =	sld [smem:$0x3FAA]  }
0x2a: {  	p0 =	seq.s32 s5, $0x0;
	s5 =	sld [smem:$0x3FAB]  }
0x2b: {  	s6 =	sld [smem:$0x3FAC]  }
0x2c: {  	s7 =	sld [smem:$0x3FAD]  }
0x2d: {  	s3 =	simm.s32 $0x108;
	s8 =	sld [smem:$0x3FAE]  }
0x2e: {  	s3 =	simm.s32 @!p0 $0x1082;
	s9 =	sld [smem:$0x3FAF]  }
0x2f: {  	lr =	sadd.s32 s0, s3;
	s0 =	sld [smem:$0x3FA6]  }
0x30: {  	s3 =	sld [smem:$0x3FA9]  }
0x31: {  	[smem:$0x3FB2] =	sst s10  }
0x32: {  	s10 =	sld [smem:$0x3FB0];
	_ =	sdelay $0x3  }
0x33: {  	p0 =	seq.s32 s10, $0x1;
	s10 =	sld [smem:$0x3FB2];
	_ =	sdelay $0x3  }
0x34: {  	[smem:$0x3FB2] =	sst s10  }
0x35: {  	s10 =	sld [smem:$0x3FB1];
	_ =	sdelay $0x3  }
0x36: {  	p1 =	seq.s32 s10, $0x1;
	s10 =	sld [smem:$0x3FB2];
	_ =	sdelay $0x3  }
0x37: {  	[smem:$0x3FB2] =	sst s10  }
0x38: {  	s10 =	sld [smem:$0x3FB3]  }
0x39: {  	_ = 	snop;
	(pc) =	sbr.ind lr, $3  }
0x3a: {  	_ = 	snop  }
0x3b: {  	_ = 	snop  }
0x3c: {  	p2 =	seq.s32 s10, $0x1;
	s10 =	sld [smem:$0x3FB2]  }
0x3d: {  	_ =	shalt  }
0x3e: {  	_ =	shalt  }
0x3f: {  	_ =	shalt  }
0x40: {  	_ =	shalt  }
0x41: {  	_ =	shalt  }
0x42: {  	_ =	shalt  }
0x43: {  	_ =	shalt  }
0x44: {  	_ =	shalt  }
0x45: {  	_ =	shalt  }
0x46: {  	_ =	shalt  }
0x47: {  	_ =	shalt  }
0x48: {  	_ =	shalt  }
0x49: {  	_ =	shalt  }
0x4a: {  	_ =	shalt  }
0x4b: {  	_ =	shalt  }
0x4c: {  	_ =	shalt  }
0x4d: {  	_ =	shalt  }
0x4e: {  	_ =	shalt  }
0x4f: {  	_ =	shalt  }
0x50: {  	_ =	shalt  }
0x51: {  	_ =	shalt  }
0x52: {  	_ =	shalt  }
0x53: {  	_ =	shalt  }
0x54: {  	_ =	shalt  }
0x55: {  	_ =	shalt  }
0x56: {  	_ =	shalt  }
0x57: {  	_ =	shalt  }
0x58: {  	_ =	shalt  }
0x59: {  	_ =	shalt  }
0x5a: {  	_ =	shalt  }
0x5b: {  	_ =	shalt  }
0x5c: {  	_ =	shalt  }
0x5d: {  	_ =	shalt  }
0x5e: {  	_ =	shalt  }
0x5f: {  	_ =	shalt  }
0x60: {  	_ =	shalt  }
0x61: {  	_ =	shalt  }
0x62: {  	_ =	shalt  }
0x63: {  	_ =	shalt  }
0x64: {  	_ =	shalt  }
0x65: {  	_ =	shalt  }
0x66: {  	_ =	shalt  }
0x67: {  	_ =	shalt  }
0x68: {  	_ =	shalt  }
0x69: {  	_ =	shalt  }
0x6a: {  	_ =	shalt  }
0x6b: {  	_ =	shalt  }
0x6c: {  	_ =	shalt  }
0x6d: {  	_ =	shalt  }
0x6e: {  	_ =	shalt  }
0x6f: {  	_ =	shalt  }
0x70: {  	_ =	shalt  }
0x71: {  	_ =	shalt  }
0x72: {  	_ =	shalt  }
0x73: {  	_ =	shalt  }
0x74: {  	_ =	shalt  }
0x75: {  	_ =	shalt  }
0x76: {  	_ =	shalt  }
0x77: {  	_ =	shalt  }
0x78: {  	_ =	shalt  }
0x79: {  	_ =	shalt  }
0x7a: {  	_ =	shalt  }
0x7b: {  	_ =	shalt  }
0x7c: {  	_ =	shalt  }
0x7d: {  	_ =	shalt  }
0x7e: {  	_ =	shalt  }
0x7f: {  	_ =	shalt  }
0x80: {  	_ =	shalt  }
0x81: {  	_ =	shalt  }
0x82: {  	_ =	shalt  }
0x83: {  	_ =	shalt  }
0x84: {  	_ =	shalt  }
0x85: {  	_ =	shalt  }
0x86: {  	_ =	shalt  }
0x87: {  	_ =	shalt  }
.Lfunc_end0:
.L_simem_size_0:
called_computation.2_lowered:
.L_overlay_start_0:
0x88: {  	s2 =	sld [smem:$0x3FD9]  }
0x89: {  	s3 =	sld [smem:$0x3FFE];
	_ =	sdelay $0x1  }
0x8a: {  	s1 =	srdreg.scid  }
0x8b: {  	s0 =	sand.u32 $0x1, s1  }
0x8c: {  	s17 =	sshll.u32 s0, $0xA;
	s2 =	sadd.s32 s3, s2  }
0x8d: {  	s2 =	sadd.s32 s2, s17  }
0x8e: {  	[smem:$0x3FBE] =	sst s2  }
0x8f: {  	_ = 	snop  }
0x90: {  	s2 =	sld [smem:$0x3FD0];
	(tm) =	ssettm $0x1  }
0x91: {  	s18 =	sld [smem:$0x3FFB];
	_ =	sdelay $0x3  }
0x92: {  	_ =	strace s18  }
0x93: {  	s3 =	sld [smem:$0x3FFC];
	_ =	sdelay $0x3  }
0x94: {  	_ =	strace s3  }
0x95: {  	s3 =	sld [smem:$0x3FFD];
	_ =	sdelay $0x3  }
0x96: {  	_ =	strace s3  }
0x97: {  	_ =	strace $0x8FFFFFFF  }
0x98: {  	s19 =	sld [smem:$0x3FDB];
	_ =	sdelay $0x1  }
0x99: {  	s4 =	simm.s32 $_scs_section_size  }
0x9a: {  	s5 =	simm.s32 $_size__tile_overlayer_lowered;
	s6 =	simm.s32 $_tile_overlayer_lowered  }
0x9b: {  	s22 =	simm.s32 $0x1BFF;
	s21 =	sshll.u32 s6, $0x1;
	s3 =	sadd.s32 s4, s19  }
0x9c: {  	s7 =	simm.s32 $0x0;
	s20 =	sshll.u32 s5, $0x1;
	s5 =	sadd.s32 s21, s3  }
0x9d: {  	[timem:s7], [sflag:s22] =	dma.local [hbm:s5], s20  }
0x9e: {  	_ =	swait.ge [sflag:s22], s20  }
0x9f: {  	s4 =	ssub.s32 $0x0, s20;
	[sflag:s22] =	ssyncset.done $0x0  }
0xa0: {  	[sflag:s22] =	ssyncadd.s32 s4;
	_ =	sdelay $0x1  }
0xa1: {  	s23 =	simm.s32 $0x1B8B  }
0xa2: {  	_ =	swait.ge [sflag:s23], $0x1  }
0xa3: {  	[sflag:s23] =	ssyncset.done $0x0  }
0xa4: {  	s25 =	simm.s32 $0x1B8E;
	s24 =	sld [smem:$0x3FFE];
	[sflag:s23] =	ssyncadd.s32 $0xFFFFFFFF  }
0xa5: {  	s26 =	simm.s32 $execute0_lowered;
	[smem:$0x3FD2] =	sst s25  }
0xa6: {  	s5 =	sshll.u32 s26, $0x1;
	_ =	strace $0x8000004C;
	[dreg:$0x1] =	wrdreg $0xFFFFFFFF  }
0xa7: {  	s28 =	simm.s32 $_size_execute0_lowered;
	s3 =	sadd.s32 s3, s5;
	[dreg:$0x0] =	wrdreg $0x0  }
0xa8: {  	s5 =	sshll.u32 s28, $0x1;
	[dreg:$0x2] =	wrdreg s3  }
0xa9: {  	[dreg:$0x3] =	wrdreg s5  }
0xaa: {  	[dreg:$0x4] =	wrdreg $0xC0  }
0xab: {  	_ =	task [dreg:s7], $0x5FFFF  }
0xac: {  	[dreg:$0x1] =	wrdreg $0xFFFFFFFF  }
0xad: {  	[dreg:$0x0] =	wrdreg $0x60  }
0xae: {  	[dreg:$0x2] =	wrdreg s2  }
0xaf: {  	[dreg:$0x3] =	wrdreg s24  }
0xb0: {  	[dreg:$0x4] =	wrdreg $0x0  }
0xb1: {  	[dreg:$0x5] =	wrdreg $0x9  }
0xb2: {  	_ =	task.clear_ibuf [dreg:s7], $0x6FFFF;
	_ =	strace $0x9000004C  }
0xb3: {  	s29 =	simm.s32 $0x9;
	_ =	strace $0x8000004E  }
0xb4: {  	_ =	swait.ge [sflag:s29], $0x1  }
0xb5: {  	[sflag:s29] =	ssyncadd.s32 $0xFFFFFFFF  }
0xb6: {  	_ =	strace $0x9000004E  }
0xb7: {  	_ =	sfence  }
0xb8: {  	s30 =	sld [smem:$0x0];
	_ =	sdelay $0x2  }
0xb9: {  	s31 =	sshll.u32 s1, $0xD;
	s1 =	sshrl.u32 s1, $0x2  }
0xba: {  	s3 =	sand.u32 $0x4000, s31;
	s1 =	sadd.s32 s1, s30  }
0xbb: {  	s0 =	sor.u32 s3, s0;
	s1 =	sshll.u32 s1, $0x11  }
0xbc: {  	s0 =	sor.u32 s1, s0  }
0xbd: {  	s0 =	sadd.s32 $0x8F2B, s0  }
0xbe: {  	[sflag:s0] =	ssyncadd.remote.s32 $0x1  }
0xbf: {  	_ =	sfence.sel $0xFFFF  }
0xc0: {  	[dreg:$0x0] =	wrdreg $0xFFFFFFFF;
	(pc) =	sbr.abs _section_cstart, $3  }
0xc1: {  	[dreg:$0x1] =	wrdreg $0xFFFFFFFF  }
0xc2: {  	_ =	task.clear_ibuf [dreg:s7], $0x2FFFF;
	_ =	strace $0x9FFFFFFF  }
0xc3: {  	(tm) =	ssettm $0x7FFFFFFF  }
tec
execute0_lowered:
.L_overlay_start_1:
0x0: {  	(tag) =	ssettag $0x1  }
0x1: {  	s1 =	rddreg [dreg:$0x0]  }
0x2: {  	s0 =	rddreg [dreg:$0x1]  }
0x3: {  	s2 =	rddreg [dreg:$0x2];
	s3 =	simm.s32 $0x0;
	s4 =	srdreg.scid  }
0x4: {  	s13 =	stileid.u32;
	s28 =	simm.s32 $0x1C000;
	s29 =	simm.s32 $0x1D800  }
0x5: {  	s30 =	simm.s32 $0x80;
	s31 =	simm.s32 $0x1;
	[smem:$0x7FF] =	sst s3  }
0x6: {  	s4 =	sand.u32 $0x1, s4;
	s5 =	sadd.s32 $0x5FA00, s0;
	s7 =	sadd.s32 $0x4200, s0  }
0x7: {  	s8 =	smul.u32 $0x50000, s13;
	s9 =	sadd.s32 $0xF200, s0;
	s0 =	sadd.s32 $0x6AA00, s0  }
0x8: {  	_ =	strace $0x8000004D;
	s6 =	sshll.u32 s4, $0x4;
	[dreg:$0x4] =	wrdreg s9  }
0x9: {  	s25 =	ssub.s32 $0x2, s4;
	s4 =	smul.u32 $0x140000, s4;
	s6 =	sor.u32 s13, s6  }
0xa: {  	s11 =	sshrl.u32 s25, $0x1;
	s8 =	sshrl.u32 s8, $0x2;
	s10 =	smul.u32 $0x580, s6  }
0xb: {  	s12 =	smul.u32 $0x2C00, s6;
	s9 =	ssub.s32 s25, s11;
	s6 =	sadd.s32 s8, s2  }
0xc: {  	s17 =	smax.u32 s9, $0x1;
	s18 =	sadd.s32 $0x4000, s6;
	s14 =	sadd.s32 $0xC000, s6  }
0xd: {  	s15 =	sadd.s32 $0x10000, s6;
	s26 =	sadd.s32 s5, s10;
	[dreg:$0x9] =	wrdreg s17  }
0xe: {  	s11 =	sshrl.u32 s12, $0x3;
	s10 =	sadd.s32 s7, s10;
	[dreg:$0xa] =	wrdreg s18  }
0xf: {  	s12 =	smul.u32 $0x14000, s13;
	[dreg:$0x5] =	wrdreg s26;
	s8 =	sadd.s32 $0x300, s11  }
0x10: {  	s13 =	sadd.s32 $0x8000, s6;
	[dreg:$0x6] =	wrdreg s10;
	s5 =	sadd.s32 s5, s8  }
0x11: {  	s16 =	sadd.s32 s7, s8;
	s19 =	sadd.s32 s4, s12;
	s20 =	sadd.s32 $0x4000, s12  }
0x12: {  	s22 =	sadd.s32 $0x8000, s12;
	s24 =	sadd.s32 $0xC000, s12;
	[dreg:$0x7] =	wrdreg s5  }
0x13: {  	s25 =	sadd.s32 $0x10000, s12;
	s7 =	simm.s32 $0x0;
	[dreg:$0x8] =	wrdreg s16  }
0x14: {  	s5 =	sshrl.u32 s19, $0x3;
	s21 =	sadd.s32 s4, s20;
	s17 =	sadd.s32 s20, s2  }
0x15: {  	s19 =	sadd.s32 s22, s2;
	s23 =	sadd.s32 s4, s22;
	s26 =	sadd.s32 s4, s24  }
0x16: {  	s4 =	sadd.s32 s4, s25;
	s16 =	sadd.s32 s0, s5;
	s5 =	sshrl.u32 s21, $0x3  }
.Ltmp0:
0x17: {  	s21 =	sadd.s32 s24, s2;
	s4 =	sshrl.u32 s4, $0x3;
	(pc) =	sbr.rel .LBB2_1-.Ltmp0, $4  }
0x18: {  	s18 =	sadd.s32 s0, s5;
	s5 =	sshrl.u32 s23, $0x3;
	s23 =	sadd.s32 s25, s2  }
0x19: {  	s24 =	sadd.s32 s0, s4;
	s25 =	simm.s32 $0x14000;
	s4 =	simm.s32 $0x18000  }
0x1a: {  	s20 =	sadd.s32 s0, s5;
	s5 =	sshrl.u32 s26, $0x3;
	s26 =	simm.s32 $0x3  }
0x1b: {  	s22 =	sadd.s32 s0, s5;
	s0 =	simm.s32 $0x1C080;
	s5 =	simm.s32 $0x2  }
.LBB2_7:
0x1c: {  	s8 =	simm.s32 $0x1EB80  }
0x1d: {  	[spmem:s2] =	stream.indirect.scatter.add.f32 [tilespmem:s11], [sflag:$0x2], $0x80, s8, s30, $0xb8;
	[tilespmem:$0x1F000] =	vst v63  }
.LBB2_9:
0x1e: {  	_ =	swait.ge [sflag:s5], $0x4000  }
0x1f: {  	[sflag:s5] =	ssyncset.done $0x0  }
0x20: {  	[sflag:s5] =	ssyncadd.s32 $0xFFFFC000  }
0x21: {  	[bflag:$0x0] =	sbarrier.arrive $0xFFFF  }
0x22: {  	[tilespmem:s25], [sflag:$0x3] =	stream.linear.gather [spmem:s6], $0x4000, $0x38;
	[tilespmem:$0x1F000] =	vst v63  }
0x23: {  	_ =	swait.ge [sflag:s26], $0x4000  }
0x24: {  	[sflag:s26] =	ssyncset.done $0x0  }
0x25: {  	[sflag:s26] =	ssyncadd.s32 $0xFFFFC000  }
0x26: {  	[hbm4b:s16+s3] =	stream.linear.scatter [tilespmem:s25], [sflag:$0x3], $0x4000, $0x38;
	[tilespmem:$0x1F000] =	vst v63  }
0x27: {  	_ =	swait.ge [sflag:s26], $0x4000  }
0x28: {  	[sflag:s26] =	ssyncset.done $0x0  }
0x29: {  	[sflag:s26] =	ssyncadd.s32 $0xFFFFC000  }
0x2a: {  	[tilespmem:s25], [sflag:$0x3] =	stream.linear.gather [spmem:s17], $0x4000, $0x38;
	[tilespmem:$0x1F000] =	vst v63  }
0x2b: {  	_ =	swait.ge [sflag:s26], $0x4000  }
0x2c: {  	[sflag:s26] =	ssyncset.done $0x0  }
0x2d: {  	[sflag:s26] =	ssyncadd.s32 $0xFFFFC000  }
0x2e: {  	[hbm4b:s18+s3] =	stream.linear.scatter [tilespmem:s25], [sflag:$0x3], $0x4000, $0x38;
	[tilespmem:$0x1F000] =	vst v63  }
0x2f: {  	_ =	swait.ge [sflag:s26], $0x4000  }
0x30: {  	[sflag:s26] =	ssyncset.done $0x0  }
0x31: {  	[sflag:s26] =	ssyncadd.s32 $0xFFFFC000  }
0x32: {  	[tilespmem:s25], [sflag:$0x3] =	stream.linear.gather [spmem:s19], $0x4000, $0x38;
	[tilespmem:$0x1F000] =	vst v63  }
0x33: {  	_ =	swait.ge [sflag:s26], $0x4000  }
0x34: {  	[sflag:s26] =	ssyncset.done $0x0  }
0x35: {  	[sflag:s26] =	ssyncadd.s32 $0xFFFFC000  }
0x36: {  	[hbm4b:s20+s3] =	stream.linear.scatter [tilespmem:s25], [sflag:$0x3], $0x4000, $0x38;
	[tilespmem:$0x1F000] =	vst v63  }
0x37: {  	_ =	swait.ge [sflag:s26], $0x4000  }
0x38: {  	[sflag:s26] =	ssyncset.done $0x0  }
0x39: {  	[sflag:s26] =	ssyncadd.s32 $0xFFFFC000  }
0x3a: {  	[tilespmem:s25], [sflag:$0x3] =	stream.linear.gather [spmem:s21], $0x4000, $0x38;
	[tilespmem:$0x1F000] =	vst v63  }
0x3b: {  	_ =	swait.ge [sflag:s26], $0x4000  }
0x3c: {  	[sflag:s26] =	ssyncset.done $0x0  }
0x3d: {  	[sflag:s26] =	ssyncadd.s32 $0xFFFFC000  }
0x3e: {  	[hbm4b:s22+s3] =	stream.linear.scatter [tilespmem:s25], [sflag:$0x3], $0x4000, $0x38;
	[tilespmem:$0x1F000] =	vst v63  }
0x3f: {  	_ =	swait.ge [sflag:s26], $0x4000  }
0x40: {  	[sflag:s26] =	ssyncset.done $0x0  }
0x41: {  	[sflag:s26] =	ssyncadd.s32 $0xFFFFC000  }
0x42: {  	[tilespmem:s25], [sflag:$0x3] =	stream.linear.gather [spmem:s23], $0x4000, $0x38;
	[tilespmem:$0x1F000] =	vst v63  }
0x43: {  	_ =	swait.ge [sflag:s26], $0x4000  }
0x44: {  	[sflag:s26] =	ssyncset.done $0x0  }
0x45: {  	[sflag:s26] =	ssyncadd.s32 $0xFFFFC000  }
0x46: {  	[hbm4b:s24+s3] =	stream.linear.scatter [tilespmem:s25], [sflag:$0x3], $0x4000, $0x38;
	[tilespmem:$0x1F000] =	vst v63  }
0x47: {  	_ =	swait.ge [sflag:s26], $0x4000  }
0x48: {  	s7 =	sadd.s32 $0x1, s7;
	s8 =	rddreg [dreg:$0x9]  }
0x49: {  	p0 =	sne.s32 s7, s8  }
.Ltmp1:
0x4a: {  	_ = 	snop;
	(pc) =	sbr.rel @!p0 .LBB2_10-.Ltmp1, $3  }
0x4b: {  	_ =	sdelay $0x1  }
0x4c: {  	[sflag:s26] =	ssyncset.done $0x0  }
0x4d: {  	[sflag:s26] =	ssyncadd.s32 $0xFFFFC000  }
.LBB2_1:
0x4e: {  	s8 =	rddreg [dreg:$0x4]  }
0x4f: {  	[tilespmem:s25], [sflag:$0x3] =	stream.linear.gather [hbm4b:s8+s3], $0x4000, $0x38;
	[tilespmem:$0x1F000] =	vst v63  }
0x50: {  	_ =	swait.ge [sflag:s26], $0x4000  }
0x51: {  	[sflag:s26] =	ssyncset.done $0x0  }
0x52: {  	[sflag:s26] =	ssyncadd.s32 $0xFFFFC000  }
0x53: {  	[spmem:s6] =	stream.linear.scatter [tilespmem:s25], [sflag:$0x3], $0x4000, $0x38;
	[tilespmem:$0x1F000] =	vst v63  }
0x54: {  	_ =	swait.ge [sflag:s26], $0x4000  }
0x55: {  	[sflag:s26] =	ssyncset.done $0x0  }
0x56: {  	s10 =	rddreg [dreg:$0xa];
	[sflag:s26] =	ssyncadd.s32 $0xFFFFC000  }
0x57: {  	[spmem:s10] =	stream.linear.scatter [tilespmem:s25], [sflag:$0x3], $0x4000, $0x38;
	[tilespmem:$0x1F000] =	vst v63  }
0x58: {  	_ =	swait.ge [sflag:s26], $0x4000  }
0x59: {  	[sflag:s26] =	ssyncset.done $0x0  }
0x5a: {  	[sflag:s26] =	ssyncadd.s32 $0xFFFFC000  }
0x5b: {  	[spmem:s13] =	stream.linear.scatter [tilespmem:s25], [sflag:$0x3], $0x4000, $0x38;
	[tilespmem:$0x1F000] =	vst v63  }
0x5c: {  	_ =	swait.ge [sflag:s26], $0x4000  }
0x5d: {  	[sflag:s26] =	ssyncset.done $0x0  }
0x5e: {  	[sflag:s26] =	ssyncadd.s32 $0xFFFFC000  }
0x5f: {  	[spmem:s14] =	stream.linear.scatter [tilespmem:s25], [sflag:$0x3], $0x4000, $0x38;
	[tilespmem:$0x1F000] =	vst v63  }
0x60: {  	_ =	swait.ge [sflag:s26], $0x4000  }
0x61: {  	[sflag:s26] =	ssyncset.done $0x0  }
0x62: {  	[sflag:s26] =	ssyncadd.s32 $0xFFFFC000  }
0x63: {  	[spmem:s15] =	stream.linear.scatter [tilespmem:s25], [sflag:$0x3], $0x4000, $0x38;
	[tilespmem:$0x1F000] =	vst v63  }
0x64: {  	_ =	swait.ge [sflag:s26], $0x4000  }
0x65: {  	[sflag:s26] =	ssyncset.done $0x0  }
0x66: {  	[sflag:s26] =	ssyncadd.s32 $0xFFFFC000  }
0x67: {  	[bflag:$0x0] =	sbarrier.arrive $0xFFFF  }
0x68: {  	s11 =	rddreg [dreg:$0x5]  }
0x69: {  	[tilespmem:s28], [sflag:$0x3] =	stream.linear.gather [hbm4b:s11+s3], $0x1800, $0x38;
	[tilespmem:$0x1F000] =	vst v63  }
0x6a: {  	_ =	swait.ge [sflag:s26], $0x1800  }
0x6b: {  	[sflag:s26] =	ssyncset.done $0x0  }
0x6c: {  	s12 =	rddreg [dreg:$0x6];
	[sflag:s26] =	ssyncadd.s32 $0xFFFFE800  }
0x6d: {  	[tilespmem:s29], [sflag:$0x3] =	stream.linear.gather [hbm4b:s12+s3], $0x1800, $0x38;
	[tilespmem:$0x1F000] =	vst v63  }
0x6e: {  	_ =	swait.ge [sflag:s26], $0x1800  }
0x6f: {  	[sflag:s26] =	ssyncset.done $0x0  }
0x70: {  	[sflag:s26] =	ssyncadd.s32 $0xFFFFE800  }
0x71: {  	[tilespmem:s25], [sflag:$0x1] =	stream.indirect.gather [hbm4b:s1+s30], $0x80, s28, s30, $0xb8;
	[tilespmem:$0x1F000] =	vst v63  }
0x72: {  	_ =	swait.ge [sflag:s31], $0x4000  }
0x73: {  	[sflag:s31] =	ssyncset.done $0x0  }
0x74: {  	[sflag:s31] =	ssyncadd.s32 $0xFFFFC000  }
0x75: {  	[tilespmem:s4], [sflag:$0x1] =	stream.indirect.gather [hbm4b:s1+s30], $0x80, s0, s30, $0xb8;
	[tilespmem:$0x1F000] =	vst v63  }
0x76: {  	s9 =	simm.s32 $0x20000;
	s8 =	simm.s32 $0x1D880;
	s10 =	simm.s32 $0x1C100  }
0x77: {  	[spmem:s2] =	stream.indirect.scatter.add.f32 [tilespmem:s25], [sflag:$0x2], $0x80, s29, s30, $0xb8;
	[tilespmem:$0x1F000] =	vst v63  }
.LBB2_2:
0x78: {  	_ =	swait.ge [sflag:s31], $0x4000;
	p0 =	sne.s32 s9, $0x300000  }
.Ltmp2:
0x79: {  	[sflag:s31] =	ssyncset.done $0x0;
	(pc) =	sbr.rel @!p0 .LBB2_3-.Ltmp2, $4  }
0x7a: {  	s11 =	sadd.s32 $0xFFFF0000, s9;
	[sflag:s31] =	ssyncadd.s32 $0xFFFFC000  }
0x7b: {  	s11 =	sand.u32 $0x10000, s11;
	_ =	swait.ge [sflag:s5], $0x4000  }
0x7c: {  	s11 =	sshrl.u32 s11, $0x2;
	[sflag:s5] =	ssyncset.done $0x0  }
0x7d: {  	s11 =	sadd.s32 $0x14000, s11;
	[sflag:s5] =	ssyncadd.s32 $0xFFFFC000  }
0x7e: {  	s12 =	sand.u32 $0x10000, s9  }
0x7f: {  	s9 =	sadd.s32 $0x10000, s9;
	s12 =	sshrl.u32 s12, $0x2  }
0x80: {  	p0 =	sne.s32 s9, $0x310000;
	s12 =	sadd.s32 $0x14000, s12  }
0x81: {  	[tilespmem:s12], [sflag:$0x1] =	stream.indirect.gather [hbm4b:s1+s30], $0x80, s10, s30, $0xb8;
	[tilespmem:$0x1F000] =	vst v63  }
.Ltmp3:
0x82: {  	_ = 	snop;
	(pc) =	sbr.rel @p0 .LBB2_2-.Ltmp3, $4  }
.Ltmp4:
0x83: {  	_ = 	snop;
	(pc) =	sbr.rel @!p0 .LBB2_5-.Ltmp4, $4  }
0x84: {  	_ = 	snop  }
0x85: {  	[spmem:s2] =	stream.indirect.scatter.add.f32 [tilespmem:s11], [sflag:$0x2], $0x80, s8, s30, $0xb8;
	[tilespmem:$0x1F000] =	vst v63  }
0x86: {  	s10 =	sadd.s32 $0x80, s10;
	s8 =	sadd.s32 $0x80, s8  }
0x87: {  	_ = 	snop  }
.LBB2_3:
0x88: {  	s8 =	simm.s32 $0x1EF80  }
0x89: {  	[spmem:s2] =	stream.indirect.scatter.add.f32 [tilespmem:s11], [sflag:$0x2], $0x80, s8, s30, $0xb8;
	[tilespmem:$0x1F000] =	vst v63  }
.LBB2_5:
0x8a: {  	_ =	swait.ge [sflag:s5], $0x4000  }
0x8b: {  	[sflag:s5] =	ssyncset.done $0x0  }
0x8c: {  	s8 =	rddreg [dreg:$0x7];
	[sflag:s5] =	ssyncadd.s32 $0xFFFFC000  }
0x8d: {  	[tilespmem:s28], [sflag:$0x3] =	stream.linear.gather [hbm4b:s8+s3], $0x1400, $0x38;
	[tilespmem:$0x1F000] =	vst v63  }
0x8e: {  	_ =	swait.ge [sflag:s26], $0x1400  }
0x8f: {  	[sflag:s26] =	ssyncset.done $0x0  }
0x90: {  	s12 =	rddreg [dreg:$0x8];
	[sflag:s26] =	ssyncadd.s32 $0xFFFFEC00  }
0x91: {  	[tilespmem:s29], [sflag:$0x3] =	stream.linear.gather [hbm4b:s12+s3], $0x1400, $0x38;
	[tilespmem:$0x1F000] =	vst v63  }
0x92: {  	_ =	swait.ge [sflag:s26], $0x1400  }
0x93: {  	[sflag:s26] =	ssyncset.done $0x0  }
0x94: {  	[sflag:s26] =	ssyncadd.s32 $0xFFFFEC00  }
0x95: {  	[tilespmem:s25], [sflag:$0x1] =	stream.indirect.gather [hbm4b:s1+s30], $0x80, s28, s30, $0xb8;
	[tilespmem:$0x1F000] =	vst v63  }
0x96: {  	_ =	swait.ge [sflag:s31], $0x4000  }
0x97: {  	[sflag:s31] =	ssyncset.done $0x0  }
0x98: {  	[sflag:s31] =	ssyncadd.s32 $0xFFFFC000  }
0x99: {  	[tilespmem:s4], [sflag:$0x1] =	stream.indirect.gather [hbm4b:s1+s30], $0x80, s0, s30, $0xb8;
	[tilespmem:$0x1F000] =	vst v63  }
0x9a: {  	s9 =	simm.s32 $0x20000;
	s10 =	simm.s32 $0x1C100;
	s8 =	simm.s32 $0x1D880  }
0x9b: {  	[spmem:s2] =	stream.indirect.scatter.add.f32 [tilespmem:s25], [sflag:$0x2], $0x80, s29, s30, $0xb8;
	[tilespmem:$0x1F000] =	vst v63  }
.LBB2_6:
0x9c: {  	_ =	swait.ge [sflag:s31], $0x4000;
	p0 =	sne.s32 s9, $0x280000  }
.Ltmp5:
0x9d: {  	[sflag:s31] =	ssyncset.done $0x0;
	(pc) =	sbr.rel @!p0 .LBB2_7-.Ltmp5, $4  }
0x9e: {  	s11 =	sadd.s32 $0xFFFF0000, s9;
	[sflag:s31] =	ssyncadd.s32 $0xFFFFC000  }
0x9f: {  	s11 =	sand.u32 $0x10000, s11;
	_ =	swait.ge [sflag:s5], $0x4000  }
0xa0: {  	s11 =	sshrl.u32 s11, $0x2;
	[sflag:s5] =	ssyncset.done $0x0  }
0xa1: {  	s11 =	sadd.s32 $0x14000, s11;
	[sflag:s5] =	ssyncadd.s32 $0xFFFFC000  }
0xa2: {  	s12 =	sand.u32 $0x10000, s9  }
0xa3: {  	s9 =	sadd.s32 $0x10000, s9;
	s12 =	sshrl.u32 s12, $0x2  }
0xa4: {  	p0 =	sne.s32 s9, $0x290000;
	s12 =	sadd.s32 $0x14000, s12  }
0xa5: {  	[tilespmem:s12], [sflag:$0x1] =	stream.indirect.gather [hbm4b:s1+s30], $0x80, s10, s30, $0xb8;
	[tilespmem:$0x1F000] =	vst v63  }
.Ltmp6:
0xa6: {  	_ = 	snop;
	(pc) =	sbr.rel @p0 .LBB2_6-.Ltmp6, $4  }
.Ltmp7:
0xa7: {  	_ = 	snop;
	(pc) =	sbr.rel @!p0 .LBB2_9-.Ltmp7, $4  }
0xa8: {  	_ = 	snop  }
0xa9: {  	[spmem:s2] =	stream.indirect.scatter.add.f32 [tilespmem:s11], [sflag:$0x2], $0x80, s8, s30, $0xb8;
	[tilespmem:$0x1F000] =	vst v63  }
0xaa: {  	s10 =	sadd.s32 $0x80, s10;
	s8 =	sadd.s32 $0x80, s8  }
0xab: {  	_ = 	snop  }
.LBB2_10:
0xac: {  	_ =	sfence.sel $0x180000  }
0xad: {  	[bflag:$0x0] =	sbarrier.arrive $0xFFFF  }
0xae: {  	_ =	strace $0x9000004D  }
0xaf: {  	s0 =	stileid.u32;
	[bflag:$0x2] =	sbarrier.arrive $0xFFFF  }
0xb0: {  	p0 =	sne.s32 s0, $0x0;
	s0 =	rddreg [dreg:$0x3]  }
0xb1: {  	s0 =	sadd.s32 @!p0 $0x100000, s0  }
0xb2: {  	[sflag:s0] =	ssyncadd.tile.s32 @!p0 $0x1;
	_ =	shalt  }
.Lfunc_end2:
_tile_overlayer_lowered:
.L_overlay_start_2:
0xb3: {  	(tag) =	ssettag $0x2  }
0xb4: {  	s0 =	rddreg [dreg:$0x0];
	s2 =	stileid.u32  }
0xb5: {  	s1 =	rddreg [dreg:$0x1];
	p0 =	sne.s32 s2, $0x0  }
0xb6: {  	s3 =	rddreg [dreg:$0x2];
	[bflag:$0x3] =	sbarrier.arrive $0xFFFF;
	s2 =	simm.s32 @!p0 $0x1C03  }
0xb7: {  	[timem:s3], [sflag:s2] =	dma.local @!p0 [hbm:s0], s1  }
0xb8: {  	s0 =	simm.s32 @!p0 $0x3  }
0xb9: {  	_ =	swait.ge @!p0 [sflag:s0], s1  }
0xba: {  	s1 =	ssub.s32 @!p0 $0x0, s1;
	[sflag:s0] =	ssyncset.done @!p0 $0x0  }
0xbb: {  	[sflag:s0] =	ssyncadd.s32 @!p0 s1  }
0xbc: {  	[bflag:$0x3] =	sbarrier.arrive $0xFFFF  }
0xbd: {  	_ =	shalt  }

// kernel: kernel.21.cloned.1.call-start
scs
__scs_entry_jumppad:
0x0: {  	(pc) =	sbr.rel $0x88, $3  }
0x1: {  	(tag) =	ssettag $0x0;
	lr =	simm.s32 $0x1  }
0x2: {  	[smem:$0x3F97] =	sst lr;
	_ =	strace $0xD0000000  }
0x3: {  	_ = 	snop  }
0x4: {  	_ = 	snop  }
0x5: {  	_ = 	snop  }
0x6: {  	_ = 	snop  }
0x7: {  	_ = 	snop  }
__scs_overlays_trampoline_lowered:
0x8: {  	[smem:$0x3FA6] =	sst s0  }
0x9: {  	[smem:$0x3FA7] =	sst s1  }
0xa: {  	[smem:$0x3FA8] =	sst s2  }
0xb: {  	[smem:$0x3FA9] =	sst s3  }
0xc: {  	[smem:$0x3FAA] =	sst s4  }
0xd: {  	[smem:$0x3FAB] =	sst s5  }
0xe: {  	[smem:$0x3FAC] =	sst s6  }
0xf: {  	[smem:$0x3FAD] =	sst s7  }
0x10: {  	[smem:$0x3FAE] =	sst s8  }
0x11: {  	[smem:$0x3FAF] =	sst s9;
	s0 =	simm.s32 @!p0 $0x0  }
0x12: {  	s1 =	sld [smem:$0x3F95];
	s0 =	simm.s32 @p0 $0x1  }
0x13: {  	[smem:$0x3FB0] =	sst s0;
	s0 =	simm.s32 @!p1 $0x0  }
0x14: {  	s2 =	sld [smem:$0x3F94];
	s0 =	simm.s32 @p1 $0x1  }
0x15: {  	[smem:$0x3FB1] =	sst s0;
	s0 =	simm.s32 @!p2 $0x0  }
0x16: {  	s3 =	sld [smem:$0x3FDB];
	s0 =	simm.s32 @p2 $0x1  }
0x17: {  	s4 =	simm.s32 $0x1BF5;
	[smem:$0x3FB3] =	sst s0  }
0x18: {  	s0 =	sld [smem:$0x3F96];
	_ =	swait.ge [sflag:s4], $0x0  }
0x19: {  	s7 =	sld [smem:$0x3F97]  }
0x1a: {  	s8 =	sadd.s32 $0xFFFFE003, lr  }
0x1b: {  	s9 =	sadd.s32 $0xFFFFFEF7, lr;
	s5 =	simm.s32 $0xFFFFFFFF;
	p2 =	slt.u32 s8, $0xFFFFF086  }
0x1c: {  	p1 =	slt.u32 s9, $0xF7A;
	s5 =	simm.s32 @!p2 $0x0  }
0x1d: {  	s5 =	simm.s32 @p1 $0x1;
	p0 =	seq.s32 s7, s2  }
0x1e: {  	s7 =	smul.u32 @!p0 $0xF7A, s2;
	p2 =	seq.s32 @!p0 s5, $0x0  }
0x1f: {  	s9 =	smul.u32 $0xF7A, s1;
	s8 =	simm.s32 @!p0 $0x1BF5;
	p2 =	por !p2, p0  }
0x20: {  	[sflag:s8] =	ssyncset.s32 @!p0 $0xFFFFF086;
	s6 =	sadd.s32 @!p0 s3, s7;
	s7 =	simm.s32 @!p0 $0x108  }
0x21: {  	s3 =	sadd.s32 s3, s9;
	s6 =	sadd.s32 @!p0 $0x88, s6;
	s7 =	simm.s32 @p2 $0x1082  }
0x22: {  	[simem:s7], [sflag:s8] =	dma.local @!p0 [hbm:s6], $0xF7A  }
0x23: {  	s9 =	sor.u32 $0xD0000000, s2;
	s6 =	simm.s32 $0x108;
	_ =	swait.ge @!p0 [sflag:s8], $0x0  }
0x24: {  	s3 =	sadd.s32 $0x88, s3;
	s6 =	simm.s32 @!p1 $0x1082;
	[sflag:s4] =	ssyncset.s32 $0xFFFFF086  }
0x25: {  	[simem:s6], [sflag:s4] =	dma.local [hbm:s3], $0xF7A  }
0x26: {  	[smem:$0x3F97] =	sst s1;
	(tag) =	ssettag s2;
	_ =	strace s9  }
0x27: {  	s1 =	sld [smem:$0x3FA7]  }
0x28: {  	s2 =	sld [smem:$0x3FA8]  }
0x29: {  	s4 =	sld [smem:$0x3FAA]  }
0x2a: {  	p0 =	seq.s32 s5, $0x0;
	s5 =	sld [smem:$0x3FAB]  }
0x2b: {  	s6 =	sld [smem:$0x3FAC]  }
0x2c: {  	s7 =	sld [smem:$0x3FAD]  }
0x2d: {  	s3 =	simm.s32 $0x108;
	s8 =	sld [smem:$0x3FAE]  }
0x2e: {  	s3 =	simm.s32 @!p0 $0x1082;
	s9 =	sld [smem:$0x3FAF]  }
0x2f: {  	lr =	sadd.s32 s0, s3;
	s0 =	sld [smem:$0x3FA6]  }
0x30: {  	s3 =	sld [smem:$0x3FA9]  }
0x31: {  	[smem:$0x3FB2] =	sst s10  }
0x32: {  	s10 =	sld [smem:$0x3FB0];
	_ =	sdelay $0x3  }
0x33: {  	p0 =	seq.s32 s10, $0x1;
	s10 =	sld [smem:$0x3FB2];
	_ =	sdelay $0x3  }
0x34: {  	[smem:$0x3FB2] =	sst s10  }
0x35: {  	s10 =	sld [smem:$0x3FB1];
	_ =	sdelay $0x3  }
0x36: {  	p1 =	seq.s32 s10, $0x1;
	s10 =	sld [smem:$0x3FB2];
	_ =	sdelay $0x3  }
0x37: {  	[smem:$0x3FB2] =	sst s10  }
0x38: {  	s10 =	sld [smem:$0x3FB3]  }
0x39: {  	_ = 	snop;
	(pc) =	sbr.ind lr, $3  }
0x3a: {  	_ = 	snop  }
0x3b: {  	_ = 	snop  }
0x3c: {  	p2 =	seq.s32 s10, $0x1;
	s10 =	sld [smem:$0x3FB2]  }
0x3d: {  	_ =	shalt  }
0x3e: {  	_ =	shalt  }
0x3f: {  	_ =	shalt  }
0x40: {  	_ =	shalt  }
0x41: {  	_ =	shalt  }
0x42: {  	_ =	shalt  }
0x43: {  	_ =	shalt  }
0x44: {  	_ =	shalt  }
0x45: {  	_ =	shalt  }
0x46: {  	_ =	shalt  }
0x47: {  	_ =	shalt  }
0x48: {  	_ =	shalt  }
0x49: {  	_ =	shalt  }
0x4a: {  	_ =	shalt  }
0x4b: {  	_ =	shalt  }
0x4c: {  	_ =	shalt  }
0x4d: {  	_ =	shalt  }
0x4e: {  	_ =	shalt  }
0x4f: {  	_ =	shalt  }
0x50: {  	_ =	shalt  }
0x51: {  	_ =	shalt  }
0x52: {  	_ =	shalt  }
0x53: {  	_ =	shalt  }
0x54: {  	_ =	shalt  }
0x55: {  	_ =	shalt  }
0x56: {  	_ =	shalt  }
0x57: {  	_ =	shalt  }
0x58: {  	_ =	shalt  }
0x59: {  	_ =	shalt  }
0x5a: {  	_ =	shalt  }
0x5b: {  	_ =	shalt  }
0x5c: {  	_ =	shalt  }
0x5d: {  	_ =	shalt  }
0x5e: {  	_ =	shalt  }
0x5f: {  	_ =	shalt  }
0x60: {  	_ =	shalt  }
0x61: {  	_ =	shalt  }
0x62: {  	_ =	shalt  }
0x63: {  	_ =	shalt  }
0x64: {  	_ =	shalt  }
0x65: {  	_ =	shalt  }
0x66: {  	_ =	shalt  }
0x67: {  	_ =	shalt  }
0x68: {  	_ =	shalt  }
0x69: {  	_ =	shalt  }
0x6a: {  	_ =	shalt  }
0x6b: {  	_ =	shalt  }
0x6c: {  	_ =	shalt  }
0x6d: {  	_ =	shalt  }
0x6e: {  	_ =	shalt  }
0x6f: {  	_ =	shalt  }
0x70: {  	_ =	shalt  }
0x71: {  	_ =	shalt  }
0x72: {  	_ =	shalt  }
0x73: {  	_ =	shalt  }
0x74: {  	_ =	shalt  }
0x75: {  	_ =	shalt  }
0x76: {  	_ =	shalt  }
0x77: {  	_ =	shalt  }
0x78: {  	_ =	shalt  }
0x79: {  	_ =	shalt  }
0x7a: {  	_ =	shalt  }
0x7b: {  	_ =	shalt  }
0x7c: {  	_ =	shalt  }
0x7d: {  	_ =	shalt  }
0x7e: {  	_ =	shalt  }
0x7f: {  	_ =	shalt  }
0x80: {  	_ =	shalt  }
0x81: {  	_ =	shalt  }
0x82: {  	_ =	shalt  }
0x83: {  	_ =	shalt  }
0x84: {  	_ =	shalt  }
0x85: {  	_ =	shalt  }
0x86: {  	_ =	shalt  }
0x87: {  	_ =	shalt  }
.Lfunc_end0:
.L_simem_size_0:
called_computation.3_lowered:
.L_overlay_start_0:
0x88: {  	s2 =	sld [smem:$0x3FD9]  }
0x89: {  	s3 =	sld [smem:$0x3FFE];
	_ =	sdelay $0x1  }
0x8a: {  	s1 =	srdreg.scid  }
0x8b: {  	s0 =	sand.u32 $0x1, s1  }
0x8c: {  	s17 =	sshll.u32 s0, $0xA;
	s2 =	sadd.s32 s3, s2  }
0x8d: {  	s2 =	sadd.s32 s2, s17  }
0x8e: {  	[smem:$0x3FBE] =	sst s2  }
0x8f: {  	_ = 	snop  }
0x90: {  	s2 =	sld [smem:$0x3FD0];
	(tm) =	ssettm $0x1  }
0x91: {  	s18 =	sld [smem:$0x3FFB];
	_ =	sdelay $0x3  }
0x92: {  	_ =	strace s18  }
0x93: {  	s3 =	sld [smem:$0x3FFC];
	_ =	sdelay $0x3  }
0x94: {  	_ =	strace s3  }
0x95: {  	s3 =	sld [smem:$0x3FFD];
	_ =	sdelay $0x3  }
0x96: {  	_ =	strace s3  }
0x97: {  	_ =	strace $0x8FFFFFFF  }
0x98: {  	s19 =	sld [smem:$0x3FDB];
	_ =	sdelay $0x1  }
0x99: {  	s4 =	simm.s32 $_scs_section_size  }
0x9a: {  	s5 =	simm.s32 $_size__tile_overlayer_lowered;
	s6 =	simm.s32 $_tile_overlayer_lowered  }
0x9b: {  	s22 =	simm.s32 $0x1BFF;
	s21 =	sshll.u32 s6, $0x1;
	s3 =	sadd.s32 s4, s19  }
0x9c: {  	s7 =	simm.s32 $0x0;
	s20 =	sshll.u32 s5, $0x1;
	s5 =	sadd.s32 s21, s3  }
0x9d: {  	[timem:s7], [sflag:s22] =	dma.local [hbm:s5], s20  }
0x9e: {  	_ =	swait.ge [sflag:s22], s20  }
0x9f: {  	s4 =	ssub.s32 $0x0, s20;
	[sflag:s22] =	ssyncset.done $0x0  }
0xa0: {  	[sflag:s22] =	ssyncadd.s32 s4;
	_ =	sdelay $0x1  }
0xa1: {  	s23 =	simm.s32 $0x1B8B  }
0xa2: {  	_ =	swait.ge [sflag:s23], $0x1  }
0xa3: {  	[sflag:s23] =	ssyncset.done $0x0  }
0xa4: {  	s25 =	simm.s32 $0x1B8E;
	s24 =	sld [smem:$0x3FFE];
	[sflag:s23] =	ssyncadd.s32 $0xFFFFFFFF  }
0xa5: {  	s26 =	simm.s32 $execute0_lowered;
	[smem:$0x3FD2] =	sst s25  }
0xa6: {  	s5 =	sshll.u32 s26, $0x1;
	_ =	strace $0x8000004F;
	[dreg:$0x1] =	wrdreg $0xFFFFFFFF  }
0xa7: {  	s28 =	simm.s32 $_size_execute0_lowered;
	s3 =	sadd.s32 s3, s5;
	[dreg:$0x0] =	wrdreg $0x0  }
0xa8: {  	s5 =	sshll.u32 s28, $0x1;
	[dreg:$0x2] =	wrdreg s3  }
0xa9: {  	[dreg:$0x3] =	wrdreg s5  }
0xaa: {  	[dreg:$0x4] =	wrdreg $0xC0  }
0xab: {  	_ =	task [dreg:s7], $0x5FFFF  }
0xac: {  	[dreg:$0x1] =	wrdreg $0xFFFFFFFF  }
0xad: {  	[dreg:$0x0] =	wrdreg $0x60  }
0xae: {  	[dreg:$0x2] =	wrdreg s2  }
0xaf: {  	[dreg:$0x3] =	wrdreg s24  }
0xb0: {  	[dreg:$0x4] =	wrdreg $0x0  }
0xb1: {  	[dreg:$0x5] =	wrdreg $0x9  }
0xb2: {  	_ =	task.clear_ibuf [dreg:s7], $0x6FFFF;
	_ =	strace $0x9000004F  }
0xb3: {  	s29 =	simm.s32 $0x9;
	_ =	strace $0x80000051  }
0xb4: {  	_ =	swait.ge [sflag:s29], $0x1  }
0xb5: {  	[sflag:s29] =	ssyncadd.s32 $0xFFFFFFFF  }
0xb6: {  	_ =	strace $0x90000051  }
0xb7: {  	_ =	sfence  }
0xb8: {  	s30 =	sld [smem:$0x0];
	_ =	sdelay $0x2  }
0xb9: {  	s31 =	sshll.u32 s1, $0xD;
	s1 =	sshrl.u32 s1, $0x2  }
0xba: {  	s3 =	sand.u32 $0x4000, s31;
	s1 =	sadd.s32 s1, s30  }
0xbb: {  	s0 =	sor.u32 s3, s0;
	s1 =	sshll.u32 s1, $0x11  }
0xbc: {  	s0 =	sor.u32 s1, s0  }
0xbd: {  	s0 =	sadd.s32 $0x8F2B, s0  }
0xbe: {  	[sflag:s0] =	ssyncadd.remote.s32 $0x1  }
0xbf: {  	_ =	sfence.sel $0xFFFF  }
0xc0: {  	[dreg:$0x0] =	wrdreg $0xFFFFFFFF;
	(pc) =	sbr.abs _section_cstart, $3  }
0xc1: {  	[dreg:$0x1] =	wrdreg $0xFFFFFFFF  }
0xc2: {  	_ =	task.clear_ibuf [dreg:s7], $0x2FFFF;
	_ =	strace $0x9FFFFFFF  }
0xc3: {  	(tm) =	ssettm $0x7FFFFFFF  }
tec
execute0_lowered:
.L_overlay_start_1:
0x0: {  	(tag) =	ssettag $0x1  }
0x1: {  	s1 =	rddreg [dreg:$0x0]  }
0x2: {  	s0 =	rddreg [dreg:$0x1]  }
0x3: {  	s2 =	rddreg [dreg:$0x2];
	s3 =	simm.s32 $0x0;
	s4 =	srdreg.scid  }
0x4: {  	s13 =	stileid.u32;
	s28 =	simm.s32 $0x1C000;
	s29 =	simm.s32 $0x1D800  }
0x5: {  	s30 =	simm.s32 $0x80;
	s31 =	simm.s32 $0x1;
	[smem:$0x7FF] =	sst s3  }
0x6: {  	s4 =	sand.u32 $0x1, s4;
	s5 =	sadd.s32 $0x5FA00, s0;
	s7 =	sadd.s32 $0x4200, s0  }
0x7: {  	s8 =	smul.u32 $0x50000, s13;
	s9 =	sadd.s32 $0xF200, s0;
	s0 =	sadd.s32 $0x6AA00, s0  }
0x8: {  	_ =	strace $0x80000050;
	s6 =	sshll.u32 s4, $0x4;
	[dreg:$0x4] =	wrdreg s9  }
0x9: {  	s25 =	ssub.s32 $0x2, s4;
	s4 =	smul.u32 $0x140000, s4;
	s6 =	sor.u32 s13, s6  }
0xa: {  	s11 =	sshrl.u32 s25, $0x1;
	s8 =	sshrl.u32 s8, $0x2;
	s10 =	smul.u32 $0x580, s6  }
0xb: {  	s12 =	smul.u32 $0x2C00, s6;
	s9 =	ssub.s32 s25, s11;
	s6 =	sadd.s32 s8, s2  }
0xc: {  	s17 =	smax.u32 s9, $0x1;
	s18 =	sadd.s32 $0x4000, s6;
	s14 =	sadd.s32 $0xC000, s6  }
0xd: {  	s15 =	sadd.s32 $0x10000, s6;
	s26 =	sadd.s32 s5, s10;
	[dreg:$0x9] =	wrdreg s17  }
0xe: {  	s11 =	sshrl.u32 s12, $0x3;
	s10 =	sadd.s32 s7, s10;
	[dreg:$0xa] =	wrdreg s18  }
0xf: {  	s12 =	smul.u32 $0x14000, s13;
	[dreg:$0x5] =	wrdreg s26;
	s8 =	sadd.s32 $0x300, s11  }
0x10: {  	s13 =	sadd.s32 $0x8000, s6;
	[dreg:$0x6] =	wrdreg s10;
	s5 =	sadd.s32 s5, s8  }
0x11: {  	s16 =	sadd.s32 s7, s8;
	s19 =	sadd.s32 s4, s12;
	s20 =	sadd.s32 $0x4000, s12  }
0x12: {  	s22 =	sadd.s32 $0x8000, s12;
	s24 =	sadd.s32 $0xC000, s12;
	[dreg:$0x7] =	wrdreg s5  }
0x13: {  	s25 =	sadd.s32 $0x10000, s12;
	s7 =	simm.s32 $0x0;
	[dreg:$0x8] =	wrdreg s16  }
0x14: {  	s5 =	sshrl.u32 s19, $0x3;
	s21 =	sadd.s32 s4, s20;
	s17 =	sadd.s32 s20, s2  }
0x15: {  	s19 =	sadd.s32 s22, s2;
	s23 =	sadd.s32 s4, s22;
	s26 =	sadd.s32 s4, s24  }
0x16: {  	s4 =	sadd.s32 s4, s25;
	s16 =	sadd.s32 s0, s5;
	s5 =	sshrl.u32 s21, $0x3  }
.Ltmp0:
0x17: {  	s21 =	sadd.s32 s24, s2;
	s4 =	sshrl.u32 s4, $0x3;
	(pc) =	sbr.rel .LBB2_1-.Ltmp0, $4  }
0x18: {  	s18 =	sadd.s32 s0, s5;
	s5 =	sshrl.u32 s23, $0x3;
	s23 =	sadd.s32 s25, s2  }
0x19: {  	s24 =	sadd.s32 s0, s4;
	s25 =	simm.s32 $0x14000;
	s4 =	simm.s32 $0x18000  }
0x1a: {  	s20 =	sadd.s32 s0, s5;
	s5 =	sshrl.u32 s26, $0x3;
	s26 =	simm.s32 $0x3  }
0x1b: {  	s22 =	sadd.s32 s0, s5;
	s0 =	simm.s32 $0x1C080;
	s5 =	simm.s32 $0x2  }
.LBB2_7:
0x1c: {  	s8 =	simm.s32 $0x1EB80  }
0x1d: {  	[spmem:s2] =	stream.indirect.scatter.add.f32 [tilespmem:s11], [sflag:$0x2], $0x80, s8, s30, $0xb8;
	[tilespmem:$0x1F000] =	vst v63  }
.LBB2_9:
0x1e: {  	_ =	swait.ge [sflag:s5], $0x4000  }
0x1f: {  	[sflag:s5] =	ssyncset.done $0x0  }
0x20: {  	[sflag:s5] =	ssyncadd.s32 $0xFFFFC000  }
0x21: {  	[bflag:$0x0] =	sbarrier.arrive $0xFFFF  }
0x22: {  	[tilespmem:s25], [sflag:$0x3] =	stream.linear.gather [spmem:s6], $0x4000, $0x38;
	[tilespmem:$0x1F000] =	vst v63  }
0x23: {  	_ =	swait.ge [sflag:s26], $0x4000  }
0x24: {  	[sflag:s26] =	ssyncset.done $0x0  }
0x25: {  	[sflag:s26] =	ssyncadd.s32 $0xFFFFC000  }
0x26: {  	[hbm4b:s16+s3] =	stream.linear.scatter [tilespmem:s25], [sflag:$0x3], $0x4000, $0x38;
	[tilespmem:$0x1F000] =	vst v63  }
0x27: {  	_ =	swait.ge [sflag:s26], $0x4000  }
0x28: {  	[sflag:s26] =	ssyncset.done $0x0  }
0x29: {  	[sflag:s26] =	ssyncadd.s32 $0xFFFFC000  }
0x2a: {  	[tilespmem:s25], [sflag:$0x3] =	stream.linear.gather [spmem:s17], $0x4000, $0x38;
	[tilespmem:$0x1F000] =	vst v63  }
0x2b: {  	_ =	swait.ge [sflag:s26], $0x4000  }
0x2c: {  	[sflag:s26] =	ssyncset.done $0x0  }
0x2d: {  	[sflag:s26] =	ssyncadd.s32 $0xFFFFC000  }
0x2e: {  	[hbm4b:s18+s3] =	stream.linear.scatter [tilespmem:s25], [sflag:$0x3], $0x4000, $0x38;
	[tilespmem:$0x1F000] =	vst v63  }
0x2f: {  	_ =	swait.ge [sflag:s26], $0x4000  }
0x30: {  	[sflag:s26] =	ssyncset.done $0x0  }
0x31: {  	[sflag:s26] =	ssyncadd.s32 $0xFFFFC000  }
0x32: {  	[tilespmem:s25], [sflag:$0x3] =	stream.linear.gather [spmem:s19], $0x4000, $0x38;
	[tilespmem:$0x1F000] =	vst v63  }
0x33: {  	_ =	swait.ge [sflag:s26], $0x4000  }
0x34: {  	[sflag:s26] =	ssyncset.done $0x0  }
0x35: {  	[sflag:s26] =	ssyncadd.s32 $0xFFFFC000  }
0x36: {  	[hbm4b:s20+s3] =	stream.linear.scatter [tilespmem:s25], [sflag:$0x3], $0x4000, $0x38;
	[tilespmem:$0x1F000] =	vst v63  }
0x37: {  	_ =	swait.ge [sflag:s26], $0x4000  }
0x38: {  	[sflag:s26] =	ssyncset.done $0x0  }
0x39: {  	[sflag:s26] =	ssyncadd.s32 $0xFFFFC000  }
0x3a: {  	[tilespmem:s25], [sflag:$0x3] =	stream.linear.gather [spmem:s21], $0x4000, $0x38;
	[tilespmem:$0x1F000] =	vst v63  }
0x3b: {  	_ =	swait.ge [sflag:s26], $0x4000  }
0x3c: {  	[sflag:s26] =	ssyncset.done $0x0  }
0x3d: {  	[sflag:s26] =	ssyncadd.s32 $0xFFFFC000  }
0x3e: {  	[hbm4b:s22+s3] =	stream.linear.scatter [tilespmem:s25], [sflag:$0x3], $0x4000, $0x38;
	[tilespmem:$0x1F000] =	vst v63  }
0x3f: {  	_ =	swait.ge [sflag:s26], $0x4000  }
0x40: {  	[sflag:s26] =	ssyncset.done $0x0  }
0x41: {  	[sflag:s26] =	ssyncadd.s32 $0xFFFFC000  }
0x42: {  	[tilespmem:s25], [sflag:$0x3] =	stream.linear.gather [spmem:s23], $0x4000, $0x38;
	[tilespmem:$0x1F000] =	vst v63  }
0x43: {  	_ =	swait.ge [sflag:s26], $0x4000  }
0x44: {  	[sflag:s26] =	ssyncset.done $0x0  }
0x45: {  	[sflag:s26] =	ssyncadd.s32 $0xFFFFC000  }
0x46: {  	[hbm4b:s24+s3] =	stream.linear.scatter [tilespmem:s25], [sflag:$0x3], $0x4000, $0x38;
	[tilespmem:$0x1F000] =	vst v63  }
0x47: {  	_ =	swait.ge [sflag:s26], $0x4000  }
0x48: {  	s7 =	sadd.s32 $0x1, s7;
	s8 =	rddreg [dreg:$0x9]  }
0x49: {  	p0 =	sne.s32 s7, s8  }
.Ltmp1:
0x4a: {  	_ = 	snop;
	(pc) =	sbr.rel @!p0 .LBB2_10-.Ltmp1, $3  }
0x4b: {  	_ =	sdelay $0x1  }
0x4c: {  	[sflag:s26] =	ssyncset.done $0x0  }
0x4d: {  	[sflag:s26] =	ssyncadd.s32 $0xFFFFC000  }
.LBB2_1:
0x4e: {  	s8 =	rddreg [dreg:$0x4]  }
0x4f: {  	[tilespmem:s25], [sflag:$0x3] =	stream.linear.gather [hbm4b:s8+s3], $0x4000, $0x38;
	[tilespmem:$0x1F000] =	vst v63  }
0x50: {  	_ =	swait.ge [sflag:s26], $0x4000  }
0x51: {  	[sflag:s26] =	ssyncset.done $0x0  }
0x52: {  	[sflag:s26] =	ssyncadd.s32 $0xFFFFC000  }
0x53: {  	[spmem:s6] =	stream.linear.scatter [tilespmem:s25], [sflag:$0x3], $0x4000, $0x38;
	[tilespmem:$0x1F000] =	vst v63  }
0x54: {  	_ =	swait.ge [sflag:s26], $0x4000  }
0x55: {  	[sflag:s26] =	ssyncset.done $0x0  }
0x56: {  	s10 =	rddreg [dreg:$0xa];
	[sflag:s26] =	ssyncadd.s32 $0xFFFFC000  }
0x57: {  	[spmem:s10] =	stream.linear.scatter [tilespmem:s25], [sflag:$0x3], $0x4000, $0x38;
	[tilespmem:$0x1F000] =	vst v63  }
0x58: {  	_ =	swait.ge [sflag:s26], $0x4000  }
0x59: {  	[sflag:s26] =	ssyncset.done $0x0  }
0x5a: {  	[sflag:s26] =	ssyncadd.s32 $0xFFFFC000  }
0x5b: {  	[spmem:s13] =	stream.linear.scatter [tilespmem:s25], [sflag:$0x3], $0x4000, $0x38;
	[tilespmem:$0x1F000] =	vst v63  }
0x5c: {  	_ =	swait.ge [sflag:s26], $0x4000  }
0x5d: {  	[sflag:s26] =	ssyncset.done $0x0  }
0x5e: {  	[sflag:s26] =	ssyncadd.s32 $0xFFFFC000  }
0x5f: {  	[spmem:s14] =	stream.linear.scatter [tilespmem:s25], [sflag:$0x3], $0x4000, $0x38;
	[tilespmem:$0x1F000] =	vst v63  }
0x60: {  	_ =	swait.ge [sflag:s26], $0x4000  }
0x61: {  	[sflag:s26] =	ssyncset.done $0x0  }
0x62: {  	[sflag:s26] =	ssyncadd.s32 $0xFFFFC000  }
0x63: {  	[spmem:s15] =	stream.linear.scatter [tilespmem:s25], [sflag:$0x3], $0x4000, $0x38;
	[tilespmem:$0x1F000] =	vst v63  }
0x64: {  	_ =	swait.ge [sflag:s26], $0x4000  }
0x65: {  	[sflag:s26] =	ssyncset.done $0x0  }
0x66: {  	[sflag:s26] =	ssyncadd.s32 $0xFFFFC000  }
0x67: {  	[bflag:$0x0] =	sbarrier.arrive $0xFFFF  }
0x68: {  	s11 =	rddreg [dreg:$0x5]  }
0x69: {  	[tilespmem:s28], [sflag:$0x3] =	stream.linear.gather [hbm4b:s11+s3], $0x1800, $0x38;
	[tilespmem:$0x1F000] =	vst v63  }
0x6a: {  	_ =	swait.ge [sflag:s26], $0x1800  }
0x6b: {  	[sflag:s26] =	ssyncset.done $0x0  }
0x6c: {  	s12 =	rddreg [dreg:$0x6];
	[sflag:s26] =	ssyncadd.s32 $0xFFFFE800  }
0x6d: {  	[tilespmem:s29], [sflag:$0x3] =	stream.linear.gather [hbm4b:s12+s3], $0x1800, $0x38;
	[tilespmem:$0x1F000] =	vst v63  }
0x6e: {  	_ =	swait.ge [sflag:s26], $0x1800  }
0x6f: {  	[sflag:s26] =	ssyncset.done $0x0  }
0x70: {  	[sflag:s26] =	ssyncadd.s32 $0xFFFFE800  }
0x71: {  	[tilespmem:s25], [sflag:$0x1] =	stream.indirect.gather [hbm4b:s1+s30], $0x80, s28, s30, $0xb8;
	[tilespmem:$0x1F000] =	vst v63  }
0x72: {  	_ =	swait.ge [sflag:s31], $0x4000  }
0x73: {  	[sflag:s31] =	ssyncset.done $0x0  }
0x74: {  	[sflag:s31] =	ssyncadd.s32 $0xFFFFC000  }
0x75: {  	[tilespmem:s4], [sflag:$0x1] =	stream.indirect.gather [hbm4b:s1+s30], $0x80, s0, s30, $0xb8;
	[tilespmem:$0x1F000] =	vst v63  }
0x76: {  	s9 =	simm.s32 $0x20000;
	s8 =	simm.s32 $0x1D880;
	s10 =	simm.s32 $0x1C100  }
0x77: {  	[spmem:s2] =	stream.indirect.scatter.add.f32 [tilespmem:s25], [sflag:$0x2], $0x80, s29, s30, $0xb8;
	[tilespmem:$0x1F000] =	vst v63  }
.LBB2_2:
0x78: {  	_ =	swait.ge [sflag:s31], $0x4000;
	p0 =	sne.s32 s9, $0x300000  }
.Ltmp2:
0x79: {  	[sflag:s31] =	ssyncset.done $0x0;
	(pc) =	sbr.rel @!p0 .LBB2_3-.Ltmp2, $4  }
0x7a: {  	s11 =	sadd.s32 $0xFFFF0000, s9;
	[sflag:s31] =	ssyncadd.s32 $0xFFFFC000  }
0x7b: {  	s11 =	sand.u32 $0x10000, s11;
	_ =	swait.ge [sflag:s5], $0x4000  }
0x7c: {  	s11 =	sshrl.u32 s11, $0x2;
	[sflag:s5] =	ssyncset.done $0x0  }
0x7d: {  	s11 =	sadd.s32 $0x14000, s11;
	[sflag:s5] =	ssyncadd.s32 $0xFFFFC000  }
0x7e: {  	s12 =	sand.u32 $0x10000, s9  }
0x7f: {  	s9 =	sadd.s32 $0x10000, s9;
	s12 =	sshrl.u32 s12, $0x2  }
0x80: {  	p0 =	sne.s32 s9, $0x310000;
	s12 =	sadd.s32 $0x14000, s12  }
0x81: {  	[tilespmem:s12], [sflag:$0x1] =	stream.indirect.gather [hbm4b:s1+s30], $0x80, s10, s30, $0xb8;
	[tilespmem:$0x1F000] =	vst v63  }
.Ltmp3:
0x82: {  	_ = 	snop;
	(pc) =	sbr.rel @p0 .LBB2_2-.Ltmp3, $4  }
.Ltmp4:
0x83: {  	_ = 	snop;
	(pc) =	sbr.rel @!p0 .LBB2_5-.Ltmp4, $4  }
0x84: {  	_ = 	snop  }
0x85: {  	[spmem:s2] =	stream.indirect.scatter.add.f32 [tilespmem:s11], [sflag:$0x2], $0x80, s8, s30, $0xb8;
	[tilespmem:$0x1F000] =	vst v63  }
0x86: {  	s10 =	sadd.s32 $0x80, s10;
	s8 =	sadd.s32 $0x80, s8  }
0x87: {  	_ = 	snop  }
.LBB2_3:
0x88: {  	s8 =	simm.s32 $0x1EF80  }
0x89: {  	[spmem:s2] =	stream.indirect.scatter.add.f32 [tilespmem:s11], [sflag:$0x2], $0x80, s8, s30, $0xb8;
	[tilespmem:$0x1F000] =	vst v63  }
.LBB2_5:
0x8a: {  	_ =	swait.ge [sflag:s5], $0x4000  }
0x8b: {  	[sflag:s5] =	ssyncset.done $0x0  }
0x8c: {  	s8 =	rddreg [dreg:$0x7];
	[sflag:s5] =	ssyncadd.s32 $0xFFFFC000  }
0x8d: {  	[tilespmem:s28], [sflag:$0x3] =	stream.linear.gather [hbm4b:s8+s3], $0x1400, $0x38;
	[tilespmem:$0x1F000] =	vst v63  }
0x8e: {  	_ =	swait.ge [sflag:s26], $0x1400  }
0x8f: {  	[sflag:s26] =	ssyncset.done $0x0  }
0x90: {  	s12 =	rddreg [dreg:$0x8];
	[sflag:s26] =	ssyncadd.s32 $0xFFFFEC00  }
0x91: {  	[tilespmem:s29], [sflag:$0x3] =	stream.linear.gather [hbm4b:s12+s3], $0x1400, $0x38;
	[tilespmem:$0x1F000] =	vst v63  }
0x92: {  	_ =	swait.ge [sflag:s26], $0x1400  }
0x93: {  	[sflag:s26] =	ssyncset.done $0x0  }
0x94: {  	[sflag:s26] =	ssyncadd.s32 $0xFFFFEC00  }
0x95: {  	[tilespmem:s25], [sflag:$0x1] =	stream.indirect.gather [hbm4b:s1+s30], $0x80, s28, s30, $0xb8;
	[tilespmem:$0x1F000] =	vst v63  }
0x96: {  	_ =	swait.ge [sflag:s31], $0x4000  }
0x97: {  	[sflag:s31] =	ssyncset.done $0x0  }
0x98: {  	[sflag:s31] =	ssyncadd.s32 $0xFFFFC000  }
0x99: {  	[tilespmem:s4], [sflag:$0x1] =	stream.indirect.gather [hbm4b:s1+s30], $0x80, s0, s30, $0xb8;
	[tilespmem:$0x1F000] =	vst v63  }
0x9a: {  	s9 =	simm.s32 $0x20000;
	s10 =	simm.s32 $0x1C100;
	s8 =	simm.s32 $0x1D880  }
0x9b: {  	[spmem:s2] =	stream.indirect.scatter.add.f32 [tilespmem:s25], [sflag:$0x2], $0x80, s29, s30, $0xb8;
	[tilespmem:$0x1F000] =	vst v63  }
.LBB2_6:
0x9c: {  	_ =	swait.ge [sflag:s31], $0x4000;
	p0 =	sne.s32 s9, $0x280000  }
.Ltmp5:
0x9d: {  	[sflag:s31] =	ssyncset.done $0x0;
	(pc) =	sbr.rel @!p0 .LBB2_7-.Ltmp5, $4  }
0x9e: {  	s11 =	sadd.s32 $0xFFFF0000, s9;
	[sflag:s31] =	ssyncadd.s32 $0xFFFFC000  }
0x9f: {  	s11 =	sand.u32 $0x10000, s11;
	_ =	swait.ge [sflag:s5], $0x4000  }
0xa0: {  	s11 =	sshrl.u32 s11, $0x2;
	[sflag:s5] =	ssyncset.done $0x0  }
0xa1: {  	s11 =	sadd.s32 $0x14000, s11;
	[sflag:s5] =	ssyncadd.s32 $0xFFFFC000  }
0xa2: {  	s12 =	sand.u32 $0x10000, s9  }
0xa3: {  	s9 =	sadd.s32 $0x10000, s9;
	s12 =	sshrl.u32 s12, $0x2  }
0xa4: {  	p0 =	sne.s32 s9, $0x290000;
	s12 =	sadd.s32 $0x14000, s12  }
0xa5: {  	[tilespmem:s12], [sflag:$0x1] =	stream.indirect.gather [hbm4b:s1+s30], $0x80, s10, s30, $0xb8;
	[tilespmem:$0x1F000] =	vst v63  }
.Ltmp6:
0xa6: {  	_ = 	snop;
	(pc) =	sbr.rel @p0 .LBB2_6-.Ltmp6, $4  }
.Ltmp7:
0xa7: {  	_ = 	snop;
	(pc) =	sbr.rel @!p0 .LBB2_9-.Ltmp7, $4  }
0xa8: {  	_ = 	snop  }
0xa9: {  	[spmem:s2] =	stream.indirect.scatter.add.f32 [tilespmem:s11], [sflag:$0x2], $0x80, s8, s30, $0xb8;
	[tilespmem:$0x1F000] =	vst v63  }
0xaa: {  	s10 =	sadd.s32 $0x80, s10;
	s8 =	sadd.s32 $0x80, s8  }
0xab: {  	_ = 	snop  }
.LBB2_10:
0xac: {  	_ =	sfence.sel $0x180000  }
0xad: {  	[bflag:$0x0] =	sbarrier.arrive $0xFFFF  }
0xae: {  	_ =	strace $0x90000050  }
0xaf: {  	s0 =	stileid.u32;
	[bflag:$0x2] =	sbarrier.arrive $0xFFFF  }
0xb0: {  	p0 =	sne.s32 s0, $0x0;
	s0 =	rddreg [dreg:$0x3]  }
0xb1: {  	s0 =	sadd.s32 @!p0 $0x100000, s0  }
0xb2: {  	[sflag:s0] =	ssyncadd.tile.s32 @!p0 $0x1;
	_ =	shalt  }
.Lfunc_end2:
_tile_overlayer_lowered:
.L_overlay_start_2:
0xb3: {  	(tag) =	ssettag $0x2  }
0xb4: {  	s0 =	rddreg [dreg:$0x0];
	s2 =	stileid.u32  }
0xb5: {  	s1 =	rddreg [dreg:$0x1];
	p0 =	sne.s32 s2, $0x0  }
0xb6: {  	s3 =	rddreg [dreg:$0x2];
	[bflag:$0x3] =	sbarrier.arrive $0xFFFF;
	s2 =	simm.s32 @!p0 $0x1C03  }
0xb7: {  	[timem:s3], [sflag:s2] =	dma.local @!p0 [hbm:s0], s1  }
0xb8: {  	s0 =	simm.s32 @!p0 $0x3  }
0xb9: {  	_ =	swait.ge @!p0 [sflag:s0], s1  }
0xba: {  	s1 =	ssub.s32 @!p0 $0x0, s1;
	[sflag:s0] =	ssyncset.done @!p0 $0x0  }
0xbb: {  	[sflag:s0] =	ssyncadd.s32 @!p0 s1  }
0xbc: {  	[bflag:$0x3] =	sbarrier.arrive $0xFFFF  }
0xbd: {  	_ =	shalt  }

// kernel: kernel.24.cloned.1.call-start
scs
__scs_entry_jumppad:
0x0: {  	(pc) =	sbr.rel $0x88, $3  }
0x1: {  	(tag) =	ssettag $0x0;
	lr =	simm.s32 $0x1  }
0x2: {  	[smem:$0x3F97] =	sst lr;
	_ =	strace $0xD0000000  }
0x3: {  	_ = 	snop  }
0x4: {  	_ = 	snop  }
0x5: {  	_ = 	snop  }
0x6: {  	_ = 	snop  }
0x7: {  	_ = 	snop  }
__scs_overlays_trampoline_lowered:
0x8: {  	[smem:$0x3FA6] =	sst s0  }
0x9: {  	[smem:$0x3FA7] =	sst s1  }
0xa: {  	[smem:$0x3FA8] =	sst s2  }
0xb: {  	[smem:$0x3FA9] =	sst s3  }
0xc: {  	[smem:$0x3FAA] =	sst s4  }
0xd: {  	[smem:$0x3FAB] =	sst s5  }
0xe: {  	[smem:$0x3FAC] =	sst s6  }
0xf: {  	[smem:$0x3FAD] =	sst s7  }
0x10: {  	[smem:$0x3FAE] =	sst s8  }
0x11: {  	[smem:$0x3FAF] =	sst s9;
	s0 =	simm.s32 @!p0 $0x0  }
0x12: {  	s1 =	sld [smem:$0x3F95];
	s0 =	simm.s32 @p0 $0x1  }
0x13: {  	[smem:$0x3FB0] =	sst s0;
	s0 =	simm.s32 @!p1 $0x0  }
0x14: {  	s2 =	sld [smem:$0x3F94];
	s0 =	simm.s32 @p1 $0x1  }
0x15: {  	[smem:$0x3FB1] =	sst s0;
	s0 =	simm.s32 @!p2 $0x0  }
0x16: {  	s3 =	sld [smem:$0x3FDB];
	s0 =	simm.s32 @p2 $0x1  }
0x17: {  	s4 =	simm.s32 $0x1BF5;
	[smem:$0x3FB3] =	sst s0  }
0x18: {  	s0 =	sld [smem:$0x3F96];
	_ =	swait.ge [sflag:s4], $0x0  }
0x19: {  	s7 =	sld [smem:$0x3F97]  }
0x1a: {  	s8 =	sadd.s32 $0xFFFFE003, lr  }
0x1b: {  	s9 =	sadd.s32 $0xFFFFFEF7, lr;
	s5 =	simm.s32 $0xFFFFFFFF;
	p2 =	slt.u32 s8, $0xFFFFF086  }
0x1c: {  	p1 =	slt.u32 s9, $0xF7A;
	s5 =	simm.s32 @!p2 $0x0  }
0x1d: {  	s5 =	simm.s32 @p1 $0x1;
	p0 =	seq.s32 s7, s2  }
0x1e: {  	s7 =	smul.u32 @!p0 $0xF7A, s2;
	p2 =	seq.s32 @!p0 s5, $0x0  }
0x1f: {  	s9 =	smul.u32 $0xF7A, s1;
	s8 =	simm.s32 @!p0 $0x1BF5;
	p2 =	por !p2, p0  }
0x20: {  	[sflag:s8] =	ssyncset.s32 @!p0 $0xFFFFF086;
	s6 =	sadd.s32 @!p0 s3, s7;
	s7 =	simm.s32 @!p0 $0x108  }
0x21: {  	s3 =	sadd.s32 s3, s9;
	s6 =	sadd.s32 @!p0 $0x88, s6;
	s7 =	simm.s32 @p2 $0x1082  }
0x22: {  	[simem:s7], [sflag:s8] =	dma.local @!p0 [hbm:s6], $0xF7A  }
0x23: {  	s9 =	sor.u32 $0xD0000000, s2;
	s6 =	simm.s32 $0x108;
	_ =	swait.ge @!p0 [sflag:s8], $0x0  }
0x24: {  	s3 =	sadd.s32 $0x88, s3;
	s6 =	simm.s32 @!p1 $0x1082;
	[sflag:s4] =	ssyncset.s32 $0xFFFFF086  }
0x25: {  	[simem:s6], [sflag:s4] =	dma.local [hbm:s3], $0xF7A  }
0x26: {  	[smem:$0x3F97] =	sst s1;
	(tag) =	ssettag s2;
	_ =	strace s9  }
0x27: {  	s1 =	sld [smem:$0x3FA7]  }
0x28: {  	s2 =	sld [smem:$0x3FA8]  }
0x29: {  	s4 =	sld [smem:$0x3FAA]  }
0x2a: {  	p0 =	seq.s32 s5, $0x0;
	s5 =	sld [smem:$0x3FAB]  }
0x2b: {  	s6 =	sld [smem:$0x3FAC]  }
0x2c: {  	s7 =	sld [smem:$0x3FAD]  }
0x2d: {  	s3 =	simm.s32 $0x108;
	s8 =	sld [smem:$0x3FAE]  }
0x2e: {  	s3 =	simm.s32 @!p0 $0x1082;
	s9 =	sld [smem:$0x3FAF]  }
0x2f: {  	lr =	sadd.s32 s0, s3;
	s0 =	sld [smem:$0x3FA6]  }
0x30: {  	s3 =	sld [smem:$0x3FA9]  }
0x31: {  	[smem:$0x3FB2] =	sst s10  }
0x32: {  	s10 =	sld [smem:$0x3FB0];
	_ =	sdelay $0x3  }
0x33: {  	p0 =	seq.s32 s10, $0x1;
	s10 =	sld [smem:$0x3FB2];
	_ =	sdelay $0x3  }
0x34: {  	[smem:$0x3FB2] =	sst s10  }
0x35: {  	s10 =	sld [smem:$0x3FB1];
	_ =	sdelay $0x3  }
0x36: {  	p1 =	seq.s32 s10, $0x1;
	s10 =	sld [smem:$0x3FB2];
	_ =	sdelay $0x3  }
0x37: {  	[smem:$0x3FB2] =	sst s10  }
0x38: {  	s10 =	sld [smem:$0x3FB3]  }
0x39: {  	_ = 	snop;
	(pc) =	sbr.ind lr, $3  }
0x3a: {  	_ = 	snop  }
0x3b: {  	_ = 	snop  }
0x3c: {  	p2 =	seq.s32 s10, $0x1;
	s10 =	sld [smem:$0x3FB2]  }
0x3d: {  	_ =	shalt  }
0x3e: {  	_ =	shalt  }
0x3f: {  	_ =	shalt  }
0x40: {  	_ =	shalt  }
0x41: {  	_ =	shalt  }
0x42: {  	_ =	shalt  }
0x43: {  	_ =	shalt  }
0x44: {  	_ =	shalt  }
0x45: {  	_ =	shalt  }
0x46: {  	_ =	shalt  }
0x47: {  	_ =	shalt  }
0x48: {  	_ =	shalt  }
0x49: {  	_ =	shalt  }
0x4a: {  	_ =	shalt  }
0x4b: {  	_ =	shalt  }
0x4c: {  	_ =	shalt  }
0x4d: {  	_ =	shalt  }
0x4e: {  	_ =	shalt  }
0x4f: {  	_ =	shalt  }
0x50: {  	_ =	shalt  }
0x51: {  	_ =	shalt  }
0x52: {  	_ =	shalt  }
0x53: {  	_ =	shalt  }
0x54: {  	_ =	shalt  }
0x55: {  	_ =	shalt  }
0x56: {  	_ =	shalt  }
0x57: {  	_ =	shalt  }
0x58: {  	_ =	shalt  }
0x59: {  	_ =	shalt  }
0x5a: {  	_ =	shalt  }
0x5b: {  	_ =	shalt  }
0x5c: {  	_ =	shalt  }
0x5d: {  	_ =	shalt  }
0x5e: {  	_ =	shalt  }
0x5f: {  	_ =	shalt  }
0x60: {  	_ =	shalt  }
0x61: {  	_ =	shalt  }
0x62: {  	_ =	shalt  }
0x63: {  	_ =	shalt  }
0x64: {  	_ =	shalt  }
0x65: {  	_ =	shalt  }
0x66: {  	_ =	shalt  }
0x67: {  	_ =	shalt  }
0x68: {  	_ =	shalt  }
0x69: {  	_ =	shalt  }
0x6a: {  	_ =	shalt  }
0x6b: {  	_ =	shalt  }
0x6c: {  	_ =	shalt  }
0x6d: {  	_ =	shalt  }
0x6e: {  	_ =	shalt  }
0x6f: {  	_ =	shalt  }
0x70: {  	_ =	shalt  }
0x71: {  	_ =	shalt  }
0x72: {  	_ =	shalt  }
0x73: {  	_ =	shalt  }
0x74: {  	_ =	shalt  }
0x75: {  	_ =	shalt  }
0x76: {  	_ =	shalt  }
0x77: {  	_ =	shalt  }
0x78: {  	_ =	shalt  }
0x79: {  	_ =	shalt  }
0x7a: {  	_ =	shalt  }
0x7b: {  	_ =	shalt  }
0x7c: {  	_ =	shalt  }
0x7d: {  	_ =	shalt  }
0x7e: {  	_ =	shalt  }
0x7f: {  	_ =	shalt  }
0x80: {  	_ =	shalt  }
0x81: {  	_ =	shalt  }
0x82: {  	_ =	shalt  }
0x83: {  	_ =	shalt  }
0x84: {  	_ =	shalt  }
0x85: {  	_ =	shalt  }
0x86: {  	_ =	shalt  }
0x87: {  	_ =	shalt  }
.Lfunc_end0:
.L_simem_size_0:
called_computation.4_lowered:
.L_overlay_start_0:
0x88: {  	s2 =	sld [smem:$0x3FD9]  }
0x89: {  	s3 =	sld [smem:$0x3FFE];
	_ =	sdelay $0x1  }
0x8a: {  	s1 =	srdreg.scid  }
0x8b: {  	s0 =	sand.u32 $0x1, s1  }
0x8c: {  	s17 =	sshll.u32 s0, $0xA;
	s2 =	sadd.s32 s3, s2  }
0x8d: {  	s2 =	sadd.s32 s2, s17  }
0x8e: {  	[smem:$0x3FBE] =	sst s2  }
0x8f: {  	_ = 	snop  }
0x90: {  	s2 =	sld [smem:$0x3FD0];
	(tm) =	ssettm $0x1  }
0x91: {  	s18 =	sld [smem:$0x3FFB];
	_ =	sdelay $0x3  }
0x92: {  	_ =	strace s18  }
0x93: {  	s3 =	sld [smem:$0x3FFC];
	_ =	sdelay $0x3  }
0x94: {  	_ =	strace s3  }
0x95: {  	s3 =	sld [smem:$0x3FFD];
	_ =	sdelay $0x3  }
0x96: {  	_ =	strace s3  }
0x97: {  	_ =	strace $0x8FFFFFFF  }
0x98: {  	s19 =	sld [smem:$0x3FDB];
	_ =	sdelay $0x1  }
0x99: {  	s4 =	simm.s32 $_scs_section_size  }
0x9a: {  	s5 =	simm.s32 $_size__tile_overlayer_lowered;
	s6 =	simm.s32 $_tile_overlayer_lowered  }
0x9b: {  	s22 =	simm.s32 $0x1BFF;
	s21 =	sshll.u32 s6, $0x1;
	s3 =	sadd.s32 s4, s19  }
0x9c: {  	s7 =	simm.s32 $0x0;
	s20 =	sshll.u32 s5, $0x1;
	s5 =	sadd.s32 s21, s3  }
0x9d: {  	[timem:s7], [sflag:s22] =	dma.local [hbm:s5], s20  }
0x9e: {  	_ =	swait.ge [sflag:s22], s20  }
0x9f: {  	s4 =	ssub.s32 $0x0, s20;
	[sflag:s22] =	ssyncset.done $0x0  }
0xa0: {  	[sflag:s22] =	ssyncadd.s32 s4;
	_ =	sdelay $0x1  }
0xa1: {  	s23 =	simm.s32 $0x1B8B  }
0xa2: {  	_ =	swait.ge [sflag:s23], $0x1  }
0xa3: {  	[sflag:s23] =	ssyncset.done $0x0  }
0xa4: {  	s25 =	simm.s32 $0x1B8E;
	s24 =	sld [smem:$0x3FFE];
	[sflag:s23] =	ssyncadd.s32 $0xFFFFFFFF  }
0xa5: {  	s26 =	simm.s32 $execute0_lowered;
	[smem:$0x3FD2] =	sst s25  }
0xa6: {  	s5 =	sshll.u32 s26, $0x1;
	_ =	strace $0x80000052;
	[dreg:$0x1] =	wrdreg $0xFFFFFFFF  }
0xa7: {  	s28 =	simm.s32 $_size_execute0_lowered;
	s3 =	sadd.s32 s3, s5;
	[dreg:$0x0] =	wrdreg $0x0  }
0xa8: {  	s5 =	sshll.u32 s28, $0x1;
	[dreg:$0x2] =	wrdreg s3  }
0xa9: {  	[dreg:$0x3] =	wrdreg s5  }
0xaa: {  	[dreg:$0x4] =	wrdreg $0xC0  }
0xab: {  	_ =	task [dreg:s7], $0x5FFFF  }
0xac: {  	[dreg:$0x1] =	wrdreg $0xFFFFFFFF  }
0xad: {  	[dreg:$0x0] =	wrdreg $0x60  }
0xae: {  	[dreg:$0x2] =	wrdreg s2  }
0xaf: {  	[dreg:$0x3] =	wrdreg s24  }
0xb0: {  	[dreg:$0x4] =	wrdreg $0x0  }
0xb1: {  	[dreg:$0x5] =	wrdreg $0x9  }
0xb2: {  	_ =	task.clear_ibuf [dreg:s7], $0x6FFFF;
	_ =	strace $0x90000052  }
0xb3: {  	s29 =	simm.s32 $0x9;
	_ =	strace $0x80000054  }
0xb4: {  	_ =	swait.ge [sflag:s29], $0x1  }
0xb5: {  	[sflag:s29] =	ssyncadd.s32 $0xFFFFFFFF  }
0xb6: {  	_ =	strace $0x90000054  }
0xb7: {  	_ =	sfence  }
0xb8: {  	s30 =	sld [smem:$0x0];
	_ =	sdelay $0x2  }
0xb9: {  	s31 =	sshll.u32 s1, $0xD;
	s1 =	sshrl.u32 s1, $0x2  }
0xba: {  	s3 =	sand.u32 $0x4000, s31;
	s1 =	sadd.s32 s1, s30  }
0xbb: {  	s0 =	sor.u32 s3, s0;
	s1 =	sshll.u32 s1, $0x11  }
0xbc: {  	s0 =	sor.u32 s1, s0  }
0xbd: {  	s0 =	sadd.s32 $0x8F2B, s0  }
0xbe: {  	[sflag:s0] =	ssyncadd.remote.s32 $0x1  }
0xbf: {  	_ =	sfence.sel $0xFFFF  }
0xc0: {  	[dreg:$0x0] =	wrdreg $0xFFFFFFFF;
	(pc) =	sbr.abs _section_cstart, $3  }
0xc1: {  	[dreg:$0x1] =	wrdreg $0xFFFFFFFF  }
0xc2: {  	_ =	task.clear_ibuf [dreg:s7], $0x2FFFF;
	_ =	strace $0x9FFFFFFF  }
0xc3: {  	(tm) =	ssettm $0x7FFFFFFF  }
tec
execute0_lowered:
.L_overlay_start_1:
0x0: {  	(tag) =	ssettag $0x1  }
0x1: {  	s1 =	rddreg [dreg:$0x0]  }
0x2: {  	s0 =	rddreg [dreg:$0x1]  }
0x3: {  	s2 =	rddreg [dreg:$0x2];
	s3 =	simm.s32 $0x0;
	s4 =	srdreg.scid  }
0x4: {  	s13 =	stileid.u32;
	s28 =	simm.s32 $0x1C000;
	s29 =	simm.s32 $0x1D800  }
0x5: {  	s30 =	simm.s32 $0x80;
	s31 =	simm.s32 $0x1;
	[smem:$0x7FF] =	sst s3  }
0x6: {  	s4 =	sand.u32 $0x1, s4;
	s5 =	sadd.s32 $0x5FA00, s0;
	s7 =	sadd.s32 $0x4200, s0  }
0x7: {  	s8 =	smul.u32 $0x50000, s13;
	s9 =	sadd.s32 $0xF200, s0;
	s0 =	sadd.s32 $0x6AA00, s0  }
0x8: {  	_ =	strace $0x80000053;
	s6 =	sshll.u32 s4, $0x4;
	[dreg:$0x4] =	wrdreg s9  }
0x9: {  	s25 =	ssub.s32 $0x2, s4;
	s4 =	smul.u32 $0x140000, s4;
	s6 =	sor.u32 s13, s6  }
0xa: {  	s11 =	sshrl.u32 s25, $0x1;
	s8 =	sshrl.u32 s8, $0x2;
	s10 =	smul.u32 $0x580, s6  }
0xb: {  	s12 =	smul.u32 $0x2C00, s6;
	s9 =	ssub.s32 s25, s11;
	s6 =	sadd.s32 s8, s2  }
0xc: {  	s17 =	smax.u32 s9, $0x1;
	s18 =	sadd.s32 $0x4000, s6;
	s14 =	sadd.s32 $0xC000, s6  }
0xd: {  	s15 =	sadd.s32 $0x10000, s6;
	s26 =	sadd.s32 s5, s10;
	[dreg:$0x9] =	wrdreg s17  }
0xe: {  	s11 =	sshrl.u32 s12, $0x3;
	s10 =	sadd.s32 s7, s10;
	[dreg:$0xa] =	wrdreg s18  }
0xf: {  	s12 =	smul.u32 $0x14000, s13;
	[dreg:$0x5] =	wrdreg s26;
	s8 =	sadd.s32 $0x300, s11  }
0x10: {  	s13 =	sadd.s32 $0x8000, s6;
	[dreg:$0x6] =	wrdreg s10;
	s5 =	sadd.s32 s5, s8  }
0x11: {  	s16 =	sadd.s32 s7, s8;
	s19 =	sadd.s32 s4, s12;
	s20 =	sadd.s32 $0x4000, s12  }
0x12: {  	s22 =	sadd.s32 $0x8000, s12;
	s24 =	sadd.s32 $0xC000, s12;
	[dreg:$0x7] =	wrdreg s5  }
0x13: {  	s25 =	sadd.s32 $0x10000, s12;
	s7 =	simm.s32 $0x0;
	[dreg:$0x8] =	wrdreg s16  }
0x14: {  	s5 =	sshrl.u32 s19, $0x3;
	s21 =	sadd.s32 s4, s20;
	s17 =	sadd.s32 s20, s2  }
0x15: {  	s19 =	sadd.s32 s22, s2;
	s23 =	sadd.s32 s4, s22;
	s26 =	sadd.s32 s4, s24  }
0x16: {  	s4 =	sadd.s32 s4, s25;
	s16 =	sadd.s32 s0, s5;
	s5 =	sshrl.u32 s21, $0x3  }
.Ltmp0:
0x17: {  	s21 =	sadd.s32 s24, s2;
	s4 =	sshrl.u32 s4, $0x3;
	(pc) =	sbr.rel .LBB2_1-.Ltmp0, $4  }
0x18: {  	s18 =	sadd.s32 s0, s5;
	s5 =	sshrl.u32 s23, $0x3;
	s23 =	sadd.s32 s25, s2  }
0x19: {  	s24 =	sadd.s32 s0, s4;
	s25 =	simm.s32 $0x14000;
	s4 =	simm.s32 $0x18000  }
0x1a: {  	s20 =	sadd.s32 s0, s5;
	s5 =	sshrl.u32 s26, $0x3;
	s26 =	simm.s32 $0x3  }
0x1b: {  	s22 =	sadd.s32 s0, s5;
	s0 =	simm.s32 $0x1C080;
	s5 =	simm.s32 $0x2  }
.LBB2_7:
0x1c: {  	s8 =	simm.s32 $0x1EB80  }
0x1d: {  	[spmem:s2] =	stream.indirect.scatter.add.f32 [tilespmem:s11], [sflag:$0x2], $0x80, s8, s30, $0xb8;
	[tilespmem:$0x1F000] =	vst v63  }
.LBB2_9:
0x1e: {  	_ =	swait.ge [sflag:s5], $0x4000  }
0x1f: {  	[sflag:s5] =	ssyncset.done $0x0  }
0x20: {  	[sflag:s5] =	ssyncadd.s32 $0xFFFFC000  }
0x21: {  	[bflag:$0x0] =	sbarrier.arrive $0xFFFF  }
0x22: {  	[tilespmem:s25], [sflag:$0x3] =	stream.linear.gather [spmem:s6], $0x4000, $0x38;
	[tilespmem:$0x1F000] =	vst v63  }
0x23: {  	_ =	swait.ge [sflag:s26], $0x4000  }
0x24: {  	[sflag:s26] =	ssyncset.done $0x0  }
0x25: {  	[sflag:s26] =	ssyncadd.s32 $0xFFFFC000  }
0x26: {  	[hbm4b:s16+s3] =	stream.linear.scatter [tilespmem:s25], [sflag:$0x3], $0x4000, $0x38;
	[tilespmem:$0x1F000] =	vst v63  }
0x27: {  	_ =	swait.ge [sflag:s26], $0x4000  }
0x28: {  	[sflag:s26] =	ssyncset.done $0x0  }
0x29: {  	[sflag:s26] =	ssyncadd.s32 $0xFFFFC000  }
0x2a: {  	[tilespmem:s25], [sflag:$0x3] =	stream.linear.gather [spmem:s17], $0x4000, $0x38;
	[tilespmem:$0x1F000] =	vst v63  }
0x2b: {  	_ =	swait.ge [sflag:s26], $0x4000  }
0x2c: {  	[sflag:s26] =	ssyncset.done $0x0  }
0x2d: {  	[sflag:s26] =	ssyncadd.s32 $0xFFFFC000  }
0x2e: {  	[hbm4b:s18+s3] =	stream.linear.scatter [tilespmem:s25], [sflag:$0x3], $0x4000, $0x38;
	[tilespmem:$0x1F000] =	vst v63  }
0x2f: {  	_ =	swait.ge [sflag:s26], $0x4000  }
0x30: {  	[sflag:s26] =	ssyncset.done $0x0  }
0x31: {  	[sflag:s26] =	ssyncadd.s32 $0xFFFFC000  }
0x32: {  	[tilespmem:s25], [sflag:$0x3] =	stream.linear.gather [spmem:s19], $0x4000, $0x38;
	[tilespmem:$0x1F000] =	vst v63  }
0x33: {  	_ =	swait.ge [sflag:s26], $0x4000  }
0x34: {  	[sflag:s26] =	ssyncset.done $0x0  }
0x35: {  	[sflag:s26] =	ssyncadd.s32 $0xFFFFC000  }
0x36: {  	[hbm4b:s20+s3] =	stream.linear.scatter [tilespmem:s25], [sflag:$0x3], $0x4000, $0x38;
	[tilespmem:$0x1F000] =	vst v63  }
0x37: {  	_ =	swait.ge [sflag:s26], $0x4000  }
0x38: {  	[sflag:s26] =	ssyncset.done $0x0  }
0x39: {  	[sflag:s26] =	ssyncadd.s32 $0xFFFFC000  }
0x3a: {  	[tilespmem:s25], [sflag:$0x3] =	stream.linear.gather [spmem:s21], $0x4000, $0x38;
	[tilespmem:$0x1F000] =	vst v63  }
0x3b: {  	_ =	swait.ge [sflag:s26], $0x4000  }
0x3c: {  	[sflag:s26] =	ssyncset.done $0x0  }
0x3d: {  	[sflag:s26] =	ssyncadd.s32 $0xFFFFC000  }
0x3e: {  	[hbm4b:s22+s3] =	stream.linear.scatter [tilespmem:s25], [sflag:$0x3], $0x4000, $0x38;
	[tilespmem:$0x1F000] =	vst v63  }
0x3f: {  	_ =	swait.ge [sflag:s26], $0x4000  }
0x40: {  	[sflag:s26] =	ssyncset.done $0x0  }
0x41: {  	[sflag:s26] =	ssyncadd.s32 $0xFFFFC000  }
0x42: {  	[tilespmem:s25], [sflag:$0x3] =	stream.linear.gather [spmem:s23], $0x4000, $0x38;
	[tilespmem:$0x1F000] =	vst v63  }
0x43: {  	_ =	swait.ge [sflag:s26], $0x4000  }
0x44: {  	[sflag:s26] =	ssyncset.done $0x0  }
0x45: {  	[sflag:s26] =	ssyncadd.s32 $0xFFFFC000  }
0x46: {  	[hbm4b:s24+s3] =	stream.linear.scatter [tilespmem:s25], [sflag:$0x3], $0x4000, $0x38;
	[tilespmem:$0x1F000] =	vst v63  }
0x47: {  	_ =	swait.ge [sflag:s26], $0x4000  }
0x48: {  	s7 =	sadd.s32 $0x1, s7;
	s8 =	rddreg [dreg:$0x9]  }
0x49: {  	p0 =	sne.s32 s7, s8  }
.Ltmp1:
0x4a: {  	_ = 	snop;
	(pc) =	sbr.rel @!p0 .LBB2_10-.Ltmp1, $3  }
0x4b: {  	_ =	sdelay $0x1  }
0x4c: {  	[sflag:s26] =	ssyncset.done $0x0  }
0x4d: {  	[sflag:s26] =	ssyncadd.s32 $0xFFFFC000  }
.LBB2_1:
0x4e: {  	s8 =	rddreg [dreg:$0x4]  }
0x4f: {  	[tilespmem:s25], [sflag:$0x3] =	stream.linear.gather [hbm4b:s8+s3], $0x4000, $0x38;
	[tilespmem:$0x1F000] =	vst v63  }
0x50: {  	_ =	swait.ge [sflag:s26], $0x4000  }
0x51: {  	[sflag:s26] =	ssyncset.done $0x0  }
0x52: {  	[sflag:s26] =	ssyncadd.s32 $0xFFFFC000  }
0x53: {  	[spmem:s6] =	stream.linear.scatter [tilespmem:s25], [sflag:$0x3], $0x4000, $0x38;
	[tilespmem:$0x1F000] =	vst v63  }
0x54: {  	_ =	swait.ge [sflag:s26], $0x4000  }
0x55: {  	[sflag:s26] =	ssyncset.done $0x0  }
0x56: {  	s10 =	rddreg [dreg:$0xa];
	[sflag:s26] =	ssyncadd.s32 $0xFFFFC000  }
0x57: {  	[spmem:s10] =	stream.linear.scatter [tilespmem:s25], [sflag:$0x3], $0x4000, $0x38;
	[tilespmem:$0x1F000] =	vst v63  }
0x58: {  	_ =	swait.ge [sflag:s26], $0x4000  }
0x59: {  	[sflag:s26] =	ssyncset.done $0x0  }
0x5a: {  	[sflag:s26] =	ssyncadd.s32 $0xFFFFC000  }
0x5b: {  	[spmem:s13] =	stream.linear.scatter [tilespmem:s25], [sflag:$0x3], $0x4000, $0x38;
	[tilespmem:$0x1F000] =	vst v63  }
0x5c: {  	_ =	swait.ge [sflag:s26], $0x4000  }
0x5d: {  	[sflag:s26] =	ssyncset.done $0x0  }
0x5e: {  	[sflag:s26] =	ssyncadd.s32 $0xFFFFC000  }
0x5f: {  	[spmem:s14] =	stream.linear.scatter [tilespmem:s25], [sflag:$0x3], $0x4000, $0x38;
	[tilespmem:$0x1F000] =	vst v63  }
0x60: {  	_ =	swait.ge [sflag:s26], $0x4000  }
0x61: {  	[sflag:s26] =	ssyncset.done $0x0  }
0x62: {  	[sflag:s26] =	ssyncadd.s32 $0xFFFFC000  }
0x63: {  	[spmem:s15] =	stream.linear.scatter [tilespmem:s25], [sflag:$0x3], $0x4000, $0x38;
	[tilespmem:$0x1F000] =	vst v63  }
0x64: {  	_ =	swait.ge [sflag:s26], $0x4000  }
0x65: {  	[sflag:s26] =	ssyncset.done $0x0  }
0x66: {  	[sflag:s26] =	ssyncadd.s32 $0xFFFFC000  }
0x67: {  	[bflag:$0x0] =	sbarrier.arrive $0xFFFF  }
0x68: {  	s11 =	rddreg [dreg:$0x5]  }
0x69: {  	[tilespmem:s28], [sflag:$0x3] =	stream.linear.gather [hbm4b:s11+s3], $0x1800, $0x38;
	[tilespmem:$0x1F000] =	vst v63  }
0x6a: {  	_ =	swait.ge [sflag:s26], $0x1800  }
0x6b: {  	[sflag:s26] =	ssyncset.done $0x0  }
0x6c: {  	s12 =	rddreg [dreg:$0x6];
	[sflag:s26] =	ssyncadd.s32 $0xFFFFE800  }
0x6d: {  	[tilespmem:s29], [sflag:$0x3] =	stream.linear.gather [hbm4b:s12+s3], $0x1800, $0x38;
	[tilespmem:$0x1F000] =	vst v63  }
0x6e: {  	_ =	swait.ge [sflag:s26], $0x1800  }
0x6f: {  	[sflag:s26] =	ssyncset.done $0x0  }
0x70: {  	[sflag:s26] =	ssyncadd.s32 $0xFFFFE800  }
0x71: {  	[tilespmem:s25], [sflag:$0x1] =	stream.indirect.gather [hbm4b:s1+s30], $0x80, s28, s30, $0xb8;
	[tilespmem:$0x1F000] =	vst v63  }
0x72: {  	_ =	swait.ge [sflag:s31], $0x4000  }
0x73: {  	[sflag:s31] =	ssyncset.done $0x0  }
0x74: {  	[sflag:s31] =	ssyncadd.s32 $0xFFFFC000  }
0x75: {  	[tilespmem:s4], [sflag:$0x1] =	stream.indirect.gather [hbm4b:s1+s30], $0x80, s0, s30, $0xb8;
	[tilespmem:$0x1F000] =	vst v63  }
0x76: {  	s9 =	simm.s32 $0x20000;
	s8 =	simm.s32 $0x1D880;
	s10 =	simm.s32 $0x1C100  }
0x77: {  	[spmem:s2] =	stream.indirect.scatter.add.f32 [tilespmem:s25], [sflag:$0x2], $0x80, s29, s30, $0xb8;
	[tilespmem:$0x1F000] =	vst v63  }
.LBB2_2:
0x78: {  	_ =	swait.ge [sflag:s31], $0x4000;
	p0 =	sne.s32 s9, $0x300000  }
.Ltmp2:
0x79: {  	[sflag:s31] =	ssyncset.done $0x0;
	(pc) =	sbr.rel @!p0 .LBB2_3-.Ltmp2, $4  }
0x7a: {  	s11 =	sadd.s32 $0xFFFF0000, s9;
	[sflag:s31] =	ssyncadd.s32 $0xFFFFC000  }
0x7b: {  	s11 =	sand.u32 $0x10000, s11;
	_ =	swait.ge [sflag:s5], $0x4000  }
0x7c: {  	s11 =	sshrl.u32 s11, $0x2;
	[sflag:s5] =	ssyncset.done $0x0  }
0x7d: {  	s11 =	sadd.s32 $0x14000, s11;
	[sflag:s5] =	ssyncadd.s32 $0xFFFFC000  }
0x7e: {  	s12 =	sand.u32 $0x10000, s9  }
0x7f: {  	s9 =	sadd.s32 $0x10000, s9;
	s12 =	sshrl.u32 s12, $0x2  }
0x80: {  	p0 =	sne.s32 s9, $0x310000;
	s12 =	sadd.s32 $0x14000, s12  }
0x81: {  	[tilespmem:s12], [sflag:$0x1] =	stream.indirect.gather [hbm4b:s1+s30], $0x80, s10, s30, $0xb8;
	[tilespmem:$0x1F000] =	vst v63  }
.Ltmp3:
0x82: {  	_ = 	snop;
	(pc) =	sbr.rel @p0 .LBB2_2-.Ltmp3, $4  }
.Ltmp4:
0x83: {  	_ = 	snop;
	(pc) =	sbr.rel @!p0 .LBB2_5-.Ltmp4, $4  }
0x84: {  	_ = 	snop  }
0x85: {  	[spmem:s2] =	stream.indirect.scatter.add.f32 [tilespmem:s11], [sflag:$0x2], $0x80, s8, s30, $0xb8;
	[tilespmem:$0x1F000] =	vst v63  }
0x86: {  	s10 =	sadd.s32 $0x80, s10;
	s8 =	sadd.s32 $0x80, s8  }
0x87: {  	_ = 	snop  }
.LBB2_3:
0x88: {  	s8 =	simm.s32 $0x1EF80  }
0x89: {  	[spmem:s2] =	stream.indirect.scatter.add.f32 [tilespmem:s11], [sflag:$0x2], $0x80, s8, s30, $0xb8;
	[tilespmem:$0x1F000] =	vst v63  }
.LBB2_5:
0x8a: {  	_ =	swait.ge [sflag:s5], $0x4000  }
0x8b: {  	[sflag:s5] =	ssyncset.done $0x0  }
0x8c: {  	s8 =	rddreg [dreg:$0x7];
	[sflag:s5] =	ssyncadd.s32 $0xFFFFC000  }
0x8d: {  	[tilespmem:s28], [sflag:$0x3] =	stream.linear.gather [hbm4b:s8+s3], $0x1400, $0x38;
	[tilespmem:$0x1F000] =	vst v63  }
0x8e: {  	_ =	swait.ge [sflag:s26], $0x1400  }
0x8f: {  	[sflag:s26] =	ssyncset.done $0x0  }
0x90: {  	s12 =	rddreg [dreg:$0x8];
	[sflag:s26] =	ssyncadd.s32 $0xFFFFEC00  }
0x91: {  	[tilespmem:s29], [sflag:$0x3] =	stream.linear.gather [hbm4b:s12+s3], $0x1400, $0x38;
	[tilespmem:$0x1F000] =	vst v63  }
0x92: {  	_ =	swait.ge [sflag:s26], $0x1400  }
0x93: {  	[sflag:s26] =	ssyncset.done $0x0  }
0x94: {  	[sflag:s26] =	ssyncadd.s32 $0xFFFFEC00  }
0x95: {  	[tilespmem:s25], [sflag:$0x1] =	stream.indirect.gather [hbm4b:s1+s30], $0x80, s28, s30, $0xb8;
	[tilespmem:$0x1F000] =	vst v63  }
0x96: {  	_ =	swait.ge [sflag:s31], $0x4000  }
0x97: {  	[sflag:s31] =	ssyncset.done $0x0  }
0x98: {  	[sflag:s31] =	ssyncadd.s32 $0xFFFFC000  }
0x99: {  	[tilespmem:s4], [sflag:$0x1] =	stream.indirect.gather [hbm4b:s1+s30], $0x80, s0, s30, $0xb8;
	[tilespmem:$0x1F000] =	vst v63  }
0x9a: {  	s9 =	simm.s32 $0x20000;
	s10 =	simm.s32 $0x1C100;
	s8 =	simm.s32 $0x1D880  }
0x9b: {  	[spmem:s2] =	stream.indirect.scatter.add.f32 [tilespmem:s25], [sflag:$0x2], $0x80, s29, s30, $0xb8;
	[tilespmem:$0x1F000] =	vst v63  }
.LBB2_6:
0x9c: {  	_ =	swait.ge [sflag:s31], $0x4000;
	p0 =	sne.s32 s9, $0x280000  }
.Ltmp5:
0x9d: {  	[sflag:s31] =	ssyncset.done $0x0;
	(pc) =	sbr.rel @!p0 .LBB2_7-.Ltmp5, $4  }
0x9e: {  	s11 =	sadd.s32 $0xFFFF0000, s9;
	[sflag:s31] =	ssyncadd.s32 $0xFFFFC000  }
0x9f: {  	s11 =	sand.u32 $0x10000, s11;
	_ =	swait.ge [sflag:s5], $0x4000  }
0xa0: {  	s11 =	sshrl.u32 s11, $0x2;
	[sflag:s5] =	ssyncset.done $0x0  }
0xa1: {  	s11 =	sadd.s32 $0x14000, s11;
	[sflag:s5] =	ssyncadd.s32 $0xFFFFC000  }
0xa2: {  	s12 =	sand.u32 $0x10000, s9  }
0xa3: {  	s9 =	sadd.s32 $0x10000, s9;
	s12 =	sshrl.u32 s12, $0x2  }
0xa4: {  	p0 =	sne.s32 s9, $0x290000;
	s12 =	sadd.s32 $0x14000, s12  }
0xa5: {  	[tilespmem:s12], [sflag:$0x1] =	stream.indirect.gather [hbm4b:s1+s30], $0x80, s10, s30, $0xb8;
	[tilespmem:$0x1F000] =	vst v63  }
.Ltmp6:
0xa6: {  	_ = 	snop;
	(pc) =	sbr.rel @p0 .LBB2_6-.Ltmp6, $4  }
.Ltmp7:
0xa7: {  	_ = 	snop;
	(pc) =	sbr.rel @!p0 .LBB2_9-.Ltmp7, $4  }
0xa8: {  	_ = 	snop  }
0xa9: {  	[spmem:s2] =	stream.indirect.scatter.add.f32 [tilespmem:s11], [sflag:$0x2], $0x80, s8, s30, $0xb8;
	[tilespmem:$0x1F000] =	vst v63  }
0xaa: {  	s10 =	sadd.s32 $0x80, s10;
	s8 =	sadd.s32 $0x80, s8  }
0xab: {  	_ = 	snop  }
.LBB2_10:
0xac: {  	_ =	sfence.sel $0x180000  }
0xad: {  	[bflag:$0x0] =	sbarrier.arrive $0xFFFF  }
0xae: {  	_ =	strace $0x90000053  }
0xaf: {  	s0 =	stileid.u32;
	[bflag:$0x2] =	sbarrier.arrive $0xFFFF  }
0xb0: {  	p0 =	sne.s32 s0, $0x0;
	s0 =	rddreg [dreg:$0x3]  }
0xb1: {  	s0 =	sadd.s32 @!p0 $0x100000, s0  }
0xb2: {  	[sflag:s0] =	ssyncadd.tile.s32 @!p0 $0x1;
	_ =	shalt  }
.Lfunc_end2:
_tile_overlayer_lowered:
.L_overlay_start_2:
0xb3: {  	(tag) =	ssettag $0x2  }
0xb4: {  	s0 =	rddreg [dreg:$0x0];
	s2 =	stileid.u32  }
0xb5: {  	s1 =	rddreg [dreg:$0x1];
	p0 =	sne.s32 s2, $0x0  }
0xb6: {  	s3 =	rddreg [dreg:$0x2];
	[bflag:$0x3] =	sbarrier.arrive $0xFFFF;
	s2 =	simm.s32 @!p0 $0x1C03  }
0xb7: {  	[timem:s3], [sflag:s2] =	dma.local @!p0 [hbm:s0], s1  }
0xb8: {  	s0 =	simm.s32 @!p0 $0x3  }
0xb9: {  	_ =	swait.ge @!p0 [sflag:s0], s1  }
0xba: {  	s1 =	ssub.s32 @!p0 $0x0, s1;
	[sflag:s0] =	ssyncset.done @!p0 $0x0  }
0xbb: {  	[sflag:s0] =	ssyncadd.s32 @!p0 s1  }
0xbc: {  	[bflag:$0x3] =	sbarrier.arrive $0xFFFF  }
0xbd: {  	_ =	shalt  }

</sc_bundles>
